<compile_context>
chip_gen: v7x
topology: tpu7x:2x2x1
jax: 0.10.2.dev20260603
libtpu: 0.0.44.dev20260713+nightly
codegen_flags: <defaults>
</compile_context>

<pallas_src>
import functools
import math

import jax
import jax.numpy as jnp
from jax import lax
from jax.experimental import pallas as pl
from jax.experimental.pallas import tpu as pltpu
from jax.experimental.pallas import tpu_sc as plsc

C = 72
CP = 128
PE = 8
H = 4
DH = 18
G = 50
NPG = 200
N = G * NPG
NPAD = 10240
E = 320000
NW = 32
K = 80
CHUNKS = (E // NW) // K
ROWS_T = NPAD // 16
ZR = 80



def _edge_body(tab_hbm, pk_hbm, out_hbm,
               pk_v, g0, d0, g1, d1, rows0, rows1, shared,
               sem0, sem1):
    cid = lax.axis_index("c")
    sid = lax.axis_index("s")
    wid = sid * 2 + cid

    def zrow(i, _):
        for j in range(CP // 16):
            rows0[i, pl.ds(j * 16, 16)] = jnp.zeros((16,), jnp.float32)
        return 0
    lax.fori_loop(0, ZR, zrow, 0)
    for z in range(ROWS_T // ZR):
        pltpu.sync_copy(rows0.at[pl.ds(0, ZR)],
                        shared.at[pl.ds(sid * ROWS_T + z * ZR, ZR)])
    plsc.subcore_barrier()

    pltpu.sync_copy(pk_hbm.at[wid], pk_v)

    def unpack(c, gbuf, dbuf):
        for j in range(K // 16):
            sl = pl.ds(j * 16, 16)
            w = pk_v[c, sl]
            gbuf[sl] = w & 0xFFFF
            dbuf[sl] = (w >> 16) & 0x3FFF

    unpack(0, g0, d0)
    pltpu.async_copy(tab_hbm.at[g0], rows0, sem0)

    def pair(i, _):
        g = i * 2
        unpack(g + 1, g1, d1)
        pltpu.async_copy(tab_hbm.at[g1], rows1, sem1)
        pltpu.make_async_copy(tab_hbm.at[g0], rows0, sem0).wait()
        pltpu.sync_copy(rows0, shared.at[d0], add=True)

        @pl.when(g + 2 < CHUNKS)
        def _():
            unpack(g + 2, g0, d0)
            pltpu.async_copy(tab_hbm.at[g0], rows0, sem0)

        pltpu.make_async_copy(tab_hbm.at[g1], rows1, sem1).wait()
        pltpu.sync_copy(rows1, shared.at[d1], add=True)
        return 0

    lax.fori_loop(0, CHUNKS // 2, pair, 0)
    if CHUNKS % 2:
        pltpu.make_async_copy(tab_hbm.at[g0], rows0, sem0).wait()
        pltpu.sync_copy(rows0, shared.at[d0], add=True)
    plsc.subcore_barrier()
    pltpu.sync_copy(shared.at[pl.ds(sid * ROWS_T, ROWS_T)],
                    out_hbm.at[pl.ds(cid * NPAD + sid * ROWS_T, ROWS_T)])


@functools.cache
def _get_edge_call():
    return pl.kernel(
        _edge_body,
        out_type=jax.ShapeDtypeStruct((2 * NPAD, CP), jnp.float32),
        mesh=plsc.VectorSubcoreMesh(core_axis_name="c", subcore_axis_name="s"),
        scratch_types=[
            pltpu.VMEM((CHUNKS, K), jnp.int32),
            pltpu.VMEM((K,), jnp.int32),
            pltpu.VMEM((K,), jnp.int32),
            pltpu.VMEM((K,), jnp.int32),
            pltpu.VMEM((K,), jnp.int32),
            pltpu.VMEM((K, CP), jnp.float32),
            pltpu.VMEM((K, CP), jnp.float32),
            pltpu.VMEM_SHARED((NPAD, CP), jnp.float32),
            pltpu.SemaphoreType.DMA,
            pltpu.SemaphoreType.DMA,
        ],
        compiler_params=pltpu.CompilerParams(use_tc_tiling_on_sc=False),
    )



def _msgtable_body(h_ref, e_ref, out_ref):
    a = pl.program_id(0)
    out_ref[...] = jnp.maximum(h_ref[...] + e_ref[pl.ds(a, 1), :], 0.0)


def _msgtable(h, eemb_pad):
    return pl.pallas_call(
        _msgtable_body,
        grid=(4,),
        in_specs=[pl.BlockSpec((N, CP), lambda a: (0, 0)),
                  pl.BlockSpec((4, CP), lambda a: (0, 0))],
        out_specs=pl.BlockSpec((N, CP), lambda a: (a, 0)),
        out_shape=jax.ShapeDtypeStruct((4 * N, CP), jnp.float32),
    )(h, eemb_pad)


def _embed_body(x_ref, pe_ref, nemb_ref, plw_ref, plb_ref, pbg_ref, pbb_ref,
                out_ref):
    x = x_ref[...]
    pe = pe_ref[...]
    onehot = (x == lax.broadcasted_iota(jnp.int32, (N, 28), 1)
              ).astype(jnp.float32)
    emb = jnp.dot(onehot, nemb_ref[...],
                  preferred_element_type=jnp.float32)
    m = jnp.mean(pe, axis=0, keepdims=True)
    v = jnp.mean((pe - m) * (pe - m), axis=0, keepdims=True)
    pe_n = (pe - m) * lax.rsqrt(v + 1e-5) * pbg_ref[...] + pbb_ref[...]
    pe_p = jnp.dot(pe_n, plw_ref[...],
                   preferred_element_type=jnp.float32) + plb_ref[...]
    zeros = jnp.zeros((N, CP - C), jnp.float32)
    out_ref[...] = jnp.concatenate([emb, pe_p, zeros], axis=1)


def _embed(x, pe, node_emb, pe_lin_w, pe_lin_b, pe_bn_g, pe_bn_b):
    return pl.pallas_call(
        _embed_body,
        out_shape=jax.ShapeDtypeStruct((N, CP), jnp.float32),
    )(x.reshape(N, 1).astype(jnp.int32), pe, node_emb,
      pe_lin_w, pe_lin_b.reshape(1, PE),
      pe_bn_g.reshape(1, PE), pe_bn_b.reshape(1, PE))


def _bn(x, g, b):
    m = jnp.mean(x, axis=0, keepdims=True)
    v = jnp.mean((x - m) * (x - m), axis=0, keepdims=True)
    return (x - m) * lax.rsqrt(v + 1e-5) * g + b


def _layer_body(h_ref, p0_ref, p1_ref,
                gw1_ref, gb1_ref, gw2_ref, gb2_ref,
                wq_ref, wk_ref, wv_ref, wo_ref,
                bq_ref, bk_ref, bv_ref, bo_ref,
                b1g_ref, b1b_ref, b2g_ref, b2b_ref, b3g_ref, b3b_ref,
                mw1_ref, mb1_ref, mw2_ref, mb2_ref,
                out_ref, ao_scr, q_scr, k_scr, v_scr):
    h = h_ref[...][:, :C]
    aggr = (p0_ref[...][:N, :C] + p1_ref[...][:N, :C])

    t = h + aggr
    t = jnp.maximum(jnp.dot(t, gw1_ref[...],
                            preferred_element_type=jnp.float32)
                    + gb1_ref[...], 0.0)
    t = jnp.dot(t, gw2_ref[...],
                preferred_element_type=jnp.float32) + gb2_ref[...]
    hl = _bn(t + h, b1g_ref[...], b1b_ref[...])

    inv_sqrt = 1.0 / math.sqrt(float(DH))

    q = jnp.dot(h, wq_ref[...],
                preferred_element_type=jnp.float32) + bq_ref[...]
    k = jnp.dot(h, wk_ref[...],
                preferred_element_type=jnp.float32) + bk_ref[...]
    v = jnp.dot(h, wv_ref[...],
                preferred_element_type=jnp.float32) + bv_ref[...]
    q_scr[...] = q
    k_scr[...] = k
    v_scr[...] = v

    col = lax.broadcasted_iota(jnp.int32, (1, C), 1) // DH
    masks = [(col == hh).astype(jnp.float32) for hh in range(H)]

    def graph(g, _):
        base = g * NPG
        qg = q_scr[pl.ds(base, NPG), :]
        kg = k_scr[pl.ds(base, NPG), :]
        vg = v_scr[pl.ds(base, NPG), :]
        kz = jnp.concatenate([kg * m for m in masks], axis=0)
        vz = jnp.concatenate([vg * m for m in masks], axis=0)
        s = lax.dot_general(qg, kz, (((1,), (1,)), ((), ())),
                            preferred_element_type=jnp.float32) * inv_sqrt
        ps = []
        for hh in range(H):
            sb = s[:, hh * NPG:(hh + 1) * NPG]
            sb = sb - jnp.max(sb, axis=1, keepdims=True)
            e = jnp.exp(sb)
            ps.append(e / jnp.sum(e, axis=1, keepdims=True))
        p = jnp.concatenate(ps, axis=1)
        ao_scr[pl.ds(base, NPG), :] = jnp.dot(
            p, vz, preferred_element_type=jnp.float32)
        return 0

    lax.fori_loop(0, G, graph, 0)

    ao = jnp.dot(ao_scr[...], wo_ref[...],
                 preferred_element_type=jnp.float32) + bo_ref[...]
    ha = _bn(ao + h, b2g_ref[...], b2b_ref[...])

    out = hl + ha
    ff = jnp.maximum(jnp.dot(out, mw1_ref[...],
                             preferred_element_type=jnp.float32)
                     + mb1_ref[...], 0.0)
    ff = jnp.dot(ff, mw2_ref[...],
                 preferred_element_type=jnp.float32) + mb2_ref[...]
    hn = _bn(out + ff, b3g_ref[...], b3b_ref[...])
    out_ref[...] = jnp.concatenate(
        [hn, jnp.zeros((N, CP - C), jnp.float32)], axis=1)


def _layer(h, parts, w):
    return pl.pallas_call(
        _layer_body,
        out_shape=jax.ShapeDtypeStruct((N, CP), jnp.float32),
        scratch_shapes=[
            pltpu.VMEM((N, C), jnp.float32),
            pltpu.VMEM((N, C), jnp.float32),
            pltpu.VMEM((N, C), jnp.float32),
            pltpu.VMEM((N, C), jnp.float32),
        ],
    )(h, parts[:NPAD], parts[NPAD:], *w)


def _readout_body(h1_ref, h2_ref, ow_ref, ob_ref, out_ref):
    seg = (lax.broadcasted_iota(jnp.int32, (G, N), 1) // NPG
           == lax.broadcasted_iota(jnp.int32, (G, N), 0)
           ).astype(jnp.float32)
    g1 = jnp.dot(seg, h1_ref[...][:, :C],
                 preferred_element_type=jnp.float32)
    g2 = jnp.dot(seg, h2_ref[...][:, :C],
                 preferred_element_type=jnp.float32)
    g1 = jnp.dot(g1, ow_ref[...],
                 preferred_element_type=jnp.float32) + ob_ref[...]
    g2 = jnp.dot(g2, ow_ref[...],
                 preferred_element_type=jnp.float32) + ob_ref[...]
    n1 = jnp.maximum(jnp.sqrt(jnp.sum(g1 * g1, axis=1, keepdims=True)), 1e-8)
    n2 = jnp.maximum(jnp.sqrt(jnp.sum(g2 * g2, axis=1, keepdims=True)), 1e-8)
    dot = jnp.sum(g1 * g2, axis=1, keepdims=True)
    out_ref[...] = dot / (n1 * n2)


def _readout(h1, h2, out_w, out_b):
    r = pl.pallas_call(
        _readout_body,
        out_shape=jax.ShapeDtypeStruct((G, 1), jnp.float32),
    )(h1, h2, out_w, out_b.reshape(1, 64))
    return r.reshape(G)



def kernel(x1, pe1, edge_index1, edge_attr1, batch1,
           x2, pe2, edge_index2, edge_attr2, batch2,
           node_emb, pe_lin_w, pe_lin_b, pe_bn_g, pe_bn_b, edge_emb,
           gine_w1, gine_b1, gine_w2, gine_b2,
           wq, wk, wv, wo, bq, bk, bv, bo,
           bn1_g, bn1_b, bn2_g, bn2_b, bn3_g, bn3_b,
           mlp_w1, mlp_b1, mlp_w2, mlp_b2, out_w, out_b):
    L = 2
    eemb_pad = jnp.concatenate(
        [edge_emb, jnp.zeros((4, CP - C), jnp.float32)], axis=1)

    def edge_pack(ei, ea):
        src = ei[0].astype(jnp.int32)
        dst = ei[1].astype(jnp.int32)
        eav = ea.astype(jnp.int32)
        gidx = eav * N + src
        return (gidx | (dst << 16)).reshape(NW, CHUNKS, K)

    pk1 = edge_pack(edge_index1, edge_attr1)
    pk2 = edge_pack(edge_index2, edge_attr2)

    def layer_weights(l):
        return (gine_w1[l], gine_b1[l].reshape(1, C),
                gine_w2[l], gine_b2[l].reshape(1, C),
                wq[l], wk[l], wv[l], wo[l],
                bq[l].reshape(1, C), bk[l].reshape(1, C),
                bv[l].reshape(1, C), bo[l].reshape(1, C),
                bn1_g[l].reshape(1, C), bn1_b[l].reshape(1, C),
                bn2_g[l].reshape(1, C), bn2_b[l].reshape(1, C),
                bn3_g[l].reshape(1, C), bn3_b[l].reshape(1, C),
                mlp_w1[l], mlp_b1[l].reshape(1, 2 * C),
                mlp_w2[l], mlp_b2[l].reshape(1, C))

    h1 = _embed(x1, pe1, node_emb, pe_lin_w, pe_lin_b, pe_bn_g, pe_bn_b)
    h2 = _embed(x2, pe2, node_emb, pe_lin_w, pe_lin_b, pe_bn_g, pe_bn_b)

    edge_call = _get_edge_call()
    for l in range(L):
        w = layer_weights(l)
        tab1 = _msgtable(h1, eemb_pad)
        parts1 = edge_call(tab1, pk1)
        tab2 = _msgtable(h2, eemb_pad)
        parts2 = edge_call(tab2, pk2)
        h1 = _layer(h1, parts1, w)
        h2 = _layer(h2, parts2, w)

    return _readout(h1, h2, out_w, out_b)

# --- scband reference (transcript-rebuilt; emitter-appended) ---
"""Pipeline reference for scband-bin-sim-gnn-88965952569478 (READ-ONLY COPY).

The authoritative reference and input builder live on the scoring server;
editing this copy changes nothing except your own understanding.
"""

import jax, jax.numpy as jnp
import numpy as np

C = 72
PE = 8
L = 2
H = 4
DH = C // H
G = 50
NPG = 200
N = G * NPG
E = 320000

def _bn(x, g, b):
    m = x.mean(axis=0, keepdims=True)
    v = x.var(axis=0, keepdims=True)
    return (x - m) / jnp.sqrt(v + 1e-5) * g + b

def setup_inputs(seed: int = 0):
    key = jax.random.key(seed)
    ks = jax.random.split(key, 32)
    inp = {}
    inp["x1"] = jax.random.randint(ks[0], (N,), 0, 28)
    inp["pe1"] = jax.random.normal(ks[1], (N, PE), dtype=jnp.float32)
    inp["edge_index1"] = jax.random.randint(ks[2], (2, E), 0, N)
    inp["edge_attr1"] = jax.random.randint(ks[3], (E,), 0, 4)
    inp["batch1"] = jnp.repeat(jnp.arange(G), NPG)
    inp["x2"] = jax.random.randint(ks[4], (N,), 0, 28)
    inp["pe2"] = jax.random.normal(ks[5], (N, PE), dtype=jnp.float32)
    inp["edge_index2"] = jax.random.randint(ks[6], (2, E), 0, N)
    inp["edge_attr2"] = jax.random.randint(ks[7], (E,), 0, 4)
    inp["batch2"] = jnp.repeat(jnp.arange(G), NPG)
    inp["node_emb"] = jax.random.normal(ks[8], (28, C - PE), dtype=jnp.float32) * 0.1
    inp["pe_lin_w"] = jax.random.normal(ks[9], (PE, PE), dtype=jnp.float32) * 0.3
    inp["pe_lin_b"] = jnp.zeros((PE,), jnp.float32)
    inp["pe_bn_g"] = jnp.ones((PE,), jnp.float32)
    inp["pe_bn_b"] = jnp.zeros((PE,), jnp.float32)
    inp["edge_emb"] = jax.random.normal(ks[10], (4, C), dtype=jnp.float32) * 0.1
    inp["gine_w1"] = jax.random.normal(ks[11], (L, C, C), dtype=jnp.float32) * 0.08
    inp["gine_b1"] = jnp.zeros((L, C), jnp.float32)
    inp["gine_w2"] = jax.random.normal(ks[12], (L, C, C), dtype=jnp.float32) * 0.08
    inp["gine_b2"] = jnp.zeros((L, C), jnp.float32)
    inp["wq"] = jax.random.normal(ks[13], (L, C, C), dtype=jnp.float32) * 0.08
    inp["wk"] = jax.random.normal(ks[14], (L, C, C), dtype=jnp.float32) * 0.08
    inp["wv"] = jax.random.normal(ks[15], (L, C, C), dtype=jnp.float32) * 0.08
    inp["wo"] = jax.random.normal(ks[16], (L, C, C), dtype=jnp.float32) * 0.08
    inp["bq"] = jnp.zeros((L, C), jnp.float32)
    inp["bk"] = jnp.zeros((L, C), jnp.float32)
    inp["bv"] = jnp.zeros((L, C), jnp.float32)
    inp["bo"] = jnp.zeros((L, C), jnp.float32)
    inp["bn1_g"] = jnp.ones((L, C), jnp.float32)
    inp["bn1_b"] = jnp.zeros((L, C), jnp.float32)
    inp["bn2_g"] = jnp.ones((L, C), jnp.float32)
    inp["bn2_b"] = jnp.zeros((L, C), jnp.float32)
    inp["bn3_g"] = jnp.ones((L, C), jnp.float32)
    inp["bn3_b"] = jnp.zeros((L, C), jnp.float32)
    inp["mlp_w1"] = jax.random.normal(ks[17], (L, C, 2 * C), dtype=jnp.float32) * 0.08
    inp["mlp_b1"] = jnp.zeros((L, 2 * C), jnp.float32)
    inp["mlp_w2"] = jax.random.normal(ks[18], (L, 2 * C, C), dtype=jnp.float32) * 0.08
    inp["mlp_b2"] = jnp.zeros((L, C), jnp.float32)
    inp["out_w"] = jax.random.normal(ks[19], (C, 64), dtype=jnp.float32) * 0.1
    inp["out_b"] = jnp.zeros((64,), jnp.float32)
    return inp

def reference(x1, pe1, edge_index1, edge_attr1, batch1, x2, pe2, edge_index2, edge_attr2, batch2, node_emb, pe_lin_w, pe_lin_b, pe_bn_g, pe_bn_b, edge_emb, gine_w1, gine_b1, gine_w2, gine_b2, wq, wk, wv, wo, bq, bk, bv, bo, bn1_g, bn1_b, bn2_g, bn2_b, bn3_g, bn3_b, mlp_w1, mlp_b1, mlp_w2, mlp_b2, out_w, out_b):
    def gps(x, pe, ei, ea, batch):
        pe_n = _bn(pe, pe_bn_g, pe_bn_b)
        h = jnp.concatenate([node_emb[x], pe_n @ pe_lin_w + pe_lin_b], axis=1)
        e = edge_emb[ea]
        src, dst = ei[0], ei[1]
        for l in range(L):
            msg = jax.nn.relu(h[src] + e)
            aggr = jax.ops.segment_sum(msg, dst, num_segments=N)
            hl = h + aggr
            hl = jax.nn.relu(hl @ gine_w1[l] + gine_b1[l]) @ gine_w2[l] + gine_b2[l]
            hl = _bn(hl + h, bn1_g[l], bn1_b[l])
            hd = h.reshape(G, NPG, C)
            q = (hd @ wq[l] + bq[l]).reshape(G, NPG, H, DH).transpose(0, 2, 1, 3)
            k = (hd @ wk[l] + bk[l]).reshape(G, NPG, H, DH).transpose(0, 2, 1, 3)
            v = (hd @ wv[l] + bv[l]).reshape(G, NPG, H, DH).transpose(0, 2, 1, 3)
            att = jax.nn.softmax(q @ k.transpose(0, 1, 3, 2) / jnp.sqrt(float(DH)), axis=-1)
            ao = (att @ v).transpose(0, 2, 1, 3).reshape(N, C) @ wo[l] + bo[l]
            ha = _bn(ao + h, bn2_g[l], bn2_b[l])
            out = hl + ha
            out = out + (jax.nn.relu(out @ mlp_w1[l] + mlp_b1[l]) @ mlp_w2[l] + mlp_b2[l])
            h = _bn(out, bn3_g[l], bn3_b[l])
        gvec = jax.ops.segment_sum(h, batch, num_segments=G)
        return gvec @ out_w + out_b
    g1 = gps(x1, pe1, edge_index1, edge_attr1, batch1)
    g2 = gps(x2, pe2, edge_index2, edge_attr2, batch2)
    n1 = jnp.maximum(jnp.linalg.norm(g1, axis=1), 1e-8)
    n2 = jnp.maximum(jnp.linalg.norm(g2, axis=1), 1e-8)
    return jnp.sum(g1 * g2, axis=1) / (n1 * n2)

if __name__ == "__main__":
    import jax
    _d = setup_inputs()
    print(jax.jit(kernel)(*tuple(_d.values())))

</pallas_src>

<mosaic_0001>
#map = affine_map<(d0, d1) -> (0, 0)>
#map1 = affine_map<(d0, d1) -> (0, 0, 0)>
module attributes {stable_mosaic.version = 14 : i64} {
  func.func @_edge_body(%arg0: i32, %arg1: i32, %arg2: memref<40000x128xf32, #tpu.memory_space<hbm>>, %arg3: memref<32x125x80xi32, #tpu.memory_space<hbm>>, %arg4: memref<20480x128xf32, #tpu.memory_space<hbm>>, %arg5: memref<125x80xi32, #tpu.memory_space<vmem>>, %arg6: memref<80xi32, #tpu.memory_space<vmem>>, %arg7: memref<80xi32, #tpu.memory_space<vmem>>, %arg8: memref<80xi32, #tpu.memory_space<vmem>>, %arg9: memref<80xi32, #tpu.memory_space<vmem>>, %arg10: memref<80x128xf32, #tpu.memory_space<vmem>>, %arg11: memref<80x128xf32, #tpu.memory_space<vmem>>, %arg12: memref<10240x128xf32, #tpu.memory_space<vmem_shared>>, %arg13: memref<!tpu.dma_semaphore, #tpu.memory_space<semaphore_mem>>, %arg14: memref<!tpu.dma_semaphore, #tpu.memory_space<semaphore_mem>>) attributes {dimension_semantics = [#tpu.dimension_semantics<core_parallel>, #tpu.dimension_semantics<subcore_parallel>], iteration_bounds = array<i64: 2, 16>, scalar_prefetch = 0 : i64, scratch_operands = 10 : i64, tpu.core_type = #tpu.core_type<sc_vector_subcore>, window_params = [{transform_indices = #map}, {transform_indices = #map1}, {transform_indices = #map}]} {
    %mul3A = arith.constant 2 : i32
    %mul3A_0 = arith.muli %arg1, %mul3A : i32
    %add3A = arith.addi %mul3A_0, %arg0 : i32
    %scan3A = arith.constant 0 : i32
    %scan3A_1 = arith.constant 0 : i32
    %scan3A_2 = arith.constant 80 : i32
    %scan3A_3 = arith.addi %scan3A_1, %scan3A_2 : i32
    %scan3A_4 = arith.constant 1 : i32
    %scan3A_5 = scf.for %scan3A_164 = %scan3A_1 to %scan3A_3 step %scan3A_4 iter_args(%scan3A_165 = %scan3A) -> (i32)  : i32 {
      %broadcast_in_dim3A = arith.constant 0.000000e+00 : f32
      %broadcast_in_dim3A_166 = vector.broadcast %broadcast_in_dim3A : f32 to vector<16xf32>
      %swap3A_167 = arith.index_cast %scan3A_164 : i32 to index
      %swap3A_168 = arith.constant 0 : index
      %swap3A_169 = tpu.vector_load %arg10[%swap3A_167, %swap3A_168] {strides = array<i32>} : memref<80x128xf32, #tpu.memory_space<vmem>>, vector<1x16xf32>,
      %swap3A_170 = vector.shape_cast %swap3A_169 : vector<1x16xf32> to vector<16xf32>
      %swap3A_171 = vector.shape_cast %broadcast_in_dim3A_166 : vector<16xf32> to vector<1x16xf32>
      tpu.vector_store %arg10[%swap3A_167, %swap3A_168], %swap3A_171 {strides = array<i32>} : memref<80x128xf32, #tpu.memory_space<vmem>>, vector<1x16xf32>,
      %broadcast_in_dim3A_172 = arith.constant 0.000000e+00 : f32
      %broadcast_in_dim3A_173 = vector.broadcast %broadcast_in_dim3A_172 : f32 to vector<16xf32>
      %swap3A_174 = arith.index_cast %scan3A_164 : i32 to index
      %swap3A_175 = arith.constant 16 : index
      %swap3A_176 = tpu.vector_load %arg10[%swap3A_174, %swap3A_175] {strides = array<i32>} : memref<80x128xf32, #tpu.memory_space<vmem>>, vector<1x16xf32>,
      %swap3A_177 = vector.shape_cast %swap3A_176 : vector<1x16xf32> to vector<16xf32>
      %swap3A_178 = vector.shape_cast %broadcast_in_dim3A_173 : vector<16xf32> to vector<1x16xf32>
      tpu.vector_store %arg10[%swap3A_174, %swap3A_175], %swap3A_178 {strides = array<i32>} : memref<80x128xf32, #tpu.memory_space<vmem>>, vector<1x16xf32>,
      %broadcast_in_dim3A_179 = arith.constant 0.000000e+00 : f32
      %broadcast_in_dim3A_180 = vector.broadcast %broadcast_in_dim3A_179 : f32 to vector<16xf32>
      %swap3A_181 = arith.index_cast %scan3A_164 : i32 to index
      %swap3A_182 = arith.constant 32 : index
      %swap3A_183 = tpu.vector_load %arg10[%swap3A_181, %swap3A_182] {strides = array<i32>} : memref<80x128xf32, #tpu.memory_space<vmem>>, vector<1x16xf32>,
      %swap3A_184 = vector.shape_cast %swap3A_183 : vector<1x16xf32> to vector<16xf32>
      %swap3A_185 = vector.shape_cast %broadcast_in_dim3A_180 : vector<16xf32> to vector<1x16xf32>
      tpu.vector_store %arg10[%swap3A_181, %swap3A_182], %swap3A_185 {strides = array<i32>} : memref<80x128xf32, #tpu.memory_space<vmem>>, vector<1x16xf32>,
      %broadcast_in_dim3A_186 = arith.constant 0.000000e+00 : f32
      %broadcast_in_dim3A_187 = vector.broadcast %broadcast_in_dim3A_186 : f32 to vector<16xf32>
      %swap3A_188 = arith.index_cast %scan3A_164 : i32 to index
      %swap3A_189 = arith.constant 48 : index
      %swap3A_190 = tpu.vector_load %arg10[%swap3A_188, %swap3A_189] {strides = array<i32>} : memref<80x128xf32, #tpu.memory_space<vmem>>, vector<1x16xf32>,
      %swap3A_191 = vector.shape_cast %swap3A_190 : vector<1x16xf32> to vector<16xf32>
      %swap3A_192 = vector.shape_cast %broadcast_in_dim3A_187 : vector<16xf32> to vector<1x16xf32>
      tpu.vector_store %arg10[%swap3A_188, %swap3A_189], %swap3A_192 {strides = array<i32>} : memref<80x128xf32, #tpu.memory_space<vmem>>, vector<1x16xf32>,
      %broadcast_in_dim3A_193 = arith.constant 0.000000e+00 : f32
      %broadcast_in_dim3A_194 = vector.broadcast %broadcast_in_dim3A_193 : f32 to vector<16xf32>
      %swap3A_195 = arith.index_cast %scan3A_164 : i32 to index
      %swap3A_196 = arith.constant 64 : index
      %swap3A_197 = tpu.vector_load %arg10[%swap3A_195, %swap3A_196] {strides = array<i32>} : memref<80x128xf32, #tpu.memory_space<vmem>>, vector<1x16xf32>,
      %swap3A_198 = vector.shape_cast %swap3A_197 : vector<1x16xf32> to vector<16xf32>
      %swap3A_199 = vector.shape_cast %broadcast_in_dim3A_194 : vector<16xf32> to vector<1x16xf32>
      tpu.vector_store %arg10[%swap3A_195, %swap3A_196], %swap3A_199 {strides = array<i32>} : memref<80x128xf32, #tpu.memory_space<vmem>>, vector<1x16xf32>,
      %broadcast_in_dim3A_200 = arith.constant 0.000000e+00 : f32
      %broadcast_in_dim3A_201 = vector.broadcast %broadcast_in_dim3A_200 : f32 to vector<16xf32>
      %swap3A_202 = arith.index_cast %scan3A_164 : i32 to index
      %swap3A_203 = arith.constant 80 : index
      %swap3A_204 = tpu.vector_load %arg10[%swap3A_202, %swap3A_203] {strides = array<i32>} : memref<80x128xf32, #tpu.memory_space<vmem>>, vector<1x16xf32>,
      %swap3A_205 = vector.shape_cast %swap3A_204 : vector<1x16xf32> to vector<16xf32>
      %swap3A_206 = vector.shape_cast %broadcast_in_dim3A_201 : vector<16xf32> to vector<1x16xf32>
      tpu.vector_store %arg10[%swap3A_202, %swap3A_203], %swap3A_206 {strides = array<i32>} : memref<80x128xf32, #tpu.memory_space<vmem>>, vector<1x16xf32>,
      %broadcast_in_dim3A_207 = arith.constant 0.000000e+00 : f32
      %broadcast_in_dim3A_208 = vector.broadcast %broadcast_in_dim3A_207 : f32 to vector<16xf32>
      %swap3A_209 = arith.index_cast %scan3A_164 : i32 to index
      %swap3A_210 = arith.constant 96 : index
      %swap3A_211 = tpu.vector_load %arg10[%swap3A_209, %swap3A_210] {strides = array<i32>} : memref<80x128xf32, #tpu.memory_space<vmem>>, vector<1x16xf32>,
      %swap3A_212 = vector.shape_cast %swap3A_211 : vector<1x16xf32> to vector<16xf32>
      %swap3A_213 = vector.shape_cast %broadcast_in_dim3A_208 : vector<16xf32> to vector<1x16xf32>
      tpu.vector_store %arg10[%swap3A_209, %swap3A_210], %swap3A_213 {strides = array<i32>} : memref<80x128xf32, #tpu.memory_space<vmem>>, vector<1x16xf32>,
      %broadcast_in_dim3A_214 = arith.constant 0.000000e+00 : f32
      %broadcast_in_dim3A_215 = vector.broadcast %broadcast_in_dim3A_214 : f32 to vector<16xf32>
      %swap3A_216 = arith.index_cast %scan3A_164 : i32 to index
      %swap3A_217 = arith.constant 112 : index
      %swap3A_218 = tpu.vector_load %arg10[%swap3A_216, %swap3A_217] {strides = array<i32>} : memref<80x128xf32, #tpu.memory_space<vmem>>, vector<1x16xf32>,
      %swap3A_219 = vector.shape_cast %swap3A_218 : vector<1x16xf32> to vector<16xf32>
      %swap3A_220 = vector.shape_cast %broadcast_in_dim3A_215 : vector<16xf32> to vector<1x16xf32>
      tpu.vector_store %arg10[%swap3A_216, %swap3A_217], %swap3A_220 {strides = array<i32>} : memref<80x128xf32, #tpu.memory_space<vmem>>, vector<1x16xf32>,
      %scan3A_221 = arith.constant 0 : i32
      scf.yield %scan3A_221 : i32
    }
    %scan3A_6 = arith.constant 80 : i32
    %mul3A_7 = arith.constant 640 : i32
    %mul3A_8 = arith.muli %arg1, %mul3A_7 : i32
    %add3A_9 = arith.constant 0 : i32
    %add3A_10 = arith.addi %mul3A_8, %add3A_9 : i32
    "tpu.region"() ({
      %run_scoped3A = tpu.sem_alloc : memref<!tpu.dma_semaphore, #tpu.memory_space<semaphore_mem>>
      %dma_start3A_164 = arith.constant 0 : i32
      %dma_start3A_165 = arith.constant 0 : i32
      %dma_start3A_166 = tpu.memref_slice %arg10[%dma_start3A_164, %dma_start3A_165] : memref<80x128xf32, #tpu.memory_space<vmem>> -> memref<80x128xf32, #tpu.memory_space<vmem>>
      %dma_start3A_167 = arith.constant 0 : i32
      %dma_start3A_168 = tpu.memref_slice %arg12[%add3A_10, %dma_start3A_167] : memref<10240x128xf32, #tpu.memory_space<vmem_shared>> -> memref<80x128xf32, #tpu.memory_space<vmem_shared>>
      %dma_start3A_169 = arith.constant 0 : i32
      %dma_start3A_170 = tpu.memref_slice %arg12[%add3A_10, %dma_start3A_169] : memref<10240x128xf32, #tpu.memory_space<vmem_shared>> -> memref<80x128xf32, #tpu.memory_space<vmem_shared>>
      %dma_start3A_171 = arith.constant 0 : i32
      %dma_start3A_172 = arith.constant 0 : i32
      %dma_start3A_173 = tpu.memref_slice %arg10[%dma_start3A_171, %dma_start3A_172] : memref<80x128xf32, #tpu.memory_space<vmem>> -> memref<80x128xf32, #tpu.memory_space<vmem>>
      tpu.enqueue_dma source(%dma_start3A_173 : memref<80x128xf32, #tpu.memory_space<vmem>>) target(%dma_start3A_170 : memref<80x128xf32, #tpu.memory_space<vmem_shared>>) target_semaphore(%run_scoped3A : memref<!tpu.dma_semaphore, #tpu.memory_space<semaphore_mem>>)
      %dma_wait3A_174 = arith.constant 0 : i32
      %dma_wait3A_175 = arith.constant 0 : i32
      %dma_wait3A_176 = tpu.memref_slice %arg10[%dma_wait3A_174, %dma_wait3A_175] : memref<80x128xf32, #tpu.memory_space<vmem>> -> memref<80x128xf32, #tpu.memory_space<vmem>>
      %dma_wait3A_177 = arith.constant 0 : i32
      %dma_wait3A_178 = tpu.memref_slice %arg12[%add3A_10, %dma_wait3A_177] : memref<10240x128xf32, #tpu.memory_space<vmem_shared>> -> memref<80x128xf32, #tpu.memory_space<vmem_shared>>
      %dma_wait3A_179 = arith.constant 0 : i32
      %dma_wait3A_180 = tpu.memref_slice %arg12[%add3A_10, %dma_wait3A_179] : memref<10240x128xf32, #tpu.memory_space<vmem_shared>> -> memref<80x128xf32, #tpu.memory_space<vmem_shared>>
      %dma_wait3A_181 = arith.constant 0 : i32
      %dma_wait3A_182 = arith.constant 0 : i32
      %dma_wait3A_183 = tpu.memref_slice %arg10[%dma_wait3A_181, %dma_wait3A_182] : memref<80x128xf32, #tpu.memory_space<vmem>> -> memref<80x128xf32, #tpu.memory_space<vmem>>
      tpu.wait_dma2 semaphore(%run_scoped3A : memref<!tpu.dma_semaphore, #tpu.memory_space<semaphore_mem>>) src(%dma_wait3A_183 : memref<80x128xf32, #tpu.memory_space<vmem>>) dst(%dma_wait3A_180 : memref<80x128xf32, #tpu.memory_space<vmem_shared>>)
      tpu.yield
    }) : () -> ()
    %mul3A_11 = arith.constant 640 : i32
    %mul3A_12 = arith.muli %arg1, %mul3A_11 : i32
    %add3A_13 = arith.constant 80 : i32
    %add3A_14 = arith.addi %mul3A_12, %add3A_13 : i32
    "tpu.region"() ({
      %run_scoped3A = tpu.sem_alloc : memref<!tpu.dma_semaphore, #tpu.memory_space<semaphore_mem>>
      %dma_start3A_164 = arith.constant 0 : i32
      %dma_start3A_165 = arith.constant 0 : i32
      %dma_start3A_166 = tpu.memref_slice %arg10[%dma_start3A_164, %dma_start3A_165] : memref<80x128xf32, #tpu.memory_space<vmem>> -> memref<80x128xf32, #tpu.memory_space<vmem>>
      %dma_start3A_167 = arith.constant 0 : i32
      %dma_start3A_168 = tpu.memref_slice %arg12[%add3A_14, %dma_start3A_167] : memref<10240x128xf32, #tpu.memory_space<vmem_shared>> -> memref<80x128xf32, #tpu.memory_space<vmem_shared>>
      %dma_start3A_169 = arith.constant 0 : i32
      %dma_start3A_170 = tpu.memref_slice %arg12[%add3A_14, %dma_start3A_169] : memref<10240x128xf32, #tpu.memory_space<vmem_shared>> -> memref<80x128xf32, #tpu.memory_space<vmem_shared>>
      %dma_start3A_171 = arith.constant 0 : i32
      %dma_start3A_172 = arith.constant 0 : i32
      %dma_start3A_173 = tpu.memref_slice %arg10[%dma_start3A_171, %dma_start3A_172] : memref<80x128xf32, #tpu.memory_space<vmem>> -> memref<80x128xf32, #tpu.memory_space<vmem>>
      tpu.enqueue_dma source(%dma_start3A_173 : memref<80x128xf32, #tpu.memory_space<vmem>>) target(%dma_start3A_170 : memref<80x128xf32, #tpu.memory_space<vmem_shared>>) target_semaphore(%run_scoped3A : memref<!tpu.dma_semaphore, #tpu.memory_space<semaphore_mem>>)
      %dma_wait3A_174 = arith.constant 0 : i32
      %dma_wait3A_175 = arith.constant 0 : i32
      %dma_wait3A_176 = tpu.memref_slice %arg10[%dma_wait3A_174, %dma_wait3A_175] : memref<80x128xf32, #tpu.memory_space<vmem>> -> memref<80x128xf32, #tpu.memory_space<vmem>>
      %dma_wait3A_177 = arith.constant 0 : i32
      %dma_wait3A_178 = tpu.memref_slice %arg12[%add3A_14, %dma_wait3A_177] : memref<10240x128xf32, #tpu.memory_space<vmem_shared>> -> memref<80x128xf32, #tpu.memory_space<vmem_shared>>
      %dma_wait3A_179 = arith.constant 0 : i32
      %dma_wait3A_180 = tpu.memref_slice %arg12[%add3A_14, %dma_wait3A_179] : memref<10240x128xf32, #tpu.memory_space<vmem_shared>> -> memref<80x128xf32, #tpu.memory_space<vmem_shared>>
      %dma_wait3A_181 = arith.constant 0 : i32
      %dma_wait3A_182 = arith.constant 0 : i32
      %dma_wait3A_183 = tpu.memref_slice %arg10[%dma_wait3A_181, %dma_wait3A_182] : memref<80x128xf32, #tpu.memory_space<vmem>> -> memref<80x128xf32, #tpu.memory_space<vmem>>
      tpu.wait_dma2 semaphore(%run_scoped3A : memref<!tpu.dma_semaphore, #tpu.memory_space<semaphore_mem>>) src(%dma_wait3A_183 : memref<80x128xf32, #tpu.memory_space<vmem>>) dst(%dma_wait3A_180 : memref<80x128xf32, #tpu.memory_space<vmem_shared>>)
      tpu.yield
    }) : () -> ()
    %mul3A_15 = arith.constant 640 : i32
    %mul3A_16 = arith.muli %arg1, %mul3A_15 : i32
    %add3A_17 = arith.constant 160 : i32
    %add3A_18 = arith.addi %mul3A_16, %add3A_17 : i32
    "tpu.region"() ({
      %run_scoped3A = tpu.sem_alloc : memref<!tpu.dma_semaphore, #tpu.memory_space<semaphore_mem>>
      %dma_start3A_164 = arith.constant 0 : i32
      %dma_start3A_165 = arith.constant 0 : i32
      %dma_start3A_166 = tpu.memref_slice %arg10[%dma_start3A_164, %dma_start3A_165] : memref<80x128xf32, #tpu.memory_space<vmem>> -> memref<80x128xf32, #tpu.memory_space<vmem>>
      %dma_start3A_167 = arith.constant 0 : i32
      %dma_start3A_168 = tpu.memref_slice %arg12[%add3A_18, %dma_start3A_167] : memref<10240x128xf32, #tpu.memory_space<vmem_shared>> -> memref<80x128xf32, #tpu.memory_space<vmem_shared>>
      %dma_start3A_169 = arith.constant 0 : i32
      %dma_start3A_170 = tpu.memref_slice %arg12[%add3A_18, %dma_start3A_169] : memref<10240x128xf32, #tpu.memory_space<vmem_shared>> -> memref<80x128xf32, #tpu.memory_space<vmem_shared>>
      %dma_start3A_171 = arith.constant 0 : i32
      %dma_start3A_172 = arith.constant 0 : i32
      %dma_start3A_173 = tpu.memref_slice %arg10[%dma_start3A_171, %dma_start3A_172] : memref<80x128xf32, #tpu.memory_space<vmem>> -> memref<80x128xf32, #tpu.memory_space<vmem>>
      tpu.enqueue_dma source(%dma_start3A_173 : memref<80x128xf32, #tpu.memory_space<vmem>>) target(%dma_start3A_170 : memref<80x128xf32, #tpu.memory_space<vmem_shared>>) target_semaphore(%run_scoped3A : memref<!tpu.dma_semaphore, #tpu.memory_space<semaphore_mem>>)
      %dma_wait3A_174 = arith.constant 0 : i32
      %dma_wait3A_175 = arith.constant 0 : i32
      %dma_wait3A_176 = tpu.memref_slice %arg10[%dma_wait3A_174, %dma_wait3A_175] : memref<80x128xf32, #tpu.memory_space<vmem>> -> memref<80x128xf32, #tpu.memory_space<vmem>>
      %dma_wait3A_177 = arith.constant 0 : i32
      %dma_wait3A_178 = tpu.memref_slice %arg12[%add3A_18, %dma_wait3A_177] : memref<10240x128xf32, #tpu.memory_space<vmem_shared>> -> memref<80x128xf32, #tpu.memory_space<vmem_shared>>
      %dma_wait3A_179 = arith.constant 0 : i32
      %dma_wait3A_180 = tpu.memref_slice %arg12[%add3A_18, %dma_wait3A_179] : memref<10240x128xf32, #tpu.memory_space<vmem_shared>> -> memref<80x128xf32, #tpu.memory_space<vmem_shared>>
      %dma_wait3A_181 = arith.constant 0 : i32
      %dma_wait3A_182 = arith.constant 0 : i32
      %dma_wait3A_183 = tpu.memref_slice %arg10[%dma_wait3A_181, %dma_wait3A_182] : memref<80x128xf32, #tpu.memory_space<vmem>> -> memref<80x128xf32, #tpu.memory_space<vmem>>
      tpu.wait_dma2 semaphore(%run_scoped3A : memref<!tpu.dma_semaphore, #tpu.memory_space<semaphore_mem>>) src(%dma_wait3A_183 : memref<80x128xf32, #tpu.memory_space<vmem>>) dst(%dma_wait3A_180 : memref<80x128xf32, #tpu.memory_space<vmem_shared>>)
      tpu.yield
    }) : () -> ()
    %mul3A_19 = arith.constant 640 : i32
    %mul3A_20 = arith.muli %arg1, %mul3A_19 : i32
    %add3A_21 = arith.constant 240 : i32
    %add3A_22 = arith.addi %mul3A_20, %add3A_21 : i32
    "tpu.region"() ({
      %run_scoped3A = tpu.sem_alloc : memref<!tpu.dma_semaphore, #tpu.memory_space<semaphore_mem>>
      %dma_start3A_164 = arith.constant 0 : i32
      %dma_start3A_165 = arith.constant 0 : i32
      %dma_start3A_166 = tpu.memref_slice %arg10[%dma_start3A_164, %dma_start3A_165] : memref<80x128xf32, #tpu.memory_space<vmem>> -> memref<80x128xf32, #tpu.memory_space<vmem>>
      %dma_start3A_167 = arith.constant 0 : i32
      %dma_start3A_168 = tpu.memref_slice %arg12[%add3A_22, %dma_start3A_167] : memref<10240x128xf32, #tpu.memory_space<vmem_shared>> -> memref<80x128xf32, #tpu.memory_space<vmem_shared>>
      %dma_start3A_169 = arith.constant 0 : i32
      %dma_start3A_170 = tpu.memref_slice %arg12[%add3A_22, %dma_start3A_169] : memref<10240x128xf32, #tpu.memory_space<vmem_shared>> -> memref<80x128xf32, #tpu.memory_space<vmem_shared>>
      %dma_start3A_171 = arith.constant 0 : i32
      %dma_start3A_172 = arith.constant 0 : i32
      %dma_start3A_173 = tpu.memref_slice %arg10[%dma_start3A_171, %dma_start3A_172] : memref<80x128xf32, #tpu.memory_space<vmem>> -> memref<80x128xf32, #tpu.memory_space<vmem>>
      tpu.enqueue_dma source(%dma_start3A_173 : memref<80x128xf32, #tpu.memory_space<vmem>>) target(%dma_start3A_170 : memref<80x128xf32, #tpu.memory_space<vmem_shared>>) target_semaphore(%run_scoped3A : memref<!tpu.dma_semaphore, #tpu.memory_space<semaphore_mem>>)
      %dma_wait3A_174 = arith.constant 0 : i32
      %dma_wait3A_175 = arith.constant 0 : i32
      %dma_wait3A_176 = tpu.memref_slice %arg10[%dma_wait3A_174, %dma_wait3A_175] : memref<80x128xf32, #tpu.memory_space<vmem>> -> memref<80x128xf32, #tpu.memory_space<vmem>>
      %dma_wait3A_177 = arith.constant 0 : i32
      %dma_wait3A_178 = tpu.memref_slice %arg12[%add3A_22, %dma_wait3A_177] : memref<10240x128xf32, #tpu.memory_space<vmem_shared>> -> memref<80x128xf32, #tpu.memory_space<vmem_shared>>
      %dma_wait3A_179 = arith.constant 0 : i32
      %dma_wait3A_180 = tpu.memref_slice %arg12[%add3A_22, %dma_wait3A_179] : memref<10240x128xf32, #tpu.memory_space<vmem_shared>> -> memref<80x128xf32, #tpu.memory_space<vmem_shared>>
      %dma_wait3A_181 = arith.constant 0 : i32
      %dma_wait3A_182 = arith.constant 0 : i32
      %dma_wait3A_183 = tpu.memref_slice %arg10[%dma_wait3A_181, %dma_wait3A_182] : memref<80x128xf32, #tpu.memory_space<vmem>> -> memref<80x128xf32, #tpu.memory_space<vmem>>
      tpu.wait_dma2 semaphore(%run_scoped3A : memref<!tpu.dma_semaphore, #tpu.memory_space<semaphore_mem>>) src(%dma_wait3A_183 : memref<80x128xf32, #tpu.memory_space<vmem>>) dst(%dma_wait3A_180 : memref<80x128xf32, #tpu.memory_space<vmem_shared>>)
      tpu.yield
    }) : () -> ()
    %mul3A_23 = arith.constant 640 : i32
    %mul3A_24 = arith.muli %arg1, %mul3A_23 : i32
    %add3A_25 = arith.constant 320 : i32
    %add3A_26 = arith.addi %mul3A_24, %add3A_25 : i32
    "tpu.region"() ({
      %run_scoped3A = tpu.sem_alloc : memref<!tpu.dma_semaphore, #tpu.memory_space<semaphore_mem>>
      %dma_start3A_164 = arith.constant 0 : i32
      %dma_start3A_165 = arith.constant 0 : i32
      %dma_start3A_166 = tpu.memref_slice %arg10[%dma_start3A_164, %dma_start3A_165] : memref<80x128xf32, #tpu.memory_space<vmem>> -> memref<80x128xf32, #tpu.memory_space<vmem>>
      %dma_start3A_167 = arith.constant 0 : i32
      %dma_start3A_168 = tpu.memref_slice %arg12[%add3A_26, %dma_start3A_167] : memref<10240x128xf32, #tpu.memory_space<vmem_shared>> -> memref<80x128xf32, #tpu.memory_space<vmem_shared>>
      %dma_start3A_169 = arith.constant 0 : i32
      %dma_start3A_170 = tpu.memref_slice %arg12[%add3A_26, %dma_start3A_169] : memref<10240x128xf32, #tpu.memory_space<vmem_shared>> -> memref<80x128xf32, #tpu.memory_space<vmem_shared>>
      %dma_start3A_171 = arith.constant 0 : i32
      %dma_start3A_172 = arith.constant 0 : i32
      %dma_start3A_173 = tpu.memref_slice %arg10[%dma_start3A_171, %dma_start3A_172] : memref<80x128xf32, #tpu.memory_space<vmem>> -> memref<80x128xf32, #tpu.memory_space<vmem>>
      tpu.enqueue_dma source(%dma_start3A_173 : memref<80x128xf32, #tpu.memory_space<vmem>>) target(%dma_start3A_170 : memref<80x128xf32, #tpu.memory_space<vmem_shared>>) target_semaphore(%run_scoped3A : memref<!tpu.dma_semaphore, #tpu.memory_space<semaphore_mem>>)
      %dma_wait3A_174 = arith.constant 0 : i32
      %dma_wait3A_175 = arith.constant 0 : i32
      %dma_wait3A_176 = tpu.memref_slice %arg10[%dma_wait3A_174, %dma_wait3A_175] : memref<80x128xf32, #tpu.memory_space<vmem>> -> memref<80x128xf32, #tpu.memory_space<vmem>>
      %dma_wait3A_177 = arith.constant 0 : i32
      %dma_wait3A_178 = tpu.memref_slice %arg12[%add3A_26, %dma_wait3A_177] : memref<10240x128xf32, #tpu.memory_space<vmem_shared>> -> memref<80x128xf32, #tpu.memory_space<vmem_shared>>
      %dma_wait3A_179 = arith.constant 0 : i32
      %dma_wait3A_180 = tpu.memref_slice %arg12[%add3A_26, %dma_wait3A_179] : memref<10240x128xf32, #tpu.memory_space<vmem_shared>> -> memref<80x128xf32, #tpu.memory_space<vmem_shared>>
      %dma_wait3A_181 = arith.constant 0 : i32
      %dma_wait3A_182 = arith.constant 0 : i32
      %dma_wait3A_183 = tpu.memref_slice %arg10[%dma_wait3A_181, %dma_wait3A_182] : memref<80x128xf32, #tpu.memory_space<vmem>> -> memref<80x128xf32, #tpu.memory_space<vmem>>
      tpu.wait_dma2 semaphore(%run_scoped3A : memref<!tpu.dma_semaphore, #tpu.memory_space<semaphore_mem>>) src(%dma_wait3A_183 : memref<80x128xf32, #tpu.memory_space<vmem>>) dst(%dma_wait3A_180 : memref<80x128xf32, #tpu.memory_space<vmem_shared>>)
      tpu.yield
    }) : () -> ()
    %mul3A_27 = arith.constant 640 : i32
    %mul3A_28 = arith.muli %arg1, %mul3A_27 : i32
    %add3A_29 = arith.constant 400 : i32
    %add3A_30 = arith.addi %mul3A_28, %add3A_29 : i32
    "tpu.region"() ({
      %run_scoped3A = tpu.sem_alloc : memref<!tpu.dma_semaphore, #tpu.memory_space<semaphore_mem>>
      %dma_start3A_164 = arith.constant 0 : i32
      %dma_start3A_165 = arith.constant 0 : i32
      %dma_start3A_166 = tpu.memref_slice %arg10[%dma_start3A_164, %dma_start3A_165] : memref<80x128xf32, #tpu.memory_space<vmem>> -> memref<80x128xf32, #tpu.memory_space<vmem>>
      %dma_start3A_167 = arith.constant 0 : i32
      %dma_start3A_168 = tpu.memref_slice %arg12[%add3A_30, %dma_start3A_167] : memref<10240x128xf32, #tpu.memory_space<vmem_shared>> -> memref<80x128xf32, #tpu.memory_space<vmem_shared>>
      %dma_start3A_169 = arith.constant 0 : i32
      %dma_start3A_170 = tpu.memref_slice %arg12[%add3A_30, %dma_start3A_169] : memref<10240x128xf32, #tpu.memory_space<vmem_shared>> -> memref<80x128xf32, #tpu.memory_space<vmem_shared>>
      %dma_start3A_171 = arith.constant 0 : i32
      %dma_start3A_172 = arith.constant 0 : i32
      %dma_start3A_173 = tpu.memref_slice %arg10[%dma_start3A_171, %dma_start3A_172] : memref<80x128xf32, #tpu.memory_space<vmem>> -> memref<80x128xf32, #tpu.memory_space<vmem>>
      tpu.enqueue_dma source(%dma_start3A_173 : memref<80x128xf32, #tpu.memory_space<vmem>>) target(%dma_start3A_170 : memref<80x128xf32, #tpu.memory_space<vmem_shared>>) target_semaphore(%run_scoped3A : memref<!tpu.dma_semaphore, #tpu.memory_space<semaphore_mem>>)
      %dma_wait3A_174 = arith.constant 0 : i32
      %dma_wait3A_175 = arith.constant 0 : i32
      %dma_wait3A_176 = tpu.memref_slice %arg10[%dma_wait3A_174, %dma_wait3A_175] : memref<80x128xf32, #tpu.memory_space<vmem>> -> memref<80x128xf32, #tpu.memory_space<vmem>>
      %dma_wait3A_177 = arith.constant 0 : i32
      %dma_wait3A_178 = tpu.memref_slice %arg12[%add3A_30, %dma_wait3A_177] : memref<10240x128xf32, #tpu.memory_space<vmem_shared>> -> memref<80x128xf32, #tpu.memory_space<vmem_shared>>
      %dma_wait3A_179 = arith.constant 0 : i32
      %dma_wait3A_180 = tpu.memref_slice %arg12[%add3A_30, %dma_wait3A_179] : memref<10240x128xf32, #tpu.memory_space<vmem_shared>> -> memref<80x128xf32, #tpu.memory_space<vmem_shared>>
      %dma_wait3A_181 = arith.constant 0 : i32
      %dma_wait3A_182 = arith.constant 0 : i32
      %dma_wait3A_183 = tpu.memref_slice %arg10[%dma_wait3A_181, %dma_wait3A_182] : memref<80x128xf32, #tpu.memory_space<vmem>> -> memref<80x128xf32, #tpu.memory_space<vmem>>
      tpu.wait_dma2 semaphore(%run_scoped3A : memref<!tpu.dma_semaphore, #tpu.memory_space<semaphore_mem>>) src(%dma_wait3A_183 : memref<80x128xf32, #tpu.memory_space<vmem>>) dst(%dma_wait3A_180 : memref<80x128xf32, #tpu.memory_space<vmem_shared>>)
      tpu.yield
    }) : () -> ()
    %mul3A_31 = arith.constant 640 : i32
    %mul3A_32 = arith.muli %arg1, %mul3A_31 : i32
    %add3A_33 = arith.constant 480 : i32
    %add3A_34 = arith.addi %mul3A_32, %add3A_33 : i32
    "tpu.region"() ({
      %run_scoped3A = tpu.sem_alloc : memref<!tpu.dma_semaphore, #tpu.memory_space<semaphore_mem>>
      %dma_start3A_164 = arith.constant 0 : i32
      %dma_start3A_165 = arith.constant 0 : i32
      %dma_start3A_166 = tpu.memref_slice %arg10[%dma_start3A_164, %dma_start3A_165] : memref<80x128xf32, #tpu.memory_space<vmem>> -> memref<80x128xf32, #tpu.memory_space<vmem>>
      %dma_start3A_167 = arith.constant 0 : i32
      %dma_start3A_168 = tpu.memref_slice %arg12[%add3A_34, %dma_start3A_167] : memref<10240x128xf32, #tpu.memory_space<vmem_shared>> -> memref<80x128xf32, #tpu.memory_space<vmem_shared>>
      %dma_start3A_169 = arith.constant 0 : i32
      %dma_start3A_170 = tpu.memref_slice %arg12[%add3A_34, %dma_start3A_169] : memref<10240x128xf32, #tpu.memory_space<vmem_shared>> -> memref<80x128xf32, #tpu.memory_space<vmem_shared>>
      %dma_start3A_171 = arith.constant 0 : i32
      %dma_start3A_172 = arith.constant 0 : i32
      %dma_start3A_173 = tpu.memref_slice %arg10[%dma_start3A_171, %dma_start3A_172] : memref<80x128xf32, #tpu.memory_space<vmem>> -> memref<80x128xf32, #tpu.memory_space<vmem>>
      tpu.enqueue_dma source(%dma_start3A_173 : memref<80x128xf32, #tpu.memory_space<vmem>>) target(%dma_start3A_170 : memref<80x128xf32, #tpu.memory_space<vmem_shared>>) target_semaphore(%run_scoped3A : memref<!tpu.dma_semaphore, #tpu.memory_space<semaphore_mem>>)
      %dma_wait3A_174 = arith.constant 0 : i32
      %dma_wait3A_175 = arith.constant 0 : i32
      %dma_wait3A_176 = tpu.memref_slice %arg10[%dma_wait3A_174, %dma_wait3A_175] : memref<80x128xf32, #tpu.memory_space<vmem>> -> memref<80x128xf32, #tpu.memory_space<vmem>>
      %dma_wait3A_177 = arith.constant 0 : i32
      %dma_wait3A_178 = tpu.memref_slice %arg12[%add3A_34, %dma_wait3A_177] : memref<10240x128xf32, #tpu.memory_space<vmem_shared>> -> memref<80x128xf32, #tpu.memory_space<vmem_shared>>
      %dma_wait3A_179 = arith.constant 0 : i32
      %dma_wait3A_180 = tpu.memref_slice %arg12[%add3A_34, %dma_wait3A_179] : memref<10240x128xf32, #tpu.memory_space<vmem_shared>> -> memref<80x128xf32, #tpu.memory_space<vmem_shared>>
      %dma_wait3A_181 = arith.constant 0 : i32
      %dma_wait3A_182 = arith.constant 0 : i32
      %dma_wait3A_183 = tpu.memref_slice %arg10[%dma_wait3A_181, %dma_wait3A_182] : memref<80x128xf32, #tpu.memory_space<vmem>> -> memref<80x128xf32, #tpu.memory_space<vmem>>
      tpu.wait_dma2 semaphore(%run_scoped3A : memref<!tpu.dma_semaphore, #tpu.memory_space<semaphore_mem>>) src(%dma_wait3A_183 : memref<80x128xf32, #tpu.memory_space<vmem>>) dst(%dma_wait3A_180 : memref<80x128xf32, #tpu.memory_space<vmem_shared>>)
      tpu.yield
    }) : () -> ()
    %mul3A_35 = arith.constant 640 : i32
    %mul3A_36 = arith.muli %arg1, %mul3A_35 : i32
    %add3A_37 = arith.constant 560 : i32
    %add3A_38 = arith.addi %mul3A_36, %add3A_37 : i32
    "tpu.region"() ({
      %run_scoped3A = tpu.sem_alloc : memref<!tpu.dma_semaphore, #tpu.memory_space<semaphore_mem>>
      %dma_start3A_164 = arith.constant 0 : i32
      %dma_start3A_165 = arith.constant 0 : i32
      %dma_start3A_166 = tpu.memref_slice %arg10[%dma_start3A_164, %dma_start3A_165] : memref<80x128xf32, #tpu.memory_space<vmem>> -> memref<80x128xf32, #tpu.memory_space<vmem>>
      %dma_start3A_167 = arith.constant 0 : i32
      %dma_start3A_168 = tpu.memref_slice %arg12[%add3A_38, %dma_start3A_167] : memref<10240x128xf32, #tpu.memory_space<vmem_shared>> -> memref<80x128xf32, #tpu.memory_space<vmem_shared>>
      %dma_start3A_169 = arith.constant 0 : i32
      %dma_start3A_170 = tpu.memref_slice %arg12[%add3A_38, %dma_start3A_169] : memref<10240x128xf32, #tpu.memory_space<vmem_shared>> -> memref<80x128xf32, #tpu.memory_space<vmem_shared>>
      %dma_start3A_171 = arith.constant 0 : i32
      %dma_start3A_172 = arith.constant 0 : i32
      %dma_start3A_173 = tpu.memref_slice %arg10[%dma_start3A_171, %dma_start3A_172] : memref<80x128xf32, #tpu.memory_space<vmem>> -> memref<80x128xf32, #tpu.memory_space<vmem>>
      tpu.enqueue_dma source(%dma_start3A_173 : memref<80x128xf32, #tpu.memory_space<vmem>>) target(%dma_start3A_170 : memref<80x128xf32, #tpu.memory_space<vmem_shared>>) target_semaphore(%run_scoped3A : memref<!tpu.dma_semaphore, #tpu.memory_space<semaphore_mem>>)
      %dma_wait3A_174 = arith.constant 0 : i32
      %dma_wait3A_175 = arith.constant 0 : i32
      %dma_wait3A_176 = tpu.memref_slice %arg10[%dma_wait3A_174, %dma_wait3A_175] : memref<80x128xf32, #tpu.memory_space<vmem>> -> memref<80x128xf32, #tpu.memory_space<vmem>>
      %dma_wait3A_177 = arith.constant 0 : i32
      %dma_wait3A_178 = tpu.memref_slice %arg12[%add3A_38, %dma_wait3A_177] : memref<10240x128xf32, #tpu.memory_space<vmem_shared>> -> memref<80x128xf32, #tpu.memory_space<vmem_shared>>
      %dma_wait3A_179 = arith.constant 0 : i32
      %dma_wait3A_180 = tpu.memref_slice %arg12[%add3A_38, %dma_wait3A_179] : memref<10240x128xf32, #tpu.memory_space<vmem_shared>> -> memref<80x128xf32, #tpu.memory_space<vmem_shared>>
      %dma_wait3A_181 = arith.constant 0 : i32
      %dma_wait3A_182 = arith.constant 0 : i32
      %dma_wait3A_183 = tpu.memref_slice %arg10[%dma_wait3A_181, %dma_wait3A_182] : memref<80x128xf32, #tpu.memory_space<vmem>> -> memref<80x128xf32, #tpu.memory_space<vmem>>
      tpu.wait_dma2 semaphore(%run_scoped3A : memref<!tpu.dma_semaphore, #tpu.memory_space<semaphore_mem>>) src(%dma_wait3A_183 : memref<80x128xf32, #tpu.memory_space<vmem>>) dst(%dma_wait3A_180 : memref<80x128xf32, #tpu.memory_space<vmem_shared>>)
      tpu.yield
    }) : () -> ()
    %barrier3A = arith.constant 0 : index
    tpu.barrier barrier_id(%barrier3A)
    "tpu.region"() ({
      %run_scoped3A = tpu.sem_alloc : memref<!tpu.dma_semaphore, #tpu.memory_space<semaphore_mem>>
      %dma_start3A_164 = arith.constant 0 : i32
      %dma_start3A_165 = arith.constant 0 : i32
      %dma_start3A_166 = tpu.memref_slice %arg3[%add3A, %dma_start3A_164, %dma_start3A_165] : memref<32x125x80xi32, #tpu.memory_space<hbm>> -> memref<1x125x80xi32, #tpu.memory_space<hbm>>
      %dma_start3A_167 = tpu.memref_squeeze %dma_start3A_166 : memref<1x125x80xi32, #tpu.memory_space<hbm>> -> memref<125x80xi32, #tpu.memory_space<hbm>>
      %dma_start3A_168 = arith.constant 0 : i32
      %dma_start3A_169 = arith.constant 0 : i32
      %dma_start3A_170 = tpu.memref_slice %arg3[%add3A, %dma_start3A_168, %dma_start3A_169] : memref<32x125x80xi32, #tpu.memory_space<hbm>> -> memref<1x125x80xi32, #tpu.memory_space<hbm>>
      %dma_start3A_171 = tpu.memref_squeeze %dma_start3A_170 : memref<1x125x80xi32, #tpu.memory_space<hbm>> -> memref<125x80xi32, #tpu.memory_space<hbm>>
      tpu.enqueue_dma source(%dma_start3A_171 : memref<125x80xi32, #tpu.memory_space<hbm>>) target(%arg5 : memref<125x80xi32, #tpu.memory_space<vmem>>) target_semaphore(%run_scoped3A : memref<!tpu.dma_semaphore, #tpu.memory_space<semaphore_mem>>)
      %dma_wait3A_172 = arith.constant 0 : i32
      %dma_wait3A_173 = arith.constant 0 : i32
      %dma_wait3A_174 = tpu.memref_slice %arg3[%add3A, %dma_wait3A_172, %dma_wait3A_173] : memref<32x125x80xi32, #tpu.memory_space<hbm>> -> memref<1x125x80xi32, #tpu.memory_space<hbm>>
      %dma_wait3A_175 = tpu.memref_squeeze %dma_wait3A_174 : memref<1x125x80xi32, #tpu.memory_space<hbm>> -> memref<125x80xi32, #tpu.memory_space<hbm>>
      %dma_wait3A_176 = arith.constant 0 : i32
      %dma_wait3A_177 = arith.constant 0 : i32
      %dma_wait3A_178 = tpu.memref_slice %arg3[%add3A, %dma_wait3A_176, %dma_wait3A_177] : memref<32x125x80xi32, #tpu.memory_space<hbm>> -> memref<1x125x80xi32, #tpu.memory_space<hbm>>
      %dma_wait3A_179 = tpu.memref_squeeze %dma_wait3A_178 : memref<1x125x80xi32, #tpu.memory_space<hbm>> -> memref<125x80xi32, #tpu.memory_space<hbm>>
      tpu.wait_dma2 semaphore(%run_scoped3A : memref<!tpu.dma_semaphore, #tpu.memory_space<semaphore_mem>>) src(%dma_wait3A_179 : memref<125x80xi32, #tpu.memory_space<hbm>>) dst(%arg5 : memref<125x80xi32, #tpu.memory_space<vmem>>)
      tpu.yield
    }) : () -> ()
    %get3A = arith.constant 0 : i32
    %get3A_39 = arith.index_cast %get3A : i32 to index
    %get3A_40 = arith.constant 0 : index
    %get3A_41 = tpu.vector_load %arg5[%get3A_39, %get3A_40] {strides = array<i32>} : memref<125x80xi32, #tpu.memory_space<vmem>>, vector<1x16xi32>,
    %get3A_42 = vector.shape_cast %get3A_41 : vector<1x16xi32> to vector<16xi32>
    %and3A = arith.constant 65535 : i32
    %and3A_43 = vector.broadcast %and3A : i32 to vector<16xi32>
    %and3A_44 = arith.andi %get3A_42, %and3A_43 : vector<16xi32>
    %swap3A = arith.constant 0 : index
    %swap3A_45 = tpu.vector_load %arg6[%swap3A] {strides = array<i32>} : memref<80xi32, #tpu.memory_space<vmem>>, vector<16xi32>,
    %swap3A_46 = vector.shape_cast %swap3A_45 : vector<16xi32> to vector<16xi32>
    %swap3A_47 = vector.shape_cast %and3A_44 : vector<16xi32> to vector<16xi32>
    tpu.vector_store %arg6[%swap3A], %swap3A_47 {strides = array<i32>} : memref<80xi32, #tpu.memory_space<vmem>>, vector<16xi32>,
    %shift_right_arithmetic3A = arith.constant 16 : i32
    %shift_right_arithmetic3A_48 = vector.broadcast %shift_right_arithmetic3A : i32 to vector<16xi32>
    %shift_right_arithmetic3A_49 = arith.shrsi %get3A_42, %shift_right_arithmetic3A_48 : vector<16xi32>
    %and3A_50 = arith.constant 16383 : i32
    %and3A_51 = vector.broadcast %and3A_50 : i32 to vector<16xi32>
    %and3A_52 = arith.andi %shift_right_arithmetic3A_49, %and3A_51 : vector<16xi32>
    %swap3A_53 = arith.constant 0 : index
    %swap3A_54 = tpu.vector_load %arg7[%swap3A_53] {strides = array<i32>} : memref<80xi32, #tpu.memory_space<vmem>>, vector<16xi32>,
    %swap3A_55 = vector.shape_cast %swap3A_54 : vector<16xi32> to vector<16xi32>
    %swap3A_56 = vector.shape_cast %and3A_52 : vector<16xi32> to vector<16xi32>
    tpu.vector_store %arg7[%swap3A_53], %swap3A_56 {strides = array<i32>} : memref<80xi32, #tpu.memory_space<vmem>>, vector<16xi32>,
    %get3A_57 = arith.constant 0 : i32
    %get3A_58 = arith.index_cast %get3A_57 : i32 to index
    %get3A_59 = arith.constant 16 : index
    %get3A_60 = tpu.vector_load %arg5[%get3A_58, %get3A_59] {strides = array<i32>} : memref<125x80xi32, #tpu.memory_space<vmem>>, vector<1x16xi32>,
    %get3A_61 = vector.shape_cast %get3A_60 : vector<1x16xi32> to vector<16xi32>
    %and3A_62 = arith.constant 65535 : i32
    %and3A_63 = vector.broadcast %and3A_62 : i32 to vector<16xi32>
    %and3A_64 = arith.andi %get3A_61, %and3A_63 : vector<16xi32>
    %swap3A_65 = arith.constant 16 : index
    %swap3A_66 = tpu.vector_load %arg6[%swap3A_65] {strides = array<i32>} : memref<80xi32, #tpu.memory_space<vmem>>, vector<16xi32>,
    %swap3A_67 = vector.shape_cast %swap3A_66 : vector<16xi32> to vector<16xi32>
    %swap3A_68 = vector.shape_cast %and3A_64 : vector<16xi32> to vector<16xi32>
    tpu.vector_store %arg6[%swap3A_65], %swap3A_68 {strides = array<i32>} : memref<80xi32, #tpu.memory_space<vmem>>, vector<16xi32>,
    %shift_right_arithmetic3A_69 = arith.constant 16 : i32
    %shift_right_arithmetic3A_70 = vector.broadcast %shift_right_arithmetic3A_69 : i32 to vector<16xi32>
    %shift_right_arithmetic3A_71 = arith.shrsi %get3A_61, %shift_right_arithmetic3A_70 : vector<16xi32>
    %and3A_72 = arith.constant 16383 : i32
    %and3A_73 = vector.broadcast %and3A_72 : i32 to vector<16xi32>
    %and3A_74 = arith.andi %shift_right_arithmetic3A_71, %and3A_73 : vector<16xi32>
    %swap3A_75 = arith.constant 16 : index
    %swap3A_76 = tpu.vector_load %arg7[%swap3A_75] {strides = array<i32>} : memref<80xi32, #tpu.memory_space<vmem>>, vector<16xi32>,
    %swap3A_77 = vector.shape_cast %swap3A_76 : vector<16xi32> to vector<16xi32>
    %swap3A_78 = vector.shape_cast %and3A_74 : vector<16xi32> to vector<16xi32>
    tpu.vector_store %arg7[%swap3A_75], %swap3A_78 {strides = array<i32>} : memref<80xi32, #tpu.memory_space<vmem>>, vector<16xi32>,
    %get3A_79 = arith.constant 0 : i32
    %get3A_80 = arith.index_cast %get3A_79 : i32 to index
    %get3A_81 = arith.constant 32 : index
    %get3A_82 = tpu.vector_load %arg5[%get3A_80, %get3A_81] {strides = array<i32>} : memref<125x80xi32, #tpu.memory_space<vmem>>, vector<1x16xi32>,
    %get3A_83 = vector.shape_cast %get3A_82 : vector<1x16xi32> to vector<16xi32>
    %and3A_84 = arith.constant 65535 : i32
    %and3A_85 = vector.broadcast %and3A_84 : i32 to vector<16xi32>
    %and3A_86 = arith.andi %get3A_83, %and3A_85 : vector<16xi32>
    %swap3A_87 = arith.constant 32 : index
    %swap3A_88 = tpu.vector_load %arg6[%swap3A_87] {strides = array<i32>} : memref<80xi32, #tpu.memory_space<vmem>>, vector<16xi32>,
    %swap3A_89 = vector.shape_cast %swap3A_88 : vector<16xi32> to vector<16xi32>
    %swap3A_90 = vector.shape_cast %and3A_86 : vector<16xi32> to vector<16xi32>
    tpu.vector_store %arg6[%swap3A_87], %swap3A_90 {strides = array<i32>} : memref<80xi32, #tpu.memory_space<vmem>>, vector<16xi32>,
    %shift_right_arithmetic3A_91 = arith.constant 16 : i32
    %shift_right_arithmetic3A_92 = vector.broadcast %shift_right_arithmetic3A_91 : i32 to vector<16xi32>
    %shift_right_arithmetic3A_93 = arith.shrsi %get3A_83, %shift_right_arithmetic3A_92 : vector<16xi32>
    %and3A_94 = arith.constant 16383 : i32
    %and3A_95 = vector.broadcast %and3A_94 : i32 to vector<16xi32>
    %and3A_96 = arith.andi %shift_right_arithmetic3A_93, %and3A_95 : vector<16xi32>
    %swap3A_97 = arith.constant 32 : index
    %swap3A_98 = tpu.vector_load %arg7[%swap3A_97] {strides = array<i32>} : memref<80xi32, #tpu.memory_space<vmem>>, vector<16xi32>,
    %swap3A_99 = vector.shape_cast %swap3A_98 : vector<16xi32> to vector<16xi32>
    %swap3A_100 = vector.shape_cast %and3A_96 : vector<16xi32> to vector<16xi32>
    tpu.vector_store %arg7[%swap3A_97], %swap3A_100 {strides = array<i32>} : memref<80xi32, #tpu.memory_space<vmem>>, vector<16xi32>,
    %get3A_101 = arith.constant 0 : i32
    %get3A_102 = arith.index_cast %get3A_101 : i32 to index
    %get3A_103 = arith.constant 48 : index
    %get3A_104 = tpu.vector_load %arg5[%get3A_102, %get3A_103] {strides = array<i32>} : memref<125x80xi32, #tpu.memory_space<vmem>>, vector<1x16xi32>,
    %get3A_105 = vector.shape_cast %get3A_104 : vector<1x16xi32> to vector<16xi32>
    %and3A_106 = arith.constant 65535 : i32
    %and3A_107 = vector.broadcast %and3A_106 : i32 to vector<16xi32>
    %and3A_108 = arith.andi %get3A_105, %and3A_107 : vector<16xi32>
    %swap3A_109 = arith.constant 48 : index
    %swap3A_110 = tpu.vector_load %arg6[%swap3A_109] {strides = array<i32>} : memref<80xi32, #tpu.memory_space<vmem>>, vector<16xi32>,
    %swap3A_111 = vector.shape_cast %swap3A_110 : vector<16xi32> to vector<16xi32>
    %swap3A_112 = vector.shape_cast %and3A_108 : vector<16xi32> to vector<16xi32>
    tpu.vector_store %arg6[%swap3A_109], %swap3A_112 {strides = array<i32>} : memref<80xi32, #tpu.memory_space<vmem>>, vector<16xi32>,
    %shift_right_arithmetic3A_113 = arith.constant 16 : i32
    %shift_right_arithmetic3A_114 = vector.broadcast %shift_right_arithmetic3A_113 : i32 to vector<16xi32>
    %shift_right_arithmetic3A_115 = arith.shrsi %get3A_105, %shift_right_arithmetic3A_114 : vector<16xi32>
    %and3A_116 = arith.constant 16383 : i32
    %and3A_117 = vector.broadcast %and3A_116 : i32 to vector<16xi32>
    %and3A_118 = arith.andi %shift_right_arithmetic3A_115, %and3A_117 : vector<16xi32>
    %swap3A_119 = arith.constant 48 : index
    %swap3A_120 = tpu.vector_load %arg7[%swap3A_119] {strides = array<i32>} : memref<80xi32, #tpu.memory_space<vmem>>, vector<16xi32>,
    %swap3A_121 = vector.shape_cast %swap3A_120 : vector<16xi32> to vector<16xi32>
    %swap3A_122 = vector.shape_cast %and3A_118 : vector<16xi32> to vector<16xi32>
    tpu.vector_store %arg7[%swap3A_119], %swap3A_122 {strides = array<i32>} : memref<80xi32, #tpu.memory_space<vmem>>, vector<16xi32>,
    %get3A_123 = arith.constant 0 : i32
    %get3A_124 = arith.index_cast %get3A_123 : i32 to index
    %get3A_125 = arith.constant 64 : index
    %get3A_126 = tpu.vector_load %arg5[%get3A_124, %get3A_125] {strides = array<i32>} : memref<125x80xi32, #tpu.memory_space<vmem>>, vector<1x16xi32>,
    %get3A_127 = vector.shape_cast %get3A_126 : vector<1x16xi32> to vector<16xi32>
    %and3A_128 = arith.constant 65535 : i32
    %and3A_129 = vector.broadcast %and3A_128 : i32 to vector<16xi32>
    %and3A_130 = arith.andi %get3A_127, %and3A_129 : vector<16xi32>
    %swap3A_131 = arith.constant 64 : index
    %swap3A_132 = tpu.vector_load %arg6[%swap3A_131] {strides = array<i32>} : memref<80xi32, #tpu.memory_space<vmem>>, vector<16xi32>,
    %swap3A_133 = vector.shape_cast %swap3A_132 : vector<16xi32> to vector<16xi32>
    %swap3A_134 = vector.shape_cast %and3A_130 : vector<16xi32> to vector<16xi32>
    tpu.vector_store %arg6[%swap3A_131], %swap3A_134 {strides = array<i32>} : memref<80xi32, #tpu.memory_space<vmem>>, vector<16xi32>,
    %shift_right_arithmetic3A_135 = arith.constant 16 : i32
    %shift_right_arithmetic3A_136 = vector.broadcast %shift_right_arithmetic3A_135 : i32 to vector<16xi32>
    %shift_right_arithmetic3A_137 = arith.shrsi %get3A_127, %shift_right_arithmetic3A_136 : vector<16xi32>
    %and3A_138 = arith.constant 16383 : i32
    %and3A_139 = vector.broadcast %and3A_138 : i32 to vector<16xi32>
    %and3A_140 = arith.andi %shift_right_arithmetic3A_137, %and3A_139 : vector<16xi32>
    %swap3A_141 = arith.constant 64 : index
    %swap3A_142 = tpu.vector_load %arg7[%swap3A_141] {strides = array<i32>} : memref<80xi32, #tpu.memory_space<vmem>>, vector<16xi32>,
    %swap3A_143 = vector.shape_cast %swap3A_142 : vector<16xi32> to vector<16xi32>
    %swap3A_144 = vector.shape_cast %and3A_140 : vector<16xi32> to vector<16xi32>
    tpu.vector_store %arg7[%swap3A_141], %swap3A_144 {strides = array<i32>} : memref<80xi32, #tpu.memory_space<vmem>>, vector<16xi32>,
    %dma_start3A = arith.constant 0 : i32
    %dma_start3A_145 = arith.constant 0 : i32
    %dma_start3A_146 = tpu.memref_slice %arg2[%dma_start3A, %dma_start3A_145] : memref<40000x128xf32, #tpu.memory_space<hbm>> -> memref<40000x128xf32, #tpu.memory_space<hbm>>
    tpu.enqueue_indirect_dma source(%dma_start3A_146 : memref<40000x128xf32, #tpu.memory_space<hbm>>) target(%arg10 : memref<80x128xf32, #tpu.memory_space<vmem>>) offsets(%arg6 : memref<80xi32, #tpu.memory_space<vmem>>) semaphore(%arg13 : memref<!tpu.dma_semaphore, #tpu.memory_space<semaphore_mem>>)
    %scan3A_147 = arith.constant 0 : i32
    %scan3A_148 = arith.constant 0 : i32
    %scan3A_149 = arith.constant 62 : i32
    %scan3A_150 = arith.addi %scan3A_148, %scan3A_149 : i32
    %scan3A_151 = arith.constant 1 : i32
    %scan3A_152 = scf.for %scan3A_164 = %scan3A_148 to %scan3A_150 step %scan3A_151 iter_args(%scan3A_165 = %scan3A_147) -> (i32)  : i32 {
      %mul3A_166 = arith.constant 2 : i32
      %mul3A_167 = arith.muli %scan3A_164, %mul3A_166 : i32
      %add3A_168 = arith.constant 1 : i32
      %add3A_169 = arith.addi %mul3A_167, %add3A_168 : i32
      %get3A_170 = arith.index_cast %add3A_169 : i32 to index
      %get3A_171 = arith.constant 0 : index
      %get3A_172 = tpu.vector_load %arg5[%get3A_170, %get3A_171] {strides = array<i32>} : memref<125x80xi32, #tpu.memory_space<vmem>>, vector<1x16xi32>,
      %get3A_173 = vector.shape_cast %get3A_172 : vector<1x16xi32> to vector<16xi32>
      %and3A_174 = arith.constant 65535 : i32
      %and3A_175 = vector.broadcast %and3A_174 : i32 to vector<16xi32>
      %and3A_176 = arith.andi %get3A_173, %and3A_175 : vector<16xi32>
      %swap3A_177 = arith.constant 0 : index
      %swap3A_178 = tpu.vector_load %arg8[%swap3A_177] {strides = array<i32>} : memref<80xi32, #tpu.memory_space<vmem>>, vector<16xi32>,
      %swap3A_179 = vector.shape_cast %swap3A_178 : vector<16xi32> to vector<16xi32>
      %swap3A_180 = vector.shape_cast %and3A_176 : vector<16xi32> to vector<16xi32>
      tpu.vector_store %arg8[%swap3A_177], %swap3A_180 {strides = array<i32>} : memref<80xi32, #tpu.memory_space<vmem>>, vector<16xi32>,
      %shift_right_arithmetic3A_181 = arith.constant 16 : i32
      %shift_right_arithmetic3A_182 = vector.broadcast %shift_right_arithmetic3A_181 : i32 to vector<16xi32>
      %shift_right_arithmetic3A_183 = arith.shrsi %get3A_173, %shift_right_arithmetic3A_182 : vector<16xi32>
      %and3A_184 = arith.constant 16383 : i32
      %and3A_185 = vector.broadcast %and3A_184 : i32 to vector<16xi32>
      %and3A_186 = arith.andi %shift_right_arithmetic3A_183, %and3A_185 : vector<16xi32>
      %swap3A_187 = arith.constant 0 : index
      %swap3A_188 = tpu.vector_load %arg9[%swap3A_187] {strides = array<i32>} : memref<80xi32, #tpu.memory_space<vmem>>, vector<16xi32>,
      %swap3A_189 = vector.shape_cast %swap3A_188 : vector<16xi32> to vector<16xi32>
      %swap3A_190 = vector.shape_cast %and3A_186 : vector<16xi32> to vector<16xi32>
      tpu.vector_store %arg9[%swap3A_187], %swap3A_190 {strides = array<i32>} : memref<80xi32, #tpu.memory_space<vmem>>, vector<16xi32>,
      %get3A_191 = arith.index_cast %add3A_169 : i32 to index
      %get3A_192 = arith.constant 16 : index
      %get3A_193 = tpu.vector_load %arg5[%get3A_191, %get3A_192] {strides = array<i32>} : memref<125x80xi32, #tpu.memory_space<vmem>>, vector<1x16xi32>,
      %get3A_194 = vector.shape_cast %get3A_193 : vector<1x16xi32> to vector<16xi32>
      %and3A_195 = arith.constant 65535 : i32
      %and3A_196 = vector.broadcast %and3A_195 : i32 to vector<16xi32>
      %and3A_197 = arith.andi %get3A_194, %and3A_196 : vector<16xi32>
      %swap3A_198 = arith.constant 16 : index
      %swap3A_199 = tpu.vector_load %arg8[%swap3A_198] {strides = array<i32>} : memref<80xi32, #tpu.memory_space<vmem>>, vector<16xi32>,
      %swap3A_200 = vector.shape_cast %swap3A_199 : vector<16xi32> to vector<16xi32>
      %swap3A_201 = vector.shape_cast %and3A_197 : vector<16xi32> to vector<16xi32>
      tpu.vector_store %arg8[%swap3A_198], %swap3A_201 {strides = array<i32>} : memref<80xi32, #tpu.memory_space<vmem>>, vector<16xi32>,
      %shift_right_arithmetic3A_202 = arith.constant 16 : i32
      %shift_right_arithmetic3A_203 = vector.broadcast %shift_right_arithmetic3A_202 : i32 to vector<16xi32>
      %shift_right_arithmetic3A_204 = arith.shrsi %get3A_194, %shift_right_arithmetic3A_203 : vector<16xi32>
      %and3A_205 = arith.constant 16383 : i32
      %and3A_206 = vector.broadcast %and3A_205 : i32 to vector<16xi32>
      %and3A_207 = arith.andi %shift_right_arithmetic3A_204, %and3A_206 : vector<16xi32>
      %swap3A_208 = arith.constant 16 : index
      %swap3A_209 = tpu.vector_load %arg9[%swap3A_208] {strides = array<i32>} : memref<80xi32, #tpu.memory_space<vmem>>, vector<16xi32>,
      %swap3A_210 = vector.shape_cast %swap3A_209 : vector<16xi32> to vector<16xi32>
      %swap3A_211 = vector.shape_cast %and3A_207 : vector<16xi32> to vector<16xi32>
      tpu.vector_store %arg9[%swap3A_208], %swap3A_211 {strides = array<i32>} : memref<80xi32, #tpu.memory_space<vmem>>, vector<16xi32>,
      %get3A_212 = arith.index_cast %add3A_169 : i32 to index
      %get3A_213 = arith.constant 32 : index
      %get3A_214 = tpu.vector_load %arg5[%get3A_212, %get3A_213] {strides = array<i32>} : memref<125x80xi32, #tpu.memory_space<vmem>>, vector<1x16xi32>,
      %get3A_215 = vector.shape_cast %get3A_214 : vector<1x16xi32> to vector<16xi32>
      %and3A_216 = arith.constant 65535 : i32
      %and3A_217 = vector.broadcast %and3A_216 : i32 to vector<16xi32>
      %and3A_218 = arith.andi %get3A_215, %and3A_217 : vector<16xi32>
      %swap3A_219 = arith.constant 32 : index
      %swap3A_220 = tpu.vector_load %arg8[%swap3A_219] {strides = array<i32>} : memref<80xi32, #tpu.memory_space<vmem>>, vector<16xi32>,
      %swap3A_221 = vector.shape_cast %swap3A_220 : vector<16xi32> to vector<16xi32>
      %swap3A_222 = vector.shape_cast %and3A_218 : vector<16xi32> to vector<16xi32>
      tpu.vector_store %arg8[%swap3A_219], %swap3A_222 {strides = array<i32>} : memref<80xi32, #tpu.memory_space<vmem>>, vector<16xi32>,
      %shift_right_arithmetic3A_223 = arith.constant 16 : i32
      %shift_right_arithmetic3A_224 = vector.broadcast %shift_right_arithmetic3A_223 : i32 to vector<16xi32>
      %shift_right_arithmetic3A_225 = arith.shrsi %get3A_215, %shift_right_arithmetic3A_224 : vector<16xi32>
      %and3A_226 = arith.constant 16383 : i32
      %and3A_227 = vector.broadcast %and3A_226 : i32 to vector<16xi32>
      %and3A_228 = arith.andi %shift_right_arithmetic3A_225, %and3A_227 : vector<16xi32>
      %swap3A_229 = arith.constant 32 : index
      %swap3A_230 = tpu.vector_load %arg9[%swap3A_229] {strides = array<i32>} : memref<80xi32, #tpu.memory_space<vmem>>, vector<16xi32>,
      %swap3A_231 = vector.shape_cast %swap3A_230 : vector<16xi32> to vector<16xi32>
      %swap3A_232 = vector.shape_cast %and3A_228 : vector<16xi32> to vector<16xi32>
      tpu.vector_store %arg9[%swap3A_229], %swap3A_232 {strides = array<i32>} : memref<80xi32, #tpu.memory_space<vmem>>, vector<16xi32>,
      %get3A_233 = arith.index_cast %add3A_169 : i32 to index
      %get3A_234 = arith.constant 48 : index
      %get3A_235 = tpu.vector_load %arg5[%get3A_233, %get3A_234] {strides = array<i32>} : memref<125x80xi32, #tpu.memory_space<vmem>>, vector<1x16xi32>,
      %get3A_236 = vector.shape_cast %get3A_235 : vector<1x16xi32> to vector<16xi32>
      %and3A_237 = arith.constant 65535 : i32
      %and3A_238 = vector.broadcast %and3A_237 : i32 to vector<16xi32>
      %and3A_239 = arith.andi %get3A_236, %and3A_238 : vector<16xi32>
      %swap3A_240 = arith.constant 48 : index
      %swap3A_241 = tpu.vector_load %arg8[%swap3A_240] {strides = array<i32>} : memref<80xi32, #tpu.memory_space<vmem>>, vector<16xi32>,
      %swap3A_242 = vector.shape_cast %swap3A_241 : vector<16xi32> to vector<16xi32>
      %swap3A_243 = vector.shape_cast %and3A_239 : vector<16xi32> to vector<16xi32>
      tpu.vector_store %arg8[%swap3A_240], %swap3A_243 {strides = array<i32>} : memref<80xi32, #tpu.memory_space<vmem>>, vector<16xi32>,
      %shift_right_arithmetic3A_244 = arith.constant 16 : i32
      %shift_right_arithmetic3A_245 = vector.broadcast %shift_right_arithmetic3A_244 : i32 to vector<16xi32>
      %shift_right_arithmetic3A_246 = arith.shrsi %get3A_236, %shift_right_arithmetic3A_245 : vector<16xi32>
      %and3A_247 = arith.constant 16383 : i32
      %and3A_248 = vector.broadcast %and3A_247 : i32 to vector<16xi32>
      %and3A_249 = arith.andi %shift_right_arithmetic3A_246, %and3A_248 : vector<16xi32>
      %swap3A_250 = arith.constant 48 : index
      %swap3A_251 = tpu.vector_load %arg9[%swap3A_250] {strides = array<i32>} : memref<80xi32, #tpu.memory_space<vmem>>, vector<16xi32>,
      %swap3A_252 = vector.shape_cast %swap3A_251 : vector<16xi32> to vector<16xi32>
      %swap3A_253 = vector.shape_cast %and3A_249 : vector<16xi32> to vector<16xi32>
      tpu.vector_store %arg9[%swap3A_250], %swap3A_253 {strides = array<i32>} : memref<80xi32, #tpu.memory_space<vmem>>, vector<16xi32>,
      %get3A_254 = arith.index_cast %add3A_169 : i32 to index
      %get3A_255 = arith.constant 64 : index
      %get3A_256 = tpu.vector_load %arg5[%get3A_254, %get3A_255] {strides = array<i32>} : memref<125x80xi32, #tpu.memory_space<vmem>>, vector<1x16xi32>,
      %get3A_257 = vector.shape_cast %get3A_256 : vector<1x16xi32> to vector<16xi32>
      %and3A_258 = arith.constant 65535 : i32
      %and3A_259 = vector.broadcast %and3A_258 : i32 to vector<16xi32>
      %and3A_260 = arith.andi %get3A_257, %and3A_259 : vector<16xi32>
      %swap3A_261 = arith.constant 64 : index
      %swap3A_262 = tpu.vector_load %arg8[%swap3A_261] {strides = array<i32>} : memref<80xi32, #tpu.memory_space<vmem>>, vector<16xi32>,
      %swap3A_263 = vector.shape_cast %swap3A_262 : vector<16xi32> to vector<16xi32>
      %swap3A_264 = vector.shape_cast %and3A_260 : vector<16xi32> to vector<16xi32>
      tpu.vector_store %arg8[%swap3A_261], %swap3A_264 {strides = array<i32>} : memref<80xi32, #tpu.memory_space<vmem>>, vector<16xi32>,
      %shift_right_arithmetic3A_265 = arith.constant 16 : i32
      %shift_right_arithmetic3A_266 = vector.broadcast %shift_right_arithmetic3A_265 : i32 to vector<16xi32>
      %shift_right_arithmetic3A_267 = arith.shrsi %get3A_257, %shift_right_arithmetic3A_266 : vector<16xi32>
      %and3A_268 = arith.constant 16383 : i32
      %and3A_269 = vector.broadcast %and3A_268 : i32 to vector<16xi32>
      %and3A_270 = arith.andi %shift_right_arithmetic3A_267, %and3A_269 : vector<16xi32>
      %swap3A_271 = arith.constant 64 : index
      %swap3A_272 = tpu.vector_load %arg9[%swap3A_271] {strides = array<i32>} : memref<80xi32, #tpu.memory_space<vmem>>, vector<16xi32>,
      %swap3A_273 = vector.shape_cast %swap3A_272 : vector<16xi32> to vector<16xi32>
      %swap3A_274 = vector.shape_cast %and3A_270 : vector<16xi32> to vector<16xi32>
      tpu.vector_store %arg9[%swap3A_271], %swap3A_274 {strides = array<i32>} : memref<80xi32, #tpu.memory_space<vmem>>, vector<16xi32>,
      %dma_start3A_275 = arith.constant 0 : i32
      %dma_start3A_276 = arith.constant 0 : i32
      %dma_start3A_277 = tpu.memref_slice %arg2[%dma_start3A_275, %dma_start3A_276] : memref<40000x128xf32, #tpu.memory_space<hbm>> -> memref<40000x128xf32, #tpu.memory_space<hbm>>
      tpu.enqueue_indirect_dma source(%dma_start3A_277 : memref<40000x128xf32, #tpu.memory_space<hbm>>) target(%arg11 : memref<80x128xf32, #tpu.memory_space<vmem>>) offsets(%arg8 : memref<80xi32, #tpu.memory_space<vmem>>) semaphore(%arg14 : memref<!tpu.dma_semaphore, #tpu.memory_space<semaphore_mem>>)
      %dma_wait3A_278 = arith.constant 0 : i32
      %dma_wait3A_279 = arith.constant 0 : i32
      %dma_wait3A_280 = tpu.memref_slice %arg2[%dma_wait3A_278, %dma_wait3A_279] : memref<40000x128xf32, #tpu.memory_space<hbm>> -> memref<40000x128xf32, #tpu.memory_space<hbm>>
      tpu.wait_indirect_dma semaphore(%arg13 : memref<!tpu.dma_semaphore, #tpu.memory_space<semaphore_mem>>) src(%dma_wait3A_280 : memref<40000x128xf32, #tpu.memory_space<hbm>>) dst(%arg10 : memref<80x128xf32, #tpu.memory_space<vmem>>)
      "tpu.region"() ({
        %run_scoped3A = tpu.sem_alloc : memref<!tpu.dma_semaphore, #tpu.memory_space<semaphore_mem>>
        %dma_start3A_289 = arith.constant 0 : i32
        %dma_start3A_290 = arith.constant 0 : i32
        %dma_start3A_291 = tpu.memref_slice %arg12[%dma_start3A_289, %dma_start3A_290] : memref<10240x128xf32, #tpu.memory_space<vmem_shared>> -> memref<10240x128xf32, #tpu.memory_space<vmem_shared>>
        tpu.enqueue_indirect_dma source(%arg10 : memref<80x128xf32, #tpu.memory_space<vmem>>) target(%dma_start3A_291 : memref<10240x128xf32, #tpu.memory_space<vmem_shared>>) offsets(%arg7 : memref<80xi32, #tpu.memory_space<vmem>>) semaphore(%run_scoped3A : memref<!tpu.dma_semaphore, #tpu.memory_space<semaphore_mem>>) {add = true}
        %dma_wait3A_292 = arith.constant 0 : i32
        %dma_wait3A_293 = arith.constant 0 : i32
        %dma_wait3A_294 = tpu.memref_slice %arg12[%dma_wait3A_292, %dma_wait3A_293] : memref<10240x128xf32, #tpu.memory_space<vmem_shared>> -> memref<10240x128xf32, #tpu.memory_space<vmem_shared>>
        tpu.wait_indirect_dma semaphore(%run_scoped3A : memref<!tpu.dma_semaphore, #tpu.memory_space<semaphore_mem>>) src(%arg10 : memref<80x128xf32, #tpu.memory_space<vmem>>) dst(%dma_wait3A_294 : memref<10240x128xf32, #tpu.memory_space<vmem_shared>>)
        tpu.yield
      }) : () -> ()
      %add3A_281 = arith.constant 2 : i32
      %add3A_282 = arith.addi %mul3A_167, %add3A_281 : i32
      %lt3A = arith.constant 125 : i32
      %lt3A_283 = arith.cmpi slt, %add3A_282, %lt3A : i32
      %convert_element_type3A = arith.extui %lt3A_283 : i1 to i32
      %cond3A = arith.constant 0 : i32
      %cond3A_284 = arith.cmpi ne, %convert_element_type3A, %cond3A : i32
      scf.if %cond3A_284 {
        %add3A_289 = arith.constant 2 : i32
        %add3A_290 = arith.addi %mul3A_167, %add3A_289 : i32
        %get3A_291 = arith.index_cast %add3A_290 : i32 to index
        %get3A_292 = arith.constant 0 : index
        %get3A_293 = tpu.vector_load %arg5[%get3A_291, %get3A_292] {strides = array<i32>} : memref<125x80xi32, #tpu.memory_space<vmem>>, vector<1x16xi32>,
        %get3A_294 = vector.shape_cast %get3A_293 : vector<1x16xi32> to vector<16xi32>
        %and3A_295 = arith.constant 65535 : i32
        %and3A_296 = vector.broadcast %and3A_295 : i32 to vector<16xi32>
        %and3A_297 = arith.andi %get3A_294, %and3A_296 : vector<16xi32>
        %swap3A_298 = arith.constant 0 : index
        %swap3A_299 = tpu.vector_load %arg6[%swap3A_298] {strides = array<i32>} : memref<80xi32, #tpu.memory_space<vmem>>, vector<16xi32>,
        %swap3A_300 = vector.shape_cast %swap3A_299 : vector<16xi32> to vector<16xi32>
        %swap3A_301 = vector.shape_cast %and3A_297 : vector<16xi32> to vector<16xi32>
        tpu.vector_store %arg6[%swap3A_298], %swap3A_301 {strides = array<i32>} : memref<80xi32, #tpu.memory_space<vmem>>, vector<16xi32>,
        %shift_right_arithmetic3A_302 = arith.constant 16 : i32
        %shift_right_arithmetic3A_303 = vector.broadcast %shift_right_arithmetic3A_302 : i32 to vector<16xi32>
        %shift_right_arithmetic3A_304 = arith.shrsi %get3A_294, %shift_right_arithmetic3A_303 : vector<16xi32>
        %and3A_305 = arith.constant 16383 : i32
        %and3A_306 = vector.broadcast %and3A_305 : i32 to vector<16xi32>
        %and3A_307 = arith.andi %shift_right_arithmetic3A_304, %and3A_306 : vector<16xi32>
        %swap3A_308 = arith.constant 0 : index
        %swap3A_309 = tpu.vector_load %arg7[%swap3A_308] {strides = array<i32>} : memref<80xi32, #tpu.memory_space<vmem>>, vector<16xi32>,
        %swap3A_310 = vector.shape_cast %swap3A_309 : vector<16xi32> to vector<16xi32>
        %swap3A_311 = vector.shape_cast %and3A_307 : vector<16xi32> to vector<16xi32>
        tpu.vector_store %arg7[%swap3A_308], %swap3A_311 {strides = array<i32>} : memref<80xi32, #tpu.memory_space<vmem>>, vector<16xi32>,
        %get3A_312 = arith.index_cast %add3A_290 : i32 to index
        %get3A_313 = arith.constant 16 : index
        %get3A_314 = tpu.vector_load %arg5[%get3A_312, %get3A_313] {strides = array<i32>} : memref<125x80xi32, #tpu.memory_space<vmem>>, vector<1x16xi32>,
        %get3A_315 = vector.shape_cast %get3A_314 : vector<1x16xi32> to vector<16xi32>
        %and3A_316 = arith.constant 65535 : i32
        %and3A_317 = vector.broadcast %and3A_316 : i32 to vector<16xi32>
        %and3A_318 = arith.andi %get3A_315, %and3A_317 : vector<16xi32>
        %swap3A_319 = arith.constant 16 : index
        %swap3A_320 = tpu.vector_load %arg6[%swap3A_319] {strides = array<i32>} : memref<80xi32, #tpu.memory_space<vmem>>, vector<16xi32>,
        %swap3A_321 = vector.shape_cast %swap3A_320 : vector<16xi32> to vector<16xi32>
        %swap3A_322 = vector.shape_cast %and3A_318 : vector<16xi32> to vector<16xi32>
        tpu.vector_store %arg6[%swap3A_319], %swap3A_322 {strides = array<i32>} : memref<80xi32, #tpu.memory_space<vmem>>, vector<16xi32>,
        %shift_right_arithmetic3A_323 = arith.constant 16 : i32
        %shift_right_arithmetic3A_324 = vector.broadcast %shift_right_arithmetic3A_323 : i32 to vector<16xi32>
        %shift_right_arithmetic3A_325 = arith.shrsi %get3A_315, %shift_right_arithmetic3A_324 : vector<16xi32>
        %and3A_326 = arith.constant 16383 : i32
        %and3A_327 = vector.broadcast %and3A_326 : i32 to vector<16xi32>
        %and3A_328 = arith.andi %shift_right_arithmetic3A_325, %and3A_327 : vector<16xi32>
        %swap3A_329 = arith.constant 16 : index
        %swap3A_330 = tpu.vector_load %arg7[%swap3A_329] {strides = array<i32>} : memref<80xi32, #tpu.memory_space<vmem>>, vector<16xi32>,
        %swap3A_331 = vector.shape_cast %swap3A_330 : vector<16xi32> to vector<16xi32>
        %swap3A_332 = vector.shape_cast %and3A_328 : vector<16xi32> to vector<16xi32>
        tpu.vector_store %arg7[%swap3A_329], %swap3A_332 {strides = array<i32>} : memref<80xi32, #tpu.memory_space<vmem>>, vector<16xi32>,
        %get3A_333 = arith.index_cast %add3A_290 : i32 to index
        %get3A_334 = arith.constant 32 : index
        %get3A_335 = tpu.vector_load %arg5[%get3A_333, %get3A_334] {strides = array<i32>} : memref<125x80xi32, #tpu.memory_space<vmem>>, vector<1x16xi32>,
        %get3A_336 = vector.shape_cast %get3A_335 : vector<1x16xi32> to vector<16xi32>
        %and3A_337 = arith.constant 65535 : i32
        %and3A_338 = vector.broadcast %and3A_337 : i32 to vector<16xi32>
        %and3A_339 = arith.andi %get3A_336, %and3A_338 : vector<16xi32>
        %swap3A_340 = arith.constant 32 : index
        %swap3A_341 = tpu.vector_load %arg6[%swap3A_340] {strides = array<i32>} : memref<80xi32, #tpu.memory_space<vmem>>, vector<16xi32>,
        %swap3A_342 = vector.shape_cast %swap3A_341 : vector<16xi32> to vector<16xi32>
        %swap3A_343 = vector.shape_cast %and3A_339 : vector<16xi32> to vector<16xi32>
        tpu.vector_store %arg6[%swap3A_340], %swap3A_343 {strides = array<i32>} : memref<80xi32, #tpu.memory_space<vmem>>, vector<16xi32>,
        %shift_right_arithmetic3A_344 = arith.constant 16 : i32
        %shift_right_arithmetic3A_345 = vector.broadcast %shift_right_arithmetic3A_344 : i32 to vector<16xi32>
        %shift_right_arithmetic3A_346 = arith.shrsi %get3A_336, %shift_right_arithmetic3A_345 : vector<16xi32>
        %and3A_347 = arith.constant 16383 : i32
        %and3A_348 = vector.broadcast %and3A_347 : i32 to vector<16xi32>
        %and3A_349 = arith.andi %shift_right_arithmetic3A_346, %and3A_348 : vector<16xi32>
        %swap3A_350 = arith.constant 32 : index
        %swap3A_351 = tpu.vector_load %arg7[%swap3A_350] {strides = array<i32>} : memref<80xi32, #tpu.memory_space<vmem>>, vector<16xi32>,
        %swap3A_352 = vector.shape_cast %swap3A_351 : vector<16xi32> to vector<16xi32>
        %swap3A_353 = vector.shape_cast %and3A_349 : vector<16xi32> to vector<16xi32>
        tpu.vector_store %arg7[%swap3A_350], %swap3A_353 {strides = array<i32>} : memref<80xi32, #tpu.memory_space<vmem>>, vector<16xi32>,
        %get3A_354 = arith.index_cast %add3A_290 : i32 to index
        %get3A_355 = arith.constant 48 : index
        %get3A_356 = tpu.vector_load %arg5[%get3A_354, %get3A_355] {strides = array<i32>} : memref<125x80xi32, #tpu.memory_space<vmem>>, vector<1x16xi32>,
        %get3A_357 = vector.shape_cast %get3A_356 : vector<1x16xi32> to vector<16xi32>
        %and3A_358 = arith.constant 65535 : i32
        %and3A_359 = vector.broadcast %and3A_358 : i32 to vector<16xi32>
        %and3A_360 = arith.andi %get3A_357, %and3A_359 : vector<16xi32>
        %swap3A_361 = arith.constant 48 : index
        %swap3A_362 = tpu.vector_load %arg6[%swap3A_361] {strides = array<i32>} : memref<80xi32, #tpu.memory_space<vmem>>, vector<16xi32>,
        %swap3A_363 = vector.shape_cast %swap3A_362 : vector<16xi32> to vector<16xi32>
        %swap3A_364 = vector.shape_cast %and3A_360 : vector<16xi32> to vector<16xi32>
        tpu.vector_store %arg6[%swap3A_361], %swap3A_364 {strides = array<i32>} : memref<80xi32, #tpu.memory_space<vmem>>, vector<16xi32>,
        %shift_right_arithmetic3A_365 = arith.constant 16 : i32
        %shift_right_arithmetic3A_366 = vector.broadcast %shift_right_arithmetic3A_365 : i32 to vector<16xi32>
        %shift_right_arithmetic3A_367 = arith.shrsi %get3A_357, %shift_right_arithmetic3A_366 : vector<16xi32>
        %and3A_368 = arith.constant 16383 : i32
        %and3A_369 = vector.broadcast %and3A_368 : i32 to vector<16xi32>
        %and3A_370 = arith.andi %shift_right_arithmetic3A_367, %and3A_369 : vector<16xi32>
        %swap3A_371 = arith.constant 48 : index
        %swap3A_372 = tpu.vector_load %arg7[%swap3A_371] {strides = array<i32>} : memref<80xi32, #tpu.memory_space<vmem>>, vector<16xi32>,
        %swap3A_373 = vector.shape_cast %swap3A_372 : vector<16xi32> to vector<16xi32>
        %swap3A_374 = vector.shape_cast %and3A_370 : vector<16xi32> to vector<16xi32>
        tpu.vector_store %arg7[%swap3A_371], %swap3A_374 {strides = array<i32>} : memref<80xi32, #tpu.memory_space<vmem>>, vector<16xi32>,
        %get3A_375 = arith.index_cast %add3A_290 : i32 to index
        %get3A_376 = arith.constant 64 : index
        %get3A_377 = tpu.vector_load %arg5[%get3A_375, %get3A_376] {strides = array<i32>} : memref<125x80xi32, #tpu.memory_space<vmem>>, vector<1x16xi32>,
        %get3A_378 = vector.shape_cast %get3A_377 : vector<1x16xi32> to vector<16xi32>
        %and3A_379 = arith.constant 65535 : i32
        %and3A_380 = vector.broadcast %and3A_379 : i32 to vector<16xi32>
        %and3A_381 = arith.andi %get3A_378, %and3A_380 : vector<16xi32>
        %swap3A_382 = arith.constant 64 : index
        %swap3A_383 = tpu.vector_load %arg6[%swap3A_382] {strides = array<i32>} : memref<80xi32, #tpu.memory_space<vmem>>, vector<16xi32>,
        %swap3A_384 = vector.shape_cast %swap3A_383 : vector<16xi32> to vector<16xi32>
        %swap3A_385 = vector.shape_cast %and3A_381 : vector<16xi32> to vector<16xi32>
        tpu.vector_store %arg6[%swap3A_382], %swap3A_385 {strides = array<i32>} : memref<80xi32, #tpu.memory_space<vmem>>, vector<16xi32>,
        %shift_right_arithmetic3A_386 = arith.constant 16 : i32
        %shift_right_arithmetic3A_387 = vector.broadcast %shift_right_arithmetic3A_386 : i32 to vector<16xi32>
        %shift_right_arithmetic3A_388 = arith.shrsi %get3A_378, %shift_right_arithmetic3A_387 : vector<16xi32>
        %and3A_389 = arith.constant 16383 : i32
        %and3A_390 = vector.broadcast %and3A_389 : i32 to vector<16xi32>
        %and3A_391 = arith.andi %shift_right_arithmetic3A_388, %and3A_390 : vector<16xi32>
        %swap3A_392 = arith.constant 64 : index
        %swap3A_393 = tpu.vector_load %arg7[%swap3A_392] {strides = array<i32>} : memref<80xi32, #tpu.memory_space<vmem>>, vector<16xi32>,
        %swap3A_394 = vector.shape_cast %swap3A_393 : vector<16xi32> to vector<16xi32>
        %swap3A_395 = vector.shape_cast %and3A_391 : vector<16xi32> to vector<16xi32>
        tpu.vector_store %arg7[%swap3A_392], %swap3A_395 {strides = array<i32>} : memref<80xi32, #tpu.memory_space<vmem>>, vector<16xi32>,
        %dma_start3A_396 = arith.constant 0 : i32
        %dma_start3A_397 = arith.constant 0 : i32
        %dma_start3A_398 = tpu.memref_slice %arg2[%dma_start3A_396, %dma_start3A_397] : memref<40000x128xf32, #tpu.memory_space<hbm>> -> memref<40000x128xf32, #tpu.memory_space<hbm>>
        tpu.enqueue_indirect_dma source(%dma_start3A_398 : memref<40000x128xf32, #tpu.memory_space<hbm>>) target(%arg10 : memref<80x128xf32, #tpu.memory_space<vmem>>) offsets(%arg6 : memref<80xi32, #tpu.memory_space<vmem>>) semaphore(%arg13 : memref<!tpu.dma_semaphore, #tpu.memory_space<semaphore_mem>>)
      } else {
      }
      %dma_wait3A_285 = arith.constant 0 : i32
      %dma_wait3A_286 = arith.constant 0 : i32
      %dma_wait3A_287 = tpu.memref_slice %arg2[%dma_wait3A_285, %dma_wait3A_286] : memref<40000x128xf32, #tpu.memory_space<hbm>> -> memref<40000x128xf32, #tpu.memory_space<hbm>>
      tpu.wait_indirect_dma semaphore(%arg14 : memref<!tpu.dma_semaphore, #tpu.memory_space<semaphore_mem>>) src(%dma_wait3A_287 : memref<40000x128xf32, #tpu.memory_space<hbm>>) dst(%arg11 : memref<80x128xf32, #tpu.memory_space<vmem>>)
      "tpu.region"() ({
        %run_scoped3A = tpu.sem_alloc : memref<!tpu.dma_semaphore, #tpu.memory_space<semaphore_mem>>
        %dma_start3A_289 = arith.constant 0 : i32
        %dma_start3A_290 = arith.constant 0 : i32
        %dma_start3A_291 = tpu.memref_slice %arg12[%dma_start3A_289, %dma_start3A_290] : memref<10240x128xf32, #tpu.memory_space<vmem_shared>> -> memref<10240x128xf32, #tpu.memory_space<vmem_shared>>
        tpu.enqueue_indirect_dma source(%arg11 : memref<80x128xf32, #tpu.memory_space<vmem>>) target(%dma_start3A_291 : memref<10240x128xf32, #tpu.memory_space<vmem_shared>>) offsets(%arg9 : memref<80xi32, #tpu.memory_space<vmem>>) semaphore(%run_scoped3A : memref<!tpu.dma_semaphore, #tpu.memory_space<semaphore_mem>>) {add = true}
        %dma_wait3A_292 = arith.constant 0 : i32
        %dma_wait3A_293 = arith.constant 0 : i32
        %dma_wait3A_294 = tpu.memref_slice %arg12[%dma_wait3A_292, %dma_wait3A_293] : memref<10240x128xf32, #tpu.memory_space<vmem_shared>> -> memref<10240x128xf32, #tpu.memory_space<vmem_shared>>
        tpu.wait_indirect_dma semaphore(%run_scoped3A : memref<!tpu.dma_semaphore, #tpu.memory_space<semaphore_mem>>) src(%arg11 : memref<80x128xf32, #tpu.memory_space<vmem>>) dst(%dma_wait3A_294 : memref<10240x128xf32, #tpu.memory_space<vmem_shared>>)
        tpu.yield
      }) : () -> ()
      %scan3A_288 = arith.constant 0 : i32
      scf.yield %scan3A_288 : i32
    }
    %scan3A_153 = arith.constant 62 : i32
    %dma_wait3A = arith.constant 0 : i32
    %dma_wait3A_154 = arith.constant 0 : i32
    %dma_wait3A_155 = tpu.memref_slice %arg2[%dma_wait3A, %dma_wait3A_154] : memref<40000x128xf32, #tpu.memory_space<hbm>> -> memref<40000x128xf32, #tpu.memory_space<hbm>>
    tpu.wait_indirect_dma semaphore(%arg13 : memref<!tpu.dma_semaphore, #tpu.memory_space<semaphore_mem>>) src(%dma_wait3A_155 : memref<40000x128xf32, #tpu.memory_space<hbm>>) dst(%arg10 : memref<80x128xf32, #tpu.memory_space<vmem>>)
    "tpu.region"() ({
      %run_scoped3A = tpu.sem_alloc : memref<!tpu.dma_semaphore, #tpu.memory_space<semaphore_mem>>
      %dma_start3A_164 = arith.constant 0 : i32
      %dma_start3A_165 = arith.constant 0 : i32
      %dma_start3A_166 = tpu.memref_slice %arg12[%dma_start3A_164, %dma_start3A_165] : memref<10240x128xf32, #tpu.memory_space<vmem_shared>> -> memref<10240x128xf32, #tpu.memory_space<vmem_shared>>
      tpu.enqueue_indirect_dma source(%arg10 : memref<80x128xf32, #tpu.memory_space<vmem>>) target(%dma_start3A_166 : memref<10240x128xf32, #tpu.memory_space<vmem_shared>>) offsets(%arg7 : memref<80xi32, #tpu.memory_space<vmem>>) semaphore(%run_scoped3A : memref<!tpu.dma_semaphore, #tpu.memory_space<semaphore_mem>>) {add = true}
      %dma_wait3A_167 = arith.constant 0 : i32
      %dma_wait3A_168 = arith.constant 0 : i32
      %dma_wait3A_169 = tpu.memref_slice %arg12[%dma_wait3A_167, %dma_wait3A_168] : memref<10240x128xf32, #tpu.memory_space<vmem_shared>> -> memref<10240x128xf32, #tpu.memory_space<vmem_shared>>
      tpu.wait_indirect_dma semaphore(%run_scoped3A : memref<!tpu.dma_semaphore, #tpu.memory_space<semaphore_mem>>) src(%arg10 : memref<80x128xf32, #tpu.memory_space<vmem>>) dst(%dma_wait3A_169 : memref<10240x128xf32, #tpu.memory_space<vmem_shared>>)
      tpu.yield
    }) : () -> ()
    %barrier3A_156 = arith.constant 0 : index
    tpu.barrier barrier_id(%barrier3A_156)
    %mul3A_157 = arith.constant 640 : i32
    %mul3A_158 = arith.muli %arg1, %mul3A_157 : i32
    %mul3A_159 = arith.constant 10240 : i32
    %mul3A_160 = arith.muli %arg0, %mul3A_159 : i32
    %mul3A_161 = arith.constant 640 : i32
    %mul3A_162 = arith.muli %arg1, %mul3A_161 : i32
    %add3A_163 = arith.addi %mul3A_160, %mul3A_162 : i32
    "tpu.region"() ({
      %run_scoped3A = tpu.sem_alloc : memref<!tpu.dma_semaphore, #tpu.memory_space<semaphore_mem>>
      %dma_start3A_164 = arith.constant 0 : i32
      %dma_start3A_165 = tpu.memref_slice %arg4[%add3A_163, %dma_start3A_164] : memref<20480x128xf32, #tpu.memory_space<hbm>> -> memref<640x128xf32, #tpu.memory_space<hbm>>
      %dma_start3A_166 = arith.constant 0 : i32
      %dma_start3A_167 = tpu.memref_slice %arg12[%mul3A_158, %dma_start3A_166] : memref<10240x128xf32, #tpu.memory_space<vmem_shared>> -> memref<640x128xf32, #tpu.memory_space<vmem_shared>>
      tpu.enqueue_dma source(%dma_start3A_167 : memref<640x128xf32, #tpu.memory_space<vmem_shared>>) target(%dma_start3A_165 : memref<640x128xf32, #tpu.memory_space<hbm>>) target_semaphore(%run_scoped3A : memref<!tpu.dma_semaphore, #tpu.memory_space<semaphore_mem>>)
      %dma_wait3A_168 = arith.constant 0 : i32
      %dma_wait3A_169 = tpu.memref_slice %arg4[%add3A_163, %dma_wait3A_168] : memref<20480x128xf32, #tpu.memory_space<hbm>> -> memref<640x128xf32, #tpu.memory_space<hbm>>
      %dma_wait3A_170 = arith.constant 0 : i32
      %dma_wait3A_171 = tpu.memref_slice %arg12[%mul3A_158, %dma_wait3A_170] : memref<10240x128xf32, #tpu.memory_space<vmem_shared>> -> memref<640x128xf32, #tpu.memory_space<vmem_shared>>
      tpu.wait_dma2 semaphore(%run_scoped3A : memref<!tpu.dma_semaphore, #tpu.memory_space<semaphore_mem>>) src(%dma_wait3A_171 : memref<640x128xf32, #tpu.memory_space<vmem_shared>>) dst(%dma_wait3A_169 : memref<640x128xf32, #tpu.memory_space<hbm>>)
      tpu.yield
    }) : () -> ()
    return
  }
}

#map = affine_map<(d0, d1) -> (0, 0)>
#map1 = affine_map<(d0, d1) -> (0, 0, 0)>
module attributes {stable_mosaic.version = 14 : i64} {
  func.func @_edge_body(%arg0: i32, %arg1: i32, %arg2: memref<40000x128xf32, #tpu.memory_space<hbm>>, %arg3: memref<32x125x80xi32, #tpu.memory_space<hbm>>, %arg4: memref<20480x128xf32, #tpu.memory_space<hbm>>, %arg5: memref<125x80xi32, #tpu.memory_space<vmem>>, %arg6: memref<80xi32, #tpu.memory_space<vmem>>, %arg7: memref<80xi32, #tpu.memory_space<vmem>>, %arg8: memref<80xi32, #tpu.memory_space<vmem>>, %arg9: memref<80xi32, #tpu.memory_space<vmem>>, %arg10: memref<80x128xf32, #tpu.memory_space<vmem>>, %arg11: memref<80x128xf32, #tpu.memory_space<vmem>>, %arg12: memref<10240x128xf32, #tpu.memory_space<vmem_shared>>, %arg13: memref<!tpu.dma_semaphore, #tpu.memory_space<semaphore_mem>>, %arg14: memref<!tpu.dma_semaphore, #tpu.memory_space<semaphore_mem>>) attributes {dimension_semantics = [#tpu.dimension_semantics<core_parallel>, #tpu.dimension_semantics<subcore_parallel>], iteration_bounds = array<i64: 2, 16>, scalar_prefetch = 0 : i64, scratch_operands = 10 : i64, tpu.core_type = #tpu.core_type<sc_vector_subcore>, window_params = [{transform_indices = #map}, {transform_indices = #map1}, {transform_indices = #map}]} {
    %mul3A = arith.constant 2 : i32
    %mul3A_0 = arith.muli %arg1, %mul3A : i32
    %add3A = arith.addi %mul3A_0, %arg0 : i32
    %scan3A = arith.constant 0 : i32
    %scan3A_1 = arith.constant 0 : i32
    %scan3A_2 = arith.constant 80 : i32
    %scan3A_3 = arith.addi %scan3A_1, %scan3A_2 : i32
    %scan3A_4 = arith.constant 1 : i32
    %scan3A_5 = scf.for %scan3A_164 = %scan3A_1 to %scan3A_3 step %scan3A_4 iter_args(%scan3A_165 = %scan3A) -> (i32)  : i32 {
      %broadcast_in_dim3A = arith.constant 0.000000e+00 : f32
      %broadcast_in_dim3A_166 = vector.broadcast %broadcast_in_dim3A : f32 to vector<16xf32>
      %swap3A_167 = arith.index_cast %scan3A_164 : i32 to index
      %swap3A_168 = arith.constant 0 : index
      %swap3A_169 = tpu.vector_load %arg10[%swap3A_167, %swap3A_168] {strides = array<i32>} : memref<80x128xf32, #tpu.memory_space<vmem>>, vector<1x16xf32>,
      %swap3A_170 = vector.shape_cast %swap3A_169 : vector<1x16xf32> to vector<16xf32>
      %swap3A_171 = vector.shape_cast %broadcast_in_dim3A_166 : vector<16xf32> to vector<1x16xf32>
      tpu.vector_store %arg10[%swap3A_167, %swap3A_168], %swap3A_171 {strides = array<i32>} : memref<80x128xf32, #tpu.memory_space<vmem>>, vector<1x16xf32>,
      %broadcast_in_dim3A_172 = arith.constant 0.000000e+00 : f32
      %broadcast_in_dim3A_173 = vector.broadcast %broadcast_in_dim3A_172 : f32 to vector<16xf32>
      %swap3A_174 = arith.index_cast %scan3A_164 : i32 to index
      %swap3A_175 = arith.constant 16 : index
      %swap3A_176 = tpu.vector_load %arg10[%swap3A_174, %swap3A_175] {strides = array<i32>} : memref<80x128xf32, #tpu.memory_space<vmem>>, vector<1x16xf32>,
      %swap3A_177 = vector.shape_cast %swap3A_176 : vector<1x16xf32> to vector<16xf32>
      %swap3A_178 = vector.shape_cast %broadcast_in_dim3A_173 : vector<16xf32> to vector<1x16xf32>
      tpu.vector_store %arg10[%swap3A_174, %swap3A_175], %swap3A_178 {strides = array<i32>} : memref<80x128xf32, #tpu.memory_space<vmem>>, vector<1x16xf32>,
      %broadcast_in_dim3A_179 = arith.constant 0.000000e+00 : f32
      %broadcast_in_dim3A_180 = vector.broadcast %broadcast_in_dim3A_179 : f32 to vector<16xf32>
      %swap3A_181 = arith.index_cast %scan3A_164 : i32 to index
      %swap3A_182 = arith.constant 32 : index
      %swap3A_183 = tpu.vector_load %arg10[%swap3A_181, %swap3A_182] {strides = array<i32>} : memref<80x128xf32, #tpu.memory_space<vmem>>, vector<1x16xf32>,
      %swap3A_184 = vector.shape_cast %swap3A_183 : vector<1x16xf32> to vector<16xf32>
      %swap3A_185 = vector.shape_cast %broadcast_in_dim3A_180 : vector<16xf32> to vector<1x16xf32>
      tpu.vector_store %arg10[%swap3A_181, %swap3A_182], %swap3A_185 {strides = array<i32>} : memref<80x128xf32, #tpu.memory_space<vmem>>, vector<1x16xf32>,
      %broadcast_in_dim3A_186 = arith.constant 0.000000e+00 : f32
      %broadcast_in_dim3A_187 = vector.broadcast %broadcast_in_dim3A_186 : f32 to vector<16xf32>
      %swap3A_188 = arith.index_cast %scan3A_164 : i32 to index
      %swap3A_189 = arith.constant 48 : index
      %swap3A_190 = tpu.vector_load %arg10[%swap3A_188, %swap3A_189] {strides = array<i32>} : memref<80x128xf32, #tpu.memory_space<vmem>>, vector<1x16xf32>,
      %swap3A_191 = vector.shape_cast %swap3A_190 : vector<1x16xf32> to vector<16xf32>
      %swap3A_192 = vector.shape_cast %broadcast_in_dim3A_187 : vector<16xf32> to vector<1x16xf32>
      tpu.vector_store %arg10[%swap3A_188, %swap3A_189], %swap3A_192 {strides = array<i32>} : memref<80x128xf32, #tpu.memory_space<vmem>>, vector<1x16xf32>,
      %broadcast_in_dim3A_193 = arith.constant 0.000000e+00 : f32
      %broadcast_in_dim3A_194 = vector.broadcast %broadcast_in_dim3A_193 : f32 to vector<16xf32>
      %swap3A_195 = arith.index_cast %scan3A_164 : i32 to index
      %swap3A_196 = arith.constant 64 : index
      %swap3A_197 = tpu.vector_load %arg10[%swap3A_195, %swap3A_196] {strides = array<i32>} : memref<80x128xf32, #tpu.memory_space<vmem>>, vector<1x16xf32>,
      %swap3A_198 = vector.shape_cast %swap3A_197 : vector<1x16xf32> to vector<16xf32>
      %swap3A_199 = vector.shape_cast %broadcast_in_dim3A_194 : vector<16xf32> to vector<1x16xf32>
      tpu.vector_store %arg10[%swap3A_195, %swap3A_196], %swap3A_199 {strides = array<i32>} : memref<80x128xf32, #tpu.memory_space<vmem>>, vector<1x16xf32>,
      %broadcast_in_dim3A_200 = arith.constant 0.000000e+00 : f32
      %broadcast_in_dim3A_201 = vector.broadcast %broadcast_in_dim3A_200 : f32 to vector<16xf32>
      %swap3A_202 = arith.index_cast %scan3A_164 : i32 to index
      %swap3A_203 = arith.constant 80 : index
      %swap3A_204 = tpu.vector_load %arg10[%swap3A_202, %swap3A_203] {strides = array<i32>} : memref<80x128xf32, #tpu.memory_space<vmem>>, vector<1x16xf32>,
      %swap3A_205 = vector.shape_cast %swap3A_204 : vector<1x16xf32> to vector<16xf32>
      %swap3A_206 = vector.shape_cast %broadcast_in_dim3A_201 : vector<16xf32> to vector<1x16xf32>
      tpu.vector_store %arg10[%swap3A_202, %swap3A_203], %swap3A_206 {strides = array<i32>} : memref<80x128xf32, #tpu.memory_space<vmem>>, vector<1x16xf32>,
      %broadcast_in_dim3A_207 = arith.constant 0.000000e+00 : f32
      %broadcast_in_dim3A_208 = vector.broadcast %broadcast_in_dim3A_207 : f32 to vector<16xf32>
      %swap3A_209 = arith.index_cast %scan3A_164 : i32 to index
      %swap3A_210 = arith.constant 96 : index
      %swap3A_211 = tpu.vector_load %arg10[%swap3A_209, %swap3A_210] {strides = array<i32>} : memref<80x128xf32, #tpu.memory_space<vmem>>, vector<1x16xf32>,
      %swap3A_212 = vector.shape_cast %swap3A_211 : vector<1x16xf32> to vector<16xf32>
      %swap3A_213 = vector.shape_cast %broadcast_in_dim3A_208 : vector<16xf32> to vector<1x16xf32>
      tpu.vector_store %arg10[%swap3A_209, %swap3A_210], %swap3A_213 {strides = array<i32>} : memref<80x128xf32, #tpu.memory_space<vmem>>, vector<1x16xf32>,
      %broadcast_in_dim3A_214 = arith.constant 0.000000e+00 : f32
      %broadcast_in_dim3A_215 = vector.broadcast %broadcast_in_dim3A_214 : f32 to vector<16xf32>
      %swap3A_216 = arith.index_cast %scan3A_164 : i32 to index
      %swap3A_217 = arith.constant 112 : index
      %swap3A_218 = tpu.vector_load %arg10[%swap3A_216, %swap3A_217] {strides = array<i32>} : memref<80x128xf32, #tpu.memory_space<vmem>>, vector<1x16xf32>,
      %swap3A_219 = vector.shape_cast %swap3A_218 : vector<1x16xf32> to vector<16xf32>
      %swap3A_220 = vector.shape_cast %broadcast_in_dim3A_215 : vector<16xf32> to vector<1x16xf32>
      tpu.vector_store %arg10[%swap3A_216, %swap3A_217], %swap3A_220 {strides = array<i32>} : memref<80x128xf32, #tpu.memory_space<vmem>>, vector<1x16xf32>,
      %scan3A_221 = arith.constant 0 : i32
      scf.yield %scan3A_221 : i32
    }
    %scan3A_6 = arith.constant 80 : i32
    %mul3A_7 = arith.constant 640 : i32
    %mul3A_8 = arith.muli %arg1, %mul3A_7 : i32
    %add3A_9 = arith.constant 0 : i32
    %add3A_10 = arith.addi %mul3A_8, %add3A_9 : i32
    "tpu.region"() ({
      %run_scoped3A = tpu.sem_alloc : memref<!tpu.dma_semaphore, #tpu.memory_space<semaphore_mem>>
      %dma_start3A_164 = arith.constant 0 : i32
      %dma_start3A_165 = arith.constant 0 : i32
      %dma_start3A_166 = tpu.memref_slice %arg10[%dma_start3A_164, %dma_start3A_165] : memref<80x128xf32, #tpu.memory_space<vmem>> -> memref<80x128xf32, #tpu.memory_space<vmem>>
      %dma_start3A_167 = arith.constant 0 : i32
      %dma_start3A_168 = tpu.memref_slice %arg12[%add3A_10, %dma_start3A_167] : memref<10240x128xf32, #tpu.memory_space<vmem_shared>> -> memref<80x128xf32, #tpu.memory_space<vmem_shared>>
      %dma_start3A_169 = arith.constant 0 : i32
      %dma_start3A_170 = tpu.memref_slice %arg12[%add3A_10, %dma_start3A_169] : memref<10240x128xf32, #tpu.memory_space<vmem_shared>> -> memref<80x128xf32, #tpu.memory_space<vmem_shared>>
      %dma_start3A_171 = arith.constant 0 : i32
      %dma_start3A_172 = arith.constant 0 : i32
      %dma_start3A_173 = tpu.memref_slice %arg10[%dma_start3A_171, %dma_start3A_172] : memref<80x128xf32, #tpu.memory_space<vmem>> -> memref<80x128xf32, #tpu.memory_space<vmem>>
      tpu.enqueue_dma source(%dma_start3A_173 : memref<80x128xf32, #tpu.memory_space<vmem>>) target(%dma_start3A_170 : memref<80x128xf32, #tpu.memory_space<vmem_shared>>) target_semaphore(%run_scoped3A : memref<!tpu.dma_semaphore, #tpu.memory_space<semaphore_mem>>)
      %dma_wait3A_174 = arith.constant 0 : i32
      %dma_wait3A_175 = arith.constant 0 : i32
      %dma_wait3A_176 = tpu.memref_slice %arg10[%dma_wait3A_174, %dma_wait3A_175] : memref<80x128xf32, #tpu.memory_space<vmem>> -> memref<80x128xf32, #tpu.memory_space<vmem>>
      %dma_wait3A_177 = arith.constant 0 : i32
      %dma_wait3A_178 = tpu.memref_slice %arg12[%add3A_10, %dma_wait3A_177] : memref<10240x128xf32, #tpu.memory_space<vmem_shared>> -> memref<80x128xf32, #tpu.memory_space<vmem_shared>>
      %dma_wait3A_179 = arith.constant 0 : i32
      %dma_wait3A_180 = tpu.memref_slice %arg12[%add3A_10, %dma_wait3A_179] : memref<10240x128xf32, #tpu.memory_space<vmem_shared>> -> memref<80x128xf32, #tpu.memory_space<vmem_shared>>
      %dma_wait3A_181 = arith.constant 0 : i32
      %dma_wait3A_182 = arith.constant 0 : i32
      %dma_wait3A_183 = tpu.memref_slice %arg10[%dma_wait3A_181, %dma_wait3A_182] : memref<80x128xf32, #tpu.memory_space<vmem>> -> memref<80x128xf32, #tpu.memory_space<vmem>>
      tpu.wait_dma2 semaphore(%run_scoped3A : memref<!tpu.dma_semaphore, #tpu.memory_space<semaphore_mem>>) src(%dma_wait3A_183 : memref<80x128xf32, #tpu.memory_space<vmem>>) dst(%dma_wait3A_180 : memref<80x128xf32, #tpu.memory_space<vmem_shared>>)
      tpu.yield
    }) : () -> ()
    %mul3A_11 = arith.constant 640 : i32
    %mul3A_12 = arith.muli %arg1, %mul3A_11 : i32
    %add3A_13 = arith.constant 80 : i32
    %add3A_14 = arith.addi %mul3A_12, %add3A_13 : i32
    "tpu.region"() ({
      %run_scoped3A = tpu.sem_alloc : memref<!tpu.dma_semaphore, #tpu.memory_space<semaphore_mem>>
      %dma_start3A_164 = arith.constant 0 : i32
      %dma_start3A_165 = arith.constant 0 : i32
      %dma_start3A_166 = tpu.memref_slice %arg10[%dma_start3A_164, %dma_start3A_165] : memref<80x128xf32, #tpu.memory_space<vmem>> -> memref<80x128xf32, #tpu.memory_space<vmem>>
      %dma_start3A_167 = arith.constant 0 : i32
      %dma_start3A_168 = tpu.memref_slice %arg12[%add3A_14, %dma_start3A_167] : memref<10240x128xf32, #tpu.memory_space<vmem_shared>> -> memref<80x128xf32, #tpu.memory_space<vmem_shared>>
      %dma_start3A_169 = arith.constant 0 : i32
      %dma_start3A_170 = tpu.memref_slice %arg12[%add3A_14, %dma_start3A_169] : memref<10240x128xf32, #tpu.memory_space<vmem_shared>> -> memref<80x128xf32, #tpu.memory_space<vmem_shared>>
      %dma_start3A_171 = arith.constant 0 : i32
      %dma_start3A_172 = arith.constant 0 : i32
      %dma_start3A_173 = tpu.memref_slice %arg10[%dma_start3A_171, %dma_start3A_172] : memref<80x128xf32, #tpu.memory_space<vmem>> -> memref<80x128xf32, #tpu.memory_space<vmem>>
      tpu.enqueue_dma source(%dma_start3A_173 : memref<80x128xf32, #tpu.memory_space<vmem>>) target(%dma_start3A_170 : memref<80x128xf32, #tpu.memory_space<vmem_shared>>) target_semaphore(%run_scoped3A : memref<!tpu.dma_semaphore, #tpu.memory_space<semaphore_mem>>)
      %dma_wait3A_174 = arith.constant 0 : i32
      %dma_wait3A_175 = arith.constant 0 : i32
      %dma_wait3A_176 = tpu.memref_slice %arg10[%dma_wait3A_174, %dma_wait3A_175] : memref<80x128xf32, #tpu.memory_space<vmem>> -> memref<80x128xf32, #tpu.memory_space<vmem>>
      %dma_wait3A_177 = arith.constant 0 : i32
      %dma_wait3A_178 = tpu.memref_slice %arg12[%add3A_14, %dma_wait3A_177] : memref<10240x128xf32, #tpu.memory_space<vmem_shared>> -> memref<80x128xf32, #tpu.memory_space<vmem_shared>>
      %dma_wait3A_179 = arith.constant 0 : i32
      %dma_wait3A_180 = tpu.memref_slice %arg12[%add3A_14, %dma_wait3A_179] : memref<10240x128xf32, #tpu.memory_space<vmem_shared>> -> memref<80x128xf32, #tpu.memory_space<vmem_shared>>
      %dma_wait3A_181 = arith.constant 0 : i32
      %dma_wait3A_182 = arith.constant 0 : i32
      %dma_wait3A_183 = tpu.memref_slice %arg10[%dma_wait3A_181, %dma_wait3A_182] : memref<80x128xf32, #tpu.memory_space<vmem>> -> memref<80x128xf32, #tpu.memory_space<vmem>>
      tpu.wait_dma2 semaphore(%run_scoped3A : memref<!tpu.dma_semaphore, #tpu.memory_space<semaphore_mem>>) src(%dma_wait3A_183 : memref<80x128xf32, #tpu.memory_space<vmem>>) dst(%dma_wait3A_180 : memref<80x128xf32, #tpu.memory_space<vmem_shared>>)
      tpu.yield
    }) : () -> ()
    %mul3A_15 = arith.constant 640 : i32
    %mul3A_16 = arith.muli %arg1, %mul3A_15 : i32
    %add3A_17 = arith.constant 160 : i32
    %add3A_18 = arith.addi %mul3A_16, %add3A_17 : i32
    "tpu.region"() ({
      %run_scoped3A = tpu.sem_alloc : memref<!tpu.dma_semaphore, #tpu.memory_space<semaphore_mem>>
      %dma_start3A_164 = arith.constant 0 : i32
      %dma_start3A_165 = arith.constant 0 : i32
      %dma_start3A_166 = tpu.memref_slice %arg10[%dma_start3A_164, %dma_start3A_165] : memref<80x128xf32, #tpu.memory_space<vmem>> -> memref<80x128xf32, #tpu.memory_space<vmem>>
      %dma_start3A_167 = arith.constant 0 : i32
      %dma_start3A_168 = tpu.memref_slice %arg12[%add3A_18, %dma_start3A_167] : memref<10240x128xf32, #tpu.memory_space<vmem_shared>> -> memref<80x128xf32, #tpu.memory_space<vmem_shared>>
      %dma_start3A_169 = arith.constant 0 : i32
      %dma_start3A_170 = tpu.memref_slice %arg12[%add3A_18, %dma_start3A_169] : memref<10240x128xf32, #tpu.memory_space<vmem_shared>> -> memref<80x128xf32, #tpu.memory_space<vmem_shared>>
      %dma_start3A_171 = arith.constant 0 : i32
      %dma_start3A_172 = arith.constant 0 : i32
      %dma_start3A_173 = tpu.memref_slice %arg10[%dma_start3A_171, %dma_start3A_172] : memref<80x128xf32, #tpu.memory_space<vmem>> -> memref<80x128xf32, #tpu.memory_space<vmem>>
      tpu.enqueue_dma source(%dma_start3A_173 : memref<80x128xf32, #tpu.memory_space<vmem>>) target(%dma_start3A_170 : memref<80x128xf32, #tpu.memory_space<vmem_shared>>) target_semaphore(%run_scoped3A : memref<!tpu.dma_semaphore, #tpu.memory_space<semaphore_mem>>)
      %dma_wait3A_174 = arith.constant 0 : i32
      %dma_wait3A_175 = arith.constant 0 : i32
      %dma_wait3A_176 = tpu.memref_slice %arg10[%dma_wait3A_174, %dma_wait3A_175] : memref<80x128xf32, #tpu.memory_space<vmem>> -> memref<80x128xf32, #tpu.memory_space<vmem>>
      %dma_wait3A_177 = arith.constant 0 : i32
      %dma_wait3A_178 = tpu.memref_slice %arg12[%add3A_18, %dma_wait3A_177] : memref<10240x128xf32, #tpu.memory_space<vmem_shared>> -> memref<80x128xf32, #tpu.memory_space<vmem_shared>>
      %dma_wait3A_179 = arith.constant 0 : i32
      %dma_wait3A_180 = tpu.memref_slice %arg12[%add3A_18, %dma_wait3A_179] : memref<10240x128xf32, #tpu.memory_space<vmem_shared>> -> memref<80x128xf32, #tpu.memory_space<vmem_shared>>
      %dma_wait3A_181 = arith.constant 0 : i32
      %dma_wait3A_182 = arith.constant 0 : i32
      %dma_wait3A_183 = tpu.memref_slice %arg10[%dma_wait3A_181, %dma_wait3A_182] : memref<80x128xf32, #tpu.memory_space<vmem>> -> memref<80x128xf32, #tpu.memory_space<vmem>>
      tpu.wait_dma2 semaphore(%run_scoped3A : memref<!tpu.dma_semaphore, #tpu.memory_space<semaphore_mem>>) src(%dma_wait3A_183 : memref<80x128xf32, #tpu.memory_space<vmem>>) dst(%dma_wait3A_180 : memref<80x128xf32, #tpu.memory_space<vmem_shared>>)
      tpu.yield
    }) : () -> ()
    %mul3A_19 = arith.constant 640 : i32
    %mul3A_20 = arith.muli %arg1, %mul3A_19 : i32
    %add3A_21 = arith.constant 240 : i32
    %add3A_22 = arith.addi %mul3A_20, %add3A_21 : i32
    "tpu.region"() ({
      %run_scoped3A = tpu.sem_alloc : memref<!tpu.dma_semaphore, #tpu.memory_space<semaphore_mem>>
      %dma_start3A_164 = arith.constant 0 : i32
      %dma_start3A_165 = arith.constant 0 : i32
      %dma_start3A_166 = tpu.memref_slice %arg10[%dma_start3A_164, %dma_start3A_165] : memref<80x128xf32, #tpu.memory_space<vmem>> -> memref<80x128xf32, #tpu.memory_space<vmem>>
      %dma_start3A_167 = arith.constant 0 : i32
      %dma_start3A_168 = tpu.memref_slice %arg12[%add3A_22, %dma_start3A_167] : memref<10240x128xf32, #tpu.memory_space<vmem_shared>> -> memref<80x128xf32, #tpu.memory_space<vmem_shared>>
      %dma_start3A_169 = arith.constant 0 : i32
      %dma_start3A_170 = tpu.memref_slice %arg12[%add3A_22, %dma_start3A_169] : memref<10240x128xf32, #tpu.memory_space<vmem_shared>> -> memref<80x128xf32, #tpu.memory_space<vmem_shared>>
      %dma_start3A_171 = arith.constant 0 : i32
      %dma_start3A_172 = arith.constant 0 : i32
      %dma_start3A_173 = tpu.memref_slice %arg10[%dma_start3A_171, %dma_start3A_172] : memref<80x128xf32, #tpu.memory_space<vmem>> -> memref<80x128xf32, #tpu.memory_space<vmem>>
      tpu.enqueue_dma source(%dma_start3A_173 : memref<80x128xf32, #tpu.memory_space<vmem>>) target(%dma_start3A_170 : memref<80x128xf32, #tpu.memory_space<vmem_shared>>) target_semaphore(%run_scoped3A : memref<!tpu.dma_semaphore, #tpu.memory_space<semaphore_mem>>)
      %dma_wait3A_174 = arith.constant 0 : i32
      %dma_wait3A_175 = arith.constant 0 : i32
      %dma_wait3A_176 = tpu.memref_slice %arg10[%dma_wait3A_174, %dma_wait3A_175] : memref<80x128xf32, #tpu.memory_space<vmem>> -> memref<80x128xf32, #tpu.memory_space<vmem>>
      %dma_wait3A_177 = arith.constant 0 : i32
      %dma_wait3A_178 = tpu.memref_slice %arg12[%add3A_22, %dma_wait3A_177] : memref<10240x128xf32, #tpu.memory_space<vmem_shared>> -> memref<80x128xf32, #tpu.memory_space<vmem_shared>>
      %dma_wait3A_179 = arith.constant 0 : i32
      %dma_wait3A_180 = tpu.memref_slice %arg12[%add3A_22, %dma_wait3A_179] : memref<10240x128xf32, #tpu.memory_space<vmem_shared>> -> memref<80x128xf32, #tpu.memory_space<vmem_shared>>
      %dma_wait3A_181 = arith.constant 0 : i32
      %dma_wait3A_182 = arith.constant 0 : i32
      %dma_wait3A_183 = tpu.memref_slice %arg10[%dma_wait3A_181, %dma_wait3A_182] : memref<80x128xf32, #tpu.memory_space<vmem>> -> memref<80x128xf32, #tpu.memory_space<vmem>>
      tpu.wait_dma2 semaphore(%run_scoped3A : memref<!tpu.dma_semaphore, #tpu.memory_space<semaphore_mem>>) src(%dma_wait3A_183 : memref<80x128xf32, #tpu.memory_space<vmem>>) dst(%dma_wait3A_180 : memref<80x128xf32, #tpu.memory_space<vmem_shared>>)
      tpu.yield
    }) : () -> ()
    %mul3A_23 = arith.constant 640 : i32
    %mul3A_24 = arith.muli %arg1, %mul3A_23 : i32
    %add3A_25 = arith.constant 320 : i32
    %add3A_26 = arith.addi %mul3A_24, %add3A_25 : i32
    "tpu.region"() ({
      %run_scoped3A = tpu.sem_alloc : memref<!tpu.dma_semaphore, #tpu.memory_space<semaphore_mem>>
      %dma_start3A_164 = arith.constant 0 : i32
      %dma_start3A_165 = arith.constant 0 : i32
      %dma_start3A_166 = tpu.memref_slice %arg10[%dma_start3A_164, %dma_start3A_165] : memref<80x128xf32, #tpu.memory_space<vmem>> -> memref<80x128xf32, #tpu.memory_space<vmem>>
      %dma_start3A_167 = arith.constant 0 : i32
      %dma_start3A_168 = tpu.memref_slice %arg12[%add3A_26, %dma_start3A_167] : memref<10240x128xf32, #tpu.memory_space<vmem_shared>> -> memref<80x128xf32, #tpu.memory_space<vmem_shared>>
      %dma_start3A_169 = arith.constant 0 : i32
      %dma_start3A_170 = tpu.memref_slice %arg12[%add3A_26, %dma_start3A_169] : memref<10240x128xf32, #tpu.memory_space<vmem_shared>> -> memref<80x128xf32, #tpu.memory_space<vmem_shared>>
      %dma_start3A_171 = arith.constant 0 : i32
      %dma_start3A_172 = arith.constant 0 : i32
      %dma_start3A_173 = tpu.memref_slice %arg10[%dma_start3A_171, %dma_start3A_172] : memref<80x128xf32, #tpu.memory_space<vmem>> -> memref<80x128xf32, #tpu.memory_space<vmem>>
      tpu.enqueue_dma source(%dma_start3A_173 : memref<80x128xf32, #tpu.memory_space<vmem>>) target(%dma_start3A_170 : memref<80x128xf32, #tpu.memory_space<vmem_shared>>) target_semaphore(%run_scoped3A : memref<!tpu.dma_semaphore, #tpu.memory_space<semaphore_mem>>)
      %dma_wait3A_174 = arith.constant 0 : i32
      %dma_wait3A_175 = arith.constant 0 : i32
      %dma_wait3A_176 = tpu.memref_slice %arg10[%dma_wait3A_174, %dma_wait3A_175] : memref<80x128xf32, #tpu.memory_space<vmem>> -> memref<80x128xf32, #tpu.memory_space<vmem>>
      %dma_wait3A_177 = arith.constant 0 : i32
      %dma_wait3A_178 = tpu.memref_slice %arg12[%add3A_26, %dma_wait3A_177] : memref<10240x128xf32, #tpu.memory_space<vmem_shared>> -> memref<80x128xf32, #tpu.memory_space<vmem_shared>>
      %dma_wait3A_179 = arith.constant 0 : i32
      %dma_wait3A_180 = tpu.memref_slice %arg12[%add3A_26, %dma_wait3A_179] : memref<10240x128xf32, #tpu.memory_space<vmem_shared>> -> memref<80x128xf32, #tpu.memory_space<vmem_shared>>
      %dma_wait3A_181 = arith.constant 0 : i32
      %dma_wait3A_182 = arith.constant 0 : i32
      %dma_wait3A_183 = tpu.memref_slice %arg10[%dma_wait3A_181, %dma_wait3A_182] : memref<80x128xf32, #tpu.memory_space<vmem>> -> memref<80x128xf32, #tpu.memory_space<vmem>>
      tpu.wait_dma2 semaphore(%run_scoped3A : memref<!tpu.dma_semaphore, #tpu.memory_space<semaphore_mem>>) src(%dma_wait3A_183 : memref<80x128xf32, #tpu.memory_space<vmem>>) dst(%dma_wait3A_180 : memref<80x128xf32, #tpu.memory_space<vmem_shared>>)
      tpu.yield
    }) : () -> ()
    %mul3A_27 = arith.constant 640 : i32
    %mul3A_28 = arith.muli %arg1, %mul3A_27 : i32
    %add3A_29 = arith.constant 400 : i32
    %add3A_30 = arith.addi %mul3A_28, %add3A_29 : i32
    "tpu.region"() ({
      %run_scoped3A = tpu.sem_alloc : memref<!tpu.dma_semaphore, #tpu.memory_space<semaphore_mem>>
      %dma_start3A_164 = arith.constant 0 : i32
      %dma_start3A_165 = arith.constant 0 : i32
      %dma_start3A_166 = tpu.memref_slice %arg10[%dma_start3A_164, %dma_start3A_165] : memref<80x128xf32, #tpu.memory_space<vmem>> -> memref<80x128xf32, #tpu.memory_space<vmem>>
      %dma_start3A_167 = arith.constant 0 : i32
      %dma_start3A_168 = tpu.memref_slice %arg12[%add3A_30, %dma_start3A_167] : memref<10240x128xf32, #tpu.memory_space<vmem_shared>> -> memref<80x128xf32, #tpu.memory_space<vmem_shared>>
      %dma_start3A_169 = arith.constant 0 : i32
      %dma_start3A_170 = tpu.memref_slice %arg12[%add3A_30, %dma_start3A_169] : memref<10240x128xf32, #tpu.memory_space<vmem_shared>> -> memref<80x128xf32, #tpu.memory_space<vmem_shared>>
      %dma_start3A_171 = arith.constant 0 : i32
      %dma_start3A_172 = arith.constant 0 : i32
      %dma_start3A_173 = tpu.memref_slice %arg10[%dma_start3A_171, %dma_start3A_172] : memref<80x128xf32, #tpu.memory_space<vmem>> -> memref<80x128xf32, #tpu.memory_space<vmem>>
      tpu.enqueue_dma source(%dma_start3A_173 : memref<80x128xf32, #tpu.memory_space<vmem>>) target(%dma_start3A_170 : memref<80x128xf32, #tpu.memory_space<vmem_shared>>) target_semaphore(%run_scoped3A : memref<!tpu.dma_semaphore, #tpu.memory_space<semaphore_mem>>)
      %dma_wait3A_174 = arith.constant 0 : i32
      %dma_wait3A_175 = arith.constant 0 : i32
      %dma_wait3A_176 = tpu.memref_slice %arg10[%dma_wait3A_174, %dma_wait3A_175] : memref<80x128xf32, #tpu.memory_space<vmem>> -> memref<80x128xf32, #tpu.memory_space<vmem>>
      %dma_wait3A_177 = arith.constant 0 : i32
      %dma_wait3A_178 = tpu.memref_slice %arg12[%add3A_30, %dma_wait3A_177] : memref<10240x128xf32, #tpu.memory_space<vmem_shared>> -> memref<80x128xf32, #tpu.memory_space<vmem_shared>>
      %dma_wait3A_179 = arith.constant 0 : i32
      %dma_wait3A_180 = tpu.memref_slice %arg12[%add3A_30, %dma_wait3A_179] : memref<10240x128xf32, #tpu.memory_space<vmem_shared>> -> memref<80x128xf32, #tpu.memory_space<vmem_shared>>
      %dma_wait3A_181 = arith.constant 0 : i32
      %dma_wait3A_182 = arith.constant 0 : i32
      %dma_wait3A_183 = tpu.memref_slice %arg10[%dma_wait3A_181, %dma_wait3A_182] : memref<80x128xf32, #tpu.memory_space<vmem>> -> memref<80x128xf32, #tpu.memory_space<vmem>>
      tpu.wait_dma2 semaphore(%run_scoped3A : memref<!tpu.dma_semaphore, #tpu.memory_space<semaphore_mem>>) src(%dma_wait3A_183 : memref<80x128xf32, #tpu.memory_space<vmem>>) dst(%dma_wait3A_180 : memref<80x128xf32, #tpu.memory_space<vmem_shared>>)
      tpu.yield
    }) : () -> ()
    %mul3A_31 = arith.constant 640 : i32
    %mul3A_32 = arith.muli %arg1, %mul3A_31 : i32
    %add3A_33 = arith.constant 480 : i32
    %add3A_34 = arith.addi %mul3A_32, %add3A_33 : i32
    "tpu.region"() ({
      %run_scoped3A = tpu.sem_alloc : memref<!tpu.dma_semaphore, #tpu.memory_space<semaphore_mem>>
      %dma_start3A_164 = arith.constant 0 : i32
      %dma_start3A_165 = arith.constant 0 : i32
      %dma_start3A_166 = tpu.memref_slice %arg10[%dma_start3A_164, %dma_start3A_165] : memref<80x128xf32, #tpu.memory_space<vmem>> -> memref<80x128xf32, #tpu.memory_space<vmem>>
      %dma_start3A_167 = arith.constant 0 : i32
      %dma_start3A_168 = tpu.memref_slice %arg12[%add3A_34, %dma_start3A_167] : memref<10240x128xf32, #tpu.memory_space<vmem_shared>> -> memref<80x128xf32, #tpu.memory_space<vmem_shared>>
      %dma_start3A_169 = arith.constant 0 : i32
      %dma_start3A_170 = tpu.memref_slice %arg12[%add3A_34, %dma_start3A_169] : memref<10240x128xf32, #tpu.memory_space<vmem_shared>> -> memref<80x128xf32, #tpu.memory_space<vmem_shared>>
      %dma_start3A_171 = arith.constant 0 : i32
      %dma_start3A_172 = arith.constant 0 : i32
      %dma_start3A_173 = tpu.memref_slice %arg10[%dma_start3A_171, %dma_start3A_172] : memref<80x128xf32, #tpu.memory_space<vmem>> -> memref<80x128xf32, #tpu.memory_space<vmem>>
      tpu.enqueue_dma source(%dma_start3A_173 : memref<80x128xf32, #tpu.memory_space<vmem>>) target(%dma_start3A_170 : memref<80x128xf32, #tpu.memory_space<vmem_shared>>) target_semaphore(%run_scoped3A : memref<!tpu.dma_semaphore, #tpu.memory_space<semaphore_mem>>)
      %dma_wait3A_174 = arith.constant 0 : i32
      %dma_wait3A_175 = arith.constant 0 : i32
      %dma_wait3A_176 = tpu.memref_slice %arg10[%dma_wait3A_174, %dma_wait3A_175] : memref<80x128xf32, #tpu.memory_space<vmem>> -> memref<80x128xf32, #tpu.memory_space<vmem>>
      %dma_wait3A_177 = arith.constant 0 : i32
      %dma_wait3A_178 = tpu.memref_slice %arg12[%add3A_34, %dma_wait3A_177] : memref<10240x128xf32, #tpu.memory_space<vmem_shared>> -> memref<80x128xf32, #tpu.memory_space<vmem_shared>>
      %dma_wait3A_179 = arith.constant 0 : i32
      %dma_wait3A_180 = tpu.memref_slice %arg12[%add3A_34, %dma_wait3A_179] : memref<10240x128xf32, #tpu.memory_space<vmem_shared>> -> memref<80x128xf32, #tpu.memory_space<vmem_shared>>
      %dma_wait3A_181 = arith.constant 0 : i32
      %dma_wait3A_182 = arith.constant 0 : i32
      %dma_wait3A_183 = tpu.memref_slice %arg10[%dma_wait3A_181, %dma_wait3A_182] : memref<80x128xf32, #tpu.memory_space<vmem>> -> memref<80x128xf32, #tpu.memory_space<vmem>>
      tpu.wait_dma2 semaphore(%run_scoped3A : memref<!tpu.dma_semaphore, #tpu.memory_space<semaphore_mem>>) src(%dma_wait3A_183 : memref<80x128xf32, #tpu.memory_space<vmem>>) dst(%dma_wait3A_180 : memref<80x128xf32, #tpu.memory_space<vmem_shared>>)
      tpu.yield
    }) : () -> ()
    %mul3A_35 = arith.constant 640 : i32
    %mul3A_36 = arith.muli %arg1, %mul3A_35 : i32
    %add3A_37 = arith.constant 560 : i32
    %add3A_38 = arith.addi %mul3A_36, %add3A_37 : i32
    "tpu.region"() ({
      %run_scoped3A = tpu.sem_alloc : memref<!tpu.dma_semaphore, #tpu.memory_space<semaphore_mem>>
      %dma_start3A_164 = arith.constant 0 : i32
      %dma_start3A_165 = arith.constant 0 : i32
      %dma_start3A_166 = tpu.memref_slice %arg10[%dma_start3A_164, %dma_start3A_165] : memref<80x128xf32, #tpu.memory_space<vmem>> -> memref<80x128xf32, #tpu.memory_space<vmem>>
      %dma_start3A_167 = arith.constant 0 : i32
      %dma_start3A_168 = tpu.memref_slice %arg12[%add3A_38, %dma_start3A_167] : memref<10240x128xf32, #tpu.memory_space<vmem_shared>> -> memref<80x128xf32, #tpu.memory_space<vmem_shared>>
      %dma_start3A_169 = arith.constant 0 : i32
      %dma_start3A_170 = tpu.memref_slice %arg12[%add3A_38, %dma_start3A_169] : memref<10240x128xf32, #tpu.memory_space<vmem_shared>> -> memref<80x128xf32, #tpu.memory_space<vmem_shared>>
      %dma_start3A_171 = arith.constant 0 : i32
      %dma_start3A_172 = arith.constant 0 : i32
      %dma_start3A_173 = tpu.memref_slice %arg10[%dma_start3A_171, %dma_start3A_172] : memref<80x128xf32, #tpu.memory_space<vmem>> -> memref<80x128xf32, #tpu.memory_space<vmem>>
      tpu.enqueue_dma source(%dma_start3A_173 : memref<80x128xf32, #tpu.memory_space<vmem>>) target(%dma_start3A_170 : memref<80x128xf32, #tpu.memory_space<vmem_shared>>) target_semaphore(%run_scoped3A : memref<!tpu.dma_semaphore, #tpu.memory_space<semaphore_mem>>)
      %dma_wait3A_174 = arith.constant 0 : i32
      %dma_wait3A_175 = arith.constant 0 : i32
      %dma_wait3A_176 = tpu.memref_slice %arg10[%dma_wait3A_174, %dma_wait3A_175] : memref<80x128xf32, #tpu.memory_space<vmem>> -> memref<80x128xf32, #tpu.memory_space<vmem>>
      %dma_wait3A_177 = arith.constant 0 : i32
      %dma_wait3A_178 = tpu.memref_slice %arg12[%add3A_38, %dma_wait3A_177] : memref<10240x128xf32, #tpu.memory_space<vmem_shared>> -> memref<80x128xf32, #tpu.memory_space<vmem_shared>>
      %dma_wait3A_179 = arith.constant 0 : i32
      %dma_wait3A_180 = tpu.memref_slice %arg12[%add3A_38, %dma_wait3A_179] : memref<10240x128xf32, #tpu.memory_space<vmem_shared>> -> memref<80x128xf32, #tpu.memory_space<vmem_shared>>
      %dma_wait3A_181 = arith.constant 0 : i32
      %dma_wait3A_182 = arith.constant 0 : i32
      %dma_wait3A_183 = tpu.memref_slice %arg10[%dma_wait3A_181, %dma_wait3A_182] : memref<80x128xf32, #tpu.memory_space<vmem>> -> memref<80x128xf32, #tpu.memory_space<vmem>>
      tpu.wait_dma2 semaphore(%run_scoped3A : memref<!tpu.dma_semaphore, #tpu.memory_space<semaphore_mem>>) src(%dma_wait3A_183 : memref<80x128xf32, #tpu.memory_space<vmem>>) dst(%dma_wait3A_180 : memref<80x128xf32, #tpu.memory_space<vmem_shared>>)
      tpu.yield
    }) : () -> ()
    %barrier3A = arith.constant 0 : index
    tpu.barrier barrier_id(%barrier3A)
    "tpu.region"() ({
      %run_scoped3A = tpu.sem_alloc : memref<!tpu.dma_semaphore, #tpu.memory_space<semaphore_mem>>
      %dma_start3A_164 = arith.constant 0 : i32
      %dma_start3A_165 = arith.constant 0 : i32
      %dma_start3A_166 = tpu.memref_slice %arg3[%add3A, %dma_start3A_164, %dma_start3A_165] : memref<32x125x80xi32, #tpu.memory_space<hbm>> -> memref<1x125x80xi32, #tpu.memory_space<hbm>>
      %dma_start3A_167 = tpu.memref_squeeze %dma_start3A_166 : memref<1x125x80xi32, #tpu.memory_space<hbm>> -> memref<125x80xi32, #tpu.memory_space<hbm>>
      %dma_start3A_168 = arith.constant 0 : i32
      %dma_start3A_169 = arith.constant 0 : i32
      %dma_start3A_170 = tpu.memref_slice %arg3[%add3A, %dma_start3A_168, %dma_start3A_169] : memref<32x125x80xi32, #tpu.memory_space<hbm>> -> memref<1x125x80xi32, #tpu.memory_space<hbm>>
      %dma_start3A_171 = tpu.memref_squeeze %dma_start3A_170 : memref<1x125x80xi32, #tpu.memory_space<hbm>> -> memref<125x80xi32, #tpu.memory_space<hbm>>
      tpu.enqueue_dma source(%dma_start3A_171 : memref<125x80xi32, #tpu.memory_space<hbm>>) target(%arg5 : memref<125x80xi32, #tpu.memory_space<vmem>>) target_semaphore(%run_scoped3A : memref<!tpu.dma_semaphore, #tpu.memory_space<semaphore_mem>>)
      %dma_wait3A_172 = arith.constant 0 : i32
      %dma_wait3A_173 = arith.constant 0 : i32
      %dma_wait3A_174 = tpu.memref_slice %arg3[%add3A, %dma_wait3A_172, %dma_wait3A_173] : memref<32x125x80xi32, #tpu.memory_space<hbm>> -> memref<1x125x80xi32, #tpu.memory_space<hbm>>
      %dma_wait3A_175 = tpu.memref_squeeze %dma_wait3A_174 : memref<1x125x80xi32, #tpu.memory_space<hbm>> -> memref<125x80xi32, #tpu.memory_space<hbm>>
      %dma_wait3A_176 = arith.constant 0 : i32
      %dma_wait3A_177 = arith.constant 0 : i32
      %dma_wait3A_178 = tpu.memref_slice %arg3[%add3A, %dma_wait3A_176, %dma_wait3A_177] : memref<32x125x80xi32, #tpu.memory_space<hbm>> -> memref<1x125x80xi32, #tpu.memory_space<hbm>>
      %dma_wait3A_179 = tpu.memref_squeeze %dma_wait3A_178 : memref<1x125x80xi32, #tpu.memory_space<hbm>> -> memref<125x80xi32, #tpu.memory_space<hbm>>
      tpu.wait_dma2 semaphore(%run_scoped3A : memref<!tpu.dma_semaphore, #tpu.memory_space<semaphore_mem>>) src(%dma_wait3A_179 : memref<125x80xi32, #tpu.memory_space<hbm>>) dst(%arg5 : memref<125x80xi32, #tpu.memory_space<vmem>>)
      tpu.yield
    }) : () -> ()
    %get3A = arith.constant 0 : i32
    %get3A_39 = arith.index_cast %get3A : i32 to index
    %get3A_40 = arith.constant 0 : index
    %get3A_41 = tpu.vector_load %arg5[%get3A_39, %get3A_40] {strides = array<i32>} : memref<125x80xi32, #tpu.memory_space<vmem>>, vector<1x16xi32>,
    %get3A_42 = vector.shape_cast %get3A_41 : vector<1x16xi32> to vector<16xi32>
    %and3A = arith.constant 65535 : i32
    %and3A_43 = vector.broadcast %and3A : i32 to vector<16xi32>
    %and3A_44 = arith.andi %get3A_42, %and3A_43 : vector<16xi32>
    %swap3A = arith.constant 0 : index
    %swap3A_45 = tpu.vector_load %arg6[%swap3A] {strides = array<i32>} : memref<80xi32, #tpu.memory_space<vmem>>, vector<16xi32>,
    %swap3A_46 = vector.shape_cast %swap3A_45 : vector<16xi32> to vector<16xi32>
    %swap3A_47 = vector.shape_cast %and3A_44 : vector<16xi32> to vector<16xi32>
    tpu.vector_store %arg6[%swap3A], %swap3A_47 {strides = array<i32>} : memref<80xi32, #tpu.memory_space<vmem>>, vector<16xi32>,
    %shift_right_arithmetic3A = arith.constant 16 : i32
    %shift_right_arithmetic3A_48 = vector.broadcast %shift_right_arithmetic3A : i32 to vector<16xi32>
    %shift_right_arithmetic3A_49 = arith.shrsi %get3A_42, %shift_right_arithmetic3A_48 : vector<16xi32>
    %and3A_50 = arith.constant 16383 : i32
    %and3A_51 = vector.broadcast %and3A_50 : i32 to vector<16xi32>
    %and3A_52 = arith.andi %shift_right_arithmetic3A_49, %and3A_51 : vector<16xi32>
    %swap3A_53 = arith.constant 0 : index
    %swap3A_54 = tpu.vector_load %arg7[%swap3A_53] {strides = array<i32>} : memref<80xi32, #tpu.memory_space<vmem>>, vector<16xi32>,
    %swap3A_55 = vector.shape_cast %swap3A_54 : vector<16xi32> to vector<16xi32>
    %swap3A_56 = vector.shape_cast %and3A_52 : vector<16xi32> to vector<16xi32>
    tpu.vector_store %arg7[%swap3A_53], %swap3A_56 {strides = array<i32>} : memref<80xi32, #tpu.memory_space<vmem>>, vector<16xi32>,
    %get3A_57 = arith.constant 0 : i32
    %get3A_58 = arith.index_cast %get3A_57 : i32 to index
    %get3A_59 = arith.constant 16 : index
    %get3A_60 = tpu.vector_load %arg5[%get3A_58, %get3A_59] {strides = array<i32>} : memref<125x80xi32, #tpu.memory_space<vmem>>, vector<1x16xi32>,
    %get3A_61 = vector.shape_cast %get3A_60 : vector<1x16xi32> to vector<16xi32>
    %and3A_62 = arith.constant 65535 : i32
    %and3A_63 = vector.broadcast %and3A_62 : i32 to vector<16xi32>
    %and3A_64 = arith.andi %get3A_61, %and3A_63 : vector<16xi32>
    %swap3A_65 = arith.constant 16 : index
    %swap3A_66 = tpu.vector_load %arg6[%swap3A_65] {strides = array<i32>} : memref<80xi32, #tpu.memory_space<vmem>>, vector<16xi32>,
    %swap3A_67 = vector.shape_cast %swap3A_66 : vector<16xi32> to vector<16xi32>
    %swap3A_68 = vector.shape_cast %and3A_64 : vector<16xi32> to vector<16xi32>
    tpu.vector_store %arg6[%swap3A_65], %swap3A_68 {strides = array<i32>} : memref<80xi32, #tpu.memory_space<vmem>>, vector<16xi32>,
    %shift_right_arithmetic3A_69 = arith.constant 16 : i32
    %shift_right_arithmetic3A_70 = vector.broadcast %shift_right_arithmetic3A_69 : i32 to vector<16xi32>
    %shift_right_arithmetic3A_71 = arith.shrsi %get3A_61, %shift_right_arithmetic3A_70 : vector<16xi32>
    %and3A_72 = arith.constant 16383 : i32
    %and3A_73 = vector.broadcast %and3A_72 : i32 to vector<16xi32>
    %and3A_74 = arith.andi %shift_right_arithmetic3A_71, %and3A_73 : vector<16xi32>
    %swap3A_75 = arith.constant 16 : index
    %swap3A_76 = tpu.vector_load %arg7[%swap3A_75] {strides = array<i32>} : memref<80xi32, #tpu.memory_space<vmem>>, vector<16xi32>,
    %swap3A_77 = vector.shape_cast %swap3A_76 : vector<16xi32> to vector<16xi32>
    %swap3A_78 = vector.shape_cast %and3A_74 : vector<16xi32> to vector<16xi32>
    tpu.vector_store %arg7[%swap3A_75], %swap3A_78 {strides = array<i32>} : memref<80xi32, #tpu.memory_space<vmem>>, vector<16xi32>,
    %get3A_79 = arith.constant 0 : i32
    %get3A_80 = arith.index_cast %get3A_79 : i32 to index
    %get3A_81 = arith.constant 32 : index
    %get3A_82 = tpu.vector_load %arg5[%get3A_80, %get3A_81] {strides = array<i32>} : memref<125x80xi32, #tpu.memory_space<vmem>>, vector<1x16xi32>,
    %get3A_83 = vector.shape_cast %get3A_82 : vector<1x16xi32> to vector<16xi32>
    %and3A_84 = arith.constant 65535 : i32
    %and3A_85 = vector.broadcast %and3A_84 : i32 to vector<16xi32>
    %and3A_86 = arith.andi %get3A_83, %and3A_85 : vector<16xi32>
    %swap3A_87 = arith.constant 32 : index
    %swap3A_88 = tpu.vector_load %arg6[%swap3A_87] {strides = array<i32>} : memref<80xi32, #tpu.memory_space<vmem>>, vector<16xi32>,
    %swap3A_89 = vector.shape_cast %swap3A_88 : vector<16xi32> to vector<16xi32>
    %swap3A_90 = vector.shape_cast %and3A_86 : vector<16xi32> to vector<16xi32>
    tpu.vector_store %arg6[%swap3A_87], %swap3A_90 {strides = array<i32>} : memref<80xi32, #tpu.memory_space<vmem>>, vector<16xi32>,
    %shift_right_arithmetic3A_91 = arith.constant 16 : i32
    %shift_right_arithmetic3A_92 = vector.broadcast %shift_right_arithmetic3A_91 : i32 to vector<16xi32>
    %shift_right_arithmetic3A_93 = arith.shrsi %get3A_83, %shift_right_arithmetic3A_92 : vector<16xi32>
    %and3A_94 = arith.constant 16383 : i32
    %and3A_95 = vector.broadcast %and3A_94 : i32 to vector<16xi32>
    %and3A_96 = arith.andi %shift_right_arithmetic3A_93, %and3A_95 : vector<16xi32>
    %swap3A_97 = arith.constant 32 : index
    %swap3A_98 = tpu.vector_load %arg7[%swap3A_97] {strides = array<i32>} : memref<80xi32, #tpu.memory_space<vmem>>, vector<16xi32>,
    %swap3A_99 = vector.shape_cast %swap3A_98 : vector<16xi32> to vector<16xi32>
    %swap3A_100 = vector.shape_cast %and3A_96 : vector<16xi32> to vector<16xi32>
    tpu.vector_store %arg7[%swap3A_97], %swap3A_100 {strides = array<i32>} : memref<80xi32, #tpu.memory_space<vmem>>, vector<16xi32>,
    %get3A_101 = arith.constant 0 : i32
    %get3A_102 = arith.index_cast %get3A_101 : i32 to index
    %get3A_103 = arith.constant 48 : index
    %get3A_104 = tpu.vector_load %arg5[%get3A_102, %get3A_103] {strides = array<i32>} : memref<125x80xi32, #tpu.memory_space<vmem>>, vector<1x16xi32>,
    %get3A_105 = vector.shape_cast %get3A_104 : vector<1x16xi32> to vector<16xi32>
    %and3A_106 = arith.constant 65535 : i32
    %and3A_107 = vector.broadcast %and3A_106 : i32 to vector<16xi32>
    %and3A_108 = arith.andi %get3A_105, %and3A_107 : vector<16xi32>
    %swap3A_109 = arith.constant 48 : index
    %swap3A_110 = tpu.vector_load %arg6[%swap3A_109] {strides = array<i32>} : memref<80xi32, #tpu.memory_space<vmem>>, vector<16xi32>,
    %swap3A_111 = vector.shape_cast %swap3A_110 : vector<16xi32> to vector<16xi32>
    %swap3A_112 = vector.shape_cast %and3A_108 : vector<16xi32> to vector<16xi32>
    tpu.vector_store %arg6[%swap3A_109], %swap3A_112 {strides = array<i32>} : memref<80xi32, #tpu.memory_space<vmem>>, vector<16xi32>,
    %shift_right_arithmetic3A_113 = arith.constant 16 : i32
    %shift_right_arithmetic3A_114 = vector.broadcast %shift_right_arithmetic3A_113 : i32 to vector<16xi32>
    %shift_right_arithmetic3A_115 = arith.shrsi %get3A_105, %shift_right_arithmetic3A_114 : vector<16xi32>
    %and3A_116 = arith.constant 16383 : i32
    %and3A_117 = vector.broadcast %and3A_116 : i32 to vector<16xi32>
    %and3A_118 = arith.andi %shift_right_arithmetic3A_115, %and3A_117 : vector<16xi32>
    %swap3A_119 = arith.constant 48 : index
    %swap3A_120 = tpu.vector_load %arg7[%swap3A_119] {strides = array<i32>} : memref<80xi32, #tpu.memory_space<vmem>>, vector<16xi32>,
    %swap3A_121 = vector.shape_cast %swap3A_120 : vector<16xi32> to vector<16xi32>
    %swap3A_122 = vector.shape_cast %and3A_118 : vector<16xi32> to vector<16xi32>
    tpu.vector_store %arg7[%swap3A_119], %swap3A_122 {strides = array<i32>} : memref<80xi32, #tpu.memory_space<vmem>>, vector<16xi32>,
    %get3A_123 = arith.constant 0 : i32
    %get3A_124 = arith.index_cast %get3A_123 : i32 to index
    %get3A_125 = arith.constant 64 : index
    %get3A_126 = tpu.vector_load %arg5[%get3A_124, %get3A_125] {strides = array<i32>} : memref<125x80xi32, #tpu.memory_space<vmem>>, vector<1x16xi32>,
    %get3A_127 = vector.shape_cast %get3A_126 : vector<1x16xi32> to vector<16xi32>
    %and3A_128 = arith.constant 65535 : i32
    %and3A_129 = vector.broadcast %and3A_128 : i32 to vector<16xi32>
    %and3A_130 = arith.andi %get3A_127, %and3A_129 : vector<16xi32>
    %swap3A_131 = arith.constant 64 : index
    %swap3A_132 = tpu.vector_load %arg6[%swap3A_131] {strides = array<i32>} : memref<80xi32, #tpu.memory_space<vmem>>, vector<16xi32>,
    %swap3A_133 = vector.shape_cast %swap3A_132 : vector<16xi32> to vector<16xi32>
    %swap3A_134 = vector.shape_cast %and3A_130 : vector<16xi32> to vector<16xi32>
    tpu.vector_store %arg6[%swap3A_131], %swap3A_134 {strides = array<i32>} : memref<80xi32, #tpu.memory_space<vmem>>, vector<16xi32>,
    %shift_right_arithmetic3A_135 = arith.constant 16 : i32
    %shift_right_arithmetic3A_136 = vector.broadcast %shift_right_arithmetic3A_135 : i32 to vector<16xi32>
    %shift_right_arithmetic3A_137 = arith.shrsi %get3A_127, %shift_right_arithmetic3A_136 : vector<16xi32>
    %and3A_138 = arith.constant 16383 : i32
    %and3A_139 = vector.broadcast %and3A_138 : i32 to vector<16xi32>
    %and3A_140 = arith.andi %shift_right_arithmetic3A_137, %and3A_139 : vector<16xi32>
    %swap3A_141 = arith.constant 64 : index
    %swap3A_142 = tpu.vector_load %arg7[%swap3A_141] {strides = array<i32>} : memref<80xi32, #tpu.memory_space<vmem>>, vector<16xi32>,
    %swap3A_143 = vector.shape_cast %swap3A_142 : vector<16xi32> to vector<16xi32>
    %swap3A_144 = vector.shape_cast %and3A_140 : vector<16xi32> to vector<16xi32>
    tpu.vector_store %arg7[%swap3A_141], %swap3A_144 {strides = array<i32>} : memref<80xi32, #tpu.memory_space<vmem>>, vector<16xi32>,
    %dma_start3A = arith.constant 0 : i32
    %dma_start3A_145 = arith.constant 0 : i32
    %dma_start3A_146 = tpu.memref_slice %arg2[%dma_start3A, %dma_start3A_145] : memref<40000x128xf32, #tpu.memory_space<hbm>> -> memref<40000x128xf32, #tpu.memory_space<hbm>>
    tpu.enqueue_indirect_dma source(%dma_start3A_146 : memref<40000x128xf32, #tpu.memory_space<hbm>>) target(%arg10 : memref<80x128xf32, #tpu.memory_space<vmem>>) offsets(%arg6 : memref<80xi32, #tpu.memory_space<vmem>>) semaphore(%arg13 : memref<!tpu.dma_semaphore, #tpu.memory_space<semaphore_mem>>)
    %scan3A_147 = arith.constant 0 : i32
    %scan3A_148 = arith.constant 0 : i32
    %scan3A_149 = arith.constant 62 : i32
    %scan3A_150 = arith.addi %scan3A_148, %scan3A_149 : i32
    %scan3A_151 = arith.constant 1 : i32
    %scan3A_152 = scf.for %scan3A_164 = %scan3A_148 to %scan3A_150 step %scan3A_151 iter_args(%scan3A_165 = %scan3A_147) -> (i32)  : i32 {
      %mul3A_166 = arith.constant 2 : i32
      %mul3A_167 = arith.muli %scan3A_164, %mul3A_166 : i32
      %add3A_168 = arith.constant 1 : i32
      %add3A_169 = arith.addi %mul3A_167, %add3A_168 : i32
      %get3A_170 = arith.index_cast %add3A_169 : i32 to index
      %get3A_171 = arith.constant 0 : index
      %get3A_172 = tpu.vector_load %arg5[%get3A_170, %get3A_171] {strides = array<i32>} : memref<125x80xi32, #tpu.memory_space<vmem>>, vector<1x16xi32>,
      %get3A_173 = vector.shape_cast %get3A_172 : vector<1x16xi32> to vector<16xi32>
      %and3A_174 = arith.constant 65535 : i32
      %and3A_175 = vector.broadcast %and3A_174 : i32 to vector<16xi32>
      %and3A_176 = arith.andi %get3A_173, %and3A_175 : vector<16xi32>
      %swap3A_177 = arith.constant 0 : index
      %swap3A_178 = tpu.vector_load %arg8[%swap3A_177] {strides = array<i32>} : memref<80xi32, #tpu.memory_space<vmem>>, vector<16xi32>,
      %swap3A_179 = vector.shape_cast %swap3A_178 : vector<16xi32> to vector<16xi32>
      %swap3A_180 = vector.shape_cast %and3A_176 : vector<16xi32> to vector<16xi32>
      tpu.vector_store %arg8[%swap3A_177], %swap3A_180 {strides = array<i32>} : memref<80xi32, #tpu.memory_space<vmem>>, vector<16xi32>,
      %shift_right_arithmetic3A_181 = arith.constant 16 : i32
      %shift_right_arithmetic3A_182 = vector.broadcast %shift_right_arithmetic3A_181 : i32 to vector<16xi32>
      %shift_right_arithmetic3A_183 = arith.shrsi %get3A_173, %shift_right_arithmetic3A_182 : vector<16xi32>
      %and3A_184 = arith.constant 16383 : i32
      %and3A_185 = vector.broadcast %and3A_184 : i32 to vector<16xi32>
      %and3A_186 = arith.andi %shift_right_arithmetic3A_183, %and3A_185 : vector<16xi32>
      %swap3A_187 = arith.constant 0 : index
      %swap3A_188 = tpu.vector_load %arg9[%swap3A_187] {strides = array<i32>} : memref<80xi32, #tpu.memory_space<vmem>>, vector<16xi32>,
      %swap3A_189 = vector.shape_cast %swap3A_188 : vector<16xi32> to vector<16xi32>
      %swap3A_190 = vector.shape_cast %and3A_186 : vector<16xi32> to vector<16xi32>
      tpu.vector_store %arg9[%swap3A_187], %swap3A_190 {strides = array<i32>} : memref<80xi32, #tpu.memory_space<vmem>>, vector<16xi32>,
      %get3A_191 = arith.index_cast %add3A_169 : i32 to index
      %get3A_192 = arith.constant 16 : index
      %get3A_193 = tpu.vector_load %arg5[%get3A_191, %get3A_192] {strides = array<i32>} : memref<125x80xi32, #tpu.memory_space<vmem>>, vector<1x16xi32>,
      %get3A_194 = vector.shape_cast %get3A_193 : vector<1x16xi32> to vector<16xi32>
      %and3A_195 = arith.constant 65535 : i32
      %and3A_196 = vector.broadcast %and3A_195 : i32 to vector<16xi32>
      %and3A_197 = arith.andi %get3A_194, %and3A_196 : vector<16xi32>
      %swap3A_198 = arith.constant 16 : index
      %swap3A_199 = tpu.vector_load %arg8[%swap3A_198] {strides = array<i32>} : memref<80xi32, #tpu.memory_space<vmem>>, vector<16xi32>,
      %swap3A_200 = vector.shape_cast %swap3A_199 : vector<16xi32> to vector<16xi32>
      %swap3A_201 = vector.shape_cast %and3A_197 : vector<16xi32> to vector<16xi32>
      tpu.vector_store %arg8[%swap3A_198], %swap3A_201 {strides = array<i32>} : memref<80xi32, #tpu.memory_space<vmem>>, vector<16xi32>,
      %shift_right_arithmetic3A_202 = arith.constant 16 : i32
      %shift_right_arithmetic3A_203 = vector.broadcast %shift_right_arithmetic3A_202 : i32 to vector<16xi32>
      %shift_right_arithmetic3A_204 = arith.shrsi %get3A_194, %shift_right_arithmetic3A_203 : vector<16xi32>
      %and3A_205 = arith.constant 16383 : i32
      %and3A_206 = vector.broadcast %and3A_205 : i32 to vector<16xi32>
      %and3A_207 = arith.andi %shift_right_arithmetic3A_204, %and3A_206 : vector<16xi32>
      %swap3A_208 = arith.constant 16 : index
      %swap3A_209 = tpu.vector_load %arg9[%swap3A_208] {strides = array<i32>} : memref<80xi32, #tpu.memory_space<vmem>>, vector<16xi32>,
      %swap3A_210 = vector.shape_cast %swap3A_209 : vector<16xi32> to vector<16xi32>
      %swap3A_211 = vector.shape_cast %and3A_207 : vector<16xi32> to vector<16xi32>
      tpu.vector_store %arg9[%swap3A_208], %swap3A_211 {strides = array<i32>} : memref<80xi32, #tpu.memory_space<vmem>>, vector<16xi32>,
      %get3A_212 = arith.index_cast %add3A_169 : i32 to index
      %get3A_213 = arith.constant 32 : index
      %get3A_214 = tpu.vector_load %arg5[%get3A_212, %get3A_213] {strides = array<i32>} : memref<125x80xi32, #tpu.memory_space<vmem>>, vector<1x16xi32>,
      %get3A_215 = vector.shape_cast %get3A_214 : vector<1x16xi32> to vector<16xi32>
      %and3A_216 = arith.constant 65535 : i32
      %and3A_217 = vector.broadcast %and3A_216 : i32 to vector<16xi32>
      %and3A_218 = arith.andi %get3A_215, %and3A_217 : vector<16xi32>
      %swap3A_219 = arith.constant 32 : index
      %swap3A_220 = tpu.vector_load %arg8[%swap3A_219] {strides = array<i32>} : memref<80xi32, #tpu.memory_space<vmem>>, vector<16xi32>,
      %swap3A_221 = vector.shape_cast %swap3A_220 : vector<16xi32> to vector<16xi32>
      %swap3A_222 = vector.shape_cast %and3A_218 : vector<16xi32> to vector<16xi32>
      tpu.vector_store %arg8[%swap3A_219], %swap3A_222 {strides = array<i32>} : memref<80xi32, #tpu.memory_space<vmem>>, vector<16xi32>,
      %shift_right_arithmetic3A_223 = arith.constant 16 : i32
      %shift_right_arithmetic3A_224 = vector.broadcast %shift_right_arithmetic3A_223 : i32 to vector<16xi32>
      %shift_right_arithmetic3A_225 = arith.shrsi %get3A_215, %shift_right_arithmetic3A_224 : vector<16xi32>
      %and3A_226 = arith.constant 16383 : i32
      %and3A_227 = vector.broadcast %and3A_226 : i32 to vector<16xi32>
      %and3A_228 = arith.andi %shift_right_arithmetic3A_225, %and3A_227 : vector<16xi32>
      %swap3A_229 = arith.constant 32 : index
      %swap3A_230 = tpu.vector_load %arg9[%swap3A_229] {strides = array<i32>} : memref<80xi32, #tpu.memory_space<vmem>>, vector<16xi32>,
      %swap3A_231 = vector.shape_cast %swap3A_230 : vector<16xi32> to vector<16xi32>
      %swap3A_232 = vector.shape_cast %and3A_228 : vector<16xi32> to vector<16xi32>
      tpu.vector_store %arg9[%swap3A_229], %swap3A_232 {strides = array<i32>} : memref<80xi32, #tpu.memory_space<vmem>>, vector<16xi32>,
      %get3A_233 = arith.index_cast %add3A_169 : i32 to index
      %get3A_234 = arith.constant 48 : index
      %get3A_235 = tpu.vector_load %arg5[%get3A_233, %get3A_234] {strides = array<i32>} : memref<125x80xi32, #tpu.memory_space<vmem>>, vector<1x16xi32>,
      %get3A_236 = vector.shape_cast %get3A_235 : vector<1x16xi32> to vector<16xi32>
      %and3A_237 = arith.constant 65535 : i32
      %and3A_238 = vector.broadcast %and3A_237 : i32 to vector<16xi32>
      %and3A_239 = arith.andi %get3A_236, %and3A_238 : vector<16xi32>
      %swap3A_240 = arith.constant 48 : index
      %swap3A_241 = tpu.vector_load %arg8[%swap3A_240] {strides = array<i32>} : memref<80xi32, #tpu.memory_space<vmem>>, vector<16xi32>,
      %swap3A_242 = vector.shape_cast %swap3A_241 : vector<16xi32> to vector<16xi32>
      %swap3A_243 = vector.shape_cast %and3A_239 : vector<16xi32> to vector<16xi32>
      tpu.vector_store %arg8[%swap3A_240], %swap3A_243 {strides = array<i32>} : memref<80xi32, #tpu.memory_space<vmem>>, vector<16xi32>,
      %shift_right_arithmetic3A_244 = arith.constant 16 : i32
      %shift_right_arithmetic3A_245 = vector.broadcast %shift_right_arithmetic3A_244 : i32 to vector<16xi32>
      %shift_right_arithmetic3A_246 = arith.shrsi %get3A_236, %shift_right_arithmetic3A_245 : vector<16xi32>
      %and3A_247 = arith.constant 16383 : i32
      %and3A_248 = vector.broadcast %and3A_247 : i32 to vector<16xi32>
      %and3A_249 = arith.andi %shift_right_arithmetic3A_246, %and3A_248 : vector<16xi32>
      %swap3A_250 = arith.constant 48 : index
      %swap3A_251 = tpu.vector_load %arg9[%swap3A_250] {strides = array<i32>} : memref<80xi32, #tpu.memory_space<vmem>>, vector<16xi32>,
      %swap3A_252 = vector.shape_cast %swap3A_251 : vector<16xi32> to vector<16xi32>
      %swap3A_253 = vector.shape_cast %and3A_249 : vector<16xi32> to vector<16xi32>
      tpu.vector_store %arg9[%swap3A_250], %swap3A_253 {strides = array<i32>} : memref<80xi32, #tpu.memory_space<vmem>>, vector<16xi32>,
      %get3A_254 = arith.index_cast %add3A_169 : i32 to index
      %get3A_255 = arith.constant 64 : index
      %get3A_256 = tpu.vector_load %arg5[%get3A_254, %get3A_255] {strides = array<i32>} : memref<125x80xi32, #tpu.memory_space<vmem>>, vector<1x16xi32>,
      %get3A_257 = vector.shape_cast %get3A_256 : vector<1x16xi32> to vector<16xi32>
      %and3A_258 = arith.constant 65535 : i32
      %and3A_259 = vector.broadcast %and3A_258 : i32 to vector<16xi32>
      %and3A_260 = arith.andi %get3A_257, %and3A_259 : vector<16xi32>
      %swap3A_261 = arith.constant 64 : index
      %swap3A_262 = tpu.vector_load %arg8[%swap3A_261] {strides = array<i32>} : memref<80xi32, #tpu.memory_space<vmem>>, vector<16xi32>,
      %swap3A_263 = vector.shape_cast %swap3A_262 : vector<16xi32> to vector<16xi32>
      %swap3A_264 = vector.shape_cast %and3A_260 : vector<16xi32> to vector<16xi32>
      tpu.vector_store %arg8[%swap3A_261], %swap3A_264 {strides = array<i32>} : memref<80xi32, #tpu.memory_space<vmem>>, vector<16xi32>,
      %shift_right_arithmetic3A_265 = arith.constant 16 : i32
      %shift_right_arithmetic3A_266 = vector.broadcast %shift_right_arithmetic3A_265 : i32 to vector<16xi32>
      %shift_right_arithmetic3A_267 = arith.shrsi %get3A_257, %shift_right_arithmetic3A_266 : vector<16xi32>
      %and3A_268 = arith.constant 16383 : i32
      %and3A_269 = vector.broadcast %and3A_268 : i32 to vector<16xi32>
      %and3A_270 = arith.andi %shift_right_arithmetic3A_267, %and3A_269 : vector<16xi32>
      %swap3A_271 = arith.constant 64 : index
      %swap3A_272 = tpu.vector_load %arg9[%swap3A_271] {strides = array<i32>} : memref<80xi32, #tpu.memory_space<vmem>>, vector<16xi32>,
      %swap3A_273 = vector.shape_cast %swap3A_272 : vector<16xi32> to vector<16xi32>
      %swap3A_274 = vector.shape_cast %and3A_270 : vector<16xi32> to vector<16xi32>
      tpu.vector_store %arg9[%swap3A_271], %swap3A_274 {strides = array<i32>} : memref<80xi32, #tpu.memory_space<vmem>>, vector<16xi32>,
      %dma_start3A_275 = arith.constant 0 : i32
      %dma_start3A_276 = arith.constant 0 : i32
      %dma_start3A_277 = tpu.memref_slice %arg2[%dma_start3A_275, %dma_start3A_276] : memref<40000x128xf32, #tpu.memory_space<hbm>> -> memref<40000x128xf32, #tpu.memory_space<hbm>>
      tpu.enqueue_indirect_dma source(%dma_start3A_277 : memref<40000x128xf32, #tpu.memory_space<hbm>>) target(%arg11 : memref<80x128xf32, #tpu.memory_space<vmem>>) offsets(%arg8 : memref<80xi32, #tpu.memory_space<vmem>>) semaphore(%arg14 : memref<!tpu.dma_semaphore, #tpu.memory_space<semaphore_mem>>)
      %dma_wait3A_278 = arith.constant 0 : i32
      %dma_wait3A_279 = arith.constant 0 : i32
      %dma_wait3A_280 = tpu.memref_slice %arg2[%dma_wait3A_278, %dma_wait3A_279] : memref<40000x128xf32, #tpu.memory_space<hbm>> -> memref<40000x128xf32, #tpu.memory_space<hbm>>
      tpu.wait_indirect_dma semaphore(%arg13 : memref<!tpu.dma_semaphore, #tpu.memory_space<semaphore_mem>>) src(%dma_wait3A_280 : memref<40000x128xf32, #tpu.memory_space<hbm>>) dst(%arg10 : memref<80x128xf32, #tpu.memory_space<vmem>>)
      "tpu.region"() ({
        %run_scoped3A = tpu.sem_alloc : memref<!tpu.dma_semaphore, #tpu.memory_space<semaphore_mem>>
        %dma_start3A_289 = arith.constant 0 : i32
        %dma_start3A_290 = arith.constant 0 : i32
        %dma_start3A_291 = tpu.memref_slice %arg12[%dma_start3A_289, %dma_start3A_290] : memref<10240x128xf32, #tpu.memory_space<vmem_shared>> -> memref<10240x128xf32, #tpu.memory_space<vmem_shared>>
        tpu.enqueue_indirect_dma source(%arg10 : memref<80x128xf32, #tpu.memory_space<vmem>>) target(%dma_start3A_291 : memref<10240x128xf32, #tpu.memory_space<vmem_shared>>) offsets(%arg7 : memref<80xi32, #tpu.memory_space<vmem>>) semaphore(%run_scoped3A : memref<!tpu.dma_semaphore, #tpu.memory_space<semaphore_mem>>) {add = true}
        %dma_wait3A_292 = arith.constant 0 : i32
        %dma_wait3A_293 = arith.constant 0 : i32
        %dma_wait3A_294 = tpu.memref_slice %arg12[%dma_wait3A_292, %dma_wait3A_293] : memref<10240x128xf32, #tpu.memory_space<vmem_shared>> -> memref<10240x128xf32, #tpu.memory_space<vmem_shared>>
        tpu.wait_indirect_dma semaphore(%run_scoped3A : memref<!tpu.dma_semaphore, #tpu.memory_space<semaphore_mem>>) src(%arg10 : memref<80x128xf32, #tpu.memory_space<vmem>>) dst(%dma_wait3A_294 : memref<10240x128xf32, #tpu.memory_space<vmem_shared>>)
        tpu.yield
      }) : () -> ()
      %add3A_281 = arith.constant 2 : i32
      %add3A_282 = arith.addi %mul3A_167, %add3A_281 : i32
      %lt3A = arith.constant 125 : i32
      %lt3A_283 = arith.cmpi slt, %add3A_282, %lt3A : i32
      %convert_element_type3A = arith.extui %lt3A_283 : i1 to i32
      %cond3A = arith.constant 0 : i32
      %cond3A_284 = arith.cmpi ne, %convert_element_type3A, %cond3A : i32
      scf.if %cond3A_284 {
        %add3A_289 = arith.constant 2 : i32
        %add3A_290 = arith.addi %mul3A_167, %add3A_289 : i32
        %get3A_291 = arith.index_cast %add3A_290 : i32 to index
        %get3A_292 = arith.constant 0 : index
        %get3A_293 = tpu.vector_load %arg5[%get3A_291, %get3A_292] {strides = array<i32>} : memref<125x80xi32, #tpu.memory_space<vmem>>, vector<1x16xi32>,
        %get3A_294 = vector.shape_cast %get3A_293 : vector<1x16xi32> to vector<16xi32>
        %and3A_295 = arith.constant 65535 : i32
        %and3A_296 = vector.broadcast %and3A_295 : i32 to vector<16xi32>
        %and3A_297 = arith.andi %get3A_294, %and3A_296 : vector<16xi32>
        %swap3A_298 = arith.constant 0 : index
        %swap3A_299 = tpu.vector_load %arg6[%swap3A_298] {strides = array<i32>} : memref<80xi32, #tpu.memory_space<vmem>>, vector<16xi32>,
        %swap3A_300 = vector.shape_cast %swap3A_299 : vector<16xi32> to vector<16xi32>
        %swap3A_301 = vector.shape_cast %and3A_297 : vector<16xi32> to vector<16xi32>
        tpu.vector_store %arg6[%swap3A_298], %swap3A_301 {strides = array<i32>} : memref<80xi32, #tpu.memory_space<vmem>>, vector<16xi32>,
        %shift_right_arithmetic3A_302 = arith.constant 16 : i32
        %shift_right_arithmetic3A_303 = vector.broadcast %shift_right_arithmetic3A_302 : i32 to vector<16xi32>
        %shift_right_arithmetic3A_304 = arith.shrsi %get3A_294, %shift_right_arithmetic3A_303 : vector<16xi32>
        %and3A_305 = arith.constant 16383 : i32
        %and3A_306 = vector.broadcast %and3A_305 : i32 to vector<16xi32>
        %and3A_307 = arith.andi %shift_right_arithmetic3A_304, %and3A_306 : vector<16xi32>
        %swap3A_308 = arith.constant 0 : index
        %swap3A_309 = tpu.vector_load %arg7[%swap3A_308] {strides = array<i32>} : memref<80xi32, #tpu.memory_space<vmem>>, vector<16xi32>,
        %swap3A_310 = vector.shape_cast %swap3A_309 : vector<16xi32> to vector<16xi32>
        %swap3A_311 = vector.shape_cast %and3A_307 : vector<16xi32> to vector<16xi32>
        tpu.vector_store %arg7[%swap3A_308], %swap3A_311 {strides = array<i32>} : memref<80xi32, #tpu.memory_space<vmem>>, vector<16xi32>,
        %get3A_312 = arith.index_cast %add3A_290 : i32 to index
        %get3A_313 = arith.constant 16 : index
        %get3A_314 = tpu.vector_load %arg5[%get3A_312, %get3A_313] {strides = array<i32>} : memref<125x80xi32, #tpu.memory_space<vmem>>, vector<1x16xi32>,
        %get3A_315 = vector.shape_cast %get3A_314 : vector<1x16xi32> to vector<16xi32>
        %and3A_316 = arith.constant 65535 : i32
        %and3A_317 = vector.broadcast %and3A_316 : i32 to vector<16xi32>
        %and3A_318 = arith.andi %get3A_315, %and3A_317 : vector<16xi32>
        %swap3A_319 = arith.constant 16 : index
        %swap3A_320 = tpu.vector_load %arg6[%swap3A_319] {strides = array<i32>} : memref<80xi32, #tpu.memory_space<vmem>>, vector<16xi32>,
        %swap3A_321 = vector.shape_cast %swap3A_320 : vector<16xi32> to vector<16xi32>
        %swap3A_322 = vector.shape_cast %and3A_318 : vector<16xi32> to vector<16xi32>
        tpu.vector_store %arg6[%swap3A_319], %swap3A_322 {strides = array<i32>} : memref<80xi32, #tpu.memory_space<vmem>>, vector<16xi32>,
        %shift_right_arithmetic3A_323 = arith.constant 16 : i32
        %shift_right_arithmetic3A_324 = vector.broadcast %shift_right_arithmetic3A_323 : i32 to vector<16xi32>
        %shift_right_arithmetic3A_325 = arith.shrsi %get3A_315, %shift_right_arithmetic3A_324 : vector<16xi32>
        %and3A_326 = arith.constant 16383 : i32
        %and3A_327 = vector.broadcast %and3A_326 : i32 to vector<16xi32>
        %and3A_328 = arith.andi %shift_right_arithmetic3A_325, %and3A_327 : vector<16xi32>
        %swap3A_329 = arith.constant 16 : index
        %swap3A_330 = tpu.vector_load %arg7[%swap3A_329] {strides = array<i32>} : memref<80xi32, #tpu.memory_space<vmem>>, vector<16xi32>,
        %swap3A_331 = vector.shape_cast %swap3A_330 : vector<16xi32> to vector<16xi32>
        %swap3A_332 = vector.shape_cast %and3A_328 : vector<16xi32> to vector<16xi32>
        tpu.vector_store %arg7[%swap3A_329], %swap3A_332 {strides = array<i32>} : memref<80xi32, #tpu.memory_space<vmem>>, vector<16xi32>,
        %get3A_333 = arith.index_cast %add3A_290 : i32 to index
        %get3A_334 = arith.constant 32 : index
        %get3A_335 = tpu.vector_load %arg5[%get3A_333, %get3A_334] {strides = array<i32>} : memref<125x80xi32, #tpu.memory_space<vmem>>, vector<1x16xi32>,
        %get3A_336 = vector.shape_cast %get3A_335 : vector<1x16xi32> to vector<16xi32>
        %and3A_337 = arith.constant 65535 : i32
        %and3A_338 = vector.broadcast %and3A_337 : i32 to vector<16xi32>
        %and3A_339 = arith.andi %get3A_336, %and3A_338 : vector<16xi32>
        %swap3A_340 = arith.constant 32 : index
        %swap3A_341 = tpu.vector_load %arg6[%swap3A_340] {strides = array<i32>} : memref<80xi32, #tpu.memory_space<vmem>>, vector<16xi32>,
        %swap3A_342 = vector.shape_cast %swap3A_341 : vector<16xi32> to vector<16xi32>
        %swap3A_343 = vector.shape_cast %and3A_339 : vector<16xi32> to vector<16xi32>
        tpu.vector_store %arg6[%swap3A_340], %swap3A_343 {strides = array<i32>} : memref<80xi32, #tpu.memory_space<vmem>>, vector<16xi32>,
        %shift_right_arithmetic3A_344 = arith.constant 16 : i32
        %shift_right_arithmetic3A_345 = vector.broadcast %shift_right_arithmetic3A_344 : i32 to vector<16xi32>
        %shift_right_arithmetic3A_346 = arith.shrsi %get3A_336, %shift_right_arithmetic3A_345 : vector<16xi32>
        %and3A_347 = arith.constant 16383 : i32
        %and3A_348 = vector.broadcast %and3A_347 : i32 to vector<16xi32>
        %and3A_349 = arith.andi %shift_right_arithmetic3A_346, %and3A_348 : vector<16xi32>
        %swap3A_350 = arith.constant 32 : index
        %swap3A_351 = tpu.vector_load %arg7[%swap3A_350] {strides = array<i32>} : memref<80xi32, #tpu.memory_space<vmem>>, vector<16xi32>,
        %swap3A_352 = vector.shape_cast %swap3A_351 : vector<16xi32> to vector<16xi32>
        %swap3A_353 = vector.shape_cast %and3A_349 : vector<16xi32> to vector<16xi32>
        tpu.vector_store %arg7[%swap3A_350], %swap3A_353 {strides = array<i32>} : memref<80xi32, #tpu.memory_space<vmem>>, vector<16xi32>,
        %get3A_354 = arith.index_cast %add3A_290 : i32 to index
        %get3A_355 = arith.constant 48 : index
        %get3A_356 = tpu.vector_load %arg5[%get3A_354, %get3A_355] {strides = array<i32>} : memref<125x80xi32, #tpu.memory_space<vmem>>, vector<1x16xi32>,
        %get3A_357 = vector.shape_cast %get3A_356 : vector<1x16xi32> to vector<16xi32>
        %and3A_358 = arith.constant 65535 : i32
        %and3A_359 = vector.broadcast %and3A_358 : i32 to vector<16xi32>
        %and3A_360 = arith.andi %get3A_357, %and3A_359 : vector<16xi32>
        %swap3A_361 = arith.constant 48 : index
        %swap3A_362 = tpu.vector_load %arg6[%swap3A_361] {strides = array<i32>} : memref<80xi32, #tpu.memory_space<vmem>>, vector<16xi32>,
        %swap3A_363 = vector.shape_cast %swap3A_362 : vector<16xi32> to vector<16xi32>
        %swap3A_364 = vector.shape_cast %and3A_360 : vector<16xi32> to vector<16xi32>
        tpu.vector_store %arg6[%swap3A_361], %swap3A_364 {strides = array<i32>} : memref<80xi32, #tpu.memory_space<vmem>>, vector<16xi32>,
        %shift_right_arithmetic3A_365 = arith.constant 16 : i32
        %shift_right_arithmetic3A_366 = vector.broadcast %shift_right_arithmetic3A_365 : i32 to vector<16xi32>
        %shift_right_arithmetic3A_367 = arith.shrsi %get3A_357, %shift_right_arithmetic3A_366 : vector<16xi32>
        %and3A_368 = arith.constant 16383 : i32
        %and3A_369 = vector.broadcast %and3A_368 : i32 to vector<16xi32>
        %and3A_370 = arith.andi %shift_right_arithmetic3A_367, %and3A_369 : vector<16xi32>
        %swap3A_371 = arith.constant 48 : index
        %swap3A_372 = tpu.vector_load %arg7[%swap3A_371] {strides = array<i32>} : memref<80xi32, #tpu.memory_space<vmem>>, vector<16xi32>,
        %swap3A_373 = vector.shape_cast %swap3A_372 : vector<16xi32> to vector<16xi32>
        %swap3A_374 = vector.shape_cast %and3A_370 : vector<16xi32> to vector<16xi32>
        tpu.vector_store %arg7[%swap3A_371], %swap3A_374 {strides = array<i32>} : memref<80xi32, #tpu.memory_space<vmem>>, vector<16xi32>,
        %get3A_375 = arith.index_cast %add3A_290 : i32 to index
        %get3A_376 = arith.constant 64 : index
        %get3A_377 = tpu.vector_load %arg5[%get3A_375, %get3A_376] {strides = array<i32>} : memref<125x80xi32, #tpu.memory_space<vmem>>, vector<1x16xi32>,
        %get3A_378 = vector.shape_cast %get3A_377 : vector<1x16xi32> to vector<16xi32>
        %and3A_379 = arith.constant 65535 : i32
        %and3A_380 = vector.broadcast %and3A_379 : i32 to vector<16xi32>
        %and3A_381 = arith.andi %get3A_378, %and3A_380 : vector<16xi32>
        %swap3A_382 = arith.constant 64 : index
        %swap3A_383 = tpu.vector_load %arg6[%swap3A_382] {strides = array<i32>} : memref<80xi32, #tpu.memory_space<vmem>>, vector<16xi32>,
        %swap3A_384 = vector.shape_cast %swap3A_383 : vector<16xi32> to vector<16xi32>
        %swap3A_385 = vector.shape_cast %and3A_381 : vector<16xi32> to vector<16xi32>
        tpu.vector_store %arg6[%swap3A_382], %swap3A_385 {strides = array<i32>} : memref<80xi32, #tpu.memory_space<vmem>>, vector<16xi32>,
        %shift_right_arithmetic3A_386 = arith.constant 16 : i32
        %shift_right_arithmetic3A_387 = vector.broadcast %shift_right_arithmetic3A_386 : i32 to vector<16xi32>
        %shift_right_arithmetic3A_388 = arith.shrsi %get3A_378, %shift_right_arithmetic3A_387 : vector<16xi32>
        %and3A_389 = arith.constant 16383 : i32
        %and3A_390 = vector.broadcast %and3A_389 : i32 to vector<16xi32>
        %and3A_391 = arith.andi %shift_right_arithmetic3A_388, %and3A_390 : vector<16xi32>
        %swap3A_392 = arith.constant 64 : index
        %swap3A_393 = tpu.vector_load %arg7[%swap3A_392] {strides = array<i32>} : memref<80xi32, #tpu.memory_space<vmem>>, vector<16xi32>,
        %swap3A_394 = vector.shape_cast %swap3A_393 : vector<16xi32> to vector<16xi32>
        %swap3A_395 = vector.shape_cast %and3A_391 : vector<16xi32> to vector<16xi32>
        tpu.vector_store %arg7[%swap3A_392], %swap3A_395 {strides = array<i32>} : memref<80xi32, #tpu.memory_space<vmem>>, vector<16xi32>,
        %dma_start3A_396 = arith.constant 0 : i32
        %dma_start3A_397 = arith.constant 0 : i32
        %dma_start3A_398 = tpu.memref_slice %arg2[%dma_start3A_396, %dma_start3A_397] : memref<40000x128xf32, #tpu.memory_space<hbm>> -> memref<40000x128xf32, #tpu.memory_space<hbm>>
        tpu.enqueue_indirect_dma source(%dma_start3A_398 : memref<40000x128xf32, #tpu.memory_space<hbm>>) target(%arg10 : memref<80x128xf32, #tpu.memory_space<vmem>>) offsets(%arg6 : memref<80xi32, #tpu.memory_space<vmem>>) semaphore(%arg13 : memref<!tpu.dma_semaphore, #tpu.memory_space<semaphore_mem>>)
      } else {
      }
      %dma_wait3A_285 = arith.constant 0 : i32
      %dma_wait3A_286 = arith.constant 0 : i32
      %dma_wait3A_287 = tpu.memref_slice %arg2[%dma_wait3A_285, %dma_wait3A_286] : memref<40000x128xf32, #tpu.memory_space<hbm>> -> memref<40000x128xf32, #tpu.memory_space<hbm>>
      tpu.wait_indirect_dma semaphore(%arg14 : memref<!tpu.dma_semaphore, #tpu.memory_space<semaphore_mem>>) src(%dma_wait3A_287 : memref<40000x128xf32, #tpu.memory_space<hbm>>) dst(%arg11 : memref<80x128xf32, #tpu.memory_space<vmem>>)
      "tpu.region"() ({
        %run_scoped3A = tpu.sem_alloc : memref<!tpu.dma_semaphore, #tpu.memory_space<semaphore_mem>>
        %dma_start3A_289 = arith.constant 0 : i32
        %dma_start3A_290 = arith.constant 0 : i32
        %dma_start3A_291 = tpu.memref_slice %arg12[%dma_start3A_289, %dma_start3A_290] : memref<10240x128xf32, #tpu.memory_space<vmem_shared>> -> memref<10240x128xf32, #tpu.memory_space<vmem_shared>>
        tpu.enqueue_indirect_dma source(%arg11 : memref<80x128xf32, #tpu.memory_space<vmem>>) target(%dma_start3A_291 : memref<10240x128xf32, #tpu.memory_space<vmem_shared>>) offsets(%arg9 : memref<80xi32, #tpu.memory_space<vmem>>) semaphore(%run_scoped3A : memref<!tpu.dma_semaphore, #tpu.memory_space<semaphore_mem>>) {add = true}
        %dma_wait3A_292 = arith.constant 0 : i32
        %dma_wait3A_293 = arith.constant 0 : i32
        %dma_wait3A_294 = tpu.memref_slice %arg12[%dma_wait3A_292, %dma_wait3A_293] : memref<10240x128xf32, #tpu.memory_space<vmem_shared>> -> memref<10240x128xf32, #tpu.memory_space<vmem_shared>>
        tpu.wait_indirect_dma semaphore(%run_scoped3A : memref<!tpu.dma_semaphore, #tpu.memory_space<semaphore_mem>>) src(%arg11 : memref<80x128xf32, #tpu.memory_space<vmem>>) dst(%dma_wait3A_294 : memref<10240x128xf32, #tpu.memory_space<vmem_shared>>)
        tpu.yield
      }) : () -> ()
      %scan3A_288 = arith.constant 0 : i32
      scf.yield %scan3A_288 : i32
    }
    %scan3A_153 = arith.constant 62 : i32
    %dma_wait3A = arith.constant 0 : i32
    %dma_wait3A_154 = arith.constant 0 : i32
    %dma_wait3A_155 = tpu.memref_slice %arg2[%dma_wait3A, %dma_wait3A_154] : memref<40000x128xf32, #tpu.memory_space<hbm>> -> memref<40000x128xf32, #tpu.memory_space<hbm>>
    tpu.wait_indirect_dma semaphore(%arg13 : memref<!tpu.dma_semaphore, #tpu.memory_space<semaphore_mem>>) src(%dma_wait3A_155 : memref<40000x128xf32, #tpu.memory_space<hbm>>) dst(%arg10 : memref<80x128xf32, #tpu.memory_space<vmem>>)
    "tpu.region"() ({
      %run_scoped3A = tpu.sem_alloc : memref<!tpu.dma_semaphore, #tpu.memory_space<semaphore_mem>>
      %dma_start3A_164 = arith.constant 0 : i32
      %dma_start3A_165 = arith.constant 0 : i32
      %dma_start3A_166 = tpu.memref_slice %arg12[%dma_start3A_164, %dma_start3A_165] : memref<10240x128xf32, #tpu.memory_space<vmem_shared>> -> memref<10240x128xf32, #tpu.memory_space<vmem_shared>>
      tpu.enqueue_indirect_dma source(%arg10 : memref<80x128xf32, #tpu.memory_space<vmem>>) target(%dma_start3A_166 : memref<10240x128xf32, #tpu.memory_space<vmem_shared>>) offsets(%arg7 : memref<80xi32, #tpu.memory_space<vmem>>) semaphore(%run_scoped3A : memref<!tpu.dma_semaphore, #tpu.memory_space<semaphore_mem>>) {add = true}
      %dma_wait3A_167 = arith.constant 0 : i32
      %dma_wait3A_168 = arith.constant 0 : i32
      %dma_wait3A_169 = tpu.memref_slice %arg12[%dma_wait3A_167, %dma_wait3A_168] : memref<10240x128xf32, #tpu.memory_space<vmem_shared>> -> memref<10240x128xf32, #tpu.memory_space<vmem_shared>>
      tpu.wait_indirect_dma semaphore(%run_scoped3A : memref<!tpu.dma_semaphore, #tpu.memory_space<semaphore_mem>>) src(%arg10 : memref<80x128xf32, #tpu.memory_space<vmem>>) dst(%dma_wait3A_169 : memref<10240x128xf32, #tpu.memory_space<vmem_shared>>)
      tpu.yield
    }) : () -> ()
    %barrier3A_156 = arith.constant 0 : index
    tpu.barrier barrier_id(%barrier3A_156)
    %mul3A_157 = arith.constant 640 : i32
    %mul3A_158 = arith.muli %arg1, %mul3A_157 : i32
    %mul3A_159 = arith.constant 10240 : i32
    %mul3A_160 = arith.muli %arg0, %mul3A_159 : i32
    %mul3A_161 = arith.constant 640 : i32
    %mul3A_162 = arith.muli %arg1, %mul3A_161 : i32
    %add3A_163 = arith.addi %mul3A_160, %mul3A_162 : i32
    "tpu.region"() ({
      %run_scoped3A = tpu.sem_alloc : memref<!tpu.dma_semaphore, #tpu.memory_space<semaphore_mem>>
      %dma_start3A_164 = arith.constant 0 : i32
      %dma_start3A_165 = tpu.memref_slice %arg4[%add3A_163, %dma_start3A_164] : memref<20480x128xf32, #tpu.memory_space<hbm>> -> memref<640x128xf32, #tpu.memory_space<hbm>>
      %dma_start3A_166 = arith.constant 0 : i32
      %dma_start3A_167 = tpu.memref_slice %arg12[%mul3A_158, %dma_start3A_166] : memref<10240x128xf32, #tpu.memory_space<vmem_shared>> -> memref<640x128xf32, #tpu.memory_space<vmem_shared>>
      tpu.enqueue_dma source(%dma_start3A_167 : memref<640x128xf32, #tpu.memory_space<vmem_shared>>) target(%dma_start3A_165 : memref<640x128xf32, #tpu.memory_space<hbm>>) target_semaphore(%run_scoped3A : memref<!tpu.dma_semaphore, #tpu.memory_space<semaphore_mem>>)
      %dma_wait3A_168 = arith.constant 0 : i32
      %dma_wait3A_169 = tpu.memref_slice %arg4[%add3A_163, %dma_wait3A_168] : memref<20480x128xf32, #tpu.memory_space<hbm>> -> memref<640x128xf32, #tpu.memory_space<hbm>>
      %dma_wait3A_170 = arith.constant 0 : i32
      %dma_wait3A_171 = tpu.memref_slice %arg12[%mul3A_158, %dma_wait3A_170] : memref<10240x128xf32, #tpu.memory_space<vmem_shared>> -> memref<640x128xf32, #tpu.memory_space<vmem_shared>>
      tpu.wait_dma2 semaphore(%run_scoped3A : memref<!tpu.dma_semaphore, #tpu.memory_space<semaphore_mem>>) src(%dma_wait3A_171 : memref<640x128xf32, #tpu.memory_space<vmem_shared>>) dst(%dma_wait3A_169 : memref<640x128xf32, #tpu.memory_space<hbm>>)
      tpu.yield
    }) : () -> ()
    return
  }
}

#map = affine_map<(d0, d1) -> (0, 0)>
#map1 = affine_map<(d0, d1) -> (0, 0, 0)>
module attributes {stable_mosaic.version = 14 : i64} {
  func.func @_edge_body(%arg0: i32, %arg1: i32, %arg2: memref<40000x128xf32, #tpu.memory_space<hbm>>, %arg3: memref<32x125x80xi32, #tpu.memory_space<hbm>>, %arg4: memref<20480x128xf32, #tpu.memory_space<hbm>>, %arg5: memref<125x80xi32, #tpu.memory_space<vmem>>, %arg6: memref<80xi32, #tpu.memory_space<vmem>>, %arg7: memref<80xi32, #tpu.memory_space<vmem>>, %arg8: memref<80xi32, #tpu.memory_space<vmem>>, %arg9: memref<80xi32, #tpu.memory_space<vmem>>, %arg10: memref<80x128xf32, #tpu.memory_space<vmem>>, %arg11: memref<80x128xf32, #tpu.memory_space<vmem>>, %arg12: memref<10240x128xf32, #tpu.memory_space<vmem_shared>>, %arg13: memref<!tpu.dma_semaphore, #tpu.memory_space<semaphore_mem>>, %arg14: memref<!tpu.dma_semaphore, #tpu.memory_space<semaphore_mem>>) attributes {dimension_semantics = [#tpu.dimension_semantics<core_parallel>, #tpu.dimension_semantics<subcore_parallel>], iteration_bounds = array<i64: 2, 16>, scalar_prefetch = 0 : i64, scratch_operands = 10 : i64, tpu.core_type = #tpu.core_type<sc_vector_subcore>, window_params = [{transform_indices = #map}, {transform_indices = #map1}, {transform_indices = #map}]} {
    %mul3A = arith.constant 2 : i32
    %mul3A_0 = arith.muli %arg1, %mul3A : i32
    %add3A = arith.addi %mul3A_0, %arg0 : i32
    %scan3A = arith.constant 0 : i32
    %scan3A_1 = arith.constant 0 : i32
    %scan3A_2 = arith.constant 80 : i32
    %scan3A_3 = arith.addi %scan3A_1, %scan3A_2 : i32
    %scan3A_4 = arith.constant 1 : i32
    %scan3A_5 = scf.for %scan3A_164 = %scan3A_1 to %scan3A_3 step %scan3A_4 iter_args(%scan3A_165 = %scan3A) -> (i32)  : i32 {
      %broadcast_in_dim3A = arith.constant 0.000000e+00 : f32
      %broadcast_in_dim3A_166 = vector.broadcast %broadcast_in_dim3A : f32 to vector<16xf32>
      %swap3A_167 = arith.index_cast %scan3A_164 : i32 to index
      %swap3A_168 = arith.constant 0 : index
      %swap3A_169 = tpu.vector_load %arg10[%swap3A_167, %swap3A_168] {strides = array<i32>} : memref<80x128xf32, #tpu.memory_space<vmem>>, vector<1x16xf32>,
      %swap3A_170 = vector.shape_cast %swap3A_169 : vector<1x16xf32> to vector<16xf32>
      %swap3A_171 = vector.shape_cast %broadcast_in_dim3A_166 : vector<16xf32> to vector<1x16xf32>
      tpu.vector_store %arg10[%swap3A_167, %swap3A_168], %swap3A_171 {strides = array<i32>} : memref<80x128xf32, #tpu.memory_space<vmem>>, vector<1x16xf32>,
      %broadcast_in_dim3A_172 = arith.constant 0.000000e+00 : f32
      %broadcast_in_dim3A_173 = vector.broadcast %broadcast_in_dim3A_172 : f32 to vector<16xf32>
      %swap3A_174 = arith.index_cast %scan3A_164 : i32 to index
      %swap3A_175 = arith.constant 16 : index
      %swap3A_176 = tpu.vector_load %arg10[%swap3A_174, %swap3A_175] {strides = array<i32>} : memref<80x128xf32, #tpu.memory_space<vmem>>, vector<1x16xf32>,
      %swap3A_177 = vector.shape_cast %swap3A_176 : vector<1x16xf32> to vector<16xf32>
      %swap3A_178 = vector.shape_cast %broadcast_in_dim3A_173 : vector<16xf32> to vector<1x16xf32>
      tpu.vector_store %arg10[%swap3A_174, %swap3A_175], %swap3A_178 {strides = array<i32>} : memref<80x128xf32, #tpu.memory_space<vmem>>, vector<1x16xf32>,
      %broadcast_in_dim3A_179 = arith.constant 0.000000e+00 : f32
      %broadcast_in_dim3A_180 = vector.broadcast %broadcast_in_dim3A_179 : f32 to vector<16xf32>
      %swap3A_181 = arith.index_cast %scan3A_164 : i32 to index
      %swap3A_182 = arith.constant 32 : index
      %swap3A_183 = tpu.vector_load %arg10[%swap3A_181, %swap3A_182] {strides = array<i32>} : memref<80x128xf32, #tpu.memory_space<vmem>>, vector<1x16xf32>,
      %swap3A_184 = vector.shape_cast %swap3A_183 : vector<1x16xf32> to vector<16xf32>
      %swap3A_185 = vector.shape_cast %broadcast_in_dim3A_180 : vector<16xf32> to vector<1x16xf32>
      tpu.vector_store %arg10[%swap3A_181, %swap3A_182], %swap3A_185 {strides = array<i32>} : memref<80x128xf32, #tpu.memory_space<vmem>>, vector<1x16xf32>,
      %broadcast_in_dim3A_186 = arith.constant 0.000000e+00 : f32
      %broadcast_in_dim3A_187 = vector.broadcast %broadcast_in_dim3A_186 : f32 to vector<16xf32>
      %swap3A_188 = arith.index_cast %scan3A_164 : i32 to index
      %swap3A_189 = arith.constant 48 : index
      %swap3A_190 = tpu.vector_load %arg10[%swap3A_188, %swap3A_189] {strides = array<i32>} : memref<80x128xf32, #tpu.memory_space<vmem>>, vector<1x16xf32>,
      %swap3A_191 = vector.shape_cast %swap3A_190 : vector<1x16xf32> to vector<16xf32>
      %swap3A_192 = vector.shape_cast %broadcast_in_dim3A_187 : vector<16xf32> to vector<1x16xf32>
      tpu.vector_store %arg10[%swap3A_188, %swap3A_189], %swap3A_192 {strides = array<i32>} : memref<80x128xf32, #tpu.memory_space<vmem>>, vector<1x16xf32>,
      %broadcast_in_dim3A_193 = arith.constant 0.000000e+00 : f32
      %broadcast_in_dim3A_194 = vector.broadcast %broadcast_in_dim3A_193 : f32 to vector<16xf32>
      %swap3A_195 = arith.index_cast %scan3A_164 : i32 to index
      %swap3A_196 = arith.constant 64 : index
      %swap3A_197 = tpu.vector_load %arg10[%swap3A_195, %swap3A_196] {strides = array<i32>} : memref<80x128xf32, #tpu.memory_space<vmem>>, vector<1x16xf32>,
      %swap3A_198 = vector.shape_cast %swap3A_197 : vector<1x16xf32> to vector<16xf32>
      %swap3A_199 = vector.shape_cast %broadcast_in_dim3A_194 : vector<16xf32> to vector<1x16xf32>
      tpu.vector_store %arg10[%swap3A_195, %swap3A_196], %swap3A_199 {strides = array<i32>} : memref<80x128xf32, #tpu.memory_space<vmem>>, vector<1x16xf32>,
      %broadcast_in_dim3A_200 = arith.constant 0.000000e+00 : f32
      %broadcast_in_dim3A_201 = vector.broadcast %broadcast_in_dim3A_200 : f32 to vector<16xf32>
      %swap3A_202 = arith.index_cast %scan3A_164 : i32 to index
      %swap3A_203 = arith.constant 80 : index
      %swap3A_204 = tpu.vector_load %arg10[%swap3A_202, %swap3A_203] {strides = array<i32>} : memref<80x128xf32, #tpu.memory_space<vmem>>, vector<1x16xf32>,
      %swap3A_205 = vector.shape_cast %swap3A_204 : vector<1x16xf32> to vector<16xf32>
      %swap3A_206 = vector.shape_cast %broadcast_in_dim3A_201 : vector<16xf32> to vector<1x16xf32>
      tpu.vector_store %arg10[%swap3A_202, %swap3A_203], %swap3A_206 {strides = array<i32>} : memref<80x128xf32, #tpu.memory_space<vmem>>, vector<1x16xf32>,
      %broadcast_in_dim3A_207 = arith.constant 0.000000e+00 : f32
      %broadcast_in_dim3A_208 = vector.broadcast %broadcast_in_dim3A_207 : f32 to vector<16xf32>
      %swap3A_209 = arith.index_cast %scan3A_164 : i32 to index
      %swap3A_210 = arith.constant 96 : index
      %swap3A_211 = tpu.vector_load %arg10[%swap3A_209, %swap3A_210] {strides = array<i32>} : memref<80x128xf32, #tpu.memory_space<vmem>>, vector<1x16xf32>,
      %swap3A_212 = vector.shape_cast %swap3A_211 : vector<1x16xf32> to vector<16xf32>
      %swap3A_213 = vector.shape_cast %broadcast_in_dim3A_208 : vector<16xf32> to vector<1x16xf32>
      tpu.vector_store %arg10[%swap3A_209, %swap3A_210], %swap3A_213 {strides = array<i32>} : memref<80x128xf32, #tpu.memory_space<vmem>>, vector<1x16xf32>,
      %broadcast_in_dim3A_214 = arith.constant 0.000000e+00 : f32
      %broadcast_in_dim3A_215 = vector.broadcast %broadcast_in_dim3A_214 : f32 to vector<16xf32>
      %swap3A_216 = arith.index_cast %scan3A_164 : i32 to index
      %swap3A_217 = arith.constant 112 : index
      %swap3A_218 = tpu.vector_load %arg10[%swap3A_216, %swap3A_217] {strides = array<i32>} : memref<80x128xf32, #tpu.memory_space<vmem>>, vector<1x16xf32>,
      %swap3A_219 = vector.shape_cast %swap3A_218 : vector<1x16xf32> to vector<16xf32>
      %swap3A_220 = vector.shape_cast %broadcast_in_dim3A_215 : vector<16xf32> to vector<1x16xf32>
      tpu.vector_store %arg10[%swap3A_216, %swap3A_217], %swap3A_220 {strides = array<i32>} : memref<80x128xf32, #tpu.memory_space<vmem>>, vector<1x16xf32>,
      %scan3A_221 = arith.constant 0 : i32
      scf.yield %scan3A_221 : i32
    }
    %scan3A_6 = arith.constant 80 : i32
    %mul3A_7 = arith.constant 640 : i32
    %mul3A_8 = arith.muli %arg1, %mul3A_7 : i32
    %add3A_9 = arith.constant 0 : i32
    %add3A_10 = arith.addi %mul3A_8, %add3A_9 : i32
    "tpu.region"() ({
      %run_scoped3A = tpu.sem_alloc : memref<!tpu.dma_semaphore, #tpu.memory_space<semaphore_mem>>
      %dma_start3A_164 = arith.constant 0 : i32
      %dma_start3A_165 = arith.constant 0 : i32
      %dma_start3A_166 = tpu.memref_slice %arg10[%dma_start3A_164, %dma_start3A_165] : memref<80x128xf32, #tpu.memory_space<vmem>> -> memref<80x128xf32, #tpu.memory_space<vmem>>
      %dma_start3A_167 = arith.constant 0 : i32
      %dma_start3A_168 = tpu.memref_slice %arg12[%add3A_10, %dma_start3A_167] : memref<10240x128xf32, #tpu.memory_space<vmem_shared>> -> memref<80x128xf32, #tpu.memory_space<vmem_shared>>
      %dma_start3A_169 = arith.constant 0 : i32
      %dma_start3A_170 = tpu.memref_slice %arg12[%add3A_10, %dma_start3A_169] : memref<10240x128xf32, #tpu.memory_space<vmem_shared>> -> memref<80x128xf32, #tpu.memory_space<vmem_shared>>
      %dma_start3A_171 = arith.constant 0 : i32
      %dma_start3A_172 = arith.constant 0 : i32
      %dma_start3A_173 = tpu.memref_slice %arg10[%dma_start3A_171, %dma_start3A_172] : memref<80x128xf32, #tpu.memory_space<vmem>> -> memref<80x128xf32, #tpu.memory_space<vmem>>
      tpu.enqueue_dma source(%dma_start3A_173 : memref<80x128xf32, #tpu.memory_space<vmem>>) target(%dma_start3A_170 : memref<80x128xf32, #tpu.memory_space<vmem_shared>>) target_semaphore(%run_scoped3A : memref<!tpu.dma_semaphore, #tpu.memory_space<semaphore_mem>>)
      %dma_wait3A_174 = arith.constant 0 : i32
      %dma_wait3A_175 = arith.constant 0 : i32
      %dma_wait3A_176 = tpu.memref_slice %arg10[%dma_wait3A_174, %dma_wait3A_175] : memref<80x128xf32, #tpu.memory_space<vmem>> -> memref<80x128xf32, #tpu.memory_space<vmem>>
      %dma_wait3A_177 = arith.constant 0 : i32
      %dma_wait3A_178 = tpu.memref_slice %arg12[%add3A_10, %dma_wait3A_177] : memref<10240x128xf32, #tpu.memory_space<vmem_shared>> -> memref<80x128xf32, #tpu.memory_space<vmem_shared>>
      %dma_wait3A_179 = arith.constant 0 : i32
      %dma_wait3A_180 = tpu.memref_slice %arg12[%add3A_10, %dma_wait3A_179] : memref<10240x128xf32, #tpu.memory_space<vmem_shared>> -> memref<80x128xf32, #tpu.memory_space<vmem_shared>>
      %dma_wait3A_181 = arith.constant 0 : i32
      %dma_wait3A_182 = arith.constant 0 : i32
      %dma_wait3A_183 = tpu.memref_slice %arg10[%dma_wait3A_181, %dma_wait3A_182] : memref<80x128xf32, #tpu.memory_space<vmem>> -> memref<80x128xf32, #tpu.memory_space<vmem>>
      tpu.wait_dma2 semaphore(%run_scoped3A : memref<!tpu.dma_semaphore, #tpu.memory_space<semaphore_mem>>) src(%dma_wait3A_183 : memref<80x128xf32, #tpu.memory_space<vmem>>) dst(%dma_wait3A_180 : memref<80x128xf32, #tpu.memory_space<vmem_shared>>)
      tpu.yield
    }) : () -> ()
    %mul3A_11 = arith.constant 640 : i32
    %mul3A_12 = arith.muli %arg1, %mul3A_11 : i32
    %add3A_13 = arith.constant 80 : i32
    %add3A_14 = arith.addi %mul3A_12, %add3A_13 : i32
    "tpu.region"() ({
      %run_scoped3A = tpu.sem_alloc : memref<!tpu.dma_semaphore, #tpu.memory_space<semaphore_mem>>
      %dma_start3A_164 = arith.constant 0 : i32
      %dma_start3A_165 = arith.constant 0 : i32
      %dma_start3A_166 = tpu.memref_slice %arg10[%dma_start3A_164, %dma_start3A_165] : memref<80x128xf32, #tpu.memory_space<vmem>> -> memref<80x128xf32, #tpu.memory_space<vmem>>
      %dma_start3A_167 = arith.constant 0 : i32
      %dma_start3A_168 = tpu.memref_slice %arg12[%add3A_14, %dma_start3A_167] : memref<10240x128xf32, #tpu.memory_space<vmem_shared>> -> memref<80x128xf32, #tpu.memory_space<vmem_shared>>
      %dma_start3A_169 = arith.constant 0 : i32
      %dma_start3A_170 = tpu.memref_slice %arg12[%add3A_14, %dma_start3A_169] : memref<10240x128xf32, #tpu.memory_space<vmem_shared>> -> memref<80x128xf32, #tpu.memory_space<vmem_shared>>
      %dma_start3A_171 = arith.constant 0 : i32
      %dma_start3A_172 = arith.constant 0 : i32
      %dma_start3A_173 = tpu.memref_slice %arg10[%dma_start3A_171, %dma_start3A_172] : memref<80x128xf32, #tpu.memory_space<vmem>> -> memref<80x128xf32, #tpu.memory_space<vmem>>
      tpu.enqueue_dma source(%dma_start3A_173 : memref<80x128xf32, #tpu.memory_space<vmem>>) target(%dma_start3A_170 : memref<80x128xf32, #tpu.memory_space<vmem_shared>>) target_semaphore(%run_scoped3A : memref<!tpu.dma_semaphore, #tpu.memory_space<semaphore_mem>>)
      %dma_wait3A_174 = arith.constant 0 : i32
      %dma_wait3A_175 = arith.constant 0 : i32
      %dma_wait3A_176 = tpu.memref_slice %arg10[%dma_wait3A_174, %dma_wait3A_175] : memref<80x128xf32, #tpu.memory_space<vmem>> -> memref<80x128xf32, #tpu.memory_space<vmem>>
      %dma_wait3A_177 = arith.constant 0 : i32
      %dma_wait3A_178 = tpu.memref_slice %arg12[%add3A_14, %dma_wait3A_177] : memref<10240x128xf32, #tpu.memory_space<vmem_shared>> -> memref<80x128xf32, #tpu.memory_space<vmem_shared>>
      %dma_wait3A_179 = arith.constant 0 : i32
      %dma_wait3A_180 = tpu.memref_slice %arg12[%add3A_14, %dma_wait3A_179] : memref<10240x128xf32, #tpu.memory_space<vmem_shared>> -> memref<80x128xf32, #tpu.memory_space<vmem_shared>>
      %dma_wait3A_181 = arith.constant 0 : i32
      %dma_wait3A_182 = arith.constant 0 : i32
      %dma_wait3A_183 = tpu.memref_slice %arg10[%dma_wait3A_181, %dma_wait3A_182] : memref<80x128xf32, #tpu.memory_space<vmem>> -> memref<80x128xf32, #tpu.memory_space<vmem>>
      tpu.wait_dma2 semaphore(%run_scoped3A : memref<!tpu.dma_semaphore, #tpu.memory_space<semaphore_mem>>) src(%dma_wait3A_183 : memref<80x128xf32, #tpu.memory_space<vmem>>) dst(%dma_wait3A_180 : memref<80x128xf32, #tpu.memory_space<vmem_shared>>)
      tpu.yield
    }) : () -> ()
    %mul3A_15 = arith.constant 640 : i32
    %mul3A_16 = arith.muli %arg1, %mul3A_15 : i32
    %add3A_17 = arith.constant 160 : i32
    %add3A_18 = arith.addi %mul3A_16, %add3A_17 : i32
    "tpu.region"() ({
      %run_scoped3A = tpu.sem_alloc : memref<!tpu.dma_semaphore, #tpu.memory_space<semaphore_mem>>
      %dma_start3A_164 = arith.constant 0 : i32
      %dma_start3A_165 = arith.constant 0 : i32
      %dma_start3A_166 = tpu.memref_slice %arg10[%dma_start3A_164, %dma_start3A_165] : memref<80x128xf32, #tpu.memory_space<vmem>> -> memref<80x128xf32, #tpu.memory_space<vmem>>
      %dma_start3A_167 = arith.constant 0 : i32
      %dma_start3A_168 = tpu.memref_slice %arg12[%add3A_18, %dma_start3A_167] : memref<10240x128xf32, #tpu.memory_space<vmem_shared>> -> memref<80x128xf32, #tpu.memory_space<vmem_shared>>
      %dma_start3A_169 = arith.constant 0 : i32
      %dma_start3A_170 = tpu.memref_slice %arg12[%add3A_18, %dma_start3A_169] : memref<10240x128xf32, #tpu.memory_space<vmem_shared>> -> memref<80x128xf32, #tpu.memory_space<vmem_shared>>
      %dma_start3A_171 = arith.constant 0 : i32
      %dma_start3A_172 = arith.constant 0 : i32
      %dma_start3A_173 = tpu.memref_slice %arg10[%dma_start3A_171, %dma_start3A_172] : memref<80x128xf32, #tpu.memory_space<vmem>> -> memref<80x128xf32, #tpu.memory_space<vmem>>
      tpu.enqueue_dma source(%dma_start3A_173 : memref<80x128xf32, #tpu.memory_space<vmem>>) target(%dma_start3A_170 : memref<80x128xf32, #tpu.memory_space<vmem_shared>>) target_semaphore(%run_scoped3A : memref<!tpu.dma_semaphore, #tpu.memory_space<semaphore_mem>>)
      %dma_wait3A_174 = arith.constant 0 : i32
      %dma_wait3A_175 = arith.constant 0 : i32
      %dma_wait3A_176 = tpu.memref_slice %arg10[%dma_wait3A_174, %dma_wait3A_175] : memref<80x128xf32, #tpu.memory_space<vmem>> -> memref<80x128xf32, #tpu.memory_space<vmem>>
      %dma_wait3A_177 = arith.constant 0 : i32
      %dma_wait3A_178 = tpu.memref_slice %arg12[%add3A_18, %dma_wait3A_177] : memref<10240x128xf32, #tpu.memory_space<vmem_shared>> -> memref<80x128xf32, #tpu.memory_space<vmem_shared>>
      %dma_wait3A_179 = arith.constant 0 : i32
      %dma_wait3A_180 = tpu.memref_slice %arg12[%add3A_18, %dma_wait3A_179] : memref<10240x128xf32, #tpu.memory_space<vmem_shared>> -> memref<80x128xf32, #tpu.memory_space<vmem_shared>>
      %dma_wait3A_181 = arith.constant 0 : i32
      %dma_wait3A_182 = arith.constant 0 : i32
      %dma_wait3A_183 = tpu.memref_slice %arg10[%dma_wait3A_181, %dma_wait3A_182] : memref<80x128xf32, #tpu.memory_space<vmem>> -> memref<80x128xf32, #tpu.memory_space<vmem>>
      tpu.wait_dma2 semaphore(%run_scoped3A : memref<!tpu.dma_semaphore, #tpu.memory_space<semaphore_mem>>) src(%dma_wait3A_183 : memref<80x128xf32, #tpu.memory_space<vmem>>) dst(%dma_wait3A_180 : memref<80x128xf32, #tpu.memory_space<vmem_shared>>)
      tpu.yield
    }) : () -> ()
    %mul3A_19 = arith.constant 640 : i32
    %mul3A_20 = arith.muli %arg1, %mul3A_19 : i32
    %add3A_21 = arith.constant 240 : i32
    %add3A_22 = arith.addi %mul3A_20, %add3A_21 : i32
    "tpu.region"() ({
      %run_scoped3A = tpu.sem_alloc : memref<!tpu.dma_semaphore, #tpu.memory_space<semaphore_mem>>
      %dma_start3A_164 = arith.constant 0 : i32
      %dma_start3A_165 = arith.constant 0 : i32
      %dma_start3A_166 = tpu.memref_slice %arg10[%dma_start3A_164, %dma_start3A_165] : memref<80x128xf32, #tpu.memory_space<vmem>> -> memref<80x128xf32, #tpu.memory_space<vmem>>
      %dma_start3A_167 = arith.constant 0 : i32
      %dma_start3A_168 = tpu.memref_slice %arg12[%add3A_22, %dma_start3A_167] : memref<10240x128xf32, #tpu.memory_space<vmem_shared>> -> memref<80x128xf32, #tpu.memory_space<vmem_shared>>
      %dma_start3A_169 = arith.constant 0 : i32
      %dma_start3A_170 = tpu.memref_slice %arg12[%add3A_22, %dma_start3A_169] : memref<10240x128xf32, #tpu.memory_space<vmem_shared>> -> memref<80x128xf32, #tpu.memory_space<vmem_shared>>
      %dma_start3A_171 = arith.constant 0 : i32
      %dma_start3A_172 = arith.constant 0 : i32
      %dma_start3A_173 = tpu.memref_slice %arg10[%dma_start3A_171, %dma_start3A_172] : memref<80x128xf32, #tpu.memory_space<vmem>> -> memref<80x128xf32, #tpu.memory_space<vmem>>
      tpu.enqueue_dma source(%dma_start3A_173 : memref<80x128xf32, #tpu.memory_space<vmem>>) target(%dma_start3A_170 : memref<80x128xf32, #tpu.memory_space<vmem_shared>>) target_semaphore(%run_scoped3A : memref<!tpu.dma_semaphore, #tpu.memory_space<semaphore_mem>>)
      %dma_wait3A_174 = arith.constant 0 : i32
      %dma_wait3A_175 = arith.constant 0 : i32
      %dma_wait3A_176 = tpu.memref_slice %arg10[%dma_wait3A_174, %dma_wait3A_175] : memref<80x128xf32, #tpu.memory_space<vmem>> -> memref<80x128xf32, #tpu.memory_space<vmem>>
      %dma_wait3A_177 = arith.constant 0 : i32
      %dma_wait3A_178 = tpu.memref_slice %arg12[%add3A_22, %dma_wait3A_177] : memref<10240x128xf32, #tpu.memory_space<vmem_shared>> -> memref<80x128xf32, #tpu.memory_space<vmem_shared>>
      %dma_wait3A_179 = arith.constant 0 : i32
      %dma_wait3A_180 = tpu.memref_slice %arg12[%add3A_22, %dma_wait3A_179] : memref<10240x128xf32, #tpu.memory_space<vmem_shared>> -> memref<80x128xf32, #tpu.memory_space<vmem_shared>>
      %dma_wait3A_181 = arith.constant 0 : i32
      %dma_wait3A_182 = arith.constant 0 : i32
      %dma_wait3A_183 = tpu.memref_slice %arg10[%dma_wait3A_181, %dma_wait3A_182] : memref<80x128xf32, #tpu.memory_space<vmem>> -> memref<80x128xf32, #tpu.memory_space<vmem>>
      tpu.wait_dma2 semaphore(%run_scoped3A : memref<!tpu.dma_semaphore, #tpu.memory_space<semaphore_mem>>) src(%dma_wait3A_183 : memref<80x128xf32, #tpu.memory_space<vmem>>) dst(%dma_wait3A_180 : memref<80x128xf32, #tpu.memory_space<vmem_shared>>)
      tpu.yield
    }) : () -> ()
    %mul3A_23 = arith.constant 640 : i32
    %mul3A_24 = arith.muli %arg1, %mul3A_23 : i32
    %add3A_25 = arith.constant 320 : i32
    %add3A_26 = arith.addi %mul3A_24, %add3A_25 : i32
    "tpu.region"() ({
      %run_scoped3A = tpu.sem_alloc : memref<!tpu.dma_semaphore, #tpu.memory_space<semaphore_mem>>
      %dma_start3A_164 = arith.constant 0 : i32
      %dma_start3A_165 = arith.constant 0 : i32
      %dma_start3A_166 = tpu.memref_slice %arg10[%dma_start3A_164, %dma_start3A_165] : memref<80x128xf32, #tpu.memory_space<vmem>> -> memref<80x128xf32, #tpu.memory_space<vmem>>
      %dma_start3A_167 = arith.constant 0 : i32
      %dma_start3A_168 = tpu.memref_slice %arg12[%add3A_26, %dma_start3A_167] : memref<10240x128xf32, #tpu.memory_space<vmem_shared>> -> memref<80x128xf32, #tpu.memory_space<vmem_shared>>
      %dma_start3A_169 = arith.constant 0 : i32
      %dma_start3A_170 = tpu.memref_slice %arg12[%add3A_26, %dma_start3A_169] : memref<10240x128xf32, #tpu.memory_space<vmem_shared>> -> memref<80x128xf32, #tpu.memory_space<vmem_shared>>
      %dma_start3A_171 = arith.constant 0 : i32
      %dma_start3A_172 = arith.constant 0 : i32
      %dma_start3A_173 = tpu.memref_slice %arg10[%dma_start3A_171, %dma_start3A_172] : memref<80x128xf32, #tpu.memory_space<vmem>> -> memref<80x128xf32, #tpu.memory_space<vmem>>
      tpu.enqueue_dma source(%dma_start3A_173 : memref<80x128xf32, #tpu.memory_space<vmem>>) target(%dma_start3A_170 : memref<80x128xf32, #tpu.memory_space<vmem_shared>>) target_semaphore(%run_scoped3A : memref<!tpu.dma_semaphore, #tpu.memory_space<semaphore_mem>>)
      %dma_wait3A_174 = arith.constant 0 : i32
      %dma_wait3A_175 = arith.constant 0 : i32
      %dma_wait3A_176 = tpu.memref_slice %arg10[%dma_wait3A_174, %dma_wait3A_175] : memref<80x128xf32, #tpu.memory_space<vmem>> -> memref<80x128xf32, #tpu.memory_space<vmem>>
      %dma_wait3A_177 = arith.constant 0 : i32
      %dma_wait3A_178 = tpu.memref_slice %arg12[%add3A_26, %dma_wait3A_177] : memref<10240x128xf32, #tpu.memory_space<vmem_shared>> -> memref<80x128xf32, #tpu.memory_space<vmem_shared>>
      %dma_wait3A_179 = arith.constant 0 : i32
      %dma_wait3A_180 = tpu.memref_slice %arg12[%add3A_26, %dma_wait3A_179] : memref<10240x128xf32, #tpu.memory_space<vmem_shared>> -> memref<80x128xf32, #tpu.memory_space<vmem_shared>>
      %dma_wait3A_181 = arith.constant 0 : i32
      %dma_wait3A_182 = arith.constant 0 : i32
      %dma_wait3A_183 = tpu.memref_slice %arg10[%dma_wait3A_181, %dma_wait3A_182] : memref<80x128xf32, #tpu.memory_space<vmem>> -> memref<80x128xf32, #tpu.memory_space<vmem>>
      tpu.wait_dma2 semaphore(%run_scoped3A : memref<!tpu.dma_semaphore, #tpu.memory_space<semaphore_mem>>) src(%dma_wait3A_183 : memref<80x128xf32, #tpu.memory_space<vmem>>) dst(%dma_wait3A_180 : memref<80x128xf32, #tpu.memory_space<vmem_shared>>)
      tpu.yield
    }) : () -> ()
    %mul3A_27 = arith.constant 640 : i32
    %mul3A_28 = arith.muli %arg1, %mul3A_27 : i32
    %add3A_29 = arith.constant 400 : i32
    %add3A_30 = arith.addi %mul3A_28, %add3A_29 : i32
    "tpu.region"() ({
      %run_scoped3A = tpu.sem_alloc : memref<!tpu.dma_semaphore, #tpu.memory_space<semaphore_mem>>
      %dma_start3A_164 = arith.constant 0 : i32
      %dma_start3A_165 = arith.constant 0 : i32
      %dma_start3A_166 = tpu.memref_slice %arg10[%dma_start3A_164, %dma_start3A_165] : memref<80x128xf32, #tpu.memory_space<vmem>> -> memref<80x128xf32, #tpu.memory_space<vmem>>
      %dma_start3A_167 = arith.constant 0 : i32
      %dma_start3A_168 = tpu.memref_slice %arg12[%add3A_30, %dma_start3A_167] : memref<10240x128xf32, #tpu.memory_space<vmem_shared>> -> memref<80x128xf32, #tpu.memory_space<vmem_shared>>
      %dma_start3A_169 = arith.constant 0 : i32
      %dma_start3A_170 = tpu.memref_slice %arg12[%add3A_30, %dma_start3A_169] : memref<10240x128xf32, #tpu.memory_space<vmem_shared>> -> memref<80x128xf32, #tpu.memory_space<vmem_shared>>
      %dma_start3A_171 = arith.constant 0 : i32
      %dma_start3A_172 = arith.constant 0 : i32
      %dma_start3A_173 = tpu.memref_slice %arg10[%dma_start3A_171, %dma_start3A_172] : memref<80x128xf32, #tpu.memory_space<vmem>> -> memref<80x128xf32, #tpu.memory_space<vmem>>
      tpu.enqueue_dma source(%dma_start3A_173 : memref<80x128xf32, #tpu.memory_space<vmem>>) target(%dma_start3A_170 : memref<80x128xf32, #tpu.memory_space<vmem_shared>>) target_semaphore(%run_scoped3A : memref<!tpu.dma_semaphore, #tpu.memory_space<semaphore_mem>>)
      %dma_wait3A_174 = arith.constant 0 : i32
      %dma_wait3A_175 = arith.constant 0 : i32
      %dma_wait3A_176 = tpu.memref_slice %arg10[%dma_wait3A_174, %dma_wait3A_175] : memref<80x128xf32, #tpu.memory_space<vmem>> -> memref<80x128xf32, #tpu.memory_space<vmem>>
      %dma_wait3A_177 = arith.constant 0 : i32
      %dma_wait3A_178 = tpu.memref_slice %arg12[%add3A_30, %dma_wait3A_177] : memref<10240x128xf32, #tpu.memory_space<vmem_shared>> -> memref<80x128xf32, #tpu.memory_space<vmem_shared>>
      %dma_wait3A_179 = arith.constant 0 : i32
      %dma_wait3A_180 = tpu.memref_slice %arg12[%add3A_30, %dma_wait3A_179] : memref<10240x128xf32, #tpu.memory_space<vmem_shared>> -> memref<80x128xf32, #tpu.memory_space<vmem_shared>>
      %dma_wait3A_181 = arith.constant 0 : i32
      %dma_wait3A_182 = arith.constant 0 : i32
      %dma_wait3A_183 = tpu.memref_slice %arg10[%dma_wait3A_181, %dma_wait3A_182] : memref<80x128xf32, #tpu.memory_space<vmem>> -> memref<80x128xf32, #tpu.memory_space<vmem>>
      tpu.wait_dma2 semaphore(%run_scoped3A : memref<!tpu.dma_semaphore, #tpu.memory_space<semaphore_mem>>) src(%dma_wait3A_183 : memref<80x128xf32, #tpu.memory_space<vmem>>) dst(%dma_wait3A_180 : memref<80x128xf32, #tpu.memory_space<vmem_shared>>)
      tpu.yield
    }) : () -> ()
    %mul3A_31 = arith.constant 640 : i32
    %mul3A_32 = arith.muli %arg1, %mul3A_31 : i32
    %add3A_33 = arith.constant 480 : i32
    %add3A_34 = arith.addi %mul3A_32, %add3A_33 : i32
    "tpu.region"() ({
      %run_scoped3A = tpu.sem_alloc : memref<!tpu.dma_semaphore, #tpu.memory_space<semaphore_mem>>
      %dma_start3A_164 = arith.constant 0 : i32
      %dma_start3A_165 = arith.constant 0 : i32
      %dma_start3A_166 = tpu.memref_slice %arg10[%dma_start3A_164, %dma_start3A_165] : memref<80x128xf32, #tpu.memory_space<vmem>> -> memref<80x128xf32, #tpu.memory_space<vmem>>
      %dma_start3A_167 = arith.constant 0 : i32
      %dma_start3A_168 = tpu.memref_slice %arg12[%add3A_34, %dma_start3A_167] : memref<10240x128xf32, #tpu.memory_space<vmem_shared>> -> memref<80x128xf32, #tpu.memory_space<vmem_shared>>
      %dma_start3A_169 = arith.constant 0 : i32
      %dma_start3A_170 = tpu.memref_slice %arg12[%add3A_34, %dma_start3A_169] : memref<10240x128xf32, #tpu.memory_space<vmem_shared>> -> memref<80x128xf32, #tpu.memory_space<vmem_shared>>
      %dma_start3A_171 = arith.constant 0 : i32
      %dma_start3A_172 = arith.constant 0 : i32
      %dma_start3A_173 = tpu.memref_slice %arg10[%dma_start3A_171, %dma_start3A_172] : memref<80x128xf32, #tpu.memory_space<vmem>> -> memref<80x128xf32, #tpu.memory_space<vmem>>
      tpu.enqueue_dma source(%dma_start3A_173 : memref<80x128xf32, #tpu.memory_space<vmem>>) target(%dma_start3A_170 : memref<80x128xf32, #tpu.memory_space<vmem_shared>>) target_semaphore(%run_scoped3A : memref<!tpu.dma_semaphore, #tpu.memory_space<semaphore_mem>>)
      %dma_wait3A_174 = arith.constant 0 : i32
      %dma_wait3A_175 = arith.constant 0 : i32
      %dma_wait3A_176 = tpu.memref_slice %arg10[%dma_wait3A_174, %dma_wait3A_175] : memref<80x128xf32, #tpu.memory_space<vmem>> -> memref<80x128xf32, #tpu.memory_space<vmem>>
      %dma_wait3A_177 = arith.constant 0 : i32
      %dma_wait3A_178 = tpu.memref_slice %arg12[%add3A_34, %dma_wait3A_177] : memref<10240x128xf32, #tpu.memory_space<vmem_shared>> -> memref<80x128xf32, #tpu.memory_space<vmem_shared>>
      %dma_wait3A_179 = arith.constant 0 : i32
      %dma_wait3A_180 = tpu.memref_slice %arg12[%add3A_34, %dma_wait3A_179] : memref<10240x128xf32, #tpu.memory_space<vmem_shared>> -> memref<80x128xf32, #tpu.memory_space<vmem_shared>>
      %dma_wait3A_181 = arith.constant 0 : i32
      %dma_wait3A_182 = arith.constant 0 : i32
      %dma_wait3A_183 = tpu.memref_slice %arg10[%dma_wait3A_181, %dma_wait3A_182] : memref<80x128xf32, #tpu.memory_space<vmem>> -> memref<80x128xf32, #tpu.memory_space<vmem>>
      tpu.wait_dma2 semaphore(%run_scoped3A : memref<!tpu.dma_semaphore, #tpu.memory_space<semaphore_mem>>) src(%dma_wait3A_183 : memref<80x128xf32, #tpu.memory_space<vmem>>) dst(%dma_wait3A_180 : memref<80x128xf32, #tpu.memory_space<vmem_shared>>)
      tpu.yield
    }) : () -> ()
    %mul3A_35 = arith.constant 640 : i32
    %mul3A_36 = arith.muli %arg1, %mul3A_35 : i32
    %add3A_37 = arith.constant 560 : i32
    %add3A_38 = arith.addi %mul3A_36, %add3A_37 : i32
    "tpu.region"() ({
      %run_scoped3A = tpu.sem_alloc : memref<!tpu.dma_semaphore, #tpu.memory_space<semaphore_mem>>
      %dma_start3A_164 = arith.constant 0 : i32
      %dma_start3A_165 = arith.constant 0 : i32
      %dma_start3A_166 = tpu.memref_slice %arg10[%dma_start3A_164, %dma_start3A_165] : memref<80x128xf32, #tpu.memory_space<vmem>> -> memref<80x128xf32, #tpu.memory_space<vmem>>
      %dma_start3A_167 = arith.constant 0 : i32
      %dma_start3A_168 = tpu.memref_slice %arg12[%add3A_38, %dma_start3A_167] : memref<10240x128xf32, #tpu.memory_space<vmem_shared>> -> memref<80x128xf32, #tpu.memory_space<vmem_shared>>
      %dma_start3A_169 = arith.constant 0 : i32
      %dma_start3A_170 = tpu.memref_slice %arg12[%add3A_38, %dma_start3A_169] : memref<10240x128xf32, #tpu.memory_space<vmem_shared>> -> memref<80x128xf32, #tpu.memory_space<vmem_shared>>
      %dma_start3A_171 = arith.constant 0 : i32
      %dma_start3A_172 = arith.constant 0 : i32
      %dma_start3A_173 = tpu.memref_slice %arg10[%dma_start3A_171, %dma_start3A_172] : memref<80x128xf32, #tpu.memory_space<vmem>> -> memref<80x128xf32, #tpu.memory_space<vmem>>
      tpu.enqueue_dma source(%dma_start3A_173 : memref<80x128xf32, #tpu.memory_space<vmem>>) target(%dma_start3A_170 : memref<80x128xf32, #tpu.memory_space<vmem_shared>>) target_semaphore(%run_scoped3A : memref<!tpu.dma_semaphore, #tpu.memory_space<semaphore_mem>>)
      %dma_wait3A_174 = arith.constant 0 : i32
      %dma_wait3A_175 = arith.constant 0 : i32
      %dma_wait3A_176 = tpu.memref_slice %arg10[%dma_wait3A_174, %dma_wait3A_175] : memref<80x128xf32, #tpu.memory_space<vmem>> -> memref<80x128xf32, #tpu.memory_space<vmem>>
      %dma_wait3A_177 = arith.constant 0 : i32
      %dma_wait3A_178 = tpu.memref_slice %arg12[%add3A_38, %dma_wait3A_177] : memref<10240x128xf32, #tpu.memory_space<vmem_shared>> -> memref<80x128xf32, #tpu.memory_space<vmem_shared>>
      %dma_wait3A_179 = arith.constant 0 : i32
      %dma_wait3A_180 = tpu.memref_slice %arg12[%add3A_38, %dma_wait3A_179] : memref<10240x128xf32, #tpu.memory_space<vmem_shared>> -> memref<80x128xf32, #tpu.memory_space<vmem_shared>>
      %dma_wait3A_181 = arith.constant 0 : i32
      %dma_wait3A_182 = arith.constant 0 : i32
      %dma_wait3A_183 = tpu.memref_slice %arg10[%dma_wait3A_181, %dma_wait3A_182] : memref<80x128xf32, #tpu.memory_space<vmem>> -> memref<80x128xf32, #tpu.memory_space<vmem>>
      tpu.wait_dma2 semaphore(%run_scoped3A : memref<!tpu.dma_semaphore, #tpu.memory_space<semaphore_mem>>) src(%dma_wait3A_183 : memref<80x128xf32, #tpu.memory_space<vmem>>) dst(%dma_wait3A_180 : memref<80x128xf32, #tpu.memory_space<vmem_shared>>)
      tpu.yield
    }) : () -> ()
    %barrier3A = arith.constant 0 : index
    tpu.barrier barrier_id(%barrier3A)
    "tpu.region"() ({
      %run_scoped3A = tpu.sem_alloc : memref<!tpu.dma_semaphore, #tpu.memory_space<semaphore_mem>>
      %dma_start3A_164 = arith.constant 0 : i32
      %dma_start3A_165 = arith.constant 0 : i32
      %dma_start3A_166 = tpu.memref_slice %arg3[%add3A, %dma_start3A_164, %dma_start3A_165] : memref<32x125x80xi32, #tpu.memory_space<hbm>> -> memref<1x125x80xi32, #tpu.memory_space<hbm>>
      %dma_start3A_167 = tpu.memref_squeeze %dma_start3A_166 : memref<1x125x80xi32, #tpu.memory_space<hbm>> -> memref<125x80xi32, #tpu.memory_space<hbm>>
      %dma_start3A_168 = arith.constant 0 : i32
      %dma_start3A_169 = arith.constant 0 : i32
      %dma_start3A_170 = tpu.memref_slice %arg3[%add3A, %dma_start3A_168, %dma_start3A_169] : memref<32x125x80xi32, #tpu.memory_space<hbm>> -> memref<1x125x80xi32, #tpu.memory_space<hbm>>
      %dma_start3A_171 = tpu.memref_squeeze %dma_start3A_170 : memref<1x125x80xi32, #tpu.memory_space<hbm>> -> memref<125x80xi32, #tpu.memory_space<hbm>>
      tpu.enqueue_dma source(%dma_start3A_171 : memref<125x80xi32, #tpu.memory_space<hbm>>) target(%arg5 : memref<125x80xi32, #tpu.memory_space<vmem>>) target_semaphore(%run_scoped3A : memref<!tpu.dma_semaphore, #tpu.memory_space<semaphore_mem>>)
      %dma_wait3A_172 = arith.constant 0 : i32
      %dma_wait3A_173 = arith.constant 0 : i32
      %dma_wait3A_174 = tpu.memref_slice %arg3[%add3A, %dma_wait3A_172, %dma_wait3A_173] : memref<32x125x80xi32, #tpu.memory_space<hbm>> -> memref<1x125x80xi32, #tpu.memory_space<hbm>>
      %dma_wait3A_175 = tpu.memref_squeeze %dma_wait3A_174 : memref<1x125x80xi32, #tpu.memory_space<hbm>> -> memref<125x80xi32, #tpu.memory_space<hbm>>
      %dma_wait3A_176 = arith.constant 0 : i32
      %dma_wait3A_177 = arith.constant 0 : i32
      %dma_wait3A_178 = tpu.memref_slice %arg3[%add3A, %dma_wait3A_176, %dma_wait3A_177] : memref<32x125x80xi32, #tpu.memory_space<hbm>> -> memref<1x125x80xi32, #tpu.memory_space<hbm>>
      %dma_wait3A_179 = tpu.memref_squeeze %dma_wait3A_178 : memref<1x125x80xi32, #tpu.memory_space<hbm>> -> memref<125x80xi32, #tpu.memory_space<hbm>>
      tpu.wait_dma2 semaphore(%run_scoped3A : memref<!tpu.dma_semaphore, #tpu.memory_space<semaphore_mem>>) src(%dma_wait3A_179 : memref<125x80xi32, #tpu.memory_space<hbm>>) dst(%arg5 : memref<125x80xi32, #tpu.memory_space<vmem>>)
      tpu.yield
    }) : () -> ()
    %get3A = arith.constant 0 : i32
    %get3A_39 = arith.index_cast %get3A : i32 to index
    %get3A_40 = arith.constant 0 : index
    %get3A_41 = tpu.vector_load %arg5[%get3A_39, %get3A_40] {strides = array<i32>} : memref<125x80xi32, #tpu.memory_space<vmem>>, vector<1x16xi32>,
    %get3A_42 = vector.shape_cast %get3A_41 : vector<1x16xi32> to vector<16xi32>
    %and3A = arith.constant 65535 : i32
    %and3A_43 = vector.broadcast %and3A : i32 to vector<16xi32>
    %and3A_44 = arith.andi %get3A_42, %and3A_43 : vector<16xi32>
    %swap3A = arith.constant 0 : index
    %swap3A_45 = tpu.vector_load %arg6[%swap3A] {strides = array<i32>} : memref<80xi32, #tpu.memory_space<vmem>>, vector<16xi32>,
    %swap3A_46 = vector.shape_cast %swap3A_45 : vector<16xi32> to vector<16xi32>
    %swap3A_47 = vector.shape_cast %and3A_44 : vector<16xi32> to vector<16xi32>
    tpu.vector_store %arg6[%swap3A], %swap3A_47 {strides = array<i32>} : memref<80xi32, #tpu.memory_space<vmem>>, vector<16xi32>,
    %shift_right_arithmetic3A = arith.constant 16 : i32
    %shift_right_arithmetic3A_48 = vector.broadcast %shift_right_arithmetic3A : i32 to vector<16xi32>
    %shift_right_arithmetic3A_49 = arith.shrsi %get3A_42, %shift_right_arithmetic3A_48 : vector<16xi32>
    %and3A_50 = arith.constant 16383 : i32
    %and3A_51 = vector.broadcast %and3A_50 : i32 to vector<16xi32>
    %and3A_52 = arith.andi %shift_right_arithmetic3A_49, %and3A_51 : vector<16xi32>
    %swap3A_53 = arith.constant 0 : index
    %swap3A_54 = tpu.vector_load %arg7[%swap3A_53] {strides = array<i32>} : memref<80xi32, #tpu.memory_space<vmem>>, vector<16xi32>,
    %swap3A_55 = vector.shape_cast %swap3A_54 : vector<16xi32> to vector<16xi32>
    %swap3A_56 = vector.shape_cast %and3A_52 : vector<16xi32> to vector<16xi32>
    tpu.vector_store %arg7[%swap3A_53], %swap3A_56 {strides = array<i32>} : memref<80xi32, #tpu.memory_space<vmem>>, vector<16xi32>,
    %get3A_57 = arith.constant 0 : i32
    %get3A_58 = arith.index_cast %get3A_57 : i32 to index
    %get3A_59 = arith.constant 16 : index
    %get3A_60 = tpu.vector_load %arg5[%get3A_58, %get3A_59] {strides = array<i32>} : memref<125x80xi32, #tpu.memory_space<vmem>>, vector<1x16xi32>,
    %get3A_61 = vector.shape_cast %get3A_60 : vector<1x16xi32> to vector<16xi32>
    %and3A_62 = arith.constant 65535 : i32
    %and3A_63 = vector.broadcast %and3A_62 : i32 to vector<16xi32>
    %and3A_64 = arith.andi %get3A_61, %and3A_63 : vector<16xi32>
    %swap3A_65 = arith.constant 16 : index
    %swap3A_66 = tpu.vector_load %arg6[%swap3A_65] {strides = array<i32>} : memref<80xi32, #tpu.memory_space<vmem>>, vector<16xi32>,
    %swap3A_67 = vector.shape_cast %swap3A_66 : vector<16xi32> to vector<16xi32>
    %swap3A_68 = vector.shape_cast %and3A_64 : vector<16xi32> to vector<16xi32>
    tpu.vector_store %arg6[%swap3A_65], %swap3A_68 {strides = array<i32>} : memref<80xi32, #tpu.memory_space<vmem>>, vector<16xi32>,
    %shift_right_arithmetic3A_69 = arith.constant 16 : i32
    %shift_right_arithmetic3A_70 = vector.broadcast %shift_right_arithmetic3A_69 : i32 to vector<16xi32>
    %shift_right_arithmetic3A_71 = arith.shrsi %get3A_61, %shift_right_arithmetic3A_70 : vector<16xi32>
    %and3A_72 = arith.constant 16383 : i32
    %and3A_73 = vector.broadcast %and3A_72 : i32 to vector<16xi32>
    %and3A_74 = arith.andi %shift_right_arithmetic3A_71, %and3A_73 : vector<16xi32>
    %swap3A_75 = arith.constant 16 : index
    %swap3A_76 = tpu.vector_load %arg7[%swap3A_75] {strides = array<i32>} : memref<80xi32, #tpu.memory_space<vmem>>, vector<16xi32>,
    %swap3A_77 = vector.shape_cast %swap3A_76 : vector<16xi32> to vector<16xi32>
    %swap3A_78 = vector.shape_cast %and3A_74 : vector<16xi32> to vector<16xi32>
    tpu.vector_store %arg7[%swap3A_75], %swap3A_78 {strides = array<i32>} : memref<80xi32, #tpu.memory_space<vmem>>, vector<16xi32>,
    %get3A_79 = arith.constant 0 : i32
    %get3A_80 = arith.index_cast %get3A_79 : i32 to index
    %get3A_81 = arith.constant 32 : index
    %get3A_82 = tpu.vector_load %arg5[%get3A_80, %get3A_81] {strides = array<i32>} : memref<125x80xi32, #tpu.memory_space<vmem>>, vector<1x16xi32>,
    %get3A_83 = vector.shape_cast %get3A_82 : vector<1x16xi32> to vector<16xi32>
    %and3A_84 = arith.constant 65535 : i32
    %and3A_85 = vector.broadcast %and3A_84 : i32 to vector<16xi32>
    %and3A_86 = arith.andi %get3A_83, %and3A_85 : vector<16xi32>
    %swap3A_87 = arith.constant 32 : index
    %swap3A_88 = tpu.vector_load %arg6[%swap3A_87] {strides = array<i32>} : memref<80xi32, #tpu.memory_space<vmem>>, vector<16xi32>,
    %swap3A_89 = vector.shape_cast %swap3A_88 : vector<16xi32> to vector<16xi32>
    %swap3A_90 = vector.shape_cast %and3A_86 : vector<16xi32> to vector<16xi32>
    tpu.vector_store %arg6[%swap3A_87], %swap3A_90 {strides = array<i32>} : memref<80xi32, #tpu.memory_space<vmem>>, vector<16xi32>,
    %shift_right_arithmetic3A_91 = arith.constant 16 : i32
    %shift_right_arithmetic3A_92 = vector.broadcast %shift_right_arithmetic3A_91 : i32 to vector<16xi32>
    %shift_right_arithmetic3A_93 = arith.shrsi %get3A_83, %shift_right_arithmetic3A_92 : vector<16xi32>
    %and3A_94 = arith.constant 16383 : i32
    %and3A_95 = vector.broadcast %and3A_94 : i32 to vector<16xi32>
    %and3A_96 = arith.andi %shift_right_arithmetic3A_93, %and3A_95 : vector<16xi32>
    %swap3A_97 = arith.constant 32 : index
    %swap3A_98 = tpu.vector_load %arg7[%swap3A_97] {strides = array<i32>} : memref<80xi32, #tpu.memory_space<vmem>>, vector<16xi32>,
    %swap3A_99 = vector.shape_cast %swap3A_98 : vector<16xi32> to vector<16xi32>
    %swap3A_100 = vector.shape_cast %and3A_96 : vector<16xi32> to vector<16xi32>
    tpu.vector_store %arg7[%swap3A_97], %swap3A_100 {strides = array<i32>} : memref<80xi32, #tpu.memory_space<vmem>>, vector<16xi32>,
    %get3A_101 = arith.constant 0 : i32
    %get3A_102 = arith.index_cast %get3A_101 : i32 to index
    %get3A_103 = arith.constant 48 : index
    %get3A_104 = tpu.vector_load %arg5[%get3A_102, %get3A_103] {strides = array<i32>} : memref<125x80xi32, #tpu.memory_space<vmem>>, vector<1x16xi32>,
    %get3A_105 = vector.shape_cast %get3A_104 : vector<1x16xi32> to vector<16xi32>
    %and3A_106 = arith.constant 65535 : i32
    %and3A_107 = vector.broadcast %and3A_106 : i32 to vector<16xi32>
    %and3A_108 = arith.andi %get3A_105, %and3A_107 : vector<16xi32>
    %swap3A_109 = arith.constant 48 : index
    %swap3A_110 = tpu.vector_load %arg6[%swap3A_109] {strides = array<i32>} : memref<80xi32, #tpu.memory_space<vmem>>, vector<16xi32>,
    %swap3A_111 = vector.shape_cast %swap3A_110 : vector<16xi32> to vector<16xi32>
    %swap3A_112 = vector.shape_cast %and3A_108 : vector<16xi32> to vector<16xi32>
    tpu.vector_store %arg6[%swap3A_109], %swap3A_112 {strides = array<i32>} : memref<80xi32, #tpu.memory_space<vmem>>, vector<16xi32>,
    %shift_right_arithmetic3A_113 = arith.constant 16 : i32
    %shift_right_arithmetic3A_114 = vector.broadcast %shift_right_arithmetic3A_113 : i32 to vector<16xi32>
    %shift_right_arithmetic3A_115 = arith.shrsi %get3A_105, %shift_right_arithmetic3A_114 : vector<16xi32>
    %and3A_116 = arith.constant 16383 : i32
    %and3A_117 = vector.broadcast %and3A_116 : i32 to vector<16xi32>
    %and3A_118 = arith.andi %shift_right_arithmetic3A_115, %and3A_117 : vector<16xi32>
    %swap3A_119 = arith.constant 48 : index
    %swap3A_120 = tpu.vector_load %arg7[%swap3A_119] {strides = array<i32>} : memref<80xi32, #tpu.memory_space<vmem>>, vector<16xi32>,
    %swap3A_121 = vector.shape_cast %swap3A_120 : vector<16xi32> to vector<16xi32>
    %swap3A_122 = vector.shape_cast %and3A_118 : vector<16xi32> to vector<16xi32>
    tpu.vector_store %arg7[%swap3A_119], %swap3A_122 {strides = array<i32>} : memref<80xi32, #tpu.memory_space<vmem>>, vector<16xi32>,
    %get3A_123 = arith.constant 0 : i32
    %get3A_124 = arith.index_cast %get3A_123 : i32 to index
    %get3A_125 = arith.constant 64 : index
    %get3A_126 = tpu.vector_load %arg5[%get3A_124, %get3A_125] {strides = array<i32>} : memref<125x80xi32, #tpu.memory_space<vmem>>, vector<1x16xi32>,
    %get3A_127 = vector.shape_cast %get3A_126 : vector<1x16xi32> to vector<16xi32>
    %and3A_128 = arith.constant 65535 : i32
    %and3A_129 = vector.broadcast %and3A_128 : i32 to vector<16xi32>
    %and3A_130 = arith.andi %get3A_127, %and3A_129 : vector<16xi32>
    %swap3A_131 = arith.constant 64 : index
    %swap3A_132 = tpu.vector_load %arg6[%swap3A_131] {strides = array<i32>} : memref<80xi32, #tpu.memory_space<vmem>>, vector<16xi32>,
    %swap3A_133 = vector.shape_cast %swap3A_132 : vector<16xi32> to vector<16xi32>
    %swap3A_134 = vector.shape_cast %and3A_130 : vector<16xi32> to vector<16xi32>
    tpu.vector_store %arg6[%swap3A_131], %swap3A_134 {strides = array<i32>} : memref<80xi32, #tpu.memory_space<vmem>>, vector<16xi32>,
    %shift_right_arithmetic3A_135 = arith.constant 16 : i32
    %shift_right_arithmetic3A_136 = vector.broadcast %shift_right_arithmetic3A_135 : i32 to vector<16xi32>
    %shift_right_arithmetic3A_137 = arith.shrsi %get3A_127, %shift_right_arithmetic3A_136 : vector<16xi32>
    %and3A_138 = arith.constant 16383 : i32
    %and3A_139 = vector.broadcast %and3A_138 : i32 to vector<16xi32>
    %and3A_140 = arith.andi %shift_right_arithmetic3A_137, %and3A_139 : vector<16xi32>
    %swap3A_141 = arith.constant 64 : index
    %swap3A_142 = tpu.vector_load %arg7[%swap3A_141] {strides = array<i32>} : memref<80xi32, #tpu.memory_space<vmem>>, vector<16xi32>,
    %swap3A_143 = vector.shape_cast %swap3A_142 : vector<16xi32> to vector<16xi32>
    %swap3A_144 = vector.shape_cast %and3A_140 : vector<16xi32> to vector<16xi32>
    tpu.vector_store %arg7[%swap3A_141], %swap3A_144 {strides = array<i32>} : memref<80xi32, #tpu.memory_space<vmem>>, vector<16xi32>,
    %dma_start3A = arith.constant 0 : i32
    %dma_start3A_145 = arith.constant 0 : i32
    %dma_start3A_146 = tpu.memref_slice %arg2[%dma_start3A, %dma_start3A_145] : memref<40000x128xf32, #tpu.memory_space<hbm>> -> memref<40000x128xf32, #tpu.memory_space<hbm>>
    tpu.enqueue_indirect_dma source(%dma_start3A_146 : memref<40000x128xf32, #tpu.memory_space<hbm>>) target(%arg10 : memref<80x128xf32, #tpu.memory_space<vmem>>) offsets(%arg6 : memref<80xi32, #tpu.memory_space<vmem>>) semaphore(%arg13 : memref<!tpu.dma_semaphore, #tpu.memory_space<semaphore_mem>>)
    %scan3A_147 = arith.constant 0 : i32
    %scan3A_148 = arith.constant 0 : i32
    %scan3A_149 = arith.constant 62 : i32
    %scan3A_150 = arith.addi %scan3A_148, %scan3A_149 : i32
    %scan3A_151 = arith.constant 1 : i32
    %scan3A_152 = scf.for %scan3A_164 = %scan3A_148 to %scan3A_150 step %scan3A_151 iter_args(%scan3A_165 = %scan3A_147) -> (i32)  : i32 {
      %mul3A_166 = arith.constant 2 : i32
      %mul3A_167 = arith.muli %scan3A_164, %mul3A_166 : i32
      %add3A_168 = arith.constant 1 : i32
      %add3A_169 = arith.addi %mul3A_167, %add3A_168 : i32
      %get3A_170 = arith.index_cast %add3A_169 : i32 to index
      %get3A_171 = arith.constant 0 : index
      %get3A_172 = tpu.vector_load %arg5[%get3A_170, %get3A_171] {strides = array<i32>} : memref<125x80xi32, #tpu.memory_space<vmem>>, vector<1x16xi32>,
      %get3A_173 = vector.shape_cast %get3A_172 : vector<1x16xi32> to vector<16xi32>
      %and3A_174 = arith.constant 65535 : i32
      %and3A_175 = vector.broadcast %and3A_174 : i32 to vector<16xi32>
      %and3A_176 = arith.andi %get3A_173, %and3A_175 : vector<16xi32>
      %swap3A_177 = arith.constant 0 : index
      %swap3A_178 = tpu.vector_load %arg8[%swap3A_177] {strides = array<i32>} : memref<80xi32, #tpu.memory_space<vmem>>, vector<16xi32>,
      %swap3A_179 = vector.shape_cast %swap3A_178 : vector<16xi32> to vector<16xi32>
      %swap3A_180 = vector.shape_cast %and3A_176 : vector<16xi32> to vector<16xi32>
      tpu.vector_store %arg8[%swap3A_177], %swap3A_180 {strides = array<i32>} : memref<80xi32, #tpu.memory_space<vmem>>, vector<16xi32>,
      %shift_right_arithmetic3A_181 = arith.constant 16 : i32
      %shift_right_arithmetic3A_182 = vector.broadcast %shift_right_arithmetic3A_181 : i32 to vector<16xi32>
      %shift_right_arithmetic3A_183 = arith.shrsi %get3A_173, %shift_right_arithmetic3A_182 : vector<16xi32>
      %and3A_184 = arith.constant 16383 : i32
      %and3A_185 = vector.broadcast %and3A_184 : i32 to vector<16xi32>
      %and3A_186 = arith.andi %shift_right_arithmetic3A_183, %and3A_185 : vector<16xi32>
      %swap3A_187 = arith.constant 0 : index
      %swap3A_188 = tpu.vector_load %arg9[%swap3A_187] {strides = array<i32>} : memref<80xi32, #tpu.memory_space<vmem>>, vector<16xi32>,
      %swap3A_189 = vector.shape_cast %swap3A_188 : vector<16xi32> to vector<16xi32>
      %swap3A_190 = vector.shape_cast %and3A_186 : vector<16xi32> to vector<16xi32>
      tpu.vector_store %arg9[%swap3A_187], %swap3A_190 {strides = array<i32>} : memref<80xi32, #tpu.memory_space<vmem>>, vector<16xi32>,
      %get3A_191 = arith.index_cast %add3A_169 : i32 to index
      %get3A_192 = arith.constant 16 : index
      %get3A_193 = tpu.vector_load %arg5[%get3A_191, %get3A_192] {strides = array<i32>} : memref<125x80xi32, #tpu.memory_space<vmem>>, vector<1x16xi32>,
      %get3A_194 = vector.shape_cast %get3A_193 : vector<1x16xi32> to vector<16xi32>
      %and3A_195 = arith.constant 65535 : i32
      %and3A_196 = vector.broadcast %and3A_195 : i32 to vector<16xi32>
      %and3A_197 = arith.andi %get3A_194, %and3A_196 : vector<16xi32>
      %swap3A_198 = arith.constant 16 : index
      %swap3A_199 = tpu.vector_load %arg8[%swap3A_198] {strides = array<i32>} : memref<80xi32, #tpu.memory_space<vmem>>, vector<16xi32>,
      %swap3A_200 = vector.shape_cast %swap3A_199 : vector<16xi32> to vector<16xi32>
      %swap3A_201 = vector.shape_cast %and3A_197 : vector<16xi32> to vector<16xi32>
      tpu.vector_store %arg8[%swap3A_198], %swap3A_201 {strides = array<i32>} : memref<80xi32, #tpu.memory_space<vmem>>, vector<16xi32>,
      %shift_right_arithmetic3A_202 = arith.constant 16 : i32
      %shift_right_arithmetic3A_203 = vector.broadcast %shift_right_arithmetic3A_202 : i32 to vector<16xi32>
      %shift_right_arithmetic3A_204 = arith.shrsi %get3A_194, %shift_right_arithmetic3A_203 : vector<16xi32>
      %and3A_205 = arith.constant 16383 : i32
      %and3A_206 = vector.broadcast %and3A_205 : i32 to vector<16xi32>
      %and3A_207 = arith.andi %shift_right_arithmetic3A_204, %and3A_206 : vector<16xi32>
      %swap3A_208 = arith.constant 16 : index
      %swap3A_209 = tpu.vector_load %arg9[%swap3A_208] {strides = array<i32>} : memref<80xi32, #tpu.memory_space<vmem>>, vector<16xi32>,
      %swap3A_210 = vector.shape_cast %swap3A_209 : vector<16xi32> to vector<16xi32>
      %swap3A_211 = vector.shape_cast %and3A_207 : vector<16xi32> to vector<16xi32>
      tpu.vector_store %arg9[%swap3A_208], %swap3A_211 {strides = array<i32>} : memref<80xi32, #tpu.memory_space<vmem>>, vector<16xi32>,
      %get3A_212 = arith.index_cast %add3A_169 : i32 to index
      %get3A_213 = arith.constant 32 : index
      %get3A_214 = tpu.vector_load %arg5[%get3A_212, %get3A_213] {strides = array<i32>} : memref<125x80xi32, #tpu.memory_space<vmem>>, vector<1x16xi32>,
      %get3A_215 = vector.shape_cast %get3A_214 : vector<1x16xi32> to vector<16xi32>
      %and3A_216 = arith.constant 65535 : i32
      %and3A_217 = vector.broadcast %and3A_216 : i32 to vector<16xi32>
      %and3A_218 = arith.andi %get3A_215, %and3A_217 : vector<16xi32>
      %swap3A_219 = arith.constant 32 : index
      %swap3A_220 = tpu.vector_load %arg8[%swap3A_219] {strides = array<i32>} : memref<80xi32, #tpu.memory_space<vmem>>, vector<16xi32>,
      %swap3A_221 = vector.shape_cast %swap3A_220 : vector<16xi32> to vector<16xi32>
      %swap3A_222 = vector.shape_cast %and3A_218 : vector<16xi32> to vector<16xi32>
      tpu.vector_store %arg8[%swap3A_219], %swap3A_222 {strides = array<i32>} : memref<80xi32, #tpu.memory_space<vmem>>, vector<16xi32>,
      %shift_right_arithmetic3A_223 = arith.constant 16 : i32
      %shift_right_arithmetic3A_224 = vector.broadcast %shift_right_arithmetic3A_223 : i32 to vector<16xi32>
      %shift_right_arithmetic3A_225 = arith.shrsi %get3A_215, %shift_right_arithmetic3A_224 : vector<16xi32>
      %and3A_226 = arith.constant 16383 : i32
      %and3A_227 = vector.broadcast %and3A_226 : i32 to vector<16xi32>
      %and3A_228 = arith.andi %shift_right_arithmetic3A_225, %and3A_227 : vector<16xi32>
      %swap3A_229 = arith.constant 32 : index
      %swap3A_230 = tpu.vector_load %arg9[%swap3A_229] {strides = array<i32>} : memref<80xi32, #tpu.memory_space<vmem>>, vector<16xi32>,
      %swap3A_231 = vector.shape_cast %swap3A_230 : vector<16xi32> to vector<16xi32>
      %swap3A_232 = vector.shape_cast %and3A_228 : vector<16xi32> to vector<16xi32>
      tpu.vector_store %arg9[%swap3A_229], %swap3A_232 {strides = array<i32>} : memref<80xi32, #tpu.memory_space<vmem>>, vector<16xi32>,
      %get3A_233 = arith.index_cast %add3A_169 : i32 to index
      %get3A_234 = arith.constant 48 : index
      %get3A_235 = tpu.vector_load %arg5[%get3A_233, %get3A_234] {strides = array<i32>} : memref<125x80xi32, #tpu.memory_space<vmem>>, vector<1x16xi32>,
      %get3A_236 = vector.shape_cast %get3A_235 : vector<1x16xi32> to vector<16xi32>
      %and3A_237 = arith.constant 65535 : i32
      %and3A_238 = vector.broadcast %and3A_237 : i32 to vector<16xi32>
      %and3A_239 = arith.andi %get3A_236, %and3A_238 : vector<16xi32>
      %swap3A_240 = arith.constant 48 : index
      %swap3A_241 = tpu.vector_load %arg8[%swap3A_240] {strides = array<i32>} : memref<80xi32, #tpu.memory_space<vmem>>, vector<16xi32>,
      %swap3A_242 = vector.shape_cast %swap3A_241 : vector<16xi32> to vector<16xi32>
      %swap3A_243 = vector.shape_cast %and3A_239 : vector<16xi32> to vector<16xi32>
      tpu.vector_store %arg8[%swap3A_240], %swap3A_243 {strides = array<i32>} : memref<80xi32, #tpu.memory_space<vmem>>, vector<16xi32>,
      %shift_right_arithmetic3A_244 = arith.constant 16 : i32
      %shift_right_arithmetic3A_245 = vector.broadcast %shift_right_arithmetic3A_244 : i32 to vector<16xi32>
      %shift_right_arithmetic3A_246 = arith.shrsi %get3A_236, %shift_right_arithmetic3A_245 : vector<16xi32>
      %and3A_247 = arith.constant 16383 : i32
      %and3A_248 = vector.broadcast %and3A_247 : i32 to vector<16xi32>
      %and3A_249 = arith.andi %shift_right_arithmetic3A_246, %and3A_248 : vector<16xi32>
      %swap3A_250 = arith.constant 48 : index
      %swap3A_251 = tpu.vector_load %arg9[%swap3A_250] {strides = array<i32>} : memref<80xi32, #tpu.memory_space<vmem>>, vector<16xi32>,
      %swap3A_252 = vector.shape_cast %swap3A_251 : vector<16xi32> to vector<16xi32>
      %swap3A_253 = vector.shape_cast %and3A_249 : vector<16xi32> to vector<16xi32>
      tpu.vector_store %arg9[%swap3A_250], %swap3A_253 {strides = array<i32>} : memref<80xi32, #tpu.memory_space<vmem>>, vector<16xi32>,
      %get3A_254 = arith.index_cast %add3A_169 : i32 to index
      %get3A_255 = arith.constant 64 : index
      %get3A_256 = tpu.vector_load %arg5[%get3A_254, %get3A_255] {strides = array<i32>} : memref<125x80xi32, #tpu.memory_space<vmem>>, vector<1x16xi32>,
      %get3A_257 = vector.shape_cast %get3A_256 : vector<1x16xi32> to vector<16xi32>
      %and3A_258 = arith.constant 65535 : i32
      %and3A_259 = vector.broadcast %and3A_258 : i32 to vector<16xi32>
      %and3A_260 = arith.andi %get3A_257, %and3A_259 : vector<16xi32>
      %swap3A_261 = arith.constant 64 : index
      %swap3A_262 = tpu.vector_load %arg8[%swap3A_261] {strides = array<i32>} : memref<80xi32, #tpu.memory_space<vmem>>, vector<16xi32>,
      %swap3A_263 = vector.shape_cast %swap3A_262 : vector<16xi32> to vector<16xi32>
      %swap3A_264 = vector.shape_cast %and3A_260 : vector<16xi32> to vector<16xi32>
      tpu.vector_store %arg8[%swap3A_261], %swap3A_264 {strides = array<i32>} : memref<80xi32, #tpu.memory_space<vmem>>, vector<16xi32>,
      %shift_right_arithmetic3A_265 = arith.constant 16 : i32
      %shift_right_arithmetic3A_266 = vector.broadcast %shift_right_arithmetic3A_265 : i32 to vector<16xi32>
      %shift_right_arithmetic3A_267 = arith.shrsi %get3A_257, %shift_right_arithmetic3A_266 : vector<16xi32>
      %and3A_268 = arith.constant 16383 : i32
      %and3A_269 = vector.broadcast %and3A_268 : i32 to vector<16xi32>
      %and3A_270 = arith.andi %shift_right_arithmetic3A_267, %and3A_269 : vector<16xi32>
      %swap3A_271 = arith.constant 64 : index
      %swap3A_272 = tpu.vector_load %arg9[%swap3A_271] {strides = array<i32>} : memref<80xi32, #tpu.memory_space<vmem>>, vector<16xi32>,
      %swap3A_273 = vector.shape_cast %swap3A_272 : vector<16xi32> to vector<16xi32>
      %swap3A_274 = vector.shape_cast %and3A_270 : vector<16xi32> to vector<16xi32>
      tpu.vector_store %arg9[%swap3A_271], %swap3A_274 {strides = array<i32>} : memref<80xi32, #tpu.memory_space<vmem>>, vector<16xi32>,
      %dma_start3A_275 = arith.constant 0 : i32
      %dma_start3A_276 = arith.constant 0 : i32
      %dma_start3A_277 = tpu.memref_slice %arg2[%dma_start3A_275, %dma_start3A_276] : memref<40000x128xf32, #tpu.memory_space<hbm>> -> memref<40000x128xf32, #tpu.memory_space<hbm>>
      tpu.enqueue_indirect_dma source(%dma_start3A_277 : memref<40000x128xf32, #tpu.memory_space<hbm>>) target(%arg11 : memref<80x128xf32, #tpu.memory_space<vmem>>) offsets(%arg8 : memref<80xi32, #tpu.memory_space<vmem>>) semaphore(%arg14 : memref<!tpu.dma_semaphore, #tpu.memory_space<semaphore_mem>>)
      %dma_wait3A_278 = arith.constant 0 : i32
      %dma_wait3A_279 = arith.constant 0 : i32
      %dma_wait3A_280 = tpu.memref_slice %arg2[%dma_wait3A_278, %dma_wait3A_279] : memref<40000x128xf32, #tpu.memory_space<hbm>> -> memref<40000x128xf32, #tpu.memory_space<hbm>>
      tpu.wait_indirect_dma semaphore(%arg13 : memref<!tpu.dma_semaphore, #tpu.memory_space<semaphore_mem>>) src(%dma_wait3A_280 : memref<40000x128xf32, #tpu.memory_space<hbm>>) dst(%arg10 : memref<80x128xf32, #tpu.memory_space<vmem>>)
      "tpu.region"() ({
        %run_scoped3A = tpu.sem_alloc : memref<!tpu.dma_semaphore, #tpu.memory_space<semaphore_mem>>
        %dma_start3A_289 = arith.constant 0 : i32
        %dma_start3A_290 = arith.constant 0 : i32
        %dma_start3A_291 = tpu.memref_slice %arg12[%dma_start3A_289, %dma_start3A_290] : memref<10240x128xf32, #tpu.memory_space<vmem_shared>> -> memref<10240x128xf32, #tpu.memory_space<vmem_shared>>
        tpu.enqueue_indirect_dma source(%arg10 : memref<80x128xf32, #tpu.memory_space<vmem>>) target(%dma_start3A_291 : memref<10240x128xf32, #tpu.memory_space<vmem_shared>>) offsets(%arg7 : memref<80xi32, #tpu.memory_space<vmem>>) semaphore(%run_scoped3A : memref<!tpu.dma_semaphore, #tpu.memory_space<semaphore_mem>>) {add = true}
        %dma_wait3A_292 = arith.constant 0 : i32
        %dma_wait3A_293 = arith.constant 0 : i32
        %dma_wait3A_294 = tpu.memref_slice %arg12[%dma_wait3A_292, %dma_wait3A_293] : memref<10240x128xf32, #tpu.memory_space<vmem_shared>> -> memref<10240x128xf32, #tpu.memory_space<vmem_shared>>
        tpu.wait_indirect_dma semaphore(%run_scoped3A : memref<!tpu.dma_semaphore, #tpu.memory_space<semaphore_mem>>) src(%arg10 : memref<80x128xf32, #tpu.memory_space<vmem>>) dst(%dma_wait3A_294 : memref<10240x128xf32, #tpu.memory_space<vmem_shared>>)
        tpu.yield
      }) : () -> ()
      %add3A_281 = arith.constant 2 : i32
      %add3A_282 = arith.addi %mul3A_167, %add3A_281 : i32
      %lt3A = arith.constant 125 : i32
      %lt3A_283 = arith.cmpi slt, %add3A_282, %lt3A : i32
      %convert_element_type3A = arith.extui %lt3A_283 : i1 to i32
      %cond3A = arith.constant 0 : i32
      %cond3A_284 = arith.cmpi ne, %convert_element_type3A, %cond3A : i32
      scf.if %cond3A_284 {
        %add3A_289 = arith.constant 2 : i32
        %add3A_290 = arith.addi %mul3A_167, %add3A_289 : i32
        %get3A_291 = arith.index_cast %add3A_290 : i32 to index
        %get3A_292 = arith.constant 0 : index
        %get3A_293 = tpu.vector_load %arg5[%get3A_291, %get3A_292] {strides = array<i32>} : memref<125x80xi32, #tpu.memory_space<vmem>>, vector<1x16xi32>,
        %get3A_294 = vector.shape_cast %get3A_293 : vector<1x16xi32> to vector<16xi32>
        %and3A_295 = arith.constant 65535 : i32
        %and3A_296 = vector.broadcast %and3A_295 : i32 to vector<16xi32>
        %and3A_297 = arith.andi %get3A_294, %and3A_296 : vector<16xi32>
        %swap3A_298 = arith.constant 0 : index
        %swap3A_299 = tpu.vector_load %arg6[%swap3A_298] {strides = array<i32>} : memref<80xi32, #tpu.memory_space<vmem>>, vector<16xi32>,
        %swap3A_300 = vector.shape_cast %swap3A_299 : vector<16xi32> to vector<16xi32>
        %swap3A_301 = vector.shape_cast %and3A_297 : vector<16xi32> to vector<16xi32>
        tpu.vector_store %arg6[%swap3A_298], %swap3A_301 {strides = array<i32>} : memref<80xi32, #tpu.memory_space<vmem>>, vector<16xi32>,
        %shift_right_arithmetic3A_302 = arith.constant 16 : i32
        %shift_right_arithmetic3A_303 = vector.broadcast %shift_right_arithmetic3A_302 : i32 to vector<16xi32>
        %shift_right_arithmetic3A_304 = arith.shrsi %get3A_294, %shift_right_arithmetic3A_303 : vector<16xi32>
        %and3A_305 = arith.constant 16383 : i32
        %and3A_306 = vector.broadcast %and3A_305 : i32 to vector<16xi32>
        %and3A_307 = arith.andi %shift_right_arithmetic3A_304, %and3A_306 : vector<16xi32>
        %swap3A_308 = arith.constant 0 : index
        %swap3A_309 = tpu.vector_load %arg7[%swap3A_308] {strides = array<i32>} : memref<80xi32, #tpu.memory_space<vmem>>, vector<16xi32>,
        %swap3A_310 = vector.shape_cast %swap3A_309 : vector<16xi32> to vector<16xi32>
        %swap3A_311 = vector.shape_cast %and3A_307 : vector<16xi32> to vector<16xi32>
        tpu.vector_store %arg7[%swap3A_308], %swap3A_311 {strides = array<i32>} : memref<80xi32, #tpu.memory_space<vmem>>, vector<16xi32>,
        %get3A_312 = arith.index_cast %add3A_290 : i32 to index
        %get3A_313 = arith.constant 16 : index
        %get3A_314 = tpu.vector_load %arg5[%get3A_312, %get3A_313] {strides = array<i32>} : memref<125x80xi32, #tpu.memory_space<vmem>>, vector<1x16xi32>,
        %get3A_315 = vector.shape_cast %get3A_314 : vector<1x16xi32> to vector<16xi32>
        %and3A_316 = arith.constant 65535 : i32
        %and3A_317 = vector.broadcast %and3A_316 : i32 to vector<16xi32>
        %and3A_318 = arith.andi %get3A_315, %and3A_317 : vector<16xi32>
        %swap3A_319 = arith.constant 16 : index
        %swap3A_320 = tpu.vector_load %arg6[%swap3A_319] {strides = array<i32>} : memref<80xi32, #tpu.memory_space<vmem>>, vector<16xi32>,
        %swap3A_321 = vector.shape_cast %swap3A_320 : vector<16xi32> to vector<16xi32>
        %swap3A_322 = vector.shape_cast %and3A_318 : vector<16xi32> to vector<16xi32>
        tpu.vector_store %arg6[%swap3A_319], %swap3A_322 {strides = array<i32>} : memref<80xi32, #tpu.memory_space<vmem>>, vector<16xi32>,
        %shift_right_arithmetic3A_323 = arith.constant 16 : i32
        %shift_right_arithmetic3A_324 = vector.broadcast %shift_right_arithmetic3A_323 : i32 to vector<16xi32>
        %shift_right_arithmetic3A_325 = arith.shrsi %get3A_315, %shift_right_arithmetic3A_324 : vector<16xi32>
        %and3A_326 = arith.constant 16383 : i32
        %and3A_327 = vector.broadcast %and3A_326 : i32 to vector<16xi32>
        %and3A_328 = arith.andi %shift_right_arithmetic3A_325, %and3A_327 : vector<16xi32>
        %swap3A_329 = arith.constant 16 : index
        %swap3A_330 = tpu.vector_load %arg7[%swap3A_329] {strides = array<i32>} : memref<80xi32, #tpu.memory_space<vmem>>, vector<16xi32>,
        %swap3A_331 = vector.shape_cast %swap3A_330 : vector<16xi32> to vector<16xi32>
        %swap3A_332 = vector.shape_cast %and3A_328 : vector<16xi32> to vector<16xi32>
        tpu.vector_store %arg7[%swap3A_329], %swap3A_332 {strides = array<i32>} : memref<80xi32, #tpu.memory_space<vmem>>, vector<16xi32>,
        %get3A_333 = arith.index_cast %add3A_290 : i32 to index
        %get3A_334 = arith.constant 32 : index
        %get3A_335 = tpu.vector_load %arg5[%get3A_333, %get3A_334] {strides = array<i32>} : memref<125x80xi32, #tpu.memory_space<vmem>>, vector<1x16xi32>,
        %get3A_336 = vector.shape_cast %get3A_335 : vector<1x16xi32> to vector<16xi32>
        %and3A_337 = arith.constant 65535 : i32
        %and3A_338 = vector.broadcast %and3A_337 : i32 to vector<16xi32>
        %and3A_339 = arith.andi %get3A_336, %and3A_338 : vector<16xi32>
        %swap3A_340 = arith.constant 32 : index
        %swap3A_341 = tpu.vector_load %arg6[%swap3A_340] {strides = array<i32>} : memref<80xi32, #tpu.memory_space<vmem>>, vector<16xi32>,
        %swap3A_342 = vector.shape_cast %swap3A_341 : vector<16xi32> to vector<16xi32>
        %swap3A_343 = vector.shape_cast %and3A_339 : vector<16xi32> to vector<16xi32>
        tpu.vector_store %arg6[%swap3A_340], %swap3A_343 {strides = array<i32>} : memref<80xi32, #tpu.memory_space<vmem>>, vector<16xi32>,
        %shift_right_arithmetic3A_344 = arith.constant 16 : i32
        %shift_right_arithmetic3A_345 = vector.broadcast %shift_right_arithmetic3A_344 : i32 to vector<16xi32>
        %shift_right_arithmetic3A_346 = arith.shrsi %get3A_336, %shift_right_arithmetic3A_345 : vector<16xi32>
        %and3A_347 = arith.constant 16383 : i32
        %and3A_348 = vector.broadcast %and3A_347 : i32 to vector<16xi32>
        %and3A_349 = arith.andi %shift_right_arithmetic3A_346, %and3A_348 : vector<16xi32>
        %swap3A_350 = arith.constant 32 : index
        %swap3A_351 = tpu.vector_load %arg7[%swap3A_350] {strides = array<i32>} : memref<80xi32, #tpu.memory_space<vmem>>, vector<16xi32>,
        %swap3A_352 = vector.shape_cast %swap3A_351 : vector<16xi32> to vector<16xi32>
        %swap3A_353 = vector.shape_cast %and3A_349 : vector<16xi32> to vector<16xi32>
        tpu.vector_store %arg7[%swap3A_350], %swap3A_353 {strides = array<i32>} : memref<80xi32, #tpu.memory_space<vmem>>, vector<16xi32>,
        %get3A_354 = arith.index_cast %add3A_290 : i32 to index
        %get3A_355 = arith.constant 48 : index
        %get3A_356 = tpu.vector_load %arg5[%get3A_354, %get3A_355] {strides = array<i32>} : memref<125x80xi32, #tpu.memory_space<vmem>>, vector<1x16xi32>,
        %get3A_357 = vector.shape_cast %get3A_356 : vector<1x16xi32> to vector<16xi32>
        %and3A_358 = arith.constant 65535 : i32
        %and3A_359 = vector.broadcast %and3A_358 : i32 to vector<16xi32>
        %and3A_360 = arith.andi %get3A_357, %and3A_359 : vector<16xi32>
        %swap3A_361 = arith.constant 48 : index
        %swap3A_362 = tpu.vector_load %arg6[%swap3A_361] {strides = array<i32>} : memref<80xi32, #tpu.memory_space<vmem>>, vector<16xi32>,
        %swap3A_363 = vector.shape_cast %swap3A_362 : vector<16xi32> to vector<16xi32>
        %swap3A_364 = vector.shape_cast %and3A_360 : vector<16xi32> to vector<16xi32>
        tpu.vector_store %arg6[%swap3A_361], %swap3A_364 {strides = array<i32>} : memref<80xi32, #tpu.memory_space<vmem>>, vector<16xi32>,
        %shift_right_arithmetic3A_365 = arith.constant 16 : i32
        %shift_right_arithmetic3A_366 = vector.broadcast %shift_right_arithmetic3A_365 : i32 to vector<16xi32>
        %shift_right_arithmetic3A_367 = arith.shrsi %get3A_357, %shift_right_arithmetic3A_366 : vector<16xi32>
        %and3A_368 = arith.constant 16383 : i32
        %and3A_369 = vector.broadcast %and3A_368 : i32 to vector<16xi32>
        %and3A_370 = arith.andi %shift_right_arithmetic3A_367, %and3A_369 : vector<16xi32>
        %swap3A_371 = arith.constant 48 : index
        %swap3A_372 = tpu.vector_load %arg7[%swap3A_371] {strides = array<i32>} : memref<80xi32, #tpu.memory_space<vmem>>, vector<16xi32>,
        %swap3A_373 = vector.shape_cast %swap3A_372 : vector<16xi32> to vector<16xi32>
        %swap3A_374 = vector.shape_cast %and3A_370 : vector<16xi32> to vector<16xi32>
        tpu.vector_store %arg7[%swap3A_371], %swap3A_374 {strides = array<i32>} : memref<80xi32, #tpu.memory_space<vmem>>, vector<16xi32>,
        %get3A_375 = arith.index_cast %add3A_290 : i32 to index
        %get3A_376 = arith.constant 64 : index
        %get3A_377 = tpu.vector_load %arg5[%get3A_375, %get3A_376] {strides = array<i32>} : memref<125x80xi32, #tpu.memory_space<vmem>>, vector<1x16xi32>,
        %get3A_378 = vector.shape_cast %get3A_377 : vector<1x16xi32> to vector<16xi32>
        %and3A_379 = arith.constant 65535 : i32
        %and3A_380 = vector.broadcast %and3A_379 : i32 to vector<16xi32>
        %and3A_381 = arith.andi %get3A_378, %and3A_380 : vector<16xi32>
        %swap3A_382 = arith.constant 64 : index
        %swap3A_383 = tpu.vector_load %arg6[%swap3A_382] {strides = array<i32>} : memref<80xi32, #tpu.memory_space<vmem>>, vector<16xi32>,
        %swap3A_384 = vector.shape_cast %swap3A_383 : vector<16xi32> to vector<16xi32>
        %swap3A_385 = vector.shape_cast %and3A_381 : vector<16xi32> to vector<16xi32>
        tpu.vector_store %arg6[%swap3A_382], %swap3A_385 {strides = array<i32>} : memref<80xi32, #tpu.memory_space<vmem>>, vector<16xi32>,
        %shift_right_arithmetic3A_386 = arith.constant 16 : i32
        %shift_right_arithmetic3A_387 = vector.broadcast %shift_right_arithmetic3A_386 : i32 to vector<16xi32>
        %shift_right_arithmetic3A_388 = arith.shrsi %get3A_378, %shift_right_arithmetic3A_387 : vector<16xi32>
        %and3A_389 = arith.constant 16383 : i32
        %and3A_390 = vector.broadcast %and3A_389 : i32 to vector<16xi32>
        %and3A_391 = arith.andi %shift_right_arithmetic3A_388, %and3A_390 : vector<16xi32>
        %swap3A_392 = arith.constant 64 : index
        %swap3A_393 = tpu.vector_load %arg7[%swap3A_392] {strides = array<i32>} : memref<80xi32, #tpu.memory_space<vmem>>, vector<16xi32>,
        %swap3A_394 = vector.shape_cast %swap3A_393 : vector<16xi32> to vector<16xi32>
        %swap3A_395 = vector.shape_cast %and3A_391 : vector<16xi32> to vector<16xi32>
        tpu.vector_store %arg7[%swap3A_392], %swap3A_395 {strides = array<i32>} : memref<80xi32, #tpu.memory_space<vmem>>, vector<16xi32>,
        %dma_start3A_396 = arith.constant 0 : i32
        %dma_start3A_397 = arith.constant 0 : i32
        %dma_start3A_398 = tpu.memref_slice %arg2[%dma_start3A_396, %dma_start3A_397] : memref<40000x128xf32, #tpu.memory_space<hbm>> -> memref<40000x128xf32, #tpu.memory_space<hbm>>
        tpu.enqueue_indirect_dma source(%dma_start3A_398 : memref<40000x128xf32, #tpu.memory_space<hbm>>) target(%arg10 : memref<80x128xf32, #tpu.memory_space<vmem>>) offsets(%arg6 : memref<80xi32, #tpu.memory_space<vmem>>) semaphore(%arg13 : memref<!tpu.dma_semaphore, #tpu.memory_space<semaphore_mem>>)
      } else {
      }
      %dma_wait3A_285 = arith.constant 0 : i32
      %dma_wait3A_286 = arith.constant 0 : i32
      %dma_wait3A_287 = tpu.memref_slice %arg2[%dma_wait3A_285, %dma_wait3A_286] : memref<40000x128xf32, #tpu.memory_space<hbm>> -> memref<40000x128xf32, #tpu.memory_space<hbm>>
      tpu.wait_indirect_dma semaphore(%arg14 : memref<!tpu.dma_semaphore, #tpu.memory_space<semaphore_mem>>) src(%dma_wait3A_287 : memref<40000x128xf32, #tpu.memory_space<hbm>>) dst(%arg11 : memref<80x128xf32, #tpu.memory_space<vmem>>)
      "tpu.region"() ({
        %run_scoped3A = tpu.sem_alloc : memref<!tpu.dma_semaphore, #tpu.memory_space<semaphore_mem>>
        %dma_start3A_289 = arith.constant 0 : i32
        %dma_start3A_290 = arith.constant 0 : i32
        %dma_start3A_291 = tpu.memref_slice %arg12[%dma_start3A_289, %dma_start3A_290] : memref<10240x128xf32, #tpu.memory_space<vmem_shared>> -> memref<10240x128xf32, #tpu.memory_space<vmem_shared>>
        tpu.enqueue_indirect_dma source(%arg11 : memref<80x128xf32, #tpu.memory_space<vmem>>) target(%dma_start3A_291 : memref<10240x128xf32, #tpu.memory_space<vmem_shared>>) offsets(%arg9 : memref<80xi32, #tpu.memory_space<vmem>>) semaphore(%run_scoped3A : memref<!tpu.dma_semaphore, #tpu.memory_space<semaphore_mem>>) {add = true}
        %dma_wait3A_292 = arith.constant 0 : i32
        %dma_wait3A_293 = arith.constant 0 : i32
        %dma_wait3A_294 = tpu.memref_slice %arg12[%dma_wait3A_292, %dma_wait3A_293] : memref<10240x128xf32, #tpu.memory_space<vmem_shared>> -> memref<10240x128xf32, #tpu.memory_space<vmem_shared>>
        tpu.wait_indirect_dma semaphore(%run_scoped3A : memref<!tpu.dma_semaphore, #tpu.memory_space<semaphore_mem>>) src(%arg11 : memref<80x128xf32, #tpu.memory_space<vmem>>) dst(%dma_wait3A_294 : memref<10240x128xf32, #tpu.memory_space<vmem_shared>>)
        tpu.yield
      }) : () -> ()
      %scan3A_288 = arith.constant 0 : i32
      scf.yield %scan3A_288 : i32
    }
    %scan3A_153 = arith.constant 62 : i32
    %dma_wait3A = arith.constant 0 : i32
    %dma_wait3A_154 = arith.constant 0 : i32
    %dma_wait3A_155 = tpu.memref_slice %arg2[%dma_wait3A, %dma_wait3A_154] : memref<40000x128xf32, #tpu.memory_space<hbm>> -> memref<40000x128xf32, #tpu.memory_space<hbm>>
    tpu.wait_indirect_dma semaphore(%arg13 : memref<!tpu.dma_semaphore, #tpu.memory_space<semaphore_mem>>) src(%dma_wait3A_155 : memref<40000x128xf32, #tpu.memory_space<hbm>>) dst(%arg10 : memref<80x128xf32, #tpu.memory_space<vmem>>)
    "tpu.region"() ({
      %run_scoped3A = tpu.sem_alloc : memref<!tpu.dma_semaphore, #tpu.memory_space<semaphore_mem>>
      %dma_start3A_164 = arith.constant 0 : i32
      %dma_start3A_165 = arith.constant 0 : i32
      %dma_start3A_166 = tpu.memref_slice %arg12[%dma_start3A_164, %dma_start3A_165] : memref<10240x128xf32, #tpu.memory_space<vmem_shared>> -> memref<10240x128xf32, #tpu.memory_space<vmem_shared>>
      tpu.enqueue_indirect_dma source(%arg10 : memref<80x128xf32, #tpu.memory_space<vmem>>) target(%dma_start3A_166 : memref<10240x128xf32, #tpu.memory_space<vmem_shared>>) offsets(%arg7 : memref<80xi32, #tpu.memory_space<vmem>>) semaphore(%run_scoped3A : memref<!tpu.dma_semaphore, #tpu.memory_space<semaphore_mem>>) {add = true}
      %dma_wait3A_167 = arith.constant 0 : i32
      %dma_wait3A_168 = arith.constant 0 : i32
      %dma_wait3A_169 = tpu.memref_slice %arg12[%dma_wait3A_167, %dma_wait3A_168] : memref<10240x128xf32, #tpu.memory_space<vmem_shared>> -> memref<10240x128xf32, #tpu.memory_space<vmem_shared>>
      tpu.wait_indirect_dma semaphore(%run_scoped3A : memref<!tpu.dma_semaphore, #tpu.memory_space<semaphore_mem>>) src(%arg10 : memref<80x128xf32, #tpu.memory_space<vmem>>) dst(%dma_wait3A_169 : memref<10240x128xf32, #tpu.memory_space<vmem_shared>>)
      tpu.yield
    }) : () -> ()
    %barrier3A_156 = arith.constant 0 : index
    tpu.barrier barrier_id(%barrier3A_156)
    %mul3A_157 = arith.constant 640 : i32
    %mul3A_158 = arith.muli %arg1, %mul3A_157 : i32
    %mul3A_159 = arith.constant 10240 : i32
    %mul3A_160 = arith.muli %arg0, %mul3A_159 : i32
    %mul3A_161 = arith.constant 640 : i32
    %mul3A_162 = arith.muli %arg1, %mul3A_161 : i32
    %add3A_163 = arith.addi %mul3A_160, %mul3A_162 : i32
    "tpu.region"() ({
      %run_scoped3A = tpu.sem_alloc : memref<!tpu.dma_semaphore, #tpu.memory_space<semaphore_mem>>
      %dma_start3A_164 = arith.constant 0 : i32
      %dma_start3A_165 = tpu.memref_slice %arg4[%add3A_163, %dma_start3A_164] : memref<20480x128xf32, #tpu.memory_space<hbm>> -> memref<640x128xf32, #tpu.memory_space<hbm>>
      %dma_start3A_166 = arith.constant 0 : i32
      %dma_start3A_167 = tpu.memref_slice %arg12[%mul3A_158, %dma_start3A_166] : memref<10240x128xf32, #tpu.memory_space<vmem_shared>> -> memref<640x128xf32, #tpu.memory_space<vmem_shared>>
      tpu.enqueue_dma source(%dma_start3A_167 : memref<640x128xf32, #tpu.memory_space<vmem_shared>>) target(%dma_start3A_165 : memref<640x128xf32, #tpu.memory_space<hbm>>) target_semaphore(%run_scoped3A : memref<!tpu.dma_semaphore, #tpu.memory_space<semaphore_mem>>)
      %dma_wait3A_168 = arith.constant 0 : i32
      %dma_wait3A_169 = tpu.memref_slice %arg4[%add3A_163, %dma_wait3A_168] : memref<20480x128xf32, #tpu.memory_space<hbm>> -> memref<640x128xf32, #tpu.memory_space<hbm>>
      %dma_wait3A_170 = arith.constant 0 : i32
      %dma_wait3A_171 = tpu.memref_slice %arg12[%mul3A_158, %dma_wait3A_170] : memref<10240x128xf32, #tpu.memory_space<vmem_shared>> -> memref<640x128xf32, #tpu.memory_space<vmem_shared>>
      tpu.wait_dma2 semaphore(%run_scoped3A : memref<!tpu.dma_semaphore, #tpu.memory_space<semaphore_mem>>) src(%dma_wait3A_171 : memref<640x128xf32, #tpu.memory_space<vmem_shared>>) dst(%dma_wait3A_169 : memref<640x128xf32, #tpu.memory_space<hbm>>)
      tpu.yield
    }) : () -> ()
    return
  }
}

#map = affine_map<(d0, d1) -> (0, 0)>
#map1 = affine_map<(d0, d1) -> (0, 0, 0)>
module attributes {stable_mosaic.version = 14 : i64} {
  func.func @_edge_body(%arg0: i32, %arg1: i32, %arg2: memref<40000x128xf32, #tpu.memory_space<hbm>>, %arg3: memref<32x125x80xi32, #tpu.memory_space<hbm>>, %arg4: memref<20480x128xf32, #tpu.memory_space<hbm>>, %arg5: memref<125x80xi32, #tpu.memory_space<vmem>>, %arg6: memref<80xi32, #tpu.memory_space<vmem>>, %arg7: memref<80xi32, #tpu.memory_space<vmem>>, %arg8: memref<80xi32, #tpu.memory_space<vmem>>, %arg9: memref<80xi32, #tpu.memory_space<vmem>>, %arg10: memref<80x128xf32, #tpu.memory_space<vmem>>, %arg11: memref<80x128xf32, #tpu.memory_space<vmem>>, %arg12: memref<10240x128xf32, #tpu.memory_space<vmem_shared>>, %arg13: memref<!tpu.dma_semaphore, #tpu.memory_space<semaphore_mem>>, %arg14: memref<!tpu.dma_semaphore, #tpu.memory_space<semaphore_mem>>) attributes {dimension_semantics = [#tpu.dimension_semantics<core_parallel>, #tpu.dimension_semantics<subcore_parallel>], iteration_bounds = array<i64: 2, 16>, scalar_prefetch = 0 : i64, scratch_operands = 10 : i64, tpu.core_type = #tpu.core_type<sc_vector_subcore>, window_params = [{transform_indices = #map}, {transform_indices = #map1}, {transform_indices = #map}]} {
    %mul3A = arith.constant 2 : i32
    %mul3A_0 = arith.muli %arg1, %mul3A : i32
    %add3A = arith.addi %mul3A_0, %arg0 : i32
    %scan3A = arith.constant 0 : i32
    %scan3A_1 = arith.constant 0 : i32
    %scan3A_2 = arith.constant 80 : i32
    %scan3A_3 = arith.addi %scan3A_1, %scan3A_2 : i32
    %scan3A_4 = arith.constant 1 : i32
    %scan3A_5 = scf.for %scan3A_164 = %scan3A_1 to %scan3A_3 step %scan3A_4 iter_args(%scan3A_165 = %scan3A) -> (i32)  : i32 {
      %broadcast_in_dim3A = arith.constant 0.000000e+00 : f32
      %broadcast_in_dim3A_166 = vector.broadcast %broadcast_in_dim3A : f32 to vector<16xf32>
      %swap3A_167 = arith.index_cast %scan3A_164 : i32 to index
      %swap3A_168 = arith.constant 0 : index
      %swap3A_169 = tpu.vector_load %arg10[%swap3A_167, %swap3A_168] {strides = array<i32>} : memref<80x128xf32, #tpu.memory_space<vmem>>, vector<1x16xf32>,
      %swap3A_170 = vector.shape_cast %swap3A_169 : vector<1x16xf32> to vector<16xf32>
      %swap3A_171 = vector.shape_cast %broadcast_in_dim3A_166 : vector<16xf32> to vector<1x16xf32>
      tpu.vector_store %arg10[%swap3A_167, %swap3A_168], %swap3A_171 {strides = array<i32>} : memref<80x128xf32, #tpu.memory_space<vmem>>, vector<1x16xf32>,
      %broadcast_in_dim3A_172 = arith.constant 0.000000e+00 : f32
      %broadcast_in_dim3A_173 = vector.broadcast %broadcast_in_dim3A_172 : f32 to vector<16xf32>
      %swap3A_174 = arith.index_cast %scan3A_164 : i32 to index
      %swap3A_175 = arith.constant 16 : index
      %swap3A_176 = tpu.vector_load %arg10[%swap3A_174, %swap3A_175] {strides = array<i32>} : memref<80x128xf32, #tpu.memory_space<vmem>>, vector<1x16xf32>,
      %swap3A_177 = vector.shape_cast %swap3A_176 : vector<1x16xf32> to vector<16xf32>
      %swap3A_178 = vector.shape_cast %broadcast_in_dim3A_173 : vector<16xf32> to vector<1x16xf32>
      tpu.vector_store %arg10[%swap3A_174, %swap3A_175], %swap3A_178 {strides = array<i32>} : memref<80x128xf32, #tpu.memory_space<vmem>>, vector<1x16xf32>,
      %broadcast_in_dim3A_179 = arith.constant 0.000000e+00 : f32
      %broadcast_in_dim3A_180 = vector.broadcast %broadcast_in_dim3A_179 : f32 to vector<16xf32>
      %swap3A_181 = arith.index_cast %scan3A_164 : i32 to index
      %swap3A_182 = arith.constant 32 : index
      %swap3A_183 = tpu.vector_load %arg10[%swap3A_181, %swap3A_182] {strides = array<i32>} : memref<80x128xf32, #tpu.memory_space<vmem>>, vector<1x16xf32>,
      %swap3A_184 = vector.shape_cast %swap3A_183 : vector<1x16xf32> to vector<16xf32>
      %swap3A_185 = vector.shape_cast %broadcast_in_dim3A_180 : vector<16xf32> to vector<1x16xf32>
      tpu.vector_store %arg10[%swap3A_181, %swap3A_182], %swap3A_185 {strides = array<i32>} : memref<80x128xf32, #tpu.memory_space<vmem>>, vector<1x16xf32>,
      %broadcast_in_dim3A_186 = arith.constant 0.000000e+00 : f32
      %broadcast_in_dim3A_187 = vector.broadcast %broadcast_in_dim3A_186 : f32 to vector<16xf32>
      %swap3A_188 = arith.index_cast %scan3A_164 : i32 to index
      %swap3A_189 = arith.constant 48 : index
      %swap3A_190 = tpu.vector_load %arg10[%swap3A_188, %swap3A_189] {strides = array<i32>} : memref<80x128xf32, #tpu.memory_space<vmem>>, vector<1x16xf32>,
      %swap3A_191 = vector.shape_cast %swap3A_190 : vector<1x16xf32> to vector<16xf32>
      %swap3A_192 = vector.shape_cast %broadcast_in_dim3A_187 : vector<16xf32> to vector<1x16xf32>
      tpu.vector_store %arg10[%swap3A_188, %swap3A_189], %swap3A_192 {strides = array<i32>} : memref<80x128xf32, #tpu.memory_space<vmem>>, vector<1x16xf32>,
      %broadcast_in_dim3A_193 = arith.constant 0.000000e+00 : f32
      %broadcast_in_dim3A_194 = vector.broadcast %broadcast_in_dim3A_193 : f32 to vector<16xf32>
      %swap3A_195 = arith.index_cast %scan3A_164 : i32 to index
      %swap3A_196 = arith.constant 64 : index
      %swap3A_197 = tpu.vector_load %arg10[%swap3A_195, %swap3A_196] {strides = array<i32>} : memref<80x128xf32, #tpu.memory_space<vmem>>, vector<1x16xf32>,
      %swap3A_198 = vector.shape_cast %swap3A_197 : vector<1x16xf32> to vector<16xf32>
      %swap3A_199 = vector.shape_cast %broadcast_in_dim3A_194 : vector<16xf32> to vector<1x16xf32>
      tpu.vector_store %arg10[%swap3A_195, %swap3A_196], %swap3A_199 {strides = array<i32>} : memref<80x128xf32, #tpu.memory_space<vmem>>, vector<1x16xf32>,
      %broadcast_in_dim3A_200 = arith.constant 0.000000e+00 : f32
      %broadcast_in_dim3A_201 = vector.broadcast %broadcast_in_dim3A_200 : f32 to vector<16xf32>
      %swap3A_202 = arith.index_cast %scan3A_164 : i32 to index
      %swap3A_203 = arith.constant 80 : index
      %swap3A_204 = tpu.vector_load %arg10[%swap3A_202, %swap3A_203] {strides = array<i32>} : memref<80x128xf32, #tpu.memory_space<vmem>>, vector<1x16xf32>,
      %swap3A_205 = vector.shape_cast %swap3A_204 : vector<1x16xf32> to vector<16xf32>
      %swap3A_206 = vector.shape_cast %broadcast_in_dim3A_201 : vector<16xf32> to vector<1x16xf32>
      tpu.vector_store %arg10[%swap3A_202, %swap3A_203], %swap3A_206 {strides = array<i32>} : memref<80x128xf32, #tpu.memory_space<vmem>>, vector<1x16xf32>,
      %broadcast_in_dim3A_207 = arith.constant 0.000000e+00 : f32
      %broadcast_in_dim3A_208 = vector.broadcast %broadcast_in_dim3A_207 : f32 to vector<16xf32>
      %swap3A_209 = arith.index_cast %scan3A_164 : i32 to index
      %swap3A_210 = arith.constant 96 : index
      %swap3A_211 = tpu.vector_load %arg10[%swap3A_209, %swap3A_210] {strides = array<i32>} : memref<80x128xf32, #tpu.memory_space<vmem>>, vector<1x16xf32>,
      %swap3A_212 = vector.shape_cast %swap3A_211 : vector<1x16xf32> to vector<16xf32>
      %swap3A_213 = vector.shape_cast %broadcast_in_dim3A_208 : vector<16xf32> to vector<1x16xf32>
      tpu.vector_store %arg10[%swap3A_209, %swap3A_210], %swap3A_213 {strides = array<i32>} : memref<80x128xf32, #tpu.memory_space<vmem>>, vector<1x16xf32>,
      %broadcast_in_dim3A_214 = arith.constant 0.000000e+00 : f32
      %broadcast_in_dim3A_215 = vector.broadcast %broadcast_in_dim3A_214 : f32 to vector<16xf32>
      %swap3A_216 = arith.index_cast %scan3A_164 : i32 to index
      %swap3A_217 = arith.constant 112 : index
      %swap3A_218 = tpu.vector_load %arg10[%swap3A_216, %swap3A_217] {strides = array<i32>} : memref<80x128xf32, #tpu.memory_space<vmem>>, vector<1x16xf32>,
      %swap3A_219 = vector.shape_cast %swap3A_218 : vector<1x16xf32> to vector<16xf32>
      %swap3A_220 = vector.shape_cast %broadcast_in_dim3A_215 : vector<16xf32> to vector<1x16xf32>
      tpu.vector_store %arg10[%swap3A_216, %swap3A_217], %swap3A_220 {strides = array<i32>} : memref<80x128xf32, #tpu.memory_space<vmem>>, vector<1x16xf32>,
      %scan3A_221 = arith.constant 0 : i32
      scf.yield %scan3A_221 : i32
    }
    %scan3A_6 = arith.constant 80 : i32
    %mul3A_7 = arith.constant 640 : i32
    %mul3A_8 = arith.muli %arg1, %mul3A_7 : i32
    %add3A_9 = arith.constant 0 : i32
    %add3A_10 = arith.addi %mul3A_8, %add3A_9 : i32
    "tpu.region"() ({
      %run_scoped3A = tpu.sem_alloc : memref<!tpu.dma_semaphore, #tpu.memory_space<semaphore_mem>>
      %dma_start3A_164 = arith.constant 0 : i32
      %dma_start3A_165 = arith.constant 0 : i32
      %dma_start3A_166 = tpu.memref_slice %arg10[%dma_start3A_164, %dma_start3A_165] : memref<80x128xf32, #tpu.memory_space<vmem>> -> memref<80x128xf32, #tpu.memory_space<vmem>>
      %dma_start3A_167 = arith.constant 0 : i32
      %dma_start3A_168 = tpu.memref_slice %arg12[%add3A_10, %dma_start3A_167] : memref<10240x128xf32, #tpu.memory_space<vmem_shared>> -> memref<80x128xf32, #tpu.memory_space<vmem_shared>>
      %dma_start3A_169 = arith.constant 0 : i32
      %dma_start3A_170 = tpu.memref_slice %arg12[%add3A_10, %dma_start3A_169] : memref<10240x128xf32, #tpu.memory_space<vmem_shared>> -> memref<80x128xf32, #tpu.memory_space<vmem_shared>>
      %dma_start3A_171 = arith.constant 0 : i32
      %dma_start3A_172 = arith.constant 0 : i32
      %dma_start3A_173 = tpu.memref_slice %arg10[%dma_start3A_171, %dma_start3A_172] : memref<80x128xf32, #tpu.memory_space<vmem>> -> memref<80x128xf32, #tpu.memory_space<vmem>>
      tpu.enqueue_dma source(%dma_start3A_173 : memref<80x128xf32, #tpu.memory_space<vmem>>) target(%dma_start3A_170 : memref<80x128xf32, #tpu.memory_space<vmem_shared>>) target_semaphore(%run_scoped3A : memref<!tpu.dma_semaphore, #tpu.memory_space<semaphore_mem>>)
      %dma_wait3A_174 = arith.constant 0 : i32
      %dma_wait3A_175 = arith.constant 0 : i32
      %dma_wait3A_176 = tpu.memref_slice %arg10[%dma_wait3A_174, %dma_wait3A_175] : memref<80x128xf32, #tpu.memory_space<vmem>> -> memref<80x128xf32, #tpu.memory_space<vmem>>
      %dma_wait3A_177 = arith.constant 0 : i32
      %dma_wait3A_178 = tpu.memref_slice %arg12[%add3A_10, %dma_wait3A_177] : memref<10240x128xf32, #tpu.memory_space<vmem_shared>> -> memref<80x128xf32, #tpu.memory_space<vmem_shared>>
      %dma_wait3A_179 = arith.constant 0 : i32
      %dma_wait3A_180 = tpu.memref_slice %arg12[%add3A_10, %dma_wait3A_179] : memref<10240x128xf32, #tpu.memory_space<vmem_shared>> -> memref<80x128xf32, #tpu.memory_space<vmem_shared>>
      %dma_wait3A_181 = arith.constant 0 : i32
      %dma_wait3A_182 = arith.constant 0 : i32
      %dma_wait3A_183 = tpu.memref_slice %arg10[%dma_wait3A_181, %dma_wait3A_182] : memref<80x128xf32, #tpu.memory_space<vmem>> -> memref<80x128xf32, #tpu.memory_space<vmem>>
      tpu.wait_dma2 semaphore(%run_scoped3A : memref<!tpu.dma_semaphore, #tpu.memory_space<semaphore_mem>>) src(%dma_wait3A_183 : memref<80x128xf32, #tpu.memory_space<vmem>>) dst(%dma_wait3A_180 : memref<80x128xf32, #tpu.memory_space<vmem_shared>>)
      tpu.yield
    }) : () -> ()
    %mul3A_11 = arith.constant 640 : i32
    %mul3A_12 = arith.muli %arg1, %mul3A_11 : i32
    %add3A_13 = arith.constant 80 : i32
    %add3A_14 = arith.addi %mul3A_12, %add3A_13 : i32
    "tpu.region"() ({
      %run_scoped3A = tpu.sem_alloc : memref<!tpu.dma_semaphore, #tpu.memory_space<semaphore_mem>>
      %dma_start3A_164 = arith.constant 0 : i32
      %dma_start3A_165 = arith.constant 0 : i32
      %dma_start3A_166 = tpu.memref_slice %arg10[%dma_start3A_164, %dma_start3A_165] : memref<80x128xf32, #tpu.memory_space<vmem>> -> memref<80x128xf32, #tpu.memory_space<vmem>>
      %dma_start3A_167 = arith.constant 0 : i32
      %dma_start3A_168 = tpu.memref_slice %arg12[%add3A_14, %dma_start3A_167] : memref<10240x128xf32, #tpu.memory_space<vmem_shared>> -> memref<80x128xf32, #tpu.memory_space<vmem_shared>>
      %dma_start3A_169 = arith.constant 0 : i32
      %dma_start3A_170 = tpu.memref_slice %arg12[%add3A_14, %dma_start3A_169] : memref<10240x128xf32, #tpu.memory_space<vmem_shared>> -> memref<80x128xf32, #tpu.memory_space<vmem_shared>>
      %dma_start3A_171 = arith.constant 0 : i32
      %dma_start3A_172 = arith.constant 0 : i32
      %dma_start3A_173 = tpu.memref_slice %arg10[%dma_start3A_171, %dma_start3A_172] : memref<80x128xf32, #tpu.memory_space<vmem>> -> memref<80x128xf32, #tpu.memory_space<vmem>>
      tpu.enqueue_dma source(%dma_start3A_173 : memref<80x128xf32, #tpu.memory_space<vmem>>) target(%dma_start3A_170 : memref<80x128xf32, #tpu.memory_space<vmem_shared>>) target_semaphore(%run_scoped3A : memref<!tpu.dma_semaphore, #tpu.memory_space<semaphore_mem>>)
      %dma_wait3A_174 = arith.constant 0 : i32
      %dma_wait3A_175 = arith.constant 0 : i32
      %dma_wait3A_176 = tpu.memref_slice %arg10[%dma_wait3A_174, %dma_wait3A_175] : memref<80x128xf32, #tpu.memory_space<vmem>> -> memref<80x128xf32, #tpu.memory_space<vmem>>
      %dma_wait3A_177 = arith.constant 0 : i32
      %dma_wait3A_178 = tpu.memref_slice %arg12[%add3A_14, %dma_wait3A_177] : memref<10240x128xf32, #tpu.memory_space<vmem_shared>> -> memref<80x128xf32, #tpu.memory_space<vmem_shared>>
      %dma_wait3A_179 = arith.constant 0 : i32
      %dma_wait3A_180 = tpu.memref_slice %arg12[%add3A_14, %dma_wait3A_179] : memref<10240x128xf32, #tpu.memory_space<vmem_shared>> -> memref<80x128xf32, #tpu.memory_space<vmem_shared>>
      %dma_wait3A_181 = arith.constant 0 : i32
      %dma_wait3A_182 = arith.constant 0 : i32
      %dma_wait3A_183 = tpu.memref_slice %arg10[%dma_wait3A_181, %dma_wait3A_182] : memref<80x128xf32, #tpu.memory_space<vmem>> -> memref<80x128xf32, #tpu.memory_space<vmem>>
      tpu.wait_dma2 semaphore(%run_scoped3A : memref<!tpu.dma_semaphore, #tpu.memory_space<semaphore_mem>>) src(%dma_wait3A_183 : memref<80x128xf32, #tpu.memory_space<vmem>>) dst(%dma_wait3A_180 : memref<80x128xf32, #tpu.memory_space<vmem_shared>>)
      tpu.yield
    }) : () -> ()
    %mul3A_15 = arith.constant 640 : i32
    %mul3A_16 = arith.muli %arg1, %mul3A_15 : i32
    %add3A_17 = arith.constant 160 : i32
    %add3A_18 = arith.addi %mul3A_16, %add3A_17 : i32
    "tpu.region"() ({
      %run_scoped3A = tpu.sem_alloc : memref<!tpu.dma_semaphore, #tpu.memory_space<semaphore_mem>>
      %dma_start3A_164 = arith.constant 0 : i32
      %dma_start3A_165 = arith.constant 0 : i32
      %dma_start3A_166 = tpu.memref_slice %arg10[%dma_start3A_164, %dma_start3A_165] : memref<80x128xf32, #tpu.memory_space<vmem>> -> memref<80x128xf32, #tpu.memory_space<vmem>>
      %dma_start3A_167 = arith.constant 0 : i32
      %dma_start3A_168 = tpu.memref_slice %arg12[%add3A_18, %dma_start3A_167] : memref<10240x128xf32, #tpu.memory_space<vmem_shared>> -> memref<80x128xf32, #tpu.memory_space<vmem_shared>>
      %dma_start3A_169 = arith.constant 0 : i32
      %dma_start3A_170 = tpu.memref_slice %arg12[%add3A_18, %dma_start3A_169] : memref<10240x128xf32, #tpu.memory_space<vmem_shared>> -> memref<80x128xf32, #tpu.memory_space<vmem_shared>>
      %dma_start3A_171 = arith.constant 0 : i32
      %dma_start3A_172 = arith.constant 0 : i32
      %dma_start3A_173 = tpu.memref_slice %arg10[%dma_start3A_171, %dma_start3A_172] : memref<80x128xf32, #tpu.memory_space<vmem>> -> memref<80x128xf32, #tpu.memory_space<vmem>>
      tpu.enqueue_dma source(%dma_start3A_173 : memref<80x128xf32, #tpu.memory_space<vmem>>) target(%dma_start3A_170 : memref<80x128xf32, #tpu.memory_space<vmem_shared>>) target_semaphore(%run_scoped3A : memref<!tpu.dma_semaphore, #tpu.memory_space<semaphore_mem>>)
      %dma_wait3A_174 = arith.constant 0 : i32
      %dma_wait3A_175 = arith.constant 0 : i32
      %dma_wait3A_176 = tpu.memref_slice %arg10[%dma_wait3A_174, %dma_wait3A_175] : memref<80x128xf32, #tpu.memory_space<vmem>> -> memref<80x128xf32, #tpu.memory_space<vmem>>
      %dma_wait3A_177 = arith.constant 0 : i32
      %dma_wait3A_178 = tpu.memref_slice %arg12[%add3A_18, %dma_wait3A_177] : memref<10240x128xf32, #tpu.memory_space<vmem_shared>> -> memref<80x128xf32, #tpu.memory_space<vmem_shared>>
      %dma_wait3A_179 = arith.constant 0 : i32
      %dma_wait3A_180 = tpu.memref_slice %arg12[%add3A_18, %dma_wait3A_179] : memref<10240x128xf32, #tpu.memory_space<vmem_shared>> -> memref<80x128xf32, #tpu.memory_space<vmem_shared>>
      %dma_wait3A_181 = arith.constant 0 : i32
      %dma_wait3A_182 = arith.constant 0 : i32
      %dma_wait3A_183 = tpu.memref_slice %arg10[%dma_wait3A_181, %dma_wait3A_182] : memref<80x128xf32, #tpu.memory_space<vmem>> -> memref<80x128xf32, #tpu.memory_space<vmem>>
      tpu.wait_dma2 semaphore(%run_scoped3A : memref<!tpu.dma_semaphore, #tpu.memory_space<semaphore_mem>>) src(%dma_wait3A_183 : memref<80x128xf32, #tpu.memory_space<vmem>>) dst(%dma_wait3A_180 : memref<80x128xf32, #tpu.memory_space<vmem_shared>>)
      tpu.yield
    }) : () -> ()
    %mul3A_19 = arith.constant 640 : i32
    %mul3A_20 = arith.muli %arg1, %mul3A_19 : i32
    %add3A_21 = arith.constant 240 : i32
    %add3A_22 = arith.addi %mul3A_20, %add3A_21 : i32
    "tpu.region"() ({
      %run_scoped3A = tpu.sem_alloc : memref<!tpu.dma_semaphore, #tpu.memory_space<semaphore_mem>>
      %dma_start3A_164 = arith.constant 0 : i32
      %dma_start3A_165 = arith.constant 0 : i32
      %dma_start3A_166 = tpu.memref_slice %arg10[%dma_start3A_164, %dma_start3A_165] : memref<80x128xf32, #tpu.memory_space<vmem>> -> memref<80x128xf32, #tpu.memory_space<vmem>>
      %dma_start3A_167 = arith.constant 0 : i32
      %dma_start3A_168 = tpu.memref_slice %arg12[%add3A_22, %dma_start3A_167] : memref<10240x128xf32, #tpu.memory_space<vmem_shared>> -> memref<80x128xf32, #tpu.memory_space<vmem_shared>>
      %dma_start3A_169 = arith.constant 0 : i32
      %dma_start3A_170 = tpu.memref_slice %arg12[%add3A_22, %dma_start3A_169] : memref<10240x128xf32, #tpu.memory_space<vmem_shared>> -> memref<80x128xf32, #tpu.memory_space<vmem_shared>>
      %dma_start3A_171 = arith.constant 0 : i32
      %dma_start3A_172 = arith.constant 0 : i32
      %dma_start3A_173 = tpu.memref_slice %arg10[%dma_start3A_171, %dma_start3A_172] : memref<80x128xf32, #tpu.memory_space<vmem>> -> memref<80x128xf32, #tpu.memory_space<vmem>>
      tpu.enqueue_dma source(%dma_start3A_173 : memref<80x128xf32, #tpu.memory_space<vmem>>) target(%dma_start3A_170 : memref<80x128xf32, #tpu.memory_space<vmem_shared>>) target_semaphore(%run_scoped3A : memref<!tpu.dma_semaphore, #tpu.memory_space<semaphore_mem>>)
      %dma_wait3A_174 = arith.constant 0 : i32
      %dma_wait3A_175 = arith.constant 0 : i32
      %dma_wait3A_176 = tpu.memref_slice %arg10[%dma_wait3A_174, %dma_wait3A_175] : memref<80x128xf32, #tpu.memory_space<vmem>> -> memref<80x128xf32, #tpu.memory_space<vmem>>
      %dma_wait3A_177 = arith.constant 0 : i32
      %dma_wait3A_178 = tpu.memref_slice %arg12[%add3A_22, %dma_wait3A_177] : memref<10240x128xf32, #tpu.memory_space<vmem_shared>> -> memref<80x128xf32, #tpu.memory_space<vmem_shared>>
      %dma_wait3A_179 = arith.constant 0 : i32
      %dma_wait3A_180 = tpu.memref_slice %arg12[%add3A_22, %dma_wait3A_179] : memref<10240x128xf32, #tpu.memory_space<vmem_shared>> -> memref<80x128xf32, #tpu.memory_space<vmem_shared>>
      %dma_wait3A_181 = arith.constant 0 : i32
      %dma_wait3A_182 = arith.constant 0 : i32
      %dma_wait3A_183 = tpu.memref_slice %arg10[%dma_wait3A_181, %dma_wait3A_182] : memref<80x128xf32, #tpu.memory_space<vmem>> -> memref<80x128xf32, #tpu.memory_space<vmem>>
      tpu.wait_dma2 semaphore(%run_scoped3A : memref<!tpu.dma_semaphore, #tpu.memory_space<semaphore_mem>>) src(%dma_wait3A_183 : memref<80x128xf32, #tpu.memory_space<vmem>>) dst(%dma_wait3A_180 : memref<80x128xf32, #tpu.memory_space<vmem_shared>>)
      tpu.yield
    }) : () -> ()
    %mul3A_23 = arith.constant 640 : i32
    %mul3A_24 = arith.muli %arg1, %mul3A_23 : i32
    %add3A_25 = arith.constant 320 : i32
    %add3A_26 = arith.addi %mul3A_24, %add3A_25 : i32
    "tpu.region"() ({
      %run_scoped3A = tpu.sem_alloc : memref<!tpu.dma_semaphore, #tpu.memory_space<semaphore_mem>>
      %dma_start3A_164 = arith.constant 0 : i32
      %dma_start3A_165 = arith.constant 0 : i32
      %dma_start3A_166 = tpu.memref_slice %arg10[%dma_start3A_164, %dma_start3A_165] : memref<80x128xf32, #tpu.memory_space<vmem>> -> memref<80x128xf32, #tpu.memory_space<vmem>>
      %dma_start3A_167 = arith.constant 0 : i32
      %dma_start3A_168 = tpu.memref_slice %arg12[%add3A_26, %dma_start3A_167] : memref<10240x128xf32, #tpu.memory_space<vmem_shared>> -> memref<80x128xf32, #tpu.memory_space<vmem_shared>>
      %dma_start3A_169 = arith.constant 0 : i32
      %dma_start3A_170 = tpu.memref_slice %arg12[%add3A_26, %dma_start3A_169] : memref<10240x128xf32, #tpu.memory_space<vmem_shared>> -> memref<80x128xf32, #tpu.memory_space<vmem_shared>>
      %dma_start3A_171 = arith.constant 0 : i32
      %dma_start3A_172 = arith.constant 0 : i32
      %dma_start3A_173 = tpu.memref_slice %arg10[%dma_start3A_171, %dma_start3A_172] : memref<80x128xf32, #tpu.memory_space<vmem>> -> memref<80x128xf32, #tpu.memory_space<vmem>>
      tpu.enqueue_dma source(%dma_start3A_173 : memref<80x128xf32, #tpu.memory_space<vmem>>) target(%dma_start3A_170 : memref<80x128xf32, #tpu.memory_space<vmem_shared>>) target_semaphore(%run_scoped3A : memref<!tpu.dma_semaphore, #tpu.memory_space<semaphore_mem>>)
      %dma_wait3A_174 = arith.constant 0 : i32
      %dma_wait3A_175 = arith.constant 0 : i32
      %dma_wait3A_176 = tpu.memref_slice %arg10[%dma_wait3A_174, %dma_wait3A_175] : memref<80x128xf32, #tpu.memory_space<vmem>> -> memref<80x128xf32, #tpu.memory_space<vmem>>
      %dma_wait3A_177 = arith.constant 0 : i32
      %dma_wait3A_178 = tpu.memref_slice %arg12[%add3A_26, %dma_wait3A_177] : memref<10240x128xf32, #tpu.memory_space<vmem_shared>> -> memref<80x128xf32, #tpu.memory_space<vmem_shared>>
      %dma_wait3A_179 = arith.constant 0 : i32
      %dma_wait3A_180 = tpu.memref_slice %arg12[%add3A_26, %dma_wait3A_179] : memref<10240x128xf32, #tpu.memory_space<vmem_shared>> -> memref<80x128xf32, #tpu.memory_space<vmem_shared>>
      %dma_wait3A_181 = arith.constant 0 : i32
      %dma_wait3A_182 = arith.constant 0 : i32
      %dma_wait3A_183 = tpu.memref_slice %arg10[%dma_wait3A_181, %dma_wait3A_182] : memref<80x128xf32, #tpu.memory_space<vmem>> -> memref<80x128xf32, #tpu.memory_space<vmem>>
      tpu.wait_dma2 semaphore(%run_scoped3A : memref<!tpu.dma_semaphore, #tpu.memory_space<semaphore_mem>>) src(%dma_wait3A_183 : memref<80x128xf32, #tpu.memory_space<vmem>>) dst(%dma_wait3A_180 : memref<80x128xf32, #tpu.memory_space<vmem_shared>>)
      tpu.yield
    }) : () -> ()
    %mul3A_27 = arith.constant 640 : i32
    %mul3A_28 = arith.muli %arg1, %mul3A_27 : i32
    %add3A_29 = arith.constant 400 : i32
    %add3A_30 = arith.addi %mul3A_28, %add3A_29 : i32
    "tpu.region"() ({
      %run_scoped3A = tpu.sem_alloc : memref<!tpu.dma_semaphore, #tpu.memory_space<semaphore_mem>>
      %dma_start3A_164 = arith.constant 0 : i32
      %dma_start3A_165 = arith.constant 0 : i32
      %dma_start3A_166 = tpu.memref_slice %arg10[%dma_start3A_164, %dma_start3A_165] : memref<80x128xf32, #tpu.memory_space<vmem>> -> memref<80x128xf32, #tpu.memory_space<vmem>>
      %dma_start3A_167 = arith.constant 0 : i32
      %dma_start3A_168 = tpu.memref_slice %arg12[%add3A_30, %dma_start3A_167] : memref<10240x128xf32, #tpu.memory_space<vmem_shared>> -> memref<80x128xf32, #tpu.memory_space<vmem_shared>>
      %dma_start3A_169 = arith.constant 0 : i32
      %dma_start3A_170 = tpu.memref_slice %arg12[%add3A_30, %dma_start3A_169] : memref<10240x128xf32, #tpu.memory_space<vmem_shared>> -> memref<80x128xf32, #tpu.memory_space<vmem_shared>>
      %dma_start3A_171 = arith.constant 0 : i32
      %dma_start3A_172 = arith.constant 0 : i32
      %dma_start3A_173 = tpu.memref_slice %arg10[%dma_start3A_171, %dma_start3A_172] : memref<80x128xf32, #tpu.memory_space<vmem>> -> memref<80x128xf32, #tpu.memory_space<vmem>>
      tpu.enqueue_dma source(%dma_start3A_173 : memref<80x128xf32, #tpu.memory_space<vmem>>) target(%dma_start3A_170 : memref<80x128xf32, #tpu.memory_space<vmem_shared>>) target_semaphore(%run_scoped3A : memref<!tpu.dma_semaphore, #tpu.memory_space<semaphore_mem>>)
      %dma_wait3A_174 = arith.constant 0 : i32
      %dma_wait3A_175 = arith.constant 0 : i32
      %dma_wait3A_176 = tpu.memref_slice %arg10[%dma_wait3A_174, %dma_wait3A_175] : memref<80x128xf32, #tpu.memory_space<vmem>> -> memref<80x128xf32, #tpu.memory_space<vmem>>
      %dma_wait3A_177 = arith.constant 0 : i32
      %dma_wait3A_178 = tpu.memref_slice %arg12[%add3A_30, %dma_wait3A_177] : memref<10240x128xf32, #tpu.memory_space<vmem_shared>> -> memref<80x128xf32, #tpu.memory_space<vmem_shared>>
      %dma_wait3A_179 = arith.constant 0 : i32
      %dma_wait3A_180 = tpu.memref_slice %arg12[%add3A_30, %dma_wait3A_179] : memref<10240x128xf32, #tpu.memory_space<vmem_shared>> -> memref<80x128xf32, #tpu.memory_space<vmem_shared>>
      %dma_wait3A_181 = arith.constant 0 : i32
      %dma_wait3A_182 = arith.constant 0 : i32
      %dma_wait3A_183 = tpu.memref_slice %arg10[%dma_wait3A_181, %dma_wait3A_182] : memref<80x128xf32, #tpu.memory_space<vmem>> -> memref<80x128xf32, #tpu.memory_space<vmem>>
      tpu.wait_dma2 semaphore(%run_scoped3A : memref<!tpu.dma_semaphore, #tpu.memory_space<semaphore_mem>>) src(%dma_wait3A_183 : memref<80x128xf32, #tpu.memory_space<vmem>>) dst(%dma_wait3A_180 : memref<80x128xf32, #tpu.memory_space<vmem_shared>>)
      tpu.yield
    }) : () -> ()
    %mul3A_31 = arith.constant 640 : i32
    %mul3A_32 = arith.muli %arg1, %mul3A_31 : i32
    %add3A_33 = arith.constant 480 : i32
    %add3A_34 = arith.addi %mul3A_32, %add3A_33 : i32
    "tpu.region"() ({
      %run_scoped3A = tpu.sem_alloc : memref<!tpu.dma_semaphore, #tpu.memory_space<semaphore_mem>>
      %dma_start3A_164 = arith.constant 0 : i32
      %dma_start3A_165 = arith.constant 0 : i32
      %dma_start3A_166 = tpu.memref_slice %arg10[%dma_start3A_164, %dma_start3A_165] : memref<80x128xf32, #tpu.memory_space<vmem>> -> memref<80x128xf32, #tpu.memory_space<vmem>>
      %dma_start3A_167 = arith.constant 0 : i32
      %dma_start3A_168 = tpu.memref_slice %arg12[%add3A_34, %dma_start3A_167] : memref<10240x128xf32, #tpu.memory_space<vmem_shared>> -> memref<80x128xf32, #tpu.memory_space<vmem_shared>>
      %dma_start3A_169 = arith.constant 0 : i32
      %dma_start3A_170 = tpu.memref_slice %arg12[%add3A_34, %dma_start3A_169] : memref<10240x128xf32, #tpu.memory_space<vmem_shared>> -> memref<80x128xf32, #tpu.memory_space<vmem_shared>>
      %dma_start3A_171 = arith.constant 0 : i32
      %dma_start3A_172 = arith.constant 0 : i32
      %dma_start3A_173 = tpu.memref_slice %arg10[%dma_start3A_171, %dma_start3A_172] : memref<80x128xf32, #tpu.memory_space<vmem>> -> memref<80x128xf32, #tpu.memory_space<vmem>>
      tpu.enqueue_dma source(%dma_start3A_173 : memref<80x128xf32, #tpu.memory_space<vmem>>) target(%dma_start3A_170 : memref<80x128xf32, #tpu.memory_space<vmem_shared>>) target_semaphore(%run_scoped3A : memref<!tpu.dma_semaphore, #tpu.memory_space<semaphore_mem>>)
      %dma_wait3A_174 = arith.constant 0 : i32
      %dma_wait3A_175 = arith.constant 0 : i32
      %dma_wait3A_176 = tpu.memref_slice %arg10[%dma_wait3A_174, %dma_wait3A_175] : memref<80x128xf32, #tpu.memory_space<vmem>> -> memref<80x128xf32, #tpu.memory_space<vmem>>
      %dma_wait3A_177 = arith.constant 0 : i32
      %dma_wait3A_178 = tpu.memref_slice %arg12[%add3A_34, %dma_wait3A_177] : memref<10240x128xf32, #tpu.memory_space<vmem_shared>> -> memref<80x128xf32, #tpu.memory_space<vmem_shared>>
      %dma_wait3A_179 = arith.constant 0 : i32
      %dma_wait3A_180 = tpu.memref_slice %arg12[%add3A_34, %dma_wait3A_179] : memref<10240x128xf32, #tpu.memory_space<vmem_shared>> -> memref<80x128xf32, #tpu.memory_space<vmem_shared>>
      %dma_wait3A_181 = arith.constant 0 : i32
      %dma_wait3A_182 = arith.constant 0 : i32
      %dma_wait3A_183 = tpu.memref_slice %arg10[%dma_wait3A_181, %dma_wait3A_182] : memref<80x128xf32, #tpu.memory_space<vmem>> -> memref<80x128xf32, #tpu.memory_space<vmem>>
      tpu.wait_dma2 semaphore(%run_scoped3A : memref<!tpu.dma_semaphore, #tpu.memory_space<semaphore_mem>>) src(%dma_wait3A_183 : memref<80x128xf32, #tpu.memory_space<vmem>>) dst(%dma_wait3A_180 : memref<80x128xf32, #tpu.memory_space<vmem_shared>>)
      tpu.yield
    }) : () -> ()
    %mul3A_35 = arith.constant 640 : i32
    %mul3A_36 = arith.muli %arg1, %mul3A_35 : i32
    %add3A_37 = arith.constant 560 : i32
    %add3A_38 = arith.addi %mul3A_36, %add3A_37 : i32
    "tpu.region"() ({
      %run_scoped3A = tpu.sem_alloc : memref<!tpu.dma_semaphore, #tpu.memory_space<semaphore_mem>>
      %dma_start3A_164 = arith.constant 0 : i32
      %dma_start3A_165 = arith.constant 0 : i32
      %dma_start3A_166 = tpu.memref_slice %arg10[%dma_start3A_164, %dma_start3A_165] : memref<80x128xf32, #tpu.memory_space<vmem>> -> memref<80x128xf32, #tpu.memory_space<vmem>>
      %dma_start3A_167 = arith.constant 0 : i32
      %dma_start3A_168 = tpu.memref_slice %arg12[%add3A_38, %dma_start3A_167] : memref<10240x128xf32, #tpu.memory_space<vmem_shared>> -> memref<80x128xf32, #tpu.memory_space<vmem_shared>>
      %dma_start3A_169 = arith.constant 0 : i32
      %dma_start3A_170 = tpu.memref_slice %arg12[%add3A_38, %dma_start3A_169] : memref<10240x128xf32, #tpu.memory_space<vmem_shared>> -> memref<80x128xf32, #tpu.memory_space<vmem_shared>>
      %dma_start3A_171 = arith.constant 0 : i32
      %dma_start3A_172 = arith.constant 0 : i32
      %dma_start3A_173 = tpu.memref_slice %arg10[%dma_start3A_171, %dma_start3A_172] : memref<80x128xf32, #tpu.memory_space<vmem>> -> memref<80x128xf32, #tpu.memory_space<vmem>>
      tpu.enqueue_dma source(%dma_start3A_173 : memref<80x128xf32, #tpu.memory_space<vmem>>) target(%dma_start3A_170 : memref<80x128xf32, #tpu.memory_space<vmem_shared>>) target_semaphore(%run_scoped3A : memref<!tpu.dma_semaphore, #tpu.memory_space<semaphore_mem>>)
      %dma_wait3A_174 = arith.constant 0 : i32
      %dma_wait3A_175 = arith.constant 0 : i32
      %dma_wait3A_176 = tpu.memref_slice %arg10[%dma_wait3A_174, %dma_wait3A_175] : memref<80x128xf32, #tpu.memory_space<vmem>> -> memref<80x128xf32, #tpu.memory_space<vmem>>
      %dma_wait3A_177 = arith.constant 0 : i32
      %dma_wait3A_178 = tpu.memref_slice %arg12[%add3A_38, %dma_wait3A_177] : memref<10240x128xf32, #tpu.memory_space<vmem_shared>> -> memref<80x128xf32, #tpu.memory_space<vmem_shared>>
      %dma_wait3A_179 = arith.constant 0 : i32
      %dma_wait3A_180 = tpu.memref_slice %arg12[%add3A_38, %dma_wait3A_179] : memref<10240x128xf32, #tpu.memory_space<vmem_shared>> -> memref<80x128xf32, #tpu.memory_space<vmem_shared>>
      %dma_wait3A_181 = arith.constant 0 : i32
      %dma_wait3A_182 = arith.constant 0 : i32
      %dma_wait3A_183 = tpu.memref_slice %arg10[%dma_wait3A_181, %dma_wait3A_182] : memref<80x128xf32, #tpu.memory_space<vmem>> -> memref<80x128xf32, #tpu.memory_space<vmem>>
      tpu.wait_dma2 semaphore(%run_scoped3A : memref<!tpu.dma_semaphore, #tpu.memory_space<semaphore_mem>>) src(%dma_wait3A_183 : memref<80x128xf32, #tpu.memory_space<vmem>>) dst(%dma_wait3A_180 : memref<80x128xf32, #tpu.memory_space<vmem_shared>>)
      tpu.yield
    }) : () -> ()
    %barrier3A = arith.constant 0 : index
    tpu.barrier barrier_id(%barrier3A)
    "tpu.region"() ({
      %run_scoped3A = tpu.sem_alloc : memref<!tpu.dma_semaphore, #tpu.memory_space<semaphore_mem>>
      %dma_start3A_164 = arith.constant 0 : i32
      %dma_start3A_165 = arith.constant 0 : i32
      %dma_start3A_166 = tpu.memref_slice %arg3[%add3A, %dma_start3A_164, %dma_start3A_165] : memref<32x125x80xi32, #tpu.memory_space<hbm>> -> memref<1x125x80xi32, #tpu.memory_space<hbm>>
      %dma_start3A_167 = tpu.memref_squeeze %dma_start3A_166 : memref<1x125x80xi32, #tpu.memory_space<hbm>> -> memref<125x80xi32, #tpu.memory_space<hbm>>
      %dma_start3A_168 = arith.constant 0 : i32
      %dma_start3A_169 = arith.constant 0 : i32
      %dma_start3A_170 = tpu.memref_slice %arg3[%add3A, %dma_start3A_168, %dma_start3A_169] : memref<32x125x80xi32, #tpu.memory_space<hbm>> -> memref<1x125x80xi32, #tpu.memory_space<hbm>>
      %dma_start3A_171 = tpu.memref_squeeze %dma_start3A_170 : memref<1x125x80xi32, #tpu.memory_space<hbm>> -> memref<125x80xi32, #tpu.memory_space<hbm>>
      tpu.enqueue_dma source(%dma_start3A_171 : memref<125x80xi32, #tpu.memory_space<hbm>>) target(%arg5 : memref<125x80xi32, #tpu.memory_space<vmem>>) target_semaphore(%run_scoped3A : memref<!tpu.dma_semaphore, #tpu.memory_space<semaphore_mem>>)
      %dma_wait3A_172 = arith.constant 0 : i32
      %dma_wait3A_173 = arith.constant 0 : i32
      %dma_wait3A_174 = tpu.memref_slice %arg3[%add3A, %dma_wait3A_172, %dma_wait3A_173] : memref<32x125x80xi32, #tpu.memory_space<hbm>> -> memref<1x125x80xi32, #tpu.memory_space<hbm>>
      %dma_wait3A_175 = tpu.memref_squeeze %dma_wait3A_174 : memref<1x125x80xi32, #tpu.memory_space<hbm>> -> memref<125x80xi32, #tpu.memory_space<hbm>>
      %dma_wait3A_176 = arith.constant 0 : i32
      %dma_wait3A_177 = arith.constant 0 : i32
      %dma_wait3A_178 = tpu.memref_slice %arg3[%add3A, %dma_wait3A_176, %dma_wait3A_177] : memref<32x125x80xi32, #tpu.memory_space<hbm>> -> memref<1x125x80xi32, #tpu.memory_space<hbm>>
      %dma_wait3A_179 = tpu.memref_squeeze %dma_wait3A_178 : memref<1x125x80xi32, #tpu.memory_space<hbm>> -> memref<125x80xi32, #tpu.memory_space<hbm>>
      tpu.wait_dma2 semaphore(%run_scoped3A : memref<!tpu.dma_semaphore, #tpu.memory_space<semaphore_mem>>) src(%dma_wait3A_179 : memref<125x80xi32, #tpu.memory_space<hbm>>) dst(%arg5 : memref<125x80xi32, #tpu.memory_space<vmem>>)
      tpu.yield
    }) : () -> ()
    %get3A = arith.constant 0 : i32
    %get3A_39 = arith.index_cast %get3A : i32 to index
    %get3A_40 = arith.constant 0 : index
    %get3A_41 = tpu.vector_load %arg5[%get3A_39, %get3A_40] {strides = array<i32>} : memref<125x80xi32, #tpu.memory_space<vmem>>, vector<1x16xi32>,
    %get3A_42 = vector.shape_cast %get3A_41 : vector<1x16xi32> to vector<16xi32>
    %and3A = arith.constant 65535 : i32
    %and3A_43 = vector.broadcast %and3A : i32 to vector<16xi32>
    %and3A_44 = arith.andi %get3A_42, %and3A_43 : vector<16xi32>
    %swap3A = arith.constant 0 : index
    %swap3A_45 = tpu.vector_load %arg6[%swap3A] {strides = array<i32>} : memref<80xi32, #tpu.memory_space<vmem>>, vector<16xi32>,
    %swap3A_46 = vector.shape_cast %swap3A_45 : vector<16xi32> to vector<16xi32>
    %swap3A_47 = vector.shape_cast %and3A_44 : vector<16xi32> to vector<16xi32>
    tpu.vector_store %arg6[%swap3A], %swap3A_47 {strides = array<i32>} : memref<80xi32, #tpu.memory_space<vmem>>, vector<16xi32>,
    %shift_right_arithmetic3A = arith.constant 16 : i32
    %shift_right_arithmetic3A_48 = vector.broadcast %shift_right_arithmetic3A : i32 to vector<16xi32>
    %shift_right_arithmetic3A_49 = arith.shrsi %get3A_42, %shift_right_arithmetic3A_48 : vector<16xi32>
    %and3A_50 = arith.constant 16383 : i32
    %and3A_51 = vector.broadcast %and3A_50 : i32 to vector<16xi32>
    %and3A_52 = arith.andi %shift_right_arithmetic3A_49, %and3A_51 : vector<16xi32>
    %swap3A_53 = arith.constant 0 : index
    %swap3A_54 = tpu.vector_load %arg7[%swap3A_53] {strides = array<i32>} : memref<80xi32, #tpu.memory_space<vmem>>, vector<16xi32>,
    %swap3A_55 = vector.shape_cast %swap3A_54 : vector<16xi32> to vector<16xi32>
    %swap3A_56 = vector.shape_cast %and3A_52 : vector<16xi32> to vector<16xi32>
    tpu.vector_store %arg7[%swap3A_53], %swap3A_56 {strides = array<i32>} : memref<80xi32, #tpu.memory_space<vmem>>, vector<16xi32>,
    %get3A_57 = arith.constant 0 : i32
    %get3A_58 = arith.index_cast %get3A_57 : i32 to index
    %get3A_59 = arith.constant 16 : index
    %get3A_60 = tpu.vector_load %arg5[%get3A_58, %get3A_59] {strides = array<i32>} : memref<125x80xi32, #tpu.memory_space<vmem>>, vector<1x16xi32>,
    %get3A_61 = vector.shape_cast %get3A_60 : vector<1x16xi32> to vector<16xi32>
    %and3A_62 = arith.constant 65535 : i32
    %and3A_63 = vector.broadcast %and3A_62 : i32 to vector<16xi32>
    %and3A_64 = arith.andi %get3A_61, %and3A_63 : vector<16xi32>
    %swap3A_65 = arith.constant 16 : index
    %swap3A_66 = tpu.vector_load %arg6[%swap3A_65] {strides = array<i32>} : memref<80xi32, #tpu.memory_space<vmem>>, vector<16xi32>,
    %swap3A_67 = vector.shape_cast %swap3A_66 : vector<16xi32> to vector<16xi32>
    %swap3A_68 = vector.shape_cast %and3A_64 : vector<16xi32> to vector<16xi32>
    tpu.vector_store %arg6[%swap3A_65], %swap3A_68 {strides = array<i32>} : memref<80xi32, #tpu.memory_space<vmem>>, vector<16xi32>,
    %shift_right_arithmetic3A_69 = arith.constant 16 : i32
    %shift_right_arithmetic3A_70 = vector.broadcast %shift_right_arithmetic3A_69 : i32 to vector<16xi32>
    %shift_right_arithmetic3A_71 = arith.shrsi %get3A_61, %shift_right_arithmetic3A_70 : vector<16xi32>
    %and3A_72 = arith.constant 16383 : i32
    %and3A_73 = vector.broadcast %and3A_72 : i32 to vector<16xi32>
    %and3A_74 = arith.andi %shift_right_arithmetic3A_71, %and3A_73 : vector<16xi32>
    %swap3A_75 = arith.constant 16 : index
    %swap3A_76 = tpu.vector_load %arg7[%swap3A_75] {strides = array<i32>} : memref<80xi32, #tpu.memory_space<vmem>>, vector<16xi32>,
    %swap3A_77 = vector.shape_cast %swap3A_76 : vector<16xi32> to vector<16xi32>
    %swap3A_78 = vector.shape_cast %and3A_74 : vector<16xi32> to vector<16xi32>
    tpu.vector_store %arg7[%swap3A_75], %swap3A_78 {strides = array<i32>} : memref<80xi32, #tpu.memory_space<vmem>>, vector<16xi32>,
    %get3A_79 = arith.constant 0 : i32
    %get3A_80 = arith.index_cast %get3A_79 : i32 to index
    %get3A_81 = arith.constant 32 : index
    %get3A_82 = tpu.vector_load %arg5[%get3A_80, %get3A_81] {strides = array<i32>} : memref<125x80xi32, #tpu.memory_space<vmem>>, vector<1x16xi32>,
    %get3A_83 = vector.shape_cast %get3A_82 : vector<1x16xi32> to vector<16xi32>
    %and3A_84 = arith.constant 65535 : i32
    %and3A_85 = vector.broadcast %and3A_84 : i32 to vector<16xi32>
    %and3A_86 = arith.andi %get3A_83, %and3A_85 : vector<16xi32>
    %swap3A_87 = arith.constant 32 : index
    %swap3A_88 = tpu.vector_load %arg6[%swap3A_87] {strides = array<i32>} : memref<80xi32, #tpu.memory_space<vmem>>, vector<16xi32>,
    %swap3A_89 = vector.shape_cast %swap3A_88 : vector<16xi32> to vector<16xi32>
    %swap3A_90 = vector.shape_cast %and3A_86 : vector<16xi32> to vector<16xi32>
    tpu.vector_store %arg6[%swap3A_87], %swap3A_90 {strides = array<i32>} : memref<80xi32, #tpu.memory_space<vmem>>, vector<16xi32>,
    %shift_right_arithmetic3A_91 = arith.constant 16 : i32
    %shift_right_arithmetic3A_92 = vector.broadcast %shift_right_arithmetic3A_91 : i32 to vector<16xi32>
    %shift_right_arithmetic3A_93 = arith.shrsi %get3A_83, %shift_right_arithmetic3A_92 : vector<16xi32>
    %and3A_94 = arith.constant 16383 : i32
    %and3A_95 = vector.broadcast %and3A_94 : i32 to vector<16xi32>
    %and3A_96 = arith.andi %shift_right_arithmetic3A_93, %and3A_95 : vector<16xi32>
    %swap3A_97 = arith.constant 32 : index
    %swap3A_98 = tpu.vector_load %arg7[%swap3A_97] {strides = array<i32>} : memref<80xi32, #tpu.memory_space<vmem>>, vector<16xi32>,
    %swap3A_99 = vector.shape_cast %swap3A_98 : vector<16xi32> to vector<16xi32>
    %swap3A_100 = vector.shape_cast %and3A_96 : vector<16xi32> to vector<16xi32>
    tpu.vector_store %arg7[%swap3A_97], %swap3A_100 {strides = array<i32>} : memref<80xi32, #tpu.memory_space<vmem>>, vector<16xi32>,
    %get3A_101 = arith.constant 0 : i32
    %get3A_102 = arith.index_cast %get3A_101 : i32 to index
    %get3A_103 = arith.constant 48 : index
    %get3A_104 = tpu.vector_load %arg5[%get3A_102, %get3A_103] {strides = array<i32>} : memref<125x80xi32, #tpu.memory_space<vmem>>, vector<1x16xi32>,
    %get3A_105 = vector.shape_cast %get3A_104 : vector<1x16xi32> to vector<16xi32>
    %and3A_106 = arith.constant 65535 : i32
    %and3A_107 = vector.broadcast %and3A_106 : i32 to vector<16xi32>
    %and3A_108 = arith.andi %get3A_105, %and3A_107 : vector<16xi32>
    %swap3A_109 = arith.constant 48 : index
    %swap3A_110 = tpu.vector_load %arg6[%swap3A_109] {strides = array<i32>} : memref<80xi32, #tpu.memory_space<vmem>>, vector<16xi32>,
    %swap3A_111 = vector.shape_cast %swap3A_110 : vector<16xi32> to vector<16xi32>
    %swap3A_112 = vector.shape_cast %and3A_108 : vector<16xi32> to vector<16xi32>
    tpu.vector_store %arg6[%swap3A_109], %swap3A_112 {strides = array<i32>} : memref<80xi32, #tpu.memory_space<vmem>>, vector<16xi32>,
    %shift_right_arithmetic3A_113 = arith.constant 16 : i32
    %shift_right_arithmetic3A_114 = vector.broadcast %shift_right_arithmetic3A_113 : i32 to vector<16xi32>
    %shift_right_arithmetic3A_115 = arith.shrsi %get3A_105, %shift_right_arithmetic3A_114 : vector<16xi32>
    %and3A_116 = arith.constant 16383 : i32
    %and3A_117 = vector.broadcast %and3A_116 : i32 to vector<16xi32>
    %and3A_118 = arith.andi %shift_right_arithmetic3A_115, %and3A_117 : vector<16xi32>
    %swap3A_119 = arith.constant 48 : index
    %swap3A_120 = tpu.vector_load %arg7[%swap3A_119] {strides = array<i32>} : memref<80xi32, #tpu.memory_space<vmem>>, vector<16xi32>,
    %swap3A_121 = vector.shape_cast %swap3A_120 : vector<16xi32> to vector<16xi32>
    %swap3A_122 = vector.shape_cast %and3A_118 : vector<16xi32> to vector<16xi32>
    tpu.vector_store %arg7[%swap3A_119], %swap3A_122 {strides = array<i32>} : memref<80xi32, #tpu.memory_space<vmem>>, vector<16xi32>,
    %get3A_123 = arith.constant 0 : i32
    %get3A_124 = arith.index_cast %get3A_123 : i32 to index
    %get3A_125 = arith.constant 64 : index
    %get3A_126 = tpu.vector_load %arg5[%get3A_124, %get3A_125] {strides = array<i32>} : memref<125x80xi32, #tpu.memory_space<vmem>>, vector<1x16xi32>,
    %get3A_127 = vector.shape_cast %get3A_126 : vector<1x16xi32> to vector<16xi32>
    %and3A_128 = arith.constant 65535 : i32
    %and3A_129 = vector.broadcast %and3A_128 : i32 to vector<16xi32>
    %and3A_130 = arith.andi %get3A_127, %and3A_129 : vector<16xi32>
    %swap3A_131 = arith.constant 64 : index
    %swap3A_132 = tpu.vector_load %arg6[%swap3A_131] {strides = array<i32>} : memref<80xi32, #tpu.memory_space<vmem>>, vector<16xi32>,
    %swap3A_133 = vector.shape_cast %swap3A_132 : vector<16xi32> to vector<16xi32>
    %swap3A_134 = vector.shape_cast %and3A_130 : vector<16xi32> to vector<16xi32>
    tpu.vector_store %arg6[%swap3A_131], %swap3A_134 {strides = array<i32>} : memref<80xi32, #tpu.memory_space<vmem>>, vector<16xi32>,
    %shift_right_arithmetic3A_135 = arith.constant 16 : i32
    %shift_right_arithmetic3A_136 = vector.broadcast %shift_right_arithmetic3A_135 : i32 to vector<16xi32>
    %shift_right_arithmetic3A_137 = arith.shrsi %get3A_127, %shift_right_arithmetic3A_136 : vector<16xi32>
    %and3A_138 = arith.constant 16383 : i32
    %and3A_139 = vector.broadcast %and3A_138 : i32 to vector<16xi32>
    %and3A_140 = arith.andi %shift_right_arithmetic3A_137, %and3A_139 : vector<16xi32>
    %swap3A_141 = arith.constant 64 : index
    %swap3A_142 = tpu.vector_load %arg7[%swap3A_141] {strides = array<i32>} : memref<80xi32, #tpu.memory_space<vmem>>, vector<16xi32>,
    %swap3A_143 = vector.shape_cast %swap3A_142 : vector<16xi32> to vector<16xi32>
    %swap3A_144 = vector.shape_cast %and3A_140 : vector<16xi32> to vector<16xi32>
    tpu.vector_store %arg7[%swap3A_141], %swap3A_144 {strides = array<i32>} : memref<80xi32, #tpu.memory_space<vmem>>, vector<16xi32>,
    %dma_start3A = arith.constant 0 : i32
    %dma_start3A_145 = arith.constant 0 : i32
    %dma_start3A_146 = tpu.memref_slice %arg2[%dma_start3A, %dma_start3A_145] : memref<40000x128xf32, #tpu.memory_space<hbm>> -> memref<40000x128xf32, #tpu.memory_space<hbm>>
    tpu.enqueue_indirect_dma source(%dma_start3A_146 : memref<40000x128xf32, #tpu.memory_space<hbm>>) target(%arg10 : memref<80x128xf32, #tpu.memory_space<vmem>>) offsets(%arg6 : memref<80xi32, #tpu.memory_space<vmem>>) semaphore(%arg13 : memref<!tpu.dma_semaphore, #tpu.memory_space<semaphore_mem>>)
    %scan3A_147 = arith.constant 0 : i32
    %scan3A_148 = arith.constant 0 : i32
    %scan3A_149 = arith.constant 62 : i32
    %scan3A_150 = arith.addi %scan3A_148, %scan3A_149 : i32
    %scan3A_151 = arith.constant 1 : i32
    %scan3A_152 = scf.for %scan3A_164 = %scan3A_148 to %scan3A_150 step %scan3A_151 iter_args(%scan3A_165 = %scan3A_147) -> (i32)  : i32 {
      %mul3A_166 = arith.constant 2 : i32
      %mul3A_167 = arith.muli %scan3A_164, %mul3A_166 : i32
      %add3A_168 = arith.constant 1 : i32
      %add3A_169 = arith.addi %mul3A_167, %add3A_168 : i32
      %get3A_170 = arith.index_cast %add3A_169 : i32 to index
      %get3A_171 = arith.constant 0 : index
      %get3A_172 = tpu.vector_load %arg5[%get3A_170, %get3A_171] {strides = array<i32>} : memref<125x80xi32, #tpu.memory_space<vmem>>, vector<1x16xi32>,
      %get3A_173 = vector.shape_cast %get3A_172 : vector<1x16xi32> to vector<16xi32>
      %and3A_174 = arith.constant 65535 : i32
      %and3A_175 = vector.broadcast %and3A_174 : i32 to vector<16xi32>
      %and3A_176 = arith.andi %get3A_173, %and3A_175 : vector<16xi32>
      %swap3A_177 = arith.constant 0 : index
      %swap3A_178 = tpu.vector_load %arg8[%swap3A_177] {strides = array<i32>} : memref<80xi32, #tpu.memory_space<vmem>>, vector<16xi32>,
      %swap3A_179 = vector.shape_cast %swap3A_178 : vector<16xi32> to vector<16xi32>
      %swap3A_180 = vector.shape_cast %and3A_176 : vector<16xi32> to vector<16xi32>
      tpu.vector_store %arg8[%swap3A_177], %swap3A_180 {strides = array<i32>} : memref<80xi32, #tpu.memory_space<vmem>>, vector<16xi32>,
      %shift_right_arithmetic3A_181 = arith.constant 16 : i32
      %shift_right_arithmetic3A_182 = vector.broadcast %shift_right_arithmetic3A_181 : i32 to vector<16xi32>
      %shift_right_arithmetic3A_183 = arith.shrsi %get3A_173, %shift_right_arithmetic3A_182 : vector<16xi32>
      %and3A_184 = arith.constant 16383 : i32
      %and3A_185 = vector.broadcast %and3A_184 : i32 to vector<16xi32>
      %and3A_186 = arith.andi %shift_right_arithmetic3A_183, %and3A_185 : vector<16xi32>
      %swap3A_187 = arith.constant 0 : index
      %swap3A_188 = tpu.vector_load %arg9[%swap3A_187] {strides = array<i32>} : memref<80xi32, #tpu.memory_space<vmem>>, vector<16xi32>,
      %swap3A_189 = vector.shape_cast %swap3A_188 : vector<16xi32> to vector<16xi32>
      %swap3A_190 = vector.shape_cast %and3A_186 : vector<16xi32> to vector<16xi32>
      tpu.vector_store %arg9[%swap3A_187], %swap3A_190 {strides = array<i32>} : memref<80xi32, #tpu.memory_space<vmem>>, vector<16xi32>,
      %get3A_191 = arith.index_cast %add3A_169 : i32 to index
      %get3A_192 = arith.constant 16 : index
      %get3A_193 = tpu.vector_load %arg5[%get3A_191, %get3A_192] {strides = array<i32>} : memref<125x80xi32, #tpu.memory_space<vmem>>, vector<1x16xi32>,
      %get3A_194 = vector.shape_cast %get3A_193 : vector<1x16xi32> to vector<16xi32>
      %and3A_195 = arith.constant 65535 : i32
      %and3A_196 = vector.broadcast %and3A_195 : i32 to vector<16xi32>
      %and3A_197 = arith.andi %get3A_194, %and3A_196 : vector<16xi32>
      %swap3A_198 = arith.constant 16 : index
      %swap3A_199 = tpu.vector_load %arg8[%swap3A_198] {strides = array<i32>} : memref<80xi32, #tpu.memory_space<vmem>>, vector<16xi32>,
      %swap3A_200 = vector.shape_cast %swap3A_199 : vector<16xi32> to vector<16xi32>
      %swap3A_201 = vector.shape_cast %and3A_197 : vector<16xi32> to vector<16xi32>
      tpu.vector_store %arg8[%swap3A_198], %swap3A_201 {strides = array<i32>} : memref<80xi32, #tpu.memory_space<vmem>>, vector<16xi32>,
      %shift_right_arithmetic3A_202 = arith.constant 16 : i32
      %shift_right_arithmetic3A_203 = vector.broadcast %shift_right_arithmetic3A_202 : i32 to vector<16xi32>
      %shift_right_arithmetic3A_204 = arith.shrsi %get3A_194, %shift_right_arithmetic3A_203 : vector<16xi32>
      %and3A_205 = arith.constant 16383 : i32
      %and3A_206 = vector.broadcast %and3A_205 : i32 to vector<16xi32>
      %and3A_207 = arith.andi %shift_right_arithmetic3A_204, %and3A_206 : vector<16xi32>
      %swap3A_208 = arith.constant 16 : index
      %swap3A_209 = tpu.vector_load %arg9[%swap3A_208] {strides = array<i32>} : memref<80xi32, #tpu.memory_space<vmem>>, vector<16xi32>,
      %swap3A_210 = vector.shape_cast %swap3A_209 : vector<16xi32> to vector<16xi32>
      %swap3A_211 = vector.shape_cast %and3A_207 : vector<16xi32> to vector<16xi32>
      tpu.vector_store %arg9[%swap3A_208], %swap3A_211 {strides = array<i32>} : memref<80xi32, #tpu.memory_space<vmem>>, vector<16xi32>,
      %get3A_212 = arith.index_cast %add3A_169 : i32 to index
      %get3A_213 = arith.constant 32 : index
      %get3A_214 = tpu.vector_load %arg5[%get3A_212, %get3A_213] {strides = array<i32>} : memref<125x80xi32, #tpu.memory_space<vmem>>, vector<1x16xi32>,
      %get3A_215 = vector.shape_cast %get3A_214 : vector<1x16xi32> to vector<16xi32>
      %and3A_216 = arith.constant 65535 : i32
      %and3A_217 = vector.broadcast %and3A_216 : i32 to vector<16xi32>
      %and3A_218 = arith.andi %get3A_215, %and3A_217 : vector<16xi32>
      %swap3A_219 = arith.constant 32 : index
      %swap3A_220 = tpu.vector_load %arg8[%swap3A_219] {strides = array<i32>} : memref<80xi32, #tpu.memory_space<vmem>>, vector<16xi32>,
      %swap3A_221 = vector.shape_cast %swap3A_220 : vector<16xi32> to vector<16xi32>
      %swap3A_222 = vector.shape_cast %and3A_218 : vector<16xi32> to vector<16xi32>
      tpu.vector_store %arg8[%swap3A_219], %swap3A_222 {strides = array<i32>} : memref<80xi32, #tpu.memory_space<vmem>>, vector<16xi32>,
      %shift_right_arithmetic3A_223 = arith.constant 16 : i32
      %shift_right_arithmetic3A_224 = vector.broadcast %shift_right_arithmetic3A_223 : i32 to vector<16xi32>
      %shift_right_arithmetic3A_225 = arith.shrsi %get3A_215, %shift_right_arithmetic3A_224 : vector<16xi32>
      %and3A_226 = arith.constant 16383 : i32
      %and3A_227 = vector.broadcast %and3A_226 : i32 to vector<16xi32>
      %and3A_228 = arith.andi %shift_right_arithmetic3A_225, %and3A_227 : vector<16xi32>
      %swap3A_229 = arith.constant 32 : index
      %swap3A_230 = tpu.vector_load %arg9[%swap3A_229] {strides = array<i32>} : memref<80xi32, #tpu.memory_space<vmem>>, vector<16xi32>,
      %swap3A_231 = vector.shape_cast %swap3A_230 : vector<16xi32> to vector<16xi32>
      %swap3A_232 = vector.shape_cast %and3A_228 : vector<16xi32> to vector<16xi32>
      tpu.vector_store %arg9[%swap3A_229], %swap3A_232 {strides = array<i32>} : memref<80xi32, #tpu.memory_space<vmem>>, vector<16xi32>,
      %get3A_233 = arith.index_cast %add3A_169 : i32 to index
      %get3A_234 = arith.constant 48 : index
      %get3A_235 = tpu.vector_load %arg5[%get3A_233, %get3A_234] {strides = array<i32>} : memref<125x80xi32, #tpu.memory_space<vmem>>, vector<1x16xi32>,
      %get3A_236 = vector.shape_cast %get3A_235 : vector<1x16xi32> to vector<16xi32>
      %and3A_237 = arith.constant 65535 : i32
      %and3A_238 = vector.broadcast %and3A_237 : i32 to vector<16xi32>
      %and3A_239 = arith.andi %get3A_236, %and3A_238 : vector<16xi32>
      %swap3A_240 = arith.constant 48 : index
      %swap3A_241 = tpu.vector_load %arg8[%swap3A_240] {strides = array<i32>} : memref<80xi32, #tpu.memory_space<vmem>>, vector<16xi32>,
      %swap3A_242 = vector.shape_cast %swap3A_241 : vector<16xi32> to vector<16xi32>
      %swap3A_243 = vector.shape_cast %and3A_239 : vector<16xi32> to vector<16xi32>
      tpu.vector_store %arg8[%swap3A_240], %swap3A_243 {strides = array<i32>} : memref<80xi32, #tpu.memory_space<vmem>>, vector<16xi32>,
      %shift_right_arithmetic3A_244 = arith.constant 16 : i32
      %shift_right_arithmetic3A_245 = vector.broadcast %shift_right_arithmetic3A_244 : i32 to vector<16xi32>
      %shift_right_arithmetic3A_246 = arith.shrsi %get3A_236, %shift_right_arithmetic3A_245 : vector<16xi32>
      %and3A_247 = arith.constant 16383 : i32
      %and3A_248 = vector.broadcast %and3A_247 : i32 to vector<16xi32>
      %and3A_249 = arith.andi %shift_right_arithmetic3A_246, %and3A_248 : vector<16xi32>
      %swap3A_250 = arith.constant 48 : index
      %swap3A_251 = tpu.vector_load %arg9[%swap3A_250] {strides = array<i32>} : memref<80xi32, #tpu.memory_space<vmem>>, vector<16xi32>,
      %swap3A_252 = vector.shape_cast %swap3A_251 : vector<16xi32> to vector<16xi32>
      %swap3A_253 = vector.shape_cast %and3A_249 : vector<16xi32> to vector<16xi32>
      tpu.vector_store %arg9[%swap3A_250], %swap3A_253 {strides = array<i32>} : memref<80xi32, #tpu.memory_space<vmem>>, vector<16xi32>,
      %get3A_254 = arith.index_cast %add3A_169 : i32 to index
      %get3A_255 = arith.constant 64 : index
      %get3A_256 = tpu.vector_load %arg5[%get3A_254, %get3A_255] {strides = array<i32>} : memref<125x80xi32, #tpu.memory_space<vmem>>, vector<1x16xi32>,
      %get3A_257 = vector.shape_cast %get3A_256 : vector<1x16xi32> to vector<16xi32>
      %and3A_258 = arith.constant 65535 : i32
      %and3A_259 = vector.broadcast %and3A_258 : i32 to vector<16xi32>
      %and3A_260 = arith.andi %get3A_257, %and3A_259 : vector<16xi32>
      %swap3A_261 = arith.constant 64 : index
      %swap3A_262 = tpu.vector_load %arg8[%swap3A_261] {strides = array<i32>} : memref<80xi32, #tpu.memory_space<vmem>>, vector<16xi32>,
      %swap3A_263 = vector.shape_cast %swap3A_262 : vector<16xi32> to vector<16xi32>
      %swap3A_264 = vector.shape_cast %and3A_260 : vector<16xi32> to vector<16xi32>
      tpu.vector_store %arg8[%swap3A_261], %swap3A_264 {strides = array<i32>} : memref<80xi32, #tpu.memory_space<vmem>>, vector<16xi32>,
      %shift_right_arithmetic3A_265 = arith.constant 16 : i32
      %shift_right_arithmetic3A_266 = vector.broadcast %shift_right_arithmetic3A_265 : i32 to vector<16xi32>
      %shift_right_arithmetic3A_267 = arith.shrsi %get3A_257, %shift_right_arithmetic3A_266 : vector<16xi32>
      %and3A_268 = arith.constant 16383 : i32
      %and3A_269 = vector.broadcast %and3A_268 : i32 to vector<16xi32>
      %and3A_270 = arith.andi %shift_right_arithmetic3A_267, %and3A_269 : vector<16xi32>
      %swap3A_271 = arith.constant 64 : index
      %swap3A_272 = tpu.vector_load %arg9[%swap3A_271] {strides = array<i32>} : memref<80xi32, #tpu.memory_space<vmem>>, vector<16xi32>,
      %swap3A_273 = vector.shape_cast %swap3A_272 : vector<16xi32> to vector<16xi32>
      %swap3A_274 = vector.shape_cast %and3A_270 : vector<16xi32> to vector<16xi32>
      tpu.vector_store %arg9[%swap3A_271], %swap3A_274 {strides = array<i32>} : memref<80xi32, #tpu.memory_space<vmem>>, vector<16xi32>,
      %dma_start3A_275 = arith.constant 0 : i32
      %dma_start3A_276 = arith.constant 0 : i32
      %dma_start3A_277 = tpu.memref_slice %arg2[%dma_start3A_275, %dma_start3A_276] : memref<40000x128xf32, #tpu.memory_space<hbm>> -> memref<40000x128xf32, #tpu.memory_space<hbm>>
      tpu.enqueue_indirect_dma source(%dma_start3A_277 : memref<40000x128xf32, #tpu.memory_space<hbm>>) target(%arg11 : memref<80x128xf32, #tpu.memory_space<vmem>>) offsets(%arg8 : memref<80xi32, #tpu.memory_space<vmem>>) semaphore(%arg14 : memref<!tpu.dma_semaphore, #tpu.memory_space<semaphore_mem>>)
      %dma_wait3A_278 = arith.constant 0 : i32
      %dma_wait3A_279 = arith.constant 0 : i32
      %dma_wait3A_280 = tpu.memref_slice %arg2[%dma_wait3A_278, %dma_wait3A_279] : memref<40000x128xf32, #tpu.memory_space<hbm>> -> memref<40000x128xf32, #tpu.memory_space<hbm>>
      tpu.wait_indirect_dma semaphore(%arg13 : memref<!tpu.dma_semaphore, #tpu.memory_space<semaphore_mem>>) src(%dma_wait3A_280 : memref<40000x128xf32, #tpu.memory_space<hbm>>) dst(%arg10 : memref<80x128xf32, #tpu.memory_space<vmem>>)
      "tpu.region"() ({
        %run_scoped3A = tpu.sem_alloc : memref<!tpu.dma_semaphore, #tpu.memory_space<semaphore_mem>>
        %dma_start3A_289 = arith.constant 0 : i32
        %dma_start3A_290 = arith.constant 0 : i32
        %dma_start3A_291 = tpu.memref_slice %arg12[%dma_start3A_289, %dma_start3A_290] : memref<10240x128xf32, #tpu.memory_space<vmem_shared>> -> memref<10240x128xf32, #tpu.memory_space<vmem_shared>>
        tpu.enqueue_indirect_dma source(%arg10 : memref<80x128xf32, #tpu.memory_space<vmem>>) target(%dma_start3A_291 : memref<10240x128xf32, #tpu.memory_space<vmem_shared>>) offsets(%arg7 : memref<80xi32, #tpu.memory_space<vmem>>) semaphore(%run_scoped3A : memref<!tpu.dma_semaphore, #tpu.memory_space<semaphore_mem>>) {add = true}
        %dma_wait3A_292 = arith.constant 0 : i32
        %dma_wait3A_293 = arith.constant 0 : i32
        %dma_wait3A_294 = tpu.memref_slice %arg12[%dma_wait3A_292, %dma_wait3A_293] : memref<10240x128xf32, #tpu.memory_space<vmem_shared>> -> memref<10240x128xf32, #tpu.memory_space<vmem_shared>>
        tpu.wait_indirect_dma semaphore(%run_scoped3A : memref<!tpu.dma_semaphore, #tpu.memory_space<semaphore_mem>>) src(%arg10 : memref<80x128xf32, #tpu.memory_space<vmem>>) dst(%dma_wait3A_294 : memref<10240x128xf32, #tpu.memory_space<vmem_shared>>)
        tpu.yield
      }) : () -> ()
      %add3A_281 = arith.constant 2 : i32
      %add3A_282 = arith.addi %mul3A_167, %add3A_281 : i32
      %lt3A = arith.constant 125 : i32
      %lt3A_283 = arith.cmpi slt, %add3A_282, %lt3A : i32
      %convert_element_type3A = arith.extui %lt3A_283 : i1 to i32
      %cond3A = arith.constant 0 : i32
      %cond3A_284 = arith.cmpi ne, %convert_element_type3A, %cond3A : i32
      scf.if %cond3A_284 {
        %add3A_289 = arith.constant 2 : i32
        %add3A_290 = arith.addi %mul3A_167, %add3A_289 : i32
        %get3A_291 = arith.index_cast %add3A_290 : i32 to index
        %get3A_292 = arith.constant 0 : index
        %get3A_293 = tpu.vector_load %arg5[%get3A_291, %get3A_292] {strides = array<i32>} : memref<125x80xi32, #tpu.memory_space<vmem>>, vector<1x16xi32>,
        %get3A_294 = vector.shape_cast %get3A_293 : vector<1x16xi32> to vector<16xi32>
        %and3A_295 = arith.constant 65535 : i32
        %and3A_296 = vector.broadcast %and3A_295 : i32 to vector<16xi32>
        %and3A_297 = arith.andi %get3A_294, %and3A_296 : vector<16xi32>
        %swap3A_298 = arith.constant 0 : index
        %swap3A_299 = tpu.vector_load %arg6[%swap3A_298] {strides = array<i32>} : memref<80xi32, #tpu.memory_space<vmem>>, vector<16xi32>,
        %swap3A_300 = vector.shape_cast %swap3A_299 : vector<16xi32> to vector<16xi32>
        %swap3A_301 = vector.shape_cast %and3A_297 : vector<16xi32> to vector<16xi32>
        tpu.vector_store %arg6[%swap3A_298], %swap3A_301 {strides = array<i32>} : memref<80xi32, #tpu.memory_space<vmem>>, vector<16xi32>,
        %shift_right_arithmetic3A_302 = arith.constant 16 : i32
        %shift_right_arithmetic3A_303 = vector.broadcast %shift_right_arithmetic3A_302 : i32 to vector<16xi32>
        %shift_right_arithmetic3A_304 = arith.shrsi %get3A_294, %shift_right_arithmetic3A_303 : vector<16xi32>
        %and3A_305 = arith.constant 16383 : i32
        %and3A_306 = vector.broadcast %and3A_305 : i32 to vector<16xi32>
        %and3A_307 = arith.andi %shift_right_arithmetic3A_304, %and3A_306 : vector<16xi32>
        %swap3A_308 = arith.constant 0 : index
        %swap3A_309 = tpu.vector_load %arg7[%swap3A_308] {strides = array<i32>} : memref<80xi32, #tpu.memory_space<vmem>>, vector<16xi32>,
        %swap3A_310 = vector.shape_cast %swap3A_309 : vector<16xi32> to vector<16xi32>
        %swap3A_311 = vector.shape_cast %and3A_307 : vector<16xi32> to vector<16xi32>
        tpu.vector_store %arg7[%swap3A_308], %swap3A_311 {strides = array<i32>} : memref<80xi32, #tpu.memory_space<vmem>>, vector<16xi32>,
        %get3A_312 = arith.index_cast %add3A_290 : i32 to index
        %get3A_313 = arith.constant 16 : index
        %get3A_314 = tpu.vector_load %arg5[%get3A_312, %get3A_313] {strides = array<i32>} : memref<125x80xi32, #tpu.memory_space<vmem>>, vector<1x16xi32>,
        %get3A_315 = vector.shape_cast %get3A_314 : vector<1x16xi32> to vector<16xi32>
        %and3A_316 = arith.constant 65535 : i32
        %and3A_317 = vector.broadcast %and3A_316 : i32 to vector<16xi32>
        %and3A_318 = arith.andi %get3A_315, %and3A_317 : vector<16xi32>
        %swap3A_319 = arith.constant 16 : index
        %swap3A_320 = tpu.vector_load %arg6[%swap3A_319] {strides = array<i32>} : memref<80xi32, #tpu.memory_space<vmem>>, vector<16xi32>,
        %swap3A_321 = vector.shape_cast %swap3A_320 : vector<16xi32> to vector<16xi32>
        %swap3A_322 = vector.shape_cast %and3A_318 : vector<16xi32> to vector<16xi32>
        tpu.vector_store %arg6[%swap3A_319], %swap3A_322 {strides = array<i32>} : memref<80xi32, #tpu.memory_space<vmem>>, vector<16xi32>,
        %shift_right_arithmetic3A_323 = arith.constant 16 : i32
        %shift_right_arithmetic3A_324 = vector.broadcast %shift_right_arithmetic3A_323 : i32 to vector<16xi32>
        %shift_right_arithmetic3A_325 = arith.shrsi %get3A_315, %shift_right_arithmetic3A_324 : vector<16xi32>
        %and3A_326 = arith.constant 16383 : i32
        %and3A_327 = vector.broadcast %and3A_326 : i32 to vector<16xi32>
        %and3A_328 = arith.andi %shift_right_arithmetic3A_325, %and3A_327 : vector<16xi32>
        %swap3A_329 = arith.constant 16 : index
        %swap3A_330 = tpu.vector_load %arg7[%swap3A_329] {strides = array<i32>} : memref<80xi32, #tpu.memory_space<vmem>>, vector<16xi32>,
        %swap3A_331 = vector.shape_cast %swap3A_330 : vector<16xi32> to vector<16xi32>
        %swap3A_332 = vector.shape_cast %and3A_328 : vector<16xi32> to vector<16xi32>
        tpu.vector_store %arg7[%swap3A_329], %swap3A_332 {strides = array<i32>} : memref<80xi32, #tpu.memory_space<vmem>>, vector<16xi32>,
        %get3A_333 = arith.index_cast %add3A_290 : i32 to index
        %get3A_334 = arith.constant 32 : index
        %get3A_335 = tpu.vector_load %arg5[%get3A_333, %get3A_334] {strides = array<i32>} : memref<125x80xi32, #tpu.memory_space<vmem>>, vector<1x16xi32>,
        %get3A_336 = vector.shape_cast %get3A_335 : vector<1x16xi32> to vector<16xi32>
        %and3A_337 = arith.constant 65535 : i32
        %and3A_338 = vector.broadcast %and3A_337 : i32 to vector<16xi32>
        %and3A_339 = arith.andi %get3A_336, %and3A_338 : vector<16xi32>
        %swap3A_340 = arith.constant 32 : index
        %swap3A_341 = tpu.vector_load %arg6[%swap3A_340] {strides = array<i32>} : memref<80xi32, #tpu.memory_space<vmem>>, vector<16xi32>,
        %swap3A_342 = vector.shape_cast %swap3A_341 : vector<16xi32> to vector<16xi32>
        %swap3A_343 = vector.shape_cast %and3A_339 : vector<16xi32> to vector<16xi32>
        tpu.vector_store %arg6[%swap3A_340], %swap3A_343 {strides = array<i32>} : memref<80xi32, #tpu.memory_space<vmem>>, vector<16xi32>,
        %shift_right_arithmetic3A_344 = arith.constant 16 : i32
        %shift_right_arithmetic3A_345 = vector.broadcast %shift_right_arithmetic3A_344 : i32 to vector<16xi32>
        %shift_right_arithmetic3A_346 = arith.shrsi %get3A_336, %shift_right_arithmetic3A_345 : vector<16xi32>
        %and3A_347 = arith.constant 16383 : i32
        %and3A_348 = vector.broadcast %and3A_347 : i32 to vector<16xi32>
        %and3A_349 = arith.andi %shift_right_arithmetic3A_346, %and3A_348 : vector<16xi32>
        %swap3A_350 = arith.constant 32 : index
        %swap3A_351 = tpu.vector_load %arg7[%swap3A_350] {strides = array<i32>} : memref<80xi32, #tpu.memory_space<vmem>>, vector<16xi32>,
        %swap3A_352 = vector.shape_cast %swap3A_351 : vector<16xi32> to vector<16xi32>
        %swap3A_353 = vector.shape_cast %and3A_349 : vector<16xi32> to vector<16xi32>
        tpu.vector_store %arg7[%swap3A_350], %swap3A_353 {strides = array<i32>} : memref<80xi32, #tpu.memory_space<vmem>>, vector<16xi32>,
        %get3A_354 = arith.index_cast %add3A_290 : i32 to index
        %get3A_355 = arith.constant 48 : index
        %get3A_356 = tpu.vector_load %arg5[%get3A_354, %get3A_355] {strides = array<i32>} : memref<125x80xi32, #tpu.memory_space<vmem>>, vector<1x16xi32>,
        %get3A_357 = vector.shape_cast %get3A_356 : vector<1x16xi32> to vector<16xi32>
        %and3A_358 = arith.constant 65535 : i32
        %and3A_359 = vector.broadcast %and3A_358 : i32 to vector<16xi32>
        %and3A_360 = arith.andi %get3A_357, %and3A_359 : vector<16xi32>
        %swap3A_361 = arith.constant 48 : index
        %swap3A_362 = tpu.vector_load %arg6[%swap3A_361] {strides = array<i32>} : memref<80xi32, #tpu.memory_space<vmem>>, vector<16xi32>,
        %swap3A_363 = vector.shape_cast %swap3A_362 : vector<16xi32> to vector<16xi32>
        %swap3A_364 = vector.shape_cast %and3A_360 : vector<16xi32> to vector<16xi32>
        tpu.vector_store %arg6[%swap3A_361], %swap3A_364 {strides = array<i32>} : memref<80xi32, #tpu.memory_space<vmem>>, vector<16xi32>,
        %shift_right_arithmetic3A_365 = arith.constant 16 : i32
        %shift_right_arithmetic3A_366 = vector.broadcast %shift_right_arithmetic3A_365 : i32 to vector<16xi32>
        %shift_right_arithmetic3A_367 = arith.shrsi %get3A_357, %shift_right_arithmetic3A_366 : vector<16xi32>
        %and3A_368 = arith.constant 16383 : i32
        %and3A_369 = vector.broadcast %and3A_368 : i32 to vector<16xi32>
        %and3A_370 = arith.andi %shift_right_arithmetic3A_367, %and3A_369 : vector<16xi32>
        %swap3A_371 = arith.constant 48 : index
        %swap3A_372 = tpu.vector_load %arg7[%swap3A_371] {strides = array<i32>} : memref<80xi32, #tpu.memory_space<vmem>>, vector<16xi32>,
        %swap3A_373 = vector.shape_cast %swap3A_372 : vector<16xi32> to vector<16xi32>
        %swap3A_374 = vector.shape_cast %and3A_370 : vector<16xi32> to vector<16xi32>
        tpu.vector_store %arg7[%swap3A_371], %swap3A_374 {strides = array<i32>} : memref<80xi32, #tpu.memory_space<vmem>>, vector<16xi32>,
        %get3A_375 = arith.index_cast %add3A_290 : i32 to index
        %get3A_376 = arith.constant 64 : index
        %get3A_377 = tpu.vector_load %arg5[%get3A_375, %get3A_376] {strides = array<i32>} : memref<125x80xi32, #tpu.memory_space<vmem>>, vector<1x16xi32>,
        %get3A_378 = vector.shape_cast %get3A_377 : vector<1x16xi32> to vector<16xi32>
        %and3A_379 = arith.constant 65535 : i32
        %and3A_380 = vector.broadcast %and3A_379 : i32 to vector<16xi32>
        %and3A_381 = arith.andi %get3A_378, %and3A_380 : vector<16xi32>
        %swap3A_382 = arith.constant 64 : index
        %swap3A_383 = tpu.vector_load %arg6[%swap3A_382] {strides = array<i32>} : memref<80xi32, #tpu.memory_space<vmem>>, vector<16xi32>,
        %swap3A_384 = vector.shape_cast %swap3A_383 : vector<16xi32> to vector<16xi32>
        %swap3A_385 = vector.shape_cast %and3A_381 : vector<16xi32> to vector<16xi32>
        tpu.vector_store %arg6[%swap3A_382], %swap3A_385 {strides = array<i32>} : memref<80xi32, #tpu.memory_space<vmem>>, vector<16xi32>,
        %shift_right_arithmetic3A_386 = arith.constant 16 : i32
        %shift_right_arithmetic3A_387 = vector.broadcast %shift_right_arithmetic3A_386 : i32 to vector<16xi32>
        %shift_right_arithmetic3A_388 = arith.shrsi %get3A_378, %shift_right_arithmetic3A_387 : vector<16xi32>
        %and3A_389 = arith.constant 16383 : i32
        %and3A_390 = vector.broadcast %and3A_389 : i32 to vector<16xi32>
        %and3A_391 = arith.andi %shift_right_arithmetic3A_388, %and3A_390 : vector<16xi32>
        %swap3A_392 = arith.constant 64 : index
        %swap3A_393 = tpu.vector_load %arg7[%swap3A_392] {strides = array<i32>} : memref<80xi32, #tpu.memory_space<vmem>>, vector<16xi32>,
        %swap3A_394 = vector.shape_cast %swap3A_393 : vector<16xi32> to vector<16xi32>
        %swap3A_395 = vector.shape_cast %and3A_391 : vector<16xi32> to vector<16xi32>
        tpu.vector_store %arg7[%swap3A_392], %swap3A_395 {strides = array<i32>} : memref<80xi32, #tpu.memory_space<vmem>>, vector<16xi32>,
        %dma_start3A_396 = arith.constant 0 : i32
        %dma_start3A_397 = arith.constant 0 : i32
        %dma_start3A_398 = tpu.memref_slice %arg2[%dma_start3A_396, %dma_start3A_397] : memref<40000x128xf32, #tpu.memory_space<hbm>> -> memref<40000x128xf32, #tpu.memory_space<hbm>>
        tpu.enqueue_indirect_dma source(%dma_start3A_398 : memref<40000x128xf32, #tpu.memory_space<hbm>>) target(%arg10 : memref<80x128xf32, #tpu.memory_space<vmem>>) offsets(%arg6 : memref<80xi32, #tpu.memory_space<vmem>>) semaphore(%arg13 : memref<!tpu.dma_semaphore, #tpu.memory_space<semaphore_mem>>)
      } else {
      }
      %dma_wait3A_285 = arith.constant 0 : i32
      %dma_wait3A_286 = arith.constant 0 : i32
      %dma_wait3A_287 = tpu.memref_slice %arg2[%dma_wait3A_285, %dma_wait3A_286] : memref<40000x128xf32, #tpu.memory_space<hbm>> -> memref<40000x128xf32, #tpu.memory_space<hbm>>
      tpu.wait_indirect_dma semaphore(%arg14 : memref<!tpu.dma_semaphore, #tpu.memory_space<semaphore_mem>>) src(%dma_wait3A_287 : memref<40000x128xf32, #tpu.memory_space<hbm>>) dst(%arg11 : memref<80x128xf32, #tpu.memory_space<vmem>>)
      "tpu.region"() ({
        %run_scoped3A = tpu.sem_alloc : memref<!tpu.dma_semaphore, #tpu.memory_space<semaphore_mem>>
        %dma_start3A_289 = arith.constant 0 : i32
        %dma_start3A_290 = arith.constant 0 : i32
        %dma_start3A_291 = tpu.memref_slice %arg12[%dma_start3A_289, %dma_start3A_290] : memref<10240x128xf32, #tpu.memory_space<vmem_shared>> -> memref<10240x128xf32, #tpu.memory_space<vmem_shared>>
        tpu.enqueue_indirect_dma source(%arg11 : memref<80x128xf32, #tpu.memory_space<vmem>>) target(%dma_start3A_291 : memref<10240x128xf32, #tpu.memory_space<vmem_shared>>) offsets(%arg9 : memref<80xi32, #tpu.memory_space<vmem>>) semaphore(%run_scoped3A : memref<!tpu.dma_semaphore, #tpu.memory_space<semaphore_mem>>) {add = true}
        %dma_wait3A_292 = arith.constant 0 : i32
        %dma_wait3A_293 = arith.constant 0 : i32
        %dma_wait3A_294 = tpu.memref_slice %arg12[%dma_wait3A_292, %dma_wait3A_293] : memref<10240x128xf32, #tpu.memory_space<vmem_shared>> -> memref<10240x128xf32, #tpu.memory_space<vmem_shared>>
        tpu.wait_indirect_dma semaphore(%run_scoped3A : memref<!tpu.dma_semaphore, #tpu.memory_space<semaphore_mem>>) src(%arg11 : memref<80x128xf32, #tpu.memory_space<vmem>>) dst(%dma_wait3A_294 : memref<10240x128xf32, #tpu.memory_space<vmem_shared>>)
        tpu.yield
      }) : () -> ()
      %scan3A_288 = arith.constant 0 : i32
      scf.yield %scan3A_288 : i32
    }
    %scan3A_153 = arith.constant 62 : i32
    %dma_wait3A = arith.constant 0 : i32
    %dma_wait3A_154 = arith.constant 0 : i32
    %dma_wait3A_155 = tpu.memref_slice %arg2[%dma_wait3A, %dma_wait3A_154] : memref<40000x128xf32, #tpu.memory_space<hbm>> -> memref<40000x128xf32, #tpu.memory_space<hbm>>
    tpu.wait_indirect_dma semaphore(%arg13 : memref<!tpu.dma_semaphore, #tpu.memory_space<semaphore_mem>>) src(%dma_wait3A_155 : memref<40000x128xf32, #tpu.memory_space<hbm>>) dst(%arg10 : memref<80x128xf32, #tpu.memory_space<vmem>>)
    "tpu.region"() ({
      %run_scoped3A = tpu.sem_alloc : memref<!tpu.dma_semaphore, #tpu.memory_space<semaphore_mem>>
      %dma_start3A_164 = arith.constant 0 : i32
      %dma_start3A_165 = arith.constant 0 : i32
      %dma_start3A_166 = tpu.memref_slice %arg12[%dma_start3A_164, %dma_start3A_165] : memref<10240x128xf32, #tpu.memory_space<vmem_shared>> -> memref<10240x128xf32, #tpu.memory_space<vmem_shared>>
      tpu.enqueue_indirect_dma source(%arg10 : memref<80x128xf32, #tpu.memory_space<vmem>>) target(%dma_start3A_166 : memref<10240x128xf32, #tpu.memory_space<vmem_shared>>) offsets(%arg7 : memref<80xi32, #tpu.memory_space<vmem>>) semaphore(%run_scoped3A : memref<!tpu.dma_semaphore, #tpu.memory_space<semaphore_mem>>) {add = true}
      %dma_wait3A_167 = arith.constant 0 : i32
      %dma_wait3A_168 = arith.constant 0 : i32
      %dma_wait3A_169 = tpu.memref_slice %arg12[%dma_wait3A_167, %dma_wait3A_168] : memref<10240x128xf32, #tpu.memory_space<vmem_shared>> -> memref<10240x128xf32, #tpu.memory_space<vmem_shared>>
      tpu.wait_indirect_dma semaphore(%run_scoped3A : memref<!tpu.dma_semaphore, #tpu.memory_space<semaphore_mem>>) src(%arg10 : memref<80x128xf32, #tpu.memory_space<vmem>>) dst(%dma_wait3A_169 : memref<10240x128xf32, #tpu.memory_space<vmem_shared>>)
      tpu.yield
    }) : () -> ()
    %barrier3A_156 = arith.constant 0 : index
    tpu.barrier barrier_id(%barrier3A_156)
    %mul3A_157 = arith.constant 640 : i32
    %mul3A_158 = arith.muli %arg1, %mul3A_157 : i32
    %mul3A_159 = arith.constant 10240 : i32
    %mul3A_160 = arith.muli %arg0, %mul3A_159 : i32
    %mul3A_161 = arith.constant 640 : i32
    %mul3A_162 = arith.muli %arg1, %mul3A_161 : i32
    %add3A_163 = arith.addi %mul3A_160, %mul3A_162 : i32
    "tpu.region"() ({
      %run_scoped3A = tpu.sem_alloc : memref<!tpu.dma_semaphore, #tpu.memory_space<semaphore_mem>>
      %dma_start3A_164 = arith.constant 0 : i32
      %dma_start3A_165 = tpu.memref_slice %arg4[%add3A_163, %dma_start3A_164] : memref<20480x128xf32, #tpu.memory_space<hbm>> -> memref<640x128xf32, #tpu.memory_space<hbm>>
      %dma_start3A_166 = arith.constant 0 : i32
      %dma_start3A_167 = tpu.memref_slice %arg12[%mul3A_158, %dma_start3A_166] : memref<10240x128xf32, #tpu.memory_space<vmem_shared>> -> memref<640x128xf32, #tpu.memory_space<vmem_shared>>
      tpu.enqueue_dma source(%dma_start3A_167 : memref<640x128xf32, #tpu.memory_space<vmem_shared>>) target(%dma_start3A_165 : memref<640x128xf32, #tpu.memory_space<hbm>>) target_semaphore(%run_scoped3A : memref<!tpu.dma_semaphore, #tpu.memory_space<semaphore_mem>>)
      %dma_wait3A_168 = arith.constant 0 : i32
      %dma_wait3A_169 = tpu.memref_slice %arg4[%add3A_163, %dma_wait3A_168] : memref<20480x128xf32, #tpu.memory_space<hbm>> -> memref<640x128xf32, #tpu.memory_space<hbm>>
      %dma_wait3A_170 = arith.constant 0 : i32
      %dma_wait3A_171 = tpu.memref_slice %arg12[%mul3A_158, %dma_wait3A_170] : memref<10240x128xf32, #tpu.memory_space<vmem_shared>> -> memref<640x128xf32, #tpu.memory_space<vmem_shared>>
      tpu.wait_dma2 semaphore(%run_scoped3A : memref<!tpu.dma_semaphore, #tpu.memory_space<semaphore_mem>>) src(%dma_wait3A_171 : memref<640x128xf32, #tpu.memory_space<vmem_shared>>) dst(%dma_wait3A_169 : memref<640x128xf32, #tpu.memory_space<hbm>>)
      tpu.yield
    }) : () -> ()
    return
  }
}

module attributes {stable_mosaic.version = 14 : i64} {
  func.func @_embed_body(%arg0: memref<10000x1xi32, #tpu.memory_space<vmem>>, %arg1: memref<10000x8xf32, #tpu.memory_space<vmem>>, %arg2: memref<28x64xf32, #tpu.memory_space<vmem>>, %arg3: memref<8x8xf32, #tpu.memory_space<vmem>>, %arg4: memref<1x8xf32, #tpu.memory_space<vmem>>, %arg5: memref<1x8xf32, #tpu.memory_space<vmem>>, %arg6: memref<1x8xf32, #tpu.memory_space<vmem>>, %arg7: memref<10000x128xf32, #tpu.memory_space<vmem>>) attributes {dimension_semantics = [], scalar_prefetch = 0 : i64, scratch_operands = 0 : i64, tpu.core_type = #tpu.core_type<tc>} {
    %get3A = arith.constant 0 : index
    %get3A_0 = arith.constant 0 : index
    %get3A_1 = vector.load %arg0[%get3A, %get3A_0] : memref<10000x1xi32, #tpu.memory_space<vmem>>, vector<10000x1xi32>
    %get3A_2 = arith.constant 0 : index
    %get3A_3 = arith.constant 0 : index
    %get3A_4 = vector.load %arg1[%get3A_2, %get3A_3] : memref<10000x8xf32, #tpu.memory_space<vmem>>, vector<10000x8xf32>
    %iota3A = tpu.iota {dimensions = array<i32: 1>} : vector<10000x28xi32>
    %eq3A = vector.broadcast %get3A_1 : vector<10000x1xi32> to vector<10000x28xi32>
    %eq3A_5 = arith.cmpi eq, %eq3A, %iota3A : vector<10000x28xi32>
    %convert_element_type3A = arith.extui %eq3A_5 : vector<10000x28xi1> to vector<10000x28xi32>
    %convert_element_type3A_6 = arith.sitofp %convert_element_type3A : vector<10000x28xi32> to vector<10000x28xf32>
    %get3A_7 = arith.constant 0 : index
    %get3A_8 = arith.constant 0 : index
    %get3A_9 = vector.load %arg2[%get3A_7, %get3A_8] : memref<28x64xf32, #tpu.memory_space<vmem>>, vector<28x64xf32>
    %dot_general3A = arith.constant dense<0.000000e+00> : vector<10000x64xf32>
    %dot_general3A_10 = tpu.matmul %convert_element_type3A_6, %get3A_9, %dot_general3A {dimension_numbers = #tpu.dot_dimension_numbers<[1], [0], [0], [1], [0, 0, 1, 1], [], []>, transpose_lhs_hint = false} : vector<10000x28xf32>, vector<28x64xf32>, vector<10000x64xf32> -> vector<10000x64xf32>
    %reduce_sum3A = arith.constant dense<0.000000e+00> : vector<8xf32>
    %reduce_sum3A_11 = vector.multi_reduction <add>, %get3A_4, %reduce_sum3A [0] : vector<10000x8xf32> to vector<8xf32>
    %broadcast_in_dim3A = vector.shape_cast %reduce_sum3A_11 : vector<8xf32> to vector<1x8xf32>
    %div3A = arith.constant 1.000000e+04 : f32
    %div3A_12 = vector.broadcast %div3A : f32 to vector<1x8xf32>
    %div3A_13 = arith.divf %broadcast_in_dim3A, %div3A_12 : vector<1x8xf32>
    %sub3A = vector.broadcast %div3A_13 : vector<1x8xf32> to vector<10000x8xf32>
    %sub3A_14 = arith.subf %get3A_4, %sub3A : vector<10000x8xf32>
    %sub3A_15 = vector.broadcast %div3A_13 : vector<1x8xf32> to vector<10000x8xf32>
    %sub3A_16 = arith.subf %get3A_4, %sub3A_15 : vector<10000x8xf32>
    %mul3A = arith.mulf %sub3A_14, %sub3A_16 : vector<10000x8xf32>
    %reduce_sum3A_17 = arith.constant dense<0.000000e+00> : vector<8xf32>
    %reduce_sum3A_18 = vector.multi_reduction <add>, %mul3A, %reduce_sum3A_17 [0] : vector<10000x8xf32> to vector<8xf32>
    %broadcast_in_dim3A_19 = vector.shape_cast %reduce_sum3A_18 : vector<8xf32> to vector<1x8xf32>
    %div3A_20 = arith.constant 1.000000e+04 : f32
    %div3A_21 = vector.broadcast %div3A_20 : f32 to vector<1x8xf32>
    %div3A_22 = arith.divf %broadcast_in_dim3A_19, %div3A_21 : vector<1x8xf32>
    %sub3A_23 = vector.broadcast %div3A_13 : vector<1x8xf32> to vector<10000x8xf32>
    %sub3A_24 = arith.subf %get3A_4, %sub3A_23 : vector<10000x8xf32>
    %add3A = arith.constant 9.99999974E-6 : f32
    %add3A_25 = vector.broadcast %add3A : f32 to vector<1x8xf32>
    %add3A_26 = arith.addf %div3A_22, %add3A_25 : vector<1x8xf32>
    %rsqrt3A = math.rsqrt %add3A_26 : vector<1x8xf32>
    %mul3A_27 = vector.broadcast %rsqrt3A : vector<1x8xf32> to vector<10000x8xf32>
    %mul3A_28 = arith.mulf %sub3A_24, %mul3A_27 : vector<10000x8xf32>
    %get3A_29 = arith.constant 0 : index
    %get3A_30 = arith.constant 0 : index
    %get3A_31 = vector.load %arg5[%get3A_29, %get3A_30] : memref<1x8xf32, #tpu.memory_space<vmem>>, vector<1x8xf32>
    %mul3A_32 = vector.broadcast %get3A_31 : vector<1x8xf32> to vector<10000x8xf32>
    %mul3A_33 = arith.mulf %mul3A_28, %mul3A_32 : vector<10000x8xf32>
    %get3A_34 = arith.constant 0 : index
    %get3A_35 = arith.constant 0 : index
    %get3A_36 = vector.load %arg6[%get3A_34, %get3A_35] : memref<1x8xf32, #tpu.memory_space<vmem>>, vector<1x8xf32>
    %add3A_37 = vector.broadcast %get3A_36 : vector<1x8xf32> to vector<10000x8xf32>
    %add3A_38 = arith.addf %mul3A_33, %add3A_37 : vector<10000x8xf32>
    %get3A_39 = arith.constant 0 : index
    %get3A_40 = arith.constant 0 : index
    %get3A_41 = vector.load %arg3[%get3A_39, %get3A_40] : memref<8x8xf32, #tpu.memory_space<vmem>>, vector<8x8xf32>
    %dot_general3A_42 = arith.constant dense<0.000000e+00> : vector<10000x8xf32>
    %dot_general3A_43 = tpu.matmul %add3A_38, %get3A_41, %dot_general3A_42 {dimension_numbers = #tpu.dot_dimension_numbers<[1], [0], [0], [1], [0, 0, 1, 1], [], []>, transpose_lhs_hint = false} : vector<10000x8xf32>, vector<8x8xf32>, vector<10000x8xf32> -> vector<10000x8xf32>
    %get3A_44 = arith.constant 0 : index
    %get3A_45 = arith.constant 0 : index
    %get3A_46 = vector.load %arg4[%get3A_44, %get3A_45] : memref<1x8xf32, #tpu.memory_space<vmem>>, vector<1x8xf32>
    %add3A_47 = vector.broadcast %get3A_46 : vector<1x8xf32> to vector<10000x8xf32>
    %add3A_48 = arith.addf %dot_general3A_43, %add3A_47 : vector<10000x8xf32>
    %broadcast_in_dim3A_49 = arith.constant 0.000000e+00 : f32
    %broadcast_in_dim3A_50 = vector.broadcast %broadcast_in_dim3A_49 : f32 to vector<10000x56xf32>
    %concatenate3A = tpu.concatenate %dot_general3A_10, %add3A_48, %broadcast_in_dim3A_50 in 1 : vector<10000x64xf32>, vector<10000x8xf32>, vector<10000x56xf32> -> vector<10000x128xf32>
    %swap3A = arith.constant 0 : index
    %swap3A_51 = arith.constant 0 : index
    %swap3A_52 = vector.load %arg7[%swap3A, %swap3A_51] : memref<10000x128xf32, #tpu.memory_space<vmem>>, vector<10000x128xf32>
    tpu.vector_store %arg7[%swap3A, %swap3A_51], %concatenate3A {strides = array<i32>} : memref<10000x128xf32, #tpu.memory_space<vmem>>, vector<10000x128xf32>,
    return
  }
}

module attributes {stable_mosaic.version = 14 : i64} {
  func.func @_msgtable_body(%arg0: i32, %arg1: memref<10000x128xf32, #tpu.memory_space<vmem>>, %arg2: memref<4x128xf32, #tpu.memory_space<vmem>>, %arg3: memref<10000x128xf32, #tpu.memory_space<vmem>>) attributes {dimension_semantics = [#tpu.dimension_semantics<arbitrary>], iteration_bounds = array<i64: 4>, scalar_prefetch = 0 : i64, scratch_operands = 0 : i64, tpu.core_type = #tpu.core_type<tc>, window_params = [{pipeline_mode = #tpu.pipeline_mode<synchronous>, transform_indices = @transform_0, window_bounds = array<i64: 10000, 128>}, {pipeline_mode = #tpu.pipeline_mode<synchronous>, transform_indices = @transform_1, window_bounds = array<i64: 4, 128>}, {transform_indices = @transform_2, window_bounds = array<i64: 10000, 128>}]} {
    %get3A = arith.constant 0 : index
    %get3A_0 = arith.constant 0 : index
    %get3A_1 = vector.load %arg1[%get3A, %get3A_0] : memref<10000x128xf32, #tpu.memory_space<vmem>>, vector<10000x128xf32>
    %get3A_2 = arith.index_cast %arg0 : i32 to index
    %get3A_3 = arith.constant 0 : index
    %get3A_4 = vector.load %arg2[%get3A_2, %get3A_3] : memref<4x128xf32, #tpu.memory_space<vmem>>, vector<1x128xf32>
    %add3A = vector.broadcast %get3A_4 : vector<1x128xf32> to vector<10000x128xf32>
    %add3A_5 = arith.addf %get3A_1, %add3A : vector<10000x128xf32>
    %max3A = arith.constant 0.000000e+00 : f32
    %max3A_6 = vector.broadcast %max3A : f32 to vector<10000x128xf32>
    %max3A_7 = arith.maximumf %add3A_5, %max3A_6 : vector<10000x128xf32>
    %swap3A = arith.constant 0 : index
    %swap3A_8 = arith.constant 0 : index
    %swap3A_9 = vector.load %arg3[%swap3A, %swap3A_8] : memref<10000x128xf32, #tpu.memory_space<vmem>>, vector<10000x128xf32>
    tpu.vector_store %arg3[%swap3A, %swap3A_8], %max3A_7 {strides = array<i32>} : memref<10000x128xf32, #tpu.memory_space<vmem>>, vector<10000x128xf32>,
    return
  }
  func.func @transform_0(%arg0: i32) -> (i32, i32) {
    %c0_i32 = arith.constant 0 : i32
    %c0_i32_0 = arith.constant 0 : i32
    %c0_i32_1 = arith.constant 0 : i32
    return %c0_i32, %c0_i32_0 : i32, i32
  }
  func.func @transform_1(%arg0: i32) -> (i32, i32) {
    %c0_i32 = arith.constant 0 : i32
    %c0_i32_0 = arith.constant 0 : i32
    %c0_i32_1 = arith.constant 0 : i32
    return %c0_i32, %c0_i32_0 : i32, i32
  }
  func.func @transform_2(%arg0: i32) -> (i32, i32) {
    %c0_i32 = arith.constant 0 : i32
    %c0_i32_0 = arith.constant 0 : i32
    return %arg0, %c0_i32 : i32, i32
  }
}

module attributes {stable_mosaic.version = 14 : i64} {
  func.func @_layer_body(%arg0: memref<10000x128xf32, #tpu.memory_space<vmem>>, %arg1: memref<10240x128xf32, #tpu.memory_space<vmem>>, %arg2: memref<10240x128xf32, #tpu.memory_space<vmem>>, %arg3: memref<72x72xf32, #tpu.memory_space<vmem>>, %arg4: memref<1x72xf32, #tpu.memory_space<vmem>>, %arg5: memref<72x72xf32, #tpu.memory_space<vmem>>, %arg6: memref<1x72xf32, #tpu.memory_space<vmem>>, %arg7: memref<72x72xf32, #tpu.memory_space<vmem>>, %arg8: memref<72x72xf32, #tpu.memory_space<vmem>>, %arg9: memref<72x72xf32, #tpu.memory_space<vmem>>, %arg10: memref<72x72xf32, #tpu.memory_space<vmem>>, %arg11: memref<1x72xf32, #tpu.memory_space<vmem>>, %arg12: memref<1x72xf32, #tpu.memory_space<vmem>>, %arg13: memref<1x72xf32, #tpu.memory_space<vmem>>, %arg14: memref<1x72xf32, #tpu.memory_space<vmem>>, %arg15: memref<1x72xf32, #tpu.memory_space<vmem>>, %arg16: memref<1x72xf32, #tpu.memory_space<vmem>>, %arg17: memref<1x72xf32, #tpu.memory_space<vmem>>, %arg18: memref<1x72xf32, #tpu.memory_space<vmem>>, %arg19: memref<1x72xf32, #tpu.memory_space<vmem>>, %arg20: memref<1x72xf32, #tpu.memory_space<vmem>>, %arg21: memref<72x144xf32, #tpu.memory_space<vmem>>, %arg22: memref<1x144xf32, #tpu.memory_space<vmem>>, %arg23: memref<144x72xf32, #tpu.memory_space<vmem>>, %arg24: memref<1x72xf32, #tpu.memory_space<vmem>>, %arg25: memref<10000x128xf32, #tpu.memory_space<vmem>>, %arg26: memref<10000x72xf32, #tpu.memory_space<vmem>>, %arg27: memref<10000x72xf32, #tpu.memory_space<vmem>>, %arg28: memref<10000x72xf32, #tpu.memory_space<vmem>>, %arg29: memref<10000x72xf32, #tpu.memory_space<vmem>>) attributes {dimension_semantics = [], scalar_prefetch = 0 : i64, scratch_operands = 4 : i64, tpu.core_type = #tpu.core_type<tc>} {
    %get3A = arith.constant 0 : index
    %get3A_0 = arith.constant 0 : index
    %get3A_1 = vector.load %arg0[%get3A, %get3A_0] : memref<10000x128xf32, #tpu.memory_space<vmem>>, vector<10000x128xf32>
    %slice3A = vector.extract_strided_slice %get3A_1 {offsets = [0, 0], sizes = [10000, 72], strides = [1, 1]} : vector<10000x128xf32> to vector<10000x72xf32>
    %get3A_2 = arith.constant 0 : index
    %get3A_3 = arith.constant 0 : index
    %get3A_4 = vector.load %arg1[%get3A_2, %get3A_3] : memref<10240x128xf32, #tpu.memory_space<vmem>>, vector<10240x128xf32>
    %slice3A_5 = vector.extract_strided_slice %get3A_4 {offsets = [0, 0], sizes = [10000, 72], strides = [1, 1]} : vector<10240x128xf32> to vector<10000x72xf32>
    %get3A_6 = arith.constant 0 : index
    %get3A_7 = arith.constant 0 : index
    %get3A_8 = vector.load %arg2[%get3A_6, %get3A_7] : memref<10240x128xf32, #tpu.memory_space<vmem>>, vector<10240x128xf32>
    %slice3A_9 = vector.extract_strided_slice %get3A_8 {offsets = [0, 0], sizes = [10000, 72], strides = [1, 1]} : vector<10240x128xf32> to vector<10000x72xf32>
    %add3A = arith.addf %slice3A_5, %slice3A_9 : vector<10000x72xf32>
    %add3A_10 = arith.addf %slice3A, %add3A : vector<10000x72xf32>
    %get3A_11 = arith.constant 0 : index
    %get3A_12 = arith.constant 0 : index
    %get3A_13 = vector.load %arg3[%get3A_11, %get3A_12] : memref<72x72xf32, #tpu.memory_space<vmem>>, vector<72x72xf32>
    %dot_general3A = arith.constant dense<0.000000e+00> : vector<10000x72xf32>
    %dot_general3A_14 = tpu.matmul %add3A_10, %get3A_13, %dot_general3A {dimension_numbers = #tpu.dot_dimension_numbers<[1], [0], [0], [1], [0, 0, 1, 1], [], []>, transpose_lhs_hint = false} : vector<10000x72xf32>, vector<72x72xf32>, vector<10000x72xf32> -> vector<10000x72xf32>
    %get3A_15 = arith.constant 0 : index
    %get3A_16 = arith.constant 0 : index
    %get3A_17 = vector.load %arg4[%get3A_15, %get3A_16] : memref<1x72xf32, #tpu.memory_space<vmem>>, vector<1x72xf32>
    %add3A_18 = vector.broadcast %get3A_17 : vector<1x72xf32> to vector<10000x72xf32>
    %add3A_19 = arith.addf %dot_general3A_14, %add3A_18 : vector<10000x72xf32>
    %max3A = arith.constant 0.000000e+00 : f32
    %max3A_20 = vector.broadcast %max3A : f32 to vector<10000x72xf32>
    %max3A_21 = arith.maximumf %add3A_19, %max3A_20 : vector<10000x72xf32>
    %get3A_22 = arith.constant 0 : index
    %get3A_23 = arith.constant 0 : index
    %get3A_24 = vector.load %arg5[%get3A_22, %get3A_23] : memref<72x72xf32, #tpu.memory_space<vmem>>, vector<72x72xf32>
    %dot_general3A_25 = arith.constant dense<0.000000e+00> : vector<10000x72xf32>
    %dot_general3A_26 = tpu.matmul %max3A_21, %get3A_24, %dot_general3A_25 {dimension_numbers = #tpu.dot_dimension_numbers<[1], [0], [0], [1], [0, 0, 1, 1], [], []>, transpose_lhs_hint = false} : vector<10000x72xf32>, vector<72x72xf32>, vector<10000x72xf32> -> vector<10000x72xf32>
    %get3A_27 = arith.constant 0 : index
    %get3A_28 = arith.constant 0 : index
    %get3A_29 = vector.load %arg6[%get3A_27, %get3A_28] : memref<1x72xf32, #tpu.memory_space<vmem>>, vector<1x72xf32>
    %add3A_30 = vector.broadcast %get3A_29 : vector<1x72xf32> to vector<10000x72xf32>
    %add3A_31 = arith.addf %dot_general3A_26, %add3A_30 : vector<10000x72xf32>
    %add3A_32 = arith.addf %add3A_31, %slice3A : vector<10000x72xf32>
    %get3A_33 = arith.constant 0 : index
    %get3A_34 = arith.constant 0 : index
    %get3A_35 = vector.load %arg15[%get3A_33, %get3A_34] : memref<1x72xf32, #tpu.memory_space<vmem>>, vector<1x72xf32>
    %get3A_36 = arith.constant 0 : index
    %get3A_37 = arith.constant 0 : index
    %get3A_38 = vector.load %arg16[%get3A_36, %get3A_37] : memref<1x72xf32, #tpu.memory_space<vmem>>, vector<1x72xf32>
    %reduce_sum3A = arith.constant dense<0.000000e+00> : vector<72xf32>
    %reduce_sum3A_39 = vector.multi_reduction <add>, %add3A_32, %reduce_sum3A [0] : vector<10000x72xf32> to vector<72xf32>
    %broadcast_in_dim3A = vector.shape_cast %reduce_sum3A_39 : vector<72xf32> to vector<1x72xf32>
    %div3A = arith.constant 1.000000e+04 : f32
    %div3A_40 = vector.broadcast %div3A : f32 to vector<1x72xf32>
    %div3A_41 = arith.divf %broadcast_in_dim3A, %div3A_40 : vector<1x72xf32>
    %jit3A = arith.constant 0 : i32
    %reduce_sum3A_42 = arith.constant dense<0.000000e+00> : vector<72xf32>
    %reduce_sum3A_43 = vector.multi_reduction <add>, %add3A_32, %reduce_sum3A_42 [0] : vector<10000x72xf32> to vector<72xf32>
    %broadcast_in_dim3A_44 = vector.shape_cast %reduce_sum3A_43 : vector<72xf32> to vector<1x72xf32>
    %div3A_45 = arith.constant 1.000000e+04 : f32
    %div3A_46 = vector.broadcast %div3A_45 : f32 to vector<1x72xf32>
    %div3A_47 = arith.divf %broadcast_in_dim3A_44, %div3A_46 : vector<1x72xf32>
    %sub3A = vector.broadcast %div3A_47 : vector<1x72xf32> to vector<10000x72xf32>
    %sub3A_48 = arith.subf %add3A_32, %sub3A : vector<10000x72xf32>
    %square3A = arith.mulf %sub3A_48, %sub3A_48 : vector<10000x72xf32>
    %convert_element_type3A = arith.sitofp %jit3A : i32 to f32
    %sub3A_49 = arith.constant 1.000000e+04 : f32
    %sub3A_50 = arith.subf %sub3A_49, %convert_element_type3A : f32
    %reduce_sum3A_51 = arith.constant dense<0.000000e+00> : vector<72xf32>
    %reduce_sum3A_52 = vector.multi_reduction <add>, %square3A, %reduce_sum3A_51 [0] : vector<10000x72xf32> to vector<72xf32>
    %broadcast_in_dim3A_53 = vector.shape_cast %reduce_sum3A_52 : vector<72xf32> to vector<1x72xf32>
    %div3A_54 = vector.broadcast %sub3A_50 : f32 to vector<1x72xf32>
    %div3A_55 = arith.divf %broadcast_in_dim3A_53, %div3A_54 : vector<1x72xf32>
    %gt3A = arith.constant 0.000000e+00 : f32
    %gt3A_56 = arith.cmpf ogt, %sub3A_50, %gt3A : f32
    %jit3A_57 = arith.constant 0x7FC00000 : f32
    %broadcast_in_dim3A_58 = vector.broadcast %jit3A_57 : f32 to vector<1x72xf32>
    %select_n3A = arith.select %gt3A_56, %div3A_55, %broadcast_in_dim3A_58 : vector<1x72xf32>
    %sub3A_59 = vector.broadcast %div3A_41 : vector<1x72xf32> to vector<10000x72xf32>
    %sub3A_60 = arith.subf %add3A_32, %sub3A_59 : vector<10000x72xf32>
    %add3A_61 = arith.constant 9.99999974E-6 : f32
    %add3A_62 = vector.broadcast %add3A_61 : f32 to vector<1x72xf32>
    %add3A_63 = arith.addf %select_n3A, %add3A_62 : vector<1x72xf32>
    %sqrt3A = math.sqrt %add3A_63 : vector<1x72xf32>
    %div3A_64 = vector.broadcast %sqrt3A : vector<1x72xf32> to vector<10000x72xf32>
    %div3A_65 = arith.divf %sub3A_60, %div3A_64 : vector<10000x72xf32>
    %mul3A = vector.broadcast %get3A_35 : vector<1x72xf32> to vector<10000x72xf32>
    %mul3A_66 = arith.mulf %div3A_65, %mul3A : vector<10000x72xf32>
    %add3A_67 = vector.broadcast %get3A_38 : vector<1x72xf32> to vector<10000x72xf32>
    %add3A_68 = arith.addf %mul3A_66, %add3A_67 : vector<10000x72xf32>
    %get3A_69 = arith.constant 0 : index
    %get3A_70 = arith.constant 0 : index
    %get3A_71 = vector.load %arg7[%get3A_69, %get3A_70] : memref<72x72xf32, #tpu.memory_space<vmem>>, vector<72x72xf32>
    %dot_general3A_72 = arith.constant dense<0.000000e+00> : vector<10000x72xf32>
    %dot_general3A_73 = tpu.matmul %slice3A, %get3A_71, %dot_general3A_72 {dimension_numbers = #tpu.dot_dimension_numbers<[1], [0], [0], [1], [0, 0, 1, 1], [], []>, transpose_lhs_hint = false} : vector<10000x72xf32>, vector<72x72xf32>, vector<10000x72xf32> -> vector<10000x72xf32>
    %get3A_74 = arith.constant 0 : index
    %get3A_75 = arith.constant 0 : index
    %get3A_76 = vector.load %arg11[%get3A_74, %get3A_75] : memref<1x72xf32, #tpu.memory_space<vmem>>, vector<1x72xf32>
    %add3A_77 = vector.broadcast %get3A_76 : vector<1x72xf32> to vector<10000x72xf32>
    %add3A_78 = arith.addf %dot_general3A_73, %add3A_77 : vector<10000x72xf32>
    %get3A_79 = arith.constant 0 : index
    %get3A_80 = arith.constant 0 : index
    %get3A_81 = vector.load %arg8[%get3A_79, %get3A_80] : memref<72x72xf32, #tpu.memory_space<vmem>>, vector<72x72xf32>
    %dot_general3A_82 = arith.constant dense<0.000000e+00> : vector<10000x72xf32>
    %dot_general3A_83 = tpu.matmul %slice3A, %get3A_81, %dot_general3A_82 {dimension_numbers = #tpu.dot_dimension_numbers<[1], [0], [0], [1], [0, 0, 1, 1], [], []>, transpose_lhs_hint = false} : vector<10000x72xf32>, vector<72x72xf32>, vector<10000x72xf32> -> vector<10000x72xf32>
    %get3A_84 = arith.constant 0 : index
    %get3A_85 = arith.constant 0 : index
    %get3A_86 = vector.load %arg12[%get3A_84, %get3A_85] : memref<1x72xf32, #tpu.memory_space<vmem>>, vector<1x72xf32>
    %add3A_87 = vector.broadcast %get3A_86 : vector<1x72xf32> to vector<10000x72xf32>
    %add3A_88 = arith.addf %dot_general3A_83, %add3A_87 : vector<10000x72xf32>
    %get3A_89 = arith.constant 0 : index
    %get3A_90 = arith.constant 0 : index
    %get3A_91 = vector.load %arg9[%get3A_89, %get3A_90] : memref<72x72xf32, #tpu.memory_space<vmem>>, vector<72x72xf32>
    %dot_general3A_92 = arith.constant dense<0.000000e+00> : vector<10000x72xf32>
    %dot_general3A_93 = tpu.matmul %slice3A, %get3A_91, %dot_general3A_92 {dimension_numbers = #tpu.dot_dimension_numbers<[1], [0], [0], [1], [0, 0, 1, 1], [], []>, transpose_lhs_hint = false} : vector<10000x72xf32>, vector<72x72xf32>, vector<10000x72xf32> -> vector<10000x72xf32>
    %get3A_94 = arith.constant 0 : index
    %get3A_95 = arith.constant 0 : index
    %get3A_96 = vector.load %arg13[%get3A_94, %get3A_95] : memref<1x72xf32, #tpu.memory_space<vmem>>, vector<1x72xf32>
    %add3A_97 = vector.broadcast %get3A_96 : vector<1x72xf32> to vector<10000x72xf32>
    %add3A_98 = arith.addf %dot_general3A_93, %add3A_97 : vector<10000x72xf32>
    %swap3A = arith.constant 0 : index
    %swap3A_99 = arith.constant 0 : index
    %swap3A_100 = vector.load %arg27[%swap3A, %swap3A_99] : memref<10000x72xf32, #tpu.memory_space<vmem>>, vector<10000x72xf32>
    tpu.vector_store %arg27[%swap3A, %swap3A_99], %add3A_78 {strides = array<i32>} : memref<10000x72xf32, #tpu.memory_space<vmem>>, vector<10000x72xf32>,
    %swap3A_101 = arith.constant 0 : index
    %swap3A_102 = arith.constant 0 : index
    %swap3A_103 = vector.load %arg28[%swap3A_101, %swap3A_102] : memref<10000x72xf32, #tpu.memory_space<vmem>>, vector<10000x72xf32>
    tpu.vector_store %arg28[%swap3A_101, %swap3A_102], %add3A_88 {strides = array<i32>} : memref<10000x72xf32, #tpu.memory_space<vmem>>, vector<10000x72xf32>,
    %swap3A_104 = arith.constant 0 : index
    %swap3A_105 = arith.constant 0 : index
    %swap3A_106 = vector.load %arg29[%swap3A_104, %swap3A_105] : memref<10000x72xf32, #tpu.memory_space<vmem>>, vector<10000x72xf32>
    tpu.vector_store %arg29[%swap3A_104, %swap3A_105], %add3A_98 {strides = array<i32>} : memref<10000x72xf32, #tpu.memory_space<vmem>>, vector<10000x72xf32>,
    %iota3A = tpu.iota {dimensions = array<i32: 1>} : vector<1x72xi32>
    %jit3A_107 = arith.constant 18 : i32
    %div3A_108 = vector.broadcast %jit3A_107 : i32 to vector<1x72xi32>
    %div3A_109 = arith.divsi %iota3A, %div3A_108 : vector<1x72xi32>
    %sign3A = arith.constant 0 : i32
    %sign3A_110 = vector.broadcast %sign3A : i32 to vector<1x72xi32>
    %sign3A_111 = arith.cmpi sgt, %iota3A, %sign3A_110 : vector<1x72xi32>
    %sign3A_112 = arith.extui %sign3A_111 : vector<1x72xi1> to vector<1x72xi32>
    %sign3A_113 = arith.constant 0 : i32
    %sign3A_114 = vector.broadcast %sign3A_113 : i32 to vector<1x72xi32>
    %sign3A_115 = arith.cmpi slt, %iota3A, %sign3A_114 : vector<1x72xi32>
    %sign3A_116 = arith.extui %sign3A_115 : vector<1x72xi1> to vector<1x72xi32>
    %sign3A_117 = arith.subi %sign3A_112, %sign3A_116 : vector<1x72xi32>
    %sign3A_118 = arith.constant 0 : i32
    %sign3A_119 = arith.cmpi sgt, %jit3A_107, %sign3A_118 : i32
    %sign3A_120 = arith.extui %sign3A_119 : i1 to i32
    %sign3A_121 = arith.constant 0 : i32
    %sign3A_122 = arith.cmpi slt, %jit3A_107, %sign3A_121 : i32
    %sign3A_123 = arith.extui %sign3A_122 : i1 to i32
    %sign3A_124 = arith.subi %sign3A_120, %sign3A_123 : i32
    %ne3A = vector.broadcast %sign3A_124 : i32 to vector<1x72xi32>
    %ne3A_125 = arith.cmpi ne, %sign3A_117, %ne3A : vector<1x72xi32>
    %rem3A = vector.broadcast %jit3A_107 : i32 to vector<1x72xi32>
    %rem3A_126 = arith.remsi %iota3A, %rem3A : vector<1x72xi32>
    %ne3A_127 = arith.constant 0 : i32
    %ne3A_128 = vector.broadcast %ne3A_127 : i32 to vector<1x72xi32>
    %ne3A_129 = arith.cmpi ne, %rem3A_126, %ne3A_128 : vector<1x72xi32>
    %and3A = arith.andi %ne3A_125, %ne3A_129 : vector<1x72xi1>
    %sub3A_130 = arith.constant 1 : i32
    %sub3A_131 = vector.broadcast %sub3A_130 : i32 to vector<1x72xi32>
    %sub3A_132 = arith.subi %div3A_109, %sub3A_131 : vector<1x72xi32>
    %select_n3A_133 = arith.select %and3A, %sub3A_132, %div3A_109 : vector<1x72xi1>, vector<1x72xi32>
    %eq3A = arith.constant 0 : i32
    %eq3A_134 = vector.broadcast %eq3A : i32 to vector<1x72xi32>
    %eq3A_135 = arith.cmpi eq, %select_n3A_133, %eq3A_134 : vector<1x72xi32>
    %convert_element_type3A_136 = arith.extui %eq3A_135 : vector<1x72xi1> to vector<1x72xi32>
    %convert_element_type3A_137 = arith.sitofp %convert_element_type3A_136 : vector<1x72xi32> to vector<1x72xf32>
    %eq3A_138 = arith.constant 1 : i32
    %eq3A_139 = vector.broadcast %eq3A_138 : i32 to vector<1x72xi32>
    %eq3A_140 = arith.cmpi eq, %select_n3A_133, %eq3A_139 : vector<1x72xi32>
    %convert_element_type3A_141 = arith.extui %eq3A_140 : vector<1x72xi1> to vector<1x72xi32>
    %convert_element_type3A_142 = arith.sitofp %convert_element_type3A_141 : vector<1x72xi32> to vector<1x72xf32>
    %eq3A_143 = arith.constant 2 : i32
    %eq3A_144 = vector.broadcast %eq3A_143 : i32 to vector<1x72xi32>
    %eq3A_145 = arith.cmpi eq, %select_n3A_133, %eq3A_144 : vector<1x72xi32>
    %convert_element_type3A_146 = arith.extui %eq3A_145 : vector<1x72xi1> to vector<1x72xi32>
    %convert_element_type3A_147 = arith.sitofp %convert_element_type3A_146 : vector<1x72xi32> to vector<1x72xf32>
    %eq3A_148 = arith.constant 3 : i32
    %eq3A_149 = vector.broadcast %eq3A_148 : i32 to vector<1x72xi32>
    %eq3A_150 = arith.cmpi eq, %select_n3A_133, %eq3A_149 : vector<1x72xi32>
    %convert_element_type3A_151 = arith.extui %eq3A_150 : vector<1x72xi1> to vector<1x72xi32>
    %convert_element_type3A_152 = arith.sitofp %convert_element_type3A_151 : vector<1x72xi32> to vector<1x72xf32>
    %scan3A = arith.constant 0 : i32
    %scan3A_153 = arith.constant 50 : i32
    %scan3A_154 = arith.addi %scan3A, %scan3A_153 : i32
    %scan3A_155 = arith.constant 1 : i32
    scf.for %scan3A_295 = %scan3A to %scan3A_154 step %scan3A_155  : i32 {
      %mul3A_296 = arith.constant 200 : i32
      %mul3A_297 = arith.muli %scan3A_295, %mul3A_296 : i32
      %get3A_298 = arith.index_cast %mul3A_297 : i32 to index
      %get3A_299 = arith.constant 0 : index
      %get3A_300 = vector.load %arg27[%get3A_298, %get3A_299] : memref<10000x72xf32, #tpu.memory_space<vmem>>, vector<200x72xf32>
      %get3A_301 = arith.index_cast %mul3A_297 : i32 to index
      %get3A_302 = arith.constant 0 : index
      %get3A_303 = vector.load %arg28[%get3A_301, %get3A_302] : memref<10000x72xf32, #tpu.memory_space<vmem>>, vector<200x72xf32>
      %get3A_304 = arith.index_cast %mul3A_297 : i32 to index
      %get3A_305 = arith.constant 0 : index
      %get3A_306 = vector.load %arg29[%get3A_304, %get3A_305] : memref<10000x72xf32, #tpu.memory_space<vmem>>, vector<200x72xf32>
      %mul3A_307 = vector.broadcast %convert_element_type3A_137 : vector<1x72xf32> to vector<200x72xf32>
      %mul3A_308 = arith.mulf %get3A_303, %mul3A_307 : vector<200x72xf32>
      %mul3A_309 = vector.broadcast %convert_element_type3A_142 : vector<1x72xf32> to vector<200x72xf32>
      %mul3A_310 = arith.mulf %get3A_303, %mul3A_309 : vector<200x72xf32>
      %mul3A_311 = vector.broadcast %convert_element_type3A_147 : vector<1x72xf32> to vector<200x72xf32>
      %mul3A_312 = arith.mulf %get3A_303, %mul3A_311 : vector<200x72xf32>
      %mul3A_313 = vector.broadcast %convert_element_type3A_152 : vector<1x72xf32> to vector<200x72xf32>
      %mul3A_314 = arith.mulf %get3A_303, %mul3A_313 : vector<200x72xf32>
      %concatenate3A_315 = tpu.concatenate %mul3A_308, %mul3A_310, %mul3A_312, %mul3A_314 in 0 : vector<200x72xf32>, vector<200x72xf32>, vector<200x72xf32>, vector<200x72xf32> -> vector<800x72xf32>
      %mul3A_316 = vector.broadcast %convert_element_type3A_137 : vector<1x72xf32> to vector<200x72xf32>
      %mul3A_317 = arith.mulf %get3A_306, %mul3A_316 : vector<200x72xf32>
      %mul3A_318 = vector.broadcast %convert_element_type3A_142 : vector<1x72xf32> to vector<200x72xf32>
      %mul3A_319 = arith.mulf %get3A_306, %mul3A_318 : vector<200x72xf32>
      %mul3A_320 = vector.broadcast %convert_element_type3A_147 : vector<1x72xf32> to vector<200x72xf32>
      %mul3A_321 = arith.mulf %get3A_306, %mul3A_320 : vector<200x72xf32>
      %mul3A_322 = vector.broadcast %convert_element_type3A_152 : vector<1x72xf32> to vector<200x72xf32>
      %mul3A_323 = arith.mulf %get3A_306, %mul3A_322 : vector<200x72xf32>
      %concatenate3A_324 = tpu.concatenate %mul3A_317, %mul3A_319, %mul3A_321, %mul3A_323 in 0 : vector<200x72xf32>, vector<200x72xf32>, vector<200x72xf32>, vector<200x72xf32> -> vector<800x72xf32>
      %dot_general3A_325 = arith.constant dense<0.000000e+00> : vector<200x800xf32>
      %dot_general3A_326 = tpu.matmul %get3A_300, %concatenate3A_315, %dot_general3A_325 {dimension_numbers = #tpu.dot_dimension_numbers<[1], [1], [0], [0], [0, 0, 1, 0], [], []>, transpose_lhs_hint = false} : vector<200x72xf32>, vector<800x72xf32>, vector<200x800xf32> -> vector<200x800xf32>
      %mul3A_327 = arith.constant 0.235702261 : f32
      %mul3A_328 = vector.broadcast %mul3A_327 : f32 to vector<200x800xf32>
      %mul3A_329 = arith.mulf %dot_general3A_326, %mul3A_328 : vector<200x800xf32>
      %slice3A_330 = vector.extract_strided_slice %mul3A_329 {offsets = [0, 0], sizes = [200, 200], strides = [1, 1]} : vector<200x800xf32> to vector<200x200xf32>
      %reduce_max3A = arith.constant dense<0xFF800000> : vector<200xf32>
      %reduce_max3A_331 = vector.multi_reduction <maximumf>, %slice3A_330, %reduce_max3A [1] : vector<200x200xf32> to vector<200xf32>
      %broadcast_in_dim3A_332 = vector.shape_cast %reduce_max3A_331 : vector<200xf32> to vector<200x1xf32>
      %sub3A_333 = vector.broadcast %broadcast_in_dim3A_332 : vector<200x1xf32> to vector<200x200xf32>
      %sub3A_334 = arith.subf %slice3A_330, %sub3A_333 : vector<200x200xf32>
      %exp3A = math.exp %sub3A_334 : vector<200x200xf32>
      %reduce_sum3A_335 = arith.constant dense<0.000000e+00> : vector<200xf32>
      %reduce_sum3A_336 = vector.multi_reduction <add>, %exp3A, %reduce_sum3A_335 [1] : vector<200x200xf32> to vector<200xf32>
      %broadcast_in_dim3A_337 = vector.shape_cast %reduce_sum3A_336 : vector<200xf32> to vector<200x1xf32>
      %div3A_338 = vector.broadcast %broadcast_in_dim3A_337 : vector<200x1xf32> to vector<200x200xf32>
      %div3A_339 = arith.divf %exp3A, %div3A_338 : vector<200x200xf32>
      %slice3A_340 = vector.extract_strided_slice %mul3A_329 {offsets = [0, 200], sizes = [200, 200], strides = [1, 1]} : vector<200x800xf32> to vector<200x200xf32>
      %reduce_max3A_341 = arith.constant dense<0xFF800000> : vector<200xf32>
      %reduce_max3A_342 = vector.multi_reduction <maximumf>, %slice3A_340, %reduce_max3A_341 [1] : vector<200x200xf32> to vector<200xf32>
      %broadcast_in_dim3A_343 = vector.shape_cast %reduce_max3A_342 : vector<200xf32> to vector<200x1xf32>
      %sub3A_344 = vector.broadcast %broadcast_in_dim3A_343 : vector<200x1xf32> to vector<200x200xf32>
      %sub3A_345 = arith.subf %slice3A_340, %sub3A_344 : vector<200x200xf32>
      %exp3A_346 = math.exp %sub3A_345 : vector<200x200xf32>
      %reduce_sum3A_347 = arith.constant dense<0.000000e+00> : vector<200xf32>
      %reduce_sum3A_348 = vector.multi_reduction <add>, %exp3A_346, %reduce_sum3A_347 [1] : vector<200x200xf32> to vector<200xf32>
      %broadcast_in_dim3A_349 = vector.shape_cast %reduce_sum3A_348 : vector<200xf32> to vector<200x1xf32>
      %div3A_350 = vector.broadcast %broadcast_in_dim3A_349 : vector<200x1xf32> to vector<200x200xf32>
      %div3A_351 = arith.divf %exp3A_346, %div3A_350 : vector<200x200xf32>
      %slice3A_352 = vector.extract_strided_slice %mul3A_329 {offsets = [0, 400], sizes = [200, 200], strides = [1, 1]} : vector<200x800xf32> to vector<200x200xf32>
      %reduce_max3A_353 = arith.constant dense<0xFF800000> : vector<200xf32>
      %reduce_max3A_354 = vector.multi_reduction <maximumf>, %slice3A_352, %reduce_max3A_353 [1] : vector<200x200xf32> to vector<200xf32>
      %broadcast_in_dim3A_355 = vector.shape_cast %reduce_max3A_354 : vector<200xf32> to vector<200x1xf32>
      %sub3A_356 = vector.broadcast %broadcast_in_dim3A_355 : vector<200x1xf32> to vector<200x200xf32>
      %sub3A_357 = arith.subf %slice3A_352, %sub3A_356 : vector<200x200xf32>
      %exp3A_358 = math.exp %sub3A_357 : vector<200x200xf32>
      %reduce_sum3A_359 = arith.constant dense<0.000000e+00> : vector<200xf32>
      %reduce_sum3A_360 = vector.multi_reduction <add>, %exp3A_358, %reduce_sum3A_359 [1] : vector<200x200xf32> to vector<200xf32>
      %broadcast_in_dim3A_361 = vector.shape_cast %reduce_sum3A_360 : vector<200xf32> to vector<200x1xf32>
      %div3A_362 = vector.broadcast %broadcast_in_dim3A_361 : vector<200x1xf32> to vector<200x200xf32>
      %div3A_363 = arith.divf %exp3A_358, %div3A_362 : vector<200x200xf32>
      %slice3A_364 = vector.extract_strided_slice %mul3A_329 {offsets = [0, 600], sizes = [200, 200], strides = [1, 1]} : vector<200x800xf32> to vector<200x200xf32>
      %reduce_max3A_365 = arith.constant dense<0xFF800000> : vector<200xf32>
      %reduce_max3A_366 = vector.multi_reduction <maximumf>, %slice3A_364, %reduce_max3A_365 [1] : vector<200x200xf32> to vector<200xf32>
      %broadcast_in_dim3A_367 = vector.shape_cast %reduce_max3A_366 : vector<200xf32> to vector<200x1xf32>
      %sub3A_368 = vector.broadcast %broadcast_in_dim3A_367 : vector<200x1xf32> to vector<200x200xf32>
      %sub3A_369 = arith.subf %slice3A_364, %sub3A_368 : vector<200x200xf32>
      %exp3A_370 = math.exp %sub3A_369 : vector<200x200xf32>
      %reduce_sum3A_371 = arith.constant dense<0.000000e+00> : vector<200xf32>
      %reduce_sum3A_372 = vector.multi_reduction <add>, %exp3A_370, %reduce_sum3A_371 [1] : vector<200x200xf32> to vector<200xf32>
      %broadcast_in_dim3A_373 = vector.shape_cast %reduce_sum3A_372 : vector<200xf32> to vector<200x1xf32>
      %div3A_374 = vector.broadcast %broadcast_in_dim3A_373 : vector<200x1xf32> to vector<200x200xf32>
      %div3A_375 = arith.divf %exp3A_370, %div3A_374 : vector<200x200xf32>
      %concatenate3A_376 = tpu.concatenate %div3A_339, %div3A_351, %div3A_363, %div3A_375 in 1 : vector<200x200xf32>, vector<200x200xf32>, vector<200x200xf32>, vector<200x200xf32> -> vector<200x800xf32>
      %dot_general3A_377 = arith.constant dense<0.000000e+00> : vector<200x72xf32>
      %dot_general3A_378 = tpu.matmul %concatenate3A_376, %concatenate3A_324, %dot_general3A_377 {dimension_numbers = #tpu.dot_dimension_numbers<[1], [0], [0], [1], [0, 0, 1, 1], [], []>, transpose_lhs_hint = false} : vector<200x800xf32>, vector<800x72xf32>, vector<200x72xf32> -> vector<200x72xf32>
      %swap3A_379 = arith.index_cast %mul3A_297 : i32 to index
      %swap3A_380 = arith.constant 0 : index
      %swap3A_381 = vector.load %arg26[%swap3A_379, %swap3A_380] : memref<10000x72xf32, #tpu.memory_space<vmem>>, vector<200x72xf32>
      tpu.vector_store %arg26[%swap3A_379, %swap3A_380], %dot_general3A_378 {strides = array<i32>} : memref<10000x72xf32, #tpu.memory_space<vmem>>, vector<200x72xf32>,
    }
    %scan3A_156 = arith.constant 50 : i32
    %get3A_157 = arith.constant 0 : index
    %get3A_158 = arith.constant 0 : index
    %get3A_159 = vector.load %arg26[%get3A_157, %get3A_158] : memref<10000x72xf32, #tpu.memory_space<vmem>>, vector<10000x72xf32>
    %get3A_160 = arith.constant 0 : index
    %get3A_161 = arith.constant 0 : index
    %get3A_162 = vector.load %arg10[%get3A_160, %get3A_161] : memref<72x72xf32, #tpu.memory_space<vmem>>, vector<72x72xf32>
    %dot_general3A_163 = arith.constant dense<0.000000e+00> : vector<10000x72xf32>
    %dot_general3A_164 = tpu.matmul %get3A_159, %get3A_162, %dot_general3A_163 {dimension_numbers = #tpu.dot_dimension_numbers<[1], [0], [0], [1], [0, 0, 1, 1], [], []>, transpose_lhs_hint = false} : vector<10000x72xf32>, vector<72x72xf32>, vector<10000x72xf32> -> vector<10000x72xf32>
    %get3A_165 = arith.constant 0 : index
    %get3A_166 = arith.constant 0 : index
    %get3A_167 = vector.load %arg14[%get3A_165, %get3A_166] : memref<1x72xf32, #tpu.memory_space<vmem>>, vector<1x72xf32>
    %add3A_168 = vector.broadcast %get3A_167 : vector<1x72xf32> to vector<10000x72xf32>
    %add3A_169 = arith.addf %dot_general3A_164, %add3A_168 : vector<10000x72xf32>
    %add3A_170 = arith.addf %add3A_169, %slice3A : vector<10000x72xf32>
    %get3A_171 = arith.constant 0 : index
    %get3A_172 = arith.constant 0 : index
    %get3A_173 = vector.load %arg17[%get3A_171, %get3A_172] : memref<1x72xf32, #tpu.memory_space<vmem>>, vector<1x72xf32>
    %get3A_174 = arith.constant 0 : index
    %get3A_175 = arith.constant 0 : index
    %get3A_176 = vector.load %arg18[%get3A_174, %get3A_175] : memref<1x72xf32, #tpu.memory_space<vmem>>, vector<1x72xf32>
    %reduce_sum3A_177 = arith.constant dense<0.000000e+00> : vector<72xf32>
    %reduce_sum3A_178 = vector.multi_reduction <add>, %add3A_170, %reduce_sum3A_177 [0] : vector<10000x72xf32> to vector<72xf32>
    %broadcast_in_dim3A_179 = vector.shape_cast %reduce_sum3A_178 : vector<72xf32> to vector<1x72xf32>
    %div3A_180 = arith.constant 1.000000e+04 : f32
    %div3A_181 = vector.broadcast %div3A_180 : f32 to vector<1x72xf32>
    %div3A_182 = arith.divf %broadcast_in_dim3A_179, %div3A_181 : vector<1x72xf32>
    %jit3A_183 = arith.constant 0 : i32
    %reduce_sum3A_184 = arith.constant dense<0.000000e+00> : vector<72xf32>
    %reduce_sum3A_185 = vector.multi_reduction <add>, %add3A_170, %reduce_sum3A_184 [0] : vector<10000x72xf32> to vector<72xf32>
    %broadcast_in_dim3A_186 = vector.shape_cast %reduce_sum3A_185 : vector<72xf32> to vector<1x72xf32>
    %div3A_187 = arith.constant 1.000000e+04 : f32
    %div3A_188 = vector.broadcast %div3A_187 : f32 to vector<1x72xf32>
    %div3A_189 = arith.divf %broadcast_in_dim3A_186, %div3A_188 : vector<1x72xf32>
    %sub3A_190 = vector.broadcast %div3A_189 : vector<1x72xf32> to vector<10000x72xf32>
    %sub3A_191 = arith.subf %add3A_170, %sub3A_190 : vector<10000x72xf32>
    %square3A_192 = arith.mulf %sub3A_191, %sub3A_191 : vector<10000x72xf32>
    %convert_element_type3A_193 = arith.sitofp %jit3A_183 : i32 to f32
    %sub3A_194 = arith.constant 1.000000e+04 : f32
    %sub3A_195 = arith.subf %sub3A_194, %convert_element_type3A_193 : f32
    %reduce_sum3A_196 = arith.constant dense<0.000000e+00> : vector<72xf32>
    %reduce_sum3A_197 = vector.multi_reduction <add>, %square3A_192, %reduce_sum3A_196 [0] : vector<10000x72xf32> to vector<72xf32>
    %broadcast_in_dim3A_198 = vector.shape_cast %reduce_sum3A_197 : vector<72xf32> to vector<1x72xf32>
    %div3A_199 = vector.broadcast %sub3A_195 : f32 to vector<1x72xf32>
    %div3A_200 = arith.divf %broadcast_in_dim3A_198, %div3A_199 : vector<1x72xf32>
    %gt3A_201 = arith.constant 0.000000e+00 : f32
    %gt3A_202 = arith.cmpf ogt, %sub3A_195, %gt3A_201 : f32
    %jit3A_203 = arith.constant 0x7FC00000 : f32
    %broadcast_in_dim3A_204 = vector.broadcast %jit3A_203 : f32 to vector<1x72xf32>
    %select_n3A_205 = arith.select %gt3A_202, %div3A_200, %broadcast_in_dim3A_204 : vector<1x72xf32>
    %sub3A_206 = vector.broadcast %div3A_182 : vector<1x72xf32> to vector<10000x72xf32>
    %sub3A_207 = arith.subf %add3A_170, %sub3A_206 : vector<10000x72xf32>
    %add3A_208 = arith.constant 9.99999974E-6 : f32
    %add3A_209 = vector.broadcast %add3A_208 : f32 to vector<1x72xf32>
    %add3A_210 = arith.addf %select_n3A_205, %add3A_209 : vector<1x72xf32>
    %sqrt3A_211 = math.sqrt %add3A_210 : vector<1x72xf32>
    %div3A_212 = vector.broadcast %sqrt3A_211 : vector<1x72xf32> to vector<10000x72xf32>
    %div3A_213 = arith.divf %sub3A_207, %div3A_212 : vector<10000x72xf32>
    %mul3A_214 = vector.broadcast %get3A_173 : vector<1x72xf32> to vector<10000x72xf32>
    %mul3A_215 = arith.mulf %div3A_213, %mul3A_214 : vector<10000x72xf32>
    %add3A_216 = vector.broadcast %get3A_176 : vector<1x72xf32> to vector<10000x72xf32>
    %add3A_217 = arith.addf %mul3A_215, %add3A_216 : vector<10000x72xf32>
    %add3A_218 = arith.addf %add3A_68, %add3A_217 : vector<10000x72xf32>
    %get3A_219 = arith.constant 0 : index
    %get3A_220 = arith.constant 0 : index
    %get3A_221 = vector.load %arg21[%get3A_219, %get3A_220] : memref<72x144xf32, #tpu.memory_space<vmem>>, vector<72x144xf32>
    %dot_general3A_222 = arith.constant dense<0.000000e+00> : vector<10000x144xf32>
    %dot_general3A_223 = tpu.matmul %add3A_218, %get3A_221, %dot_general3A_222 {dimension_numbers = #tpu.dot_dimension_numbers<[1], [0], [0], [1], [0, 0, 1, 1], [], []>, transpose_lhs_hint = false} : vector<10000x72xf32>, vector<72x144xf32>, vector<10000x144xf32> -> vector<10000x144xf32>
    %get3A_224 = arith.constant 0 : index
    %get3A_225 = arith.constant 0 : index
    %get3A_226 = vector.load %arg22[%get3A_224, %get3A_225] : memref<1x144xf32, #tpu.memory_space<vmem>>, vector<1x144xf32>
    %add3A_227 = vector.broadcast %get3A_226 : vector<1x144xf32> to vector<10000x144xf32>
    %add3A_228 = arith.addf %dot_general3A_223, %add3A_227 : vector<10000x144xf32>
    %max3A_229 = arith.constant 0.000000e+00 : f32
    %max3A_230 = vector.broadcast %max3A_229 : f32 to vector<10000x144xf32>
    %max3A_231 = arith.maximumf %add3A_228, %max3A_230 : vector<10000x144xf32>
    %get3A_232 = arith.constant 0 : index
    %get3A_233 = arith.constant 0 : index
    %get3A_234 = vector.load %arg23[%get3A_232, %get3A_233] : memref<144x72xf32, #tpu.memory_space<vmem>>, vector<144x72xf32>
    %dot_general3A_235 = arith.constant dense<0.000000e+00> : vector<10000x72xf32>
    %dot_general3A_236 = tpu.matmul %max3A_231, %get3A_234, %dot_general3A_235 {dimension_numbers = #tpu.dot_dimension_numbers<[1], [0], [0], [1], [0, 0, 1, 1], [], []>, transpose_lhs_hint = false} : vector<10000x144xf32>, vector<144x72xf32>, vector<10000x72xf32> -> vector<10000x72xf32>
    %get3A_237 = arith.constant 0 : index
    %get3A_238 = arith.constant 0 : index
    %get3A_239 = vector.load %arg24[%get3A_237, %get3A_238] : memref<1x72xf32, #tpu.memory_space<vmem>>, vector<1x72xf32>
    %add3A_240 = vector.broadcast %get3A_239 : vector<1x72xf32> to vector<10000x72xf32>
    %add3A_241 = arith.addf %dot_general3A_236, %add3A_240 : vector<10000x72xf32>
    %add3A_242 = arith.addf %add3A_218, %add3A_241 : vector<10000x72xf32>
    %get3A_243 = arith.constant 0 : index
    %get3A_244 = arith.constant 0 : index
    %get3A_245 = vector.load %arg19[%get3A_243, %get3A_244] : memref<1x72xf32, #tpu.memory_space<vmem>>, vector<1x72xf32>
    %get3A_246 = arith.constant 0 : index
    %get3A_247 = arith.constant 0 : index
    %get3A_248 = vector.load %arg20[%get3A_246, %get3A_247] : memref<1x72xf32, #tpu.memory_space<vmem>>, vector<1x72xf32>
    %reduce_sum3A_249 = arith.constant dense<0.000000e+00> : vector<72xf32>
    %reduce_sum3A_250 = vector.multi_reduction <add>, %add3A_242, %reduce_sum3A_249 [0] : vector<10000x72xf32> to vector<72xf32>
    %broadcast_in_dim3A_251 = vector.shape_cast %reduce_sum3A_250 : vector<72xf32> to vector<1x72xf32>
    %div3A_252 = arith.constant 1.000000e+04 : f32
    %div3A_253 = vector.broadcast %div3A_252 : f32 to vector<1x72xf32>
    %div3A_254 = arith.divf %broadcast_in_dim3A_251, %div3A_253 : vector<1x72xf32>
    %jit3A_255 = arith.constant 0 : i32
    %reduce_sum3A_256 = arith.constant dense<0.000000e+00> : vector<72xf32>
    %reduce_sum3A_257 = vector.multi_reduction <add>, %add3A_242, %reduce_sum3A_256 [0] : vector<10000x72xf32> to vector<72xf32>
    %broadcast_in_dim3A_258 = vector.shape_cast %reduce_sum3A_257 : vector<72xf32> to vector<1x72xf32>
    %div3A_259 = arith.constant 1.000000e+04 : f32
    %div3A_260 = vector.broadcast %div3A_259 : f32 to vector<1x72xf32>
    %div3A_261 = arith.divf %broadcast_in_dim3A_258, %div3A_260 : vector<1x72xf32>
    %sub3A_262 = vector.broadcast %div3A_261 : vector<1x72xf32> to vector<10000x72xf32>
    %sub3A_263 = arith.subf %add3A_242, %sub3A_262 : vector<10000x72xf32>
    %square3A_264 = arith.mulf %sub3A_263, %sub3A_263 : vector<10000x72xf32>
    %convert_element_type3A_265 = arith.sitofp %jit3A_255 : i32 to f32
    %sub3A_266 = arith.constant 1.000000e+04 : f32
    %sub3A_267 = arith.subf %sub3A_266, %convert_element_type3A_265 : f32
    %reduce_sum3A_268 = arith.constant dense<0.000000e+00> : vector<72xf32>
    %reduce_sum3A_269 = vector.multi_reduction <add>, %square3A_264, %reduce_sum3A_268 [0] : vector<10000x72xf32> to vector<72xf32>
    %broadcast_in_dim3A_270 = vector.shape_cast %reduce_sum3A_269 : vector<72xf32> to vector<1x72xf32>
    %div3A_271 = vector.broadcast %sub3A_267 : f32 to vector<1x72xf32>
    %div3A_272 = arith.divf %broadcast_in_dim3A_270, %div3A_271 : vector<1x72xf32>
    %gt3A_273 = arith.constant 0.000000e+00 : f32
    %gt3A_274 = arith.cmpf ogt, %sub3A_267, %gt3A_273 : f32
    %jit3A_275 = arith.constant 0x7FC00000 : f32
    %broadcast_in_dim3A_276 = vector.broadcast %jit3A_275 : f32 to vector<1x72xf32>
    %select_n3A_277 = arith.select %gt3A_274, %div3A_272, %broadcast_in_dim3A_276 : vector<1x72xf32>
    %sub3A_278 = vector.broadcast %div3A_254 : vector<1x72xf32> to vector<10000x72xf32>
    %sub3A_279 = arith.subf %add3A_242, %sub3A_278 : vector<10000x72xf32>
    %add3A_280 = arith.constant 9.99999974E-6 : f32
    %add3A_281 = vector.broadcast %add3A_280 : f32 to vector<1x72xf32>
    %add3A_282 = arith.addf %select_n3A_277, %add3A_281 : vector<1x72xf32>
    %sqrt3A_283 = math.sqrt %add3A_282 : vector<1x72xf32>
    %div3A_284 = vector.broadcast %sqrt3A_283 : vector<1x72xf32> to vector<10000x72xf32>
    %div3A_285 = arith.divf %sub3A_279, %div3A_284 : vector<10000x72xf32>
    %mul3A_286 = vector.broadcast %get3A_245 : vector<1x72xf32> to vector<10000x72xf32>
    %mul3A_287 = arith.mulf %div3A_285, %mul3A_286 : vector<10000x72xf32>
    %add3A_288 = vector.broadcast %get3A_248 : vector<1x72xf32> to vector<10000x72xf32>
    %add3A_289 = arith.addf %mul3A_287, %add3A_288 : vector<10000x72xf32>
    %broadcast_in_dim3A_290 = arith.constant 0.000000e+00 : f32
    %broadcast_in_dim3A_291 = vector.broadcast %broadcast_in_dim3A_290 : f32 to vector<10000x56xf32>
    %concatenate3A = tpu.concatenate %add3A_289, %broadcast_in_dim3A_291 in 1 : vector<10000x72xf32>, vector<10000x56xf32> -> vector<10000x128xf32>
    %swap3A_292 = arith.constant 0 : index
    %swap3A_293 = arith.constant 0 : index
    %swap3A_294 = vector.load %arg25[%swap3A_292, %swap3A_293] : memref<10000x128xf32, #tpu.memory_space<vmem>>, vector<10000x128xf32>
    tpu.vector_store %arg25[%swap3A_292, %swap3A_293], %concatenate3A {strides = array<i32>} : memref<10000x128xf32, #tpu.memory_space<vmem>>, vector<10000x128xf32>,
    return
  }
}

module attributes {stable_mosaic.version = 14 : i64} {
  func.func @_readout_body(%arg0: memref<10000x128xf32, #tpu.memory_space<vmem>>, %arg1: memref<10000x128xf32, #tpu.memory_space<vmem>>, %arg2: memref<72x64xf32, #tpu.memory_space<vmem>>, %arg3: memref<1x64xf32, #tpu.memory_space<vmem>>, %arg4: memref<50x1xf32, #tpu.memory_space<vmem>>) attributes {dimension_semantics = [], scalar_prefetch = 0 : i64, scratch_operands = 0 : i64, tpu.core_type = #tpu.core_type<tc>} {
    %iota3A = tpu.iota {dimensions = array<i32: 1>} : vector<50x10000xi32>
    %jit3A = arith.constant 200 : i32
    %div3A = vector.broadcast %jit3A : i32 to vector<50x10000xi32>
    %div3A_0 = arith.divsi %iota3A, %div3A : vector<50x10000xi32>
    %sign3A = arith.constant 0 : i32
    %sign3A_1 = vector.broadcast %sign3A : i32 to vector<50x10000xi32>
    %sign3A_2 = arith.cmpi sgt, %iota3A, %sign3A_1 : vector<50x10000xi32>
    %sign3A_3 = arith.extui %sign3A_2 : vector<50x10000xi1> to vector<50x10000xi32>
    %sign3A_4 = arith.constant 0 : i32
    %sign3A_5 = vector.broadcast %sign3A_4 : i32 to vector<50x10000xi32>
    %sign3A_6 = arith.cmpi slt, %iota3A, %sign3A_5 : vector<50x10000xi32>
    %sign3A_7 = arith.extui %sign3A_6 : vector<50x10000xi1> to vector<50x10000xi32>
    %sign3A_8 = arith.subi %sign3A_3, %sign3A_7 : vector<50x10000xi32>
    %sign3A_9 = arith.constant 0 : i32
    %sign3A_10 = arith.cmpi sgt, %jit3A, %sign3A_9 : i32
    %sign3A_11 = arith.extui %sign3A_10 : i1 to i32
    %sign3A_12 = arith.constant 0 : i32
    %sign3A_13 = arith.cmpi slt, %jit3A, %sign3A_12 : i32
    %sign3A_14 = arith.extui %sign3A_13 : i1 to i32
    %sign3A_15 = arith.subi %sign3A_11, %sign3A_14 : i32
    %ne3A = vector.broadcast %sign3A_15 : i32 to vector<50x10000xi32>
    %ne3A_16 = arith.cmpi ne, %sign3A_8, %ne3A : vector<50x10000xi32>
    %rem3A = vector.broadcast %jit3A : i32 to vector<50x10000xi32>
    %rem3A_17 = arith.remsi %iota3A, %rem3A : vector<50x10000xi32>
    %ne3A_18 = arith.constant 0 : i32
    %ne3A_19 = vector.broadcast %ne3A_18 : i32 to vector<50x10000xi32>
    %ne3A_20 = arith.cmpi ne, %rem3A_17, %ne3A_19 : vector<50x10000xi32>
    %and3A = arith.andi %ne3A_16, %ne3A_20 : vector<50x10000xi1>
    %sub3A = arith.constant 1 : i32
    %sub3A_21 = vector.broadcast %sub3A : i32 to vector<50x10000xi32>
    %sub3A_22 = arith.subi %div3A_0, %sub3A_21 : vector<50x10000xi32>
    %select_n3A = arith.select %and3A, %sub3A_22, %div3A_0 : vector<50x10000xi1>, vector<50x10000xi32>
    %iota3A_23 = tpu.iota {dimensions = array<i32: 0>} : vector<50x10000xi32>
    %eq3A = arith.cmpi eq, %select_n3A, %iota3A_23 : vector<50x10000xi32>
    %convert_element_type3A = arith.extui %eq3A : vector<50x10000xi1> to vector<50x10000xi32>
    %convert_element_type3A_24 = arith.sitofp %convert_element_type3A : vector<50x10000xi32> to vector<50x10000xf32>
    %get3A = arith.constant 0 : index
    %get3A_25 = arith.constant 0 : index
    %get3A_26 = vector.load %arg0[%get3A, %get3A_25] : memref<10000x128xf32, #tpu.memory_space<vmem>>, vector<10000x128xf32>
    %slice3A = vector.extract_strided_slice %get3A_26 {offsets = [0, 0], sizes = [10000, 72], strides = [1, 1]} : vector<10000x128xf32> to vector<10000x72xf32>
    %dot_general3A = arith.constant dense<0.000000e+00> : vector<50x72xf32>
    %dot_general3A_27 = tpu.matmul %convert_element_type3A_24, %slice3A, %dot_general3A {dimension_numbers = #tpu.dot_dimension_numbers<[1], [0], [0], [1], [0, 0, 1, 1], [], []>, transpose_lhs_hint = false} : vector<50x10000xf32>, vector<10000x72xf32>, vector<50x72xf32> -> vector<50x72xf32>
    %get3A_28 = arith.constant 0 : index
    %get3A_29 = arith.constant 0 : index
    %get3A_30 = vector.load %arg1[%get3A_28, %get3A_29] : memref<10000x128xf32, #tpu.memory_space<vmem>>, vector<10000x128xf32>
    %slice3A_31 = vector.extract_strided_slice %get3A_30 {offsets = [0, 0], sizes = [10000, 72], strides = [1, 1]} : vector<10000x128xf32> to vector<10000x72xf32>
    %dot_general3A_32 = arith.constant dense<0.000000e+00> : vector<50x72xf32>
    %dot_general3A_33 = tpu.matmul %convert_element_type3A_24, %slice3A_31, %dot_general3A_32 {dimension_numbers = #tpu.dot_dimension_numbers<[1], [0], [0], [1], [0, 0, 1, 1], [], []>, transpose_lhs_hint = false} : vector<50x10000xf32>, vector<10000x72xf32>, vector<50x72xf32> -> vector<50x72xf32>
    %get3A_34 = arith.constant 0 : index
    %get3A_35 = arith.constant 0 : index
    %get3A_36 = vector.load %arg2[%get3A_34, %get3A_35] : memref<72x64xf32, #tpu.memory_space<vmem>>, vector<72x64xf32>
    %dot_general3A_37 = arith.constant dense<0.000000e+00> : vector<50x64xf32>
    %dot_general3A_38 = tpu.matmul %dot_general3A_27, %get3A_36, %dot_general3A_37 {dimension_numbers = #tpu.dot_dimension_numbers<[1], [0], [0], [1], [0, 0, 1, 1], [], []>, transpose_lhs_hint = false} : vector<50x72xf32>, vector<72x64xf32>, vector<50x64xf32> -> vector<50x64xf32>
    %get3A_39 = arith.constant 0 : index
    %get3A_40 = arith.constant 0 : index
    %get3A_41 = vector.load %arg3[%get3A_39, %get3A_40] : memref<1x64xf32, #tpu.memory_space<vmem>>, vector<1x64xf32>
    %add3A = vector.broadcast %get3A_41 : vector<1x64xf32> to vector<50x64xf32>
    %add3A_42 = arith.addf %dot_general3A_38, %add3A : vector<50x64xf32>
    %get3A_43 = arith.constant 0 : index
    %get3A_44 = arith.constant 0 : index
    %get3A_45 = vector.load %arg2[%get3A_43, %get3A_44] : memref<72x64xf32, #tpu.memory_space<vmem>>, vector<72x64xf32>
    %dot_general3A_46 = arith.constant dense<0.000000e+00> : vector<50x64xf32>
    %dot_general3A_47 = tpu.matmul %dot_general3A_33, %get3A_45, %dot_general3A_46 {dimension_numbers = #tpu.dot_dimension_numbers<[1], [0], [0], [1], [0, 0, 1, 1], [], []>, transpose_lhs_hint = false} : vector<50x72xf32>, vector<72x64xf32>, vector<50x64xf32> -> vector<50x64xf32>
    %get3A_48 = arith.constant 0 : index
    %get3A_49 = arith.constant 0 : index
    %get3A_50 = vector.load %arg3[%get3A_48, %get3A_49] : memref<1x64xf32, #tpu.memory_space<vmem>>, vector<1x64xf32>
    %add3A_51 = vector.broadcast %get3A_50 : vector<1x64xf32> to vector<50x64xf32>
    %add3A_52 = arith.addf %dot_general3A_47, %add3A_51 : vector<50x64xf32>
    %mul3A = arith.mulf %add3A_42, %add3A_42 : vector<50x64xf32>
    %reduce_sum3A = arith.constant dense<0.000000e+00> : vector<50xf32>
    %reduce_sum3A_53 = vector.multi_reduction <add>, %mul3A, %reduce_sum3A [1] : vector<50x64xf32> to vector<50xf32>
    %broadcast_in_dim3A = vector.shape_cast %reduce_sum3A_53 : vector<50xf32> to vector<50x1xf32>
    %sqrt3A = math.sqrt %broadcast_in_dim3A : vector<50x1xf32>
    %max3A = arith.constant 9.99999993E-9 : f32
    %max3A_54 = vector.broadcast %max3A : f32 to vector<50x1xf32>
    %max3A_55 = arith.maximumf %sqrt3A, %max3A_54 : vector<50x1xf32>
    %mul3A_56 = arith.mulf %add3A_52, %add3A_52 : vector<50x64xf32>
    %reduce_sum3A_57 = arith.constant dense<0.000000e+00> : vector<50xf32>
    %reduce_sum3A_58 = vector.multi_reduction <add>, %mul3A_56, %reduce_sum3A_57 [1] : vector<50x64xf32> to vector<50xf32>
    %broadcast_in_dim3A_59 = vector.shape_cast %reduce_sum3A_58 : vector<50xf32> to vector<50x1xf32>
    %sqrt3A_60 = math.sqrt %broadcast_in_dim3A_59 : vector<50x1xf32>
    %max3A_61 = arith.constant 9.99999993E-9 : f32
    %max3A_62 = vector.broadcast %max3A_61 : f32 to vector<50x1xf32>
    %max3A_63 = arith.maximumf %sqrt3A_60, %max3A_62 : vector<50x1xf32>
    %mul3A_64 = arith.mulf %add3A_42, %add3A_52 : vector<50x64xf32>
    %reduce_sum3A_65 = arith.constant dense<0.000000e+00> : vector<50xf32>
    %reduce_sum3A_66 = vector.multi_reduction <add>, %mul3A_64, %reduce_sum3A_65 [1] : vector<50x64xf32> to vector<50xf32>
    %broadcast_in_dim3A_67 = vector.shape_cast %reduce_sum3A_66 : vector<50xf32> to vector<50x1xf32>
    %mul3A_68 = arith.mulf %max3A_55, %max3A_63 : vector<50x1xf32>
    %div3A_69 = arith.divf %broadcast_in_dim3A_67, %mul3A_68 : vector<50x1xf32>
    %swap3A = arith.constant 0 : index
    %swap3A_70 = arith.constant 0 : index
    %swap3A_71 = vector.load %arg4[%swap3A, %swap3A_70] : memref<50x1xf32, #tpu.memory_space<vmem>>, vector<50x1xf32>
    tpu.vector_store %arg4[%swap3A, %swap3A_70], %div3A_69 {strides = array<i32>} : memref<50x1xf32, #tpu.memory_space<vmem>>, vector<50x1xf32>,
    return
  }
}

</mosaic_0001>

<sc_bundles>
// kernel: kernel.17.cloned.1.call-start
scs
__scs_entry_jumppad:
0x0: {  	(pc) =	sbr.rel $0x88, $3  }
0x1: {  	(tag) =	ssettag $0x0;
	lr =	simm.s32 $0x1  }
0x2: {  	[smem:$0x3F7B] =	sst lr;
	_ =	strace $0xD0000000  }
0x3: {  	_ = 	snop  }
0x4: {  	_ = 	snop  }
0x5: {  	_ = 	snop  }
0x6: {  	_ = 	snop  }
0x7: {  	_ = 	snop  }
__scs_overlays_trampoline_lowered:
0x8: {  	[smem:$0x3F8A] =	sst s0  }
0x9: {  	[smem:$0x3F8B] =	sst s1  }
0xa: {  	[smem:$0x3F8C] =	sst s2  }
0xb: {  	[smem:$0x3F8D] =	sst s3  }
0xc: {  	[smem:$0x3F8E] =	sst s4  }
0xd: {  	[smem:$0x3F8F] =	sst s5  }
0xe: {  	[smem:$0x3F90] =	sst s6  }
0xf: {  	[smem:$0x3F91] =	sst s7  }
0x10: {  	[smem:$0x3F92] =	sst s8  }
0x11: {  	[smem:$0x3F93] =	sst s9;
	s0 =	simm.s32 @!p0 $0x0  }
0x12: {  	s1 =	sld [smem:$0x3F79];
	s0 =	simm.s32 @p0 $0x1  }
0x13: {  	[smem:$0x3F94] =	sst s0;
	s0 =	simm.s32 @!p1 $0x0  }
0x14: {  	s2 =	sld [smem:$0x3F78];
	s0 =	simm.s32 @p1 $0x1  }
0x15: {  	[smem:$0x3F95] =	sst s0;
	s0 =	simm.s32 @!p2 $0x0  }
0x16: {  	s3 =	sld [smem:$0x3FDB];
	s0 =	simm.s32 @p2 $0x1  }
0x17: {  	s4 =	simm.s32 $0x1BF5;
	[smem:$0x3F97] =	sst s0  }
0x18: {  	s0 =	sld [smem:$0x3F7A];
	_ =	swait.ge [sflag:s4], $0x0  }
0x19: {  	s7 =	sld [smem:$0x3F7B]  }
0x1a: {  	s8 =	sadd.s32 $0xFFFFE003, lr  }
0x1b: {  	s9 =	sadd.s32 $0xFFFFFEF7, lr;
	s5 =	simm.s32 $0xFFFFFFFF;
	p2 =	slt.u32 s8, $0xFFFFF086  }
0x1c: {  	p1 =	slt.u32 s9, $0xF7A;
	s5 =	simm.s32 @!p2 $0x0  }
0x1d: {  	s5 =	simm.s32 @p1 $0x1;
	p0 =	seq.s32 s7, s2  }
0x1e: {  	s7 =	smul.u32 @!p0 $0xF7A, s2;
	p2 =	seq.s32 @!p0 s5, $0x0  }
0x1f: {  	s9 =	smul.u32 $0xF7A, s1;
	s8 =	simm.s32 @!p0 $0x1BF5;
	p2 =	por !p2, p0  }
0x20: {  	[sflag:s8] =	ssyncset.s32 @!p0 $0xFFFFF086;
	s6 =	sadd.s32 @!p0 s3, s7;
	s7 =	simm.s32 @!p0 $0x108  }
0x21: {  	s3 =	sadd.s32 s3, s9;
	s6 =	sadd.s32 @!p0 $0x88, s6;
	s7 =	simm.s32 @p2 $0x1082  }
0x22: {  	[simem:s7], [sflag:s8] =	dma.local @!p0 [hbm:s6], $0xF7A  }
0x23: {  	s9 =	sor.u32 $0xD0000000, s2;
	s6 =	simm.s32 $0x108;
	_ =	swait.ge @!p0 [sflag:s8], $0x0  }
0x24: {  	s3 =	sadd.s32 $0x88, s3;
	s6 =	simm.s32 @!p1 $0x1082;
	[sflag:s4] =	ssyncset.s32 $0xFFFFF086  }
0x25: {  	[simem:s6], [sflag:s4] =	dma.local [hbm:s3], $0xF7A  }
0x26: {  	[smem:$0x3F7B] =	sst s1;
	(tag) =	ssettag s2;
	_ =	strace s9  }
0x27: {  	s1 =	sld [smem:$0x3F8B]  }
0x28: {  	s2 =	sld [smem:$0x3F8C]  }
0x29: {  	s4 =	sld [smem:$0x3F8E]  }
0x2a: {  	p0 =	seq.s32 s5, $0x0;
	s5 =	sld [smem:$0x3F8F]  }
0x2b: {  	s6 =	sld [smem:$0x3F90]  }
0x2c: {  	s7 =	sld [smem:$0x3F91]  }
0x2d: {  	s3 =	simm.s32 $0x108;
	s8 =	sld [smem:$0x3F92]  }
0x2e: {  	s3 =	simm.s32 @!p0 $0x1082;
	s9 =	sld [smem:$0x3F93]  }
0x2f: {  	lr =	sadd.s32 s0, s3;
	s0 =	sld [smem:$0x3F8A]  }
0x30: {  	s3 =	sld [smem:$0x3F8D]  }
0x31: {  	[smem:$0x3F96] =	sst s10  }
0x32: {  	s10 =	sld [smem:$0x3F94];
	_ =	sdelay $0x3  }
0x33: {  	p0 =	seq.s32 s10, $0x1;
	s10 =	sld [smem:$0x3F96];
	_ =	sdelay $0x3  }
0x34: {  	[smem:$0x3F96] =	sst s10  }
0x35: {  	s10 =	sld [smem:$0x3F95];
	_ =	sdelay $0x3  }
0x36: {  	p1 =	seq.s32 s10, $0x1;
	s10 =	sld [smem:$0x3F96];
	_ =	sdelay $0x3  }
0x37: {  	[smem:$0x3F96] =	sst s10  }
0x38: {  	s10 =	sld [smem:$0x3F97]  }
0x39: {  	_ = 	snop;
	(pc) =	sbr.ind lr, $3  }
0x3a: {  	_ = 	snop  }
0x3b: {  	_ = 	snop  }
0x3c: {  	p2 =	seq.s32 s10, $0x1;
	s10 =	sld [smem:$0x3F96]  }
0x3d: {  	_ =	shalt  }
0x3e: {  	_ =	shalt  }
0x3f: {  	_ =	shalt  }
0x40: {  	_ =	shalt  }
0x41: {  	_ =	shalt  }
0x42: {  	_ =	shalt  }
0x43: {  	_ =	shalt  }
0x44: {  	_ =	shalt  }
0x45: {  	_ =	shalt  }
0x46: {  	_ =	shalt  }
0x47: {  	_ =	shalt  }
0x48: {  	_ =	shalt  }
0x49: {  	_ =	shalt  }
0x4a: {  	_ =	shalt  }
0x4b: {  	_ =	shalt  }
0x4c: {  	_ =	shalt  }
0x4d: {  	_ =	shalt  }
0x4e: {  	_ =	shalt  }
0x4f: {  	_ =	shalt  }
0x50: {  	_ =	shalt  }
0x51: {  	_ =	shalt  }
0x52: {  	_ =	shalt  }
0x53: {  	_ =	shalt  }
0x54: {  	_ =	shalt  }
0x55: {  	_ =	shalt  }
0x56: {  	_ =	shalt  }
0x57: {  	_ =	shalt  }
0x58: {  	_ =	shalt  }
0x59: {  	_ =	shalt  }
0x5a: {  	_ =	shalt  }
0x5b: {  	_ =	shalt  }
0x5c: {  	_ =	shalt  }
0x5d: {  	_ =	shalt  }
0x5e: {  	_ =	shalt  }
0x5f: {  	_ =	shalt  }
0x60: {  	_ =	shalt  }
0x61: {  	_ =	shalt  }
0x62: {  	_ =	shalt  }
0x63: {  	_ =	shalt  }
0x64: {  	_ =	shalt  }
0x65: {  	_ =	shalt  }
0x66: {  	_ =	shalt  }
0x67: {  	_ =	shalt  }
0x68: {  	_ =	shalt  }
0x69: {  	_ =	shalt  }
0x6a: {  	_ =	shalt  }
0x6b: {  	_ =	shalt  }
0x6c: {  	_ =	shalt  }
0x6d: {  	_ =	shalt  }
0x6e: {  	_ =	shalt  }
0x6f: {  	_ =	shalt  }
0x70: {  	_ =	shalt  }
0x71: {  	_ =	shalt  }
0x72: {  	_ =	shalt  }
0x73: {  	_ =	shalt  }
0x74: {  	_ =	shalt  }
0x75: {  	_ =	shalt  }
0x76: {  	_ =	shalt  }
0x77: {  	_ =	shalt  }
0x78: {  	_ =	shalt  }
0x79: {  	_ =	shalt  }
0x7a: {  	_ =	shalt  }
0x7b: {  	_ =	shalt  }
0x7c: {  	_ =	shalt  }
0x7d: {  	_ =	shalt  }
0x7e: {  	_ =	shalt  }
0x7f: {  	_ =	shalt  }
0x80: {  	_ =	shalt  }
0x81: {  	_ =	shalt  }
0x82: {  	_ =	shalt  }
0x83: {  	_ =	shalt  }
0x84: {  	_ =	shalt  }
0x85: {  	_ =	shalt  }
0x86: {  	_ =	shalt  }
0x87: {  	_ =	shalt  }
.Lfunc_end0:
.L_simem_size_0:
called_computation_lowered:
.L_overlay_start_0:
0x88: {  	s2 =	sld [smem:$0x3FD9]  }
0x89: {  	s3 =	sld [smem:$0x3FFE];
	_ =	sdelay $0x1  }
0x8a: {  	s1 =	srdreg.scid  }
0x8b: {  	s0 =	sand.u32 $0x1, s1  }
0x8c: {  	s17 =	sshll.u32 s0, $0xA;
	s2 =	sadd.s32 s3, s2  }
0x8d: {  	s2 =	sadd.s32 s2, s17  }
0x8e: {  	[smem:$0x3FA2] =	sst s2  }
0x8f: {  	_ = 	snop  }
0x90: {  	(tm) =	ssettm $0x1  }
0x91: {  	s18 =	sld [smem:$0x3FFB];
	_ =	sdelay $0x3  }
0x92: {  	_ =	strace s18  }
0x93: {  	s2 =	sld [smem:$0x3FFC];
	_ =	sdelay $0x3  }
0x94: {  	_ =	strace s2  }
0x95: {  	s2 =	sld [smem:$0x3FFD];
	_ =	sdelay $0x3  }
0x96: {  	_ =	strace s2  }
0x97: {  	_ =	strace $0x8FFFFFFF  }
0x98: {  	s19 =	sld [smem:$0x3FDB];
	_ =	sdelay $0x1  }
0x99: {  	s20 =	simm.s32 $_scs_section_size  }
0x9a: {  	s4 =	simm.s32 $_size__tile_overlayer_lowered;
	s5 =	simm.s32 $_tile_overlayer_lowered  }
0x9b: {  	s6 =	simm.s32 $0x1BFF;
	s21 =	sshll.u32 s5, $0x1;
	s3 =	sadd.s32 s20, s19  }
0x9c: {  	s22 =	simm.s32 $0x0;
	s4 =	sshll.u32 s4, $0x1;
	s5 =	sadd.s32 s21, s3  }
0x9d: {  	[timem:s22], [sflag:s6] =	dma.local [hbm:s5], s4  }
0x9e: {  	_ =	swait.ge [sflag:s6], s4  }
0x9f: {  	s4 =	ssub.s32 $0x0, s4;
	[sflag:s6] =	ssyncset.done $0x0  }
0xa0: {  	[sflag:s6] =	ssyncadd.s32 s4;
	_ =	sdelay $0x1  }
0xa1: {  	s23 =	simm.s32 $0x1B8B  }
0xa2: {  	_ =	swait.ge [sflag:s23], $0x1  }
0xa3: {  	[sflag:s23] =	ssyncset.done $0x0  }
0xa4: {  	[sflag:s23] =	ssyncadd.s32 $0xFFFFFFFF  }
0xa5: {  	s4 =	sld [smem:$0x0]  }
0xa6: {  	s5 =	sand.u32 $0xFFFFFFFE, s1  }
0xa7: {  	p0 =	sne.s32 s1, s5  }
0xa8: {  	s5 =	sshll.u32 @p0 s5, $0xE  }
0xa9: {  	s5 =	sadd.s32 @p0 $0x11B8D, s5;
	s6 =	sshll.u32 @p0 s4, $0x11  }
0xaa: {  	s5 =	sor.u32 @p0 s6, s5  }
0xab: {  	[sflag:s5] =	ssyncadd.remote.s32 @p0 $0x1;
	_ =	sdelay $0x1  }
0xac: {  	s5 =	simm.s32 @p0 $0x1B8D  }
0xad: {  	_ =	swait.eq @p0 [sflag:s5], $0x1  }
0xae: {  	[sflag:s5] =	ssyncadd.s32 @p0 $0xFFFFFFFF  }
0xaf: {  	s6 =	sshll.u32 @!p0 s1, $0xE  }
0xb0: {  	s6 =	sor.u32 @!p0 $0x4000, s6;
	s5 =	simm.s32 @!p0 $0x1B8D  }
0xb1: {  	s4 =	sshll.u32 @!p0 s4, $0x11;
	s6 =	sadd.s32 @!p0 $0x11B8D, s6;
	_ =	swait.eq @!p0 [sflag:s5], $0x1  }
0xb2: {  	s4 =	sor.u32 @!p0 s4, s6;
	[sflag:s5] =	ssyncadd.s32 @!p0 $0xFFFFFFFF  }
0xb3: {  	s25 =	simm.s32 $0x1B8E;
	s24 =	sld [smem:$0x3FFE];
	[sflag:s4] =	ssyncadd.remote.s32 @!p0 $0x1  }
0xb4: {  	s26 =	simm.s32 $execute0_lowered;
	[smem:$0x3FD2] =	sst s25  }
0xb5: {  	s5 =	sshll.u32 s26, $0x1;
	_ =	strace $0x80000049;
	[dreg:$0x1] =	wrdreg $0xFFFFFFFF  }
0xb6: {  	s28 =	simm.s32 $_size_execute0_lowered;
	s3 =	sadd.s32 s3, s5;
	[dreg:$0x0] =	wrdreg $0x0  }
0xb7: {  	s5 =	sshll.u32 s28, $0x1;
	[dreg:$0x2] =	wrdreg s3  }
0xb8: {  	[dreg:$0x3] =	wrdreg s5  }
0xb9: {  	[dreg:$0x4] =	wrdreg $0xC0  }
0xba: {  	_ =	task [dreg:s22], $0x5FFFF  }
0xbb: {  	[dreg:$0x1] =	wrdreg $0xFFFFFFFF  }
0xbc: {  	[dreg:$0x0] =	wrdreg $0x60  }
0xbd: {  	[dreg:$0x2] =	wrdreg s24  }
0xbe: {  	[dreg:$0x3] =	wrdreg $0x78500  }
0xbf: {  	[dreg:$0x4] =	wrdreg $0x9  }
0xc0: {  	_ =	task.clear_ibuf [dreg:s22], $0x5FFFF;
	_ =	strace $0x90000049  }
0xc1: {  	s29 =	simm.s32 $0x9;
	_ =	strace $0x8000004B  }
0xc2: {  	_ =	swait.ge [sflag:s29], $0x1  }
0xc3: {  	[sflag:s29] =	ssyncadd.s32 $0xFFFFFFFF  }
0xc4: {  	_ =	strace $0x9000004B  }
0xc5: {  	_ =	sfence  }
0xc6: {  	s30 =	sld [smem:$0x0];
	_ =	sdelay $0x2  }
0xc7: {  	s31 =	sshll.u32 s1, $0xD;
	s1 =	sshrl.u32 s1, $0x2  }
0xc8: {  	s4 =	sand.u32 $0x4000, s31;
	s1 =	sadd.s32 s1, s30  }
0xc9: {  	s0 =	sor.u32 s4, s0;
	s1 =	sshll.u32 s1, $0x11  }
0xca: {  	s0 =	sor.u32 s1, s0  }
0xcb: {  	s0 =	sadd.s32 $0x8F2B, s0  }
0xcc: {  	[sflag:s0] =	ssyncadd.remote.s32 $0x1  }
0xcd: {  	_ =	sfence.sel $0xFFFF  }
0xce: {  	[dreg:$0x0] =	wrdreg $0xFFFFFFFF;
	(pc) =	sbr.abs _section_cstart, $3  }
0xcf: {  	[dreg:$0x1] =	wrdreg $0xFFFFFFFF  }
0xd0: {  	_ =	task.clear_ibuf [dreg:s22], $0x2FFFF;
	_ =	strace $0x9FFFFFFF  }
0xd1: {  	(tm) =	ssettm $0x7FFFFFFF  }
tec
execute0_lowered:
.L_overlay_start_1:
0x0: {  	(tag) =	ssettag $0x1  }
0x1: {  	s1 =	srdreg.scid;
	s6 =	rddreg [dreg:$0x0]  }
0x2: {  	s0 =	stileid.u32;
	s2 =	rddreg [dreg:$0x1];
	s3 =	simm.s32 $0x0  }
0x3: {  	s16 =	simm.s32 $0x2850;
	s17 =	simm.s32 $0x3;
	s18 =	simm.s32 $0x50  }
0x4: {  	s19 =	simm.s32 $0x2710;
	s20 =	simm.s32 $0x27B0;
	s21 =	simm.s32 $0x5050  }
0x5: {  	s22 =	simm.s32 $0x1;
	s23 =	simm.s32 $0x2760;
	s24 =	simm.s32 $0x2  }
0x6: {  	s25 =	simm.s32 $0x2800;
	s5 =	sand.u32 $0x1, s1;
	s8 =	smul.u32 $0x2800, s0  }
0x7: {  	s26 =	sshll.u32 s0, $0x1;
	[smem:$0x7FF] =	sst s3;
	s10 =	smul.u32 $0x50000, s0  }
0x8: {  	s4 =	sadd.s32 $0xFD400, s6;
	s1 =	sor.u32 s5, s26;
	s9 =	smul.u32 $0x28000, s5  }
0x9: {  	s29 =	ssub.s32 $0x2, s5;
	s7 =	smul.u32 $0x4E2, s1;
	s1 =	rddreg [dreg:$0x2]  }
0xa: {  	_ =	strace $0x8000004A;
	s30 =	sshrl.u32 s10, $0x2;
	s31 =	sshrl.u32 s29, $0x1  }
0xb: {  	s28 =	sadd.s32 s8, s9;
	s5 =	sadd.s32 s30, s2;
	s15 =	ssub.s32 s29, s31  }
0xc: {  	s13 =	sadd.s32 s7, s6;
	s14 =	sadd.s32 s28, s6;
	s6 =	sadd.s32 $0x2800, s5  }
0xd: {  	s7 =	sadd.s32 $0x5000, s5;
	s8 =	sadd.s32 $0x7800, s5;
	s9 =	sadd.s32 $0xA000, s5  }
0xe: {  	s10 =	sadd.s32 $0xC800, s5;
	s11 =	sadd.s32 $0xF000, s5;
	s12 =	sadd.s32 $0x11800, s5  }
0xf: {  	v0 =	vimm.f32 $0.0e+00;
	s15 =	smax.u32 s15, $0x1;
	s13 =	sadd.s32 $0x199800, s13;
	s14 =	sadd.s32 $0x1A3600, s14  }
.LBB2_1:
0x10: {  	s26 =	simm.s32 $0x0;
	s28 =	simm.s32 $0x200  }
.LBB2_2:
0x11: {  	p0 =	sne.s32 s28, $0x9E00;
	[tilespmem:s26+$0x28C0] =	vst v0  }
0x12: {  	[tilespmem:s26+$0x2850] =	vst v0  }
0x13: {  	[tilespmem:s26+$0x2860] =	vst v0  }
.Ltmp0:
0x14: {  	[tilespmem:s26+$0x2870] =	vst v0;
	(pc) =	sbr.rel @p0 .LBB2_2-.Ltmp0, $4  }
0x15: {  	[tilespmem:s26+$0x2880] =	vst v0  }
0x16: {  	[tilespmem:s26+$0x2890] =	vst v0  }
0x17: {  	[tilespmem:s26+$0x28A0] =	vst v0  }
0x18: {  	[tilespmem:s26+$0x28B0] =	vst v0;
	s26 =	sshra.s32 s28, $0x2;
	s28 =	sadd.s32 $0x200, s28  }
0x19: {  	[tilespmem:s26+$0x28C0] =	vst v0  }
0x1a: {  	[tilespmem:s26+$0x2850] =	vst v0  }
0x1b: {  	[tilespmem:s26+$0x2860] =	vst v0  }
0x1c: {  	[tilespmem:s26+$0x2870] =	vst v0  }
0x1d: {  	[tilespmem:s26+$0x2880] =	vst v0  }
0x1e: {  	[tilespmem:s26+$0x2890] =	vst v0  }
0x1f: {  	[tilespmem:s26+$0x28A0] =	vst v0  }
0x20: {  	[tilespmem:s26+$0x28B0] =	vst v0  }
0x21: {  	[spmem:s5] =	stream.linear.scatter [tilespmem:s16], [sflag:$0x3], $0x2800, $0x38;
	[tilespmem:$0x1B850] =	vst v63  }
0x22: {  	_ =	swait.ge [sflag:s17], $0x2800  }
0x23: {  	[sflag:s17] =	ssyncset.done $0x0  }
0x24: {  	[sflag:s17] =	ssyncadd.s32 $0xFFFFD800  }
0x25: {  	[spmem:s6] =	stream.linear.scatter [tilespmem:s16], [sflag:$0x3], $0x2800, $0x38;
	[tilespmem:$0x1B850] =	vst v63  }
0x26: {  	_ =	swait.ge [sflag:s17], $0x2800  }
0x27: {  	[sflag:s17] =	ssyncset.done $0x0  }
0x28: {  	[sflag:s17] =	ssyncadd.s32 $0xFFFFD800  }
0x29: {  	[spmem:s7] =	stream.linear.scatter [tilespmem:s16], [sflag:$0x3], $0x2800, $0x38;
	[tilespmem:$0x1B850] =	vst v63  }
0x2a: {  	_ =	swait.ge [sflag:s17], $0x2800  }
0x2b: {  	[sflag:s17] =	ssyncset.done $0x0  }
0x2c: {  	[sflag:s17] =	ssyncadd.s32 $0xFFFFD800  }
0x2d: {  	[spmem:s8] =	stream.linear.scatter [tilespmem:s16], [sflag:$0x3], $0x2800, $0x38;
	[tilespmem:$0x1B850] =	vst v63  }
0x2e: {  	_ =	swait.ge [sflag:s17], $0x2800  }
0x2f: {  	[sflag:s17] =	ssyncset.done $0x0  }
0x30: {  	[sflag:s17] =	ssyncadd.s32 $0xFFFFD800  }
0x31: {  	[spmem:s9] =	stream.linear.scatter [tilespmem:s16], [sflag:$0x3], $0x2800, $0x38;
	[tilespmem:$0x1B850] =	vst v63  }
0x32: {  	_ =	swait.ge [sflag:s17], $0x2800  }
0x33: {  	[sflag:s17] =	ssyncset.done $0x0  }
0x34: {  	[sflag:s17] =	ssyncadd.s32 $0xFFFFD800  }
0x35: {  	[spmem:s10] =	stream.linear.scatter [tilespmem:s16], [sflag:$0x3], $0x2800, $0x38;
	[tilespmem:$0x1B850] =	vst v63  }
0x36: {  	_ =	swait.ge [sflag:s17], $0x2800  }
0x37: {  	[sflag:s17] =	ssyncset.done $0x0  }
0x38: {  	[sflag:s17] =	ssyncadd.s32 $0xFFFFD800  }
0x39: {  	[spmem:s11] =	stream.linear.scatter [tilespmem:s16], [sflag:$0x3], $0x2800, $0x38;
	[tilespmem:$0x1B850] =	vst v63  }
0x3a: {  	_ =	swait.ge [sflag:s17], $0x2800  }
0x3b: {  	[sflag:s17] =	ssyncset.done $0x0  }
0x3c: {  	[sflag:s17] =	ssyncadd.s32 $0xFFFFD800  }
0x3d: {  	[spmem:s12] =	stream.linear.scatter [tilespmem:s16], [sflag:$0x3], $0x2800, $0x38;
	[tilespmem:$0x1B850] =	vst v63  }
0x3e: {  	_ =	swait.ge [sflag:s17], $0x2800  }
0x3f: {  	[sflag:s17] =	ssyncset.done $0x0  }
0x40: {  	[sflag:s17] =	ssyncadd.s32 $0xFFFFD800  }
0x41: {  	s29 =	simm.s32 $0x0;
	[bflag:$0x0] =	sbarrier.arrive $0xFFFF  }
0x42: {  	[tilespmem:s29], [sflag:$0x3] =	stream.linear.gather [hbm4b:s13+s29], $0x2710, $0x38;
	[tilespmem:$0x1B850] =	vst v63  }
0x43: {  	_ =	swait.ge [sflag:s17], $0x2710  }
0x44: {  	[sflag:s17] =	ssyncset.done $0x0  }
0x45: {  	[sflag:s17] =	ssyncadd.s32 $0xFFFFD8F0  }
0x46: {  	v1 =	vld [tilespmem:$0x0];
	_ =	sdelay $0x1  }
0x47: {  	v2 =	vld [tilespmem:$0x10];
	_ =	sdelay $0x1  }
0x48: {  	v3 =	vld [tilespmem:$0x20]  }
0x49: {  	v4 =	vand.u32 $0xFFFF, v1;
	v1 =	vshrl.u32 v1, $0x10  }
0x4a: {  	v63 =	vld [tilespmem:$0x30];
	[tilespmem:$0x2710] =	vst v4;
	v1 =	vand.u32 $0x3FFF, v1  }
0x4b: {  	[tilespmem:$0x2760] =	vst v1;
	v1 =	vand.u32 $0xFFFF, v2;
	v2 =	vshrl.u32 v2, $0x10  }
0x4c: {  	[tilespmem:$0x2720] =	vst v1;
	v1 =	vand.u32 $0x3FFF, v2;
	v2 =	vld [tilespmem:$0x40]  }
0x4d: {  	[tilespmem:$0x2770] =	vst v1;
	v1 =	vand.u32 $0xFFFF, v3;
	v3 =	vshrl.u32 v3, $0x10  }
0x4e: {  	[tilespmem:$0x2730] =	vst v1;
	v1 =	vand.u32 $0x3FFF, v3  }
0x4f: {  	v3 =	vshrl.u32 v63, $0x10;
	[tilespmem:$0x2780] =	vst v1;
	v1 =	vand.u32 $0xFFFF, v63  }
0x50: {  	[tilespmem:$0x2740] =	vst v1;
	v1 =	vand.u32 $0x3FFF, v3  }
0x51: {  	[tilespmem:$0x2790] =	vst v1;
	v1 =	vand.u32 $0xFFFF, v2;
	v2 =	vshrl.u32 v2, $0x10  }
0x52: {  	[tilespmem:$0x2750] =	vst v1;
	v1 =	vand.u32 $0x3FFF, v2  }
0x53: {  	s31 =	simm.s32 $0x0;
	[tilespmem:$0x27A0] =	vst v1  }
0x54: {  	[tilespmem:s16], [sflag:$0x1] =	stream.indirect.gather [hbm4b:s4+s18], $0x80, s19, s18, $0xb8;
	[tilespmem:$0x1B850] =	vst v63  }
0x55: {  	v1 =	vld [tilespmem:s31+$0x50];
	_ =	sdelay $0x4  }
0x56: {  	v2 =	vand.u32 $0xFFFF, v1;
	v1 =	vshrl.u32 v1, $0x10  }
0x57: {  	[tilespmem:$0x27B0] =	vst v2;
	v1 =	vand.u32 $0x3FFF, v1  }
0x58: {  	[tilespmem:$0x2800] =	vst v1  }
0x59: {  	v1 =	vld [tilespmem:s31+$0x60];
	_ =	sdelay $0x4  }
0x5a: {  	v2 =	vand.u32 $0xFFFF, v1;
	v1 =	vshrl.u32 v1, $0x10  }
0x5b: {  	[tilespmem:$0x27C0] =	vst v2;
	v1 =	vand.u32 $0x3FFF, v1  }
0x5c: {  	[tilespmem:$0x2810] =	vst v1  }
0x5d: {  	v1 =	vld [tilespmem:s31+$0x70];
	_ =	sdelay $0x4  }
0x5e: {  	v2 =	vand.u32 $0xFFFF, v1;
	v1 =	vshrl.u32 v1, $0x10  }
0x5f: {  	[tilespmem:$0x27D0] =	vst v2;
	v1 =	vand.u32 $0x3FFF, v1  }
0x60: {  	[tilespmem:$0x2820] =	vst v1  }
0x61: {  	v1 =	vld [tilespmem:s31+$0x80];
	_ =	sdelay $0x4  }
0x62: {  	v2 =	vand.u32 $0xFFFF, v1;
	v1 =	vshrl.u32 v1, $0x10  }
0x63: {  	[tilespmem:$0x27E0] =	vst v2;
	v1 =	vand.u32 $0x3FFF, v1  }
0x64: {  	[tilespmem:$0x2830] =	vst v1  }
0x65: {  	v1 =	vld [tilespmem:s31+$0x90];
	_ =	sdelay $0x4  }
0x66: {  	v2 =	vand.u32 $0xFFFF, v1;
	v1 =	vshrl.u32 v1, $0x10  }
0x67: {  	[tilespmem:$0x27F0] =	vst v2;
	v1 =	vand.u32 $0x3FFF, v1  }
0x68: {  	[tilespmem:$0x2840] =	vst v1  }
0x69: {  	[tilespmem:s21], [sflag:$0x2] =	stream.indirect.gather [hbm4b:s4+s18], $0x80, s20, s18, $0xb8;
	[tilespmem:$0x1B850] =	vst v63  }
0x6a: {  	_ =	swait.ge [sflag:s22], $0x2800  }
0x6b: {  	[sflag:s22] =	ssyncset.done $0x0  }
0x6c: {  	[sflag:s22] =	ssyncadd.s32 $0xFFFFD800  }
0x6d: {  	[spmem:s2] =	stream.indirect.scatter.add.f32 [tilespmem:s16], [sflag:$0x3], $0x80, s23, s18, $0xb8;
	[tilespmem:$0x1B850] =	vst v63  }
0x6e: {  	_ =	swait.ge [sflag:s17], $0x2800  }
0x6f: {  	[sflag:s17] =	ssyncset.done $0x0  }
0x70: {  	[sflag:s17] =	ssyncadd.s32 $0xFFFFD800  }
0x71: {  	v1 =	vld [tilespmem:s31+$0xA0];
	_ =	sdelay $0x4  }
0x72: {  	v2 =	vand.u32 $0xFFFF, v1;
	v1 =	vshrl.u32 v1, $0x10  }
0x73: {  	[tilespmem:$0x2710] =	vst v2;
	v1 =	vand.u32 $0x3FFF, v1  }
0x74: {  	[tilespmem:$0x2760] =	vst v1  }
0x75: {  	v1 =	vld [tilespmem:s31+$0xB0];
	_ =	sdelay $0x4  }
0x76: {  	v2 =	vand.u32 $0xFFFF, v1;
	v1 =	vshrl.u32 v1, $0x10  }
0x77: {  	[tilespmem:$0x2720] =	vst v2;
	v1 =	vand.u32 $0x3FFF, v1  }
0x78: {  	[tilespmem:$0x2770] =	vst v1  }
0x79: {  	v1 =	vld [tilespmem:s31+$0xC0];
	_ =	sdelay $0x4  }
0x7a: {  	v2 =	vand.u32 $0xFFFF, v1;
	v1 =	vshrl.u32 v1, $0x10  }
0x7b: {  	[tilespmem:$0x2730] =	vst v2;
	v1 =	vand.u32 $0x3FFF, v1  }
0x7c: {  	[tilespmem:$0x2780] =	vst v1  }
0x7d: {  	v1 =	vld [tilespmem:s31+$0xD0];
	_ =	sdelay $0x4  }
0x7e: {  	v2 =	vand.u32 $0xFFFF, v1;
	v1 =	vshrl.u32 v1, $0x10  }
0x7f: {  	[tilespmem:$0x2740] =	vst v2;
	v1 =	vand.u32 $0x3FFF, v1  }
0x80: {  	[tilespmem:$0x2790] =	vst v1  }
0x81: {  	v1 =	vld [tilespmem:s31+$0xE0];
	_ =	sdelay $0x4  }
0x82: {  	v2 =	vand.u32 $0xFFFF, v1;
	v1 =	vshrl.u32 v1, $0x10  }
0x83: {  	[tilespmem:$0x2750] =	vst v2;
	v1 =	vand.u32 $0x3FFF, v1  }
0x84: {  	[tilespmem:$0x27A0] =	vst v1  }
0x85: {  	[tilespmem:s16], [sflag:$0x1] =	stream.indirect.gather [hbm4b:s4+s18], $0x80, s19, s18, $0xb8;
	[tilespmem:$0x1B850] =	vst v63  }
0x86: {  	_ =	swait.ge [sflag:s24], $0x2800  }
0x87: {  	[sflag:s24] =	ssyncset.done $0x0  }
0x88: {  	[sflag:s24] =	ssyncadd.s32 $0xFFFFD800  }
0x89: {  	[spmem:s2] =	stream.indirect.scatter.add.f32 [tilespmem:s21], [sflag:$0x3], $0x80, s25, s18, $0xb8;
	[tilespmem:$0x1B850] =	vst v63  }
0x8a: {  	_ =	swait.ge [sflag:s17], $0x2800  }
0x8b: {  	s26 =	simm.s32 $0x280;
	s30 =	simm.s32 $0x500;
	[sflag:s17] =	ssyncset.done $0x0  }
.LBB2_4:
0x8c: {  	s29 =	sshra.s32 s26, $0x2  }
0x8d: {  	[sflag:s17] =	ssyncadd.s32 $0xFFFFD800;
	s26 =	smov.u32 s30;
	s28 =	sadd.s32 $0x280, s30  }
0x8e: {  	p0 =	sne.s32 s30, $0x9880;
	v1 =	vld [tilespmem:s29+$0x50];
	_ =	sdelay $0x4  }
0x8f: {  	v2 =	vand.u32 $0xFFFF, v1;
	v1 =	vshrl.u32 v1, $0x10  }
0x90: {  	[tilespmem:$0x27B0] =	vst v2;
	v1 =	vand.u32 $0x3FFF, v1  }
0x91: {  	[tilespmem:$0x2800] =	vst v1  }
0x92: {  	v1 =	vld [tilespmem:s29+$0x60];
	_ =	sdelay $0x4  }
0x93: {  	v2 =	vand.u32 $0xFFFF, v1;
	v1 =	vshrl.u32 v1, $0x10  }
0x94: {  	[tilespmem:$0x27C0] =	vst v2;
	v1 =	vand.u32 $0x3FFF, v1  }
0x95: {  	[tilespmem:$0x2810] =	vst v1  }
0x96: {  	v1 =	vld [tilespmem:s29+$0x70];
	_ =	sdelay $0x4  }
0x97: {  	v2 =	vand.u32 $0xFFFF, v1;
	v1 =	vshrl.u32 v1, $0x10  }
0x98: {  	[tilespmem:$0x27D0] =	vst v2;
	v1 =	vand.u32 $0x3FFF, v1  }
0x99: {  	[tilespmem:$0x2820] =	vst v1  }
0x9a: {  	v1 =	vld [tilespmem:s29+$0x80];
	_ =	sdelay $0x4  }
0x9b: {  	v2 =	vand.u32 $0xFFFF, v1;
	v1 =	vshrl.u32 v1, $0x10  }
0x9c: {  	[tilespmem:$0x27E0] =	vst v2;
	v1 =	vand.u32 $0x3FFF, v1  }
0x9d: {  	[tilespmem:$0x2830] =	vst v1  }
0x9e: {  	v1 =	vld [tilespmem:s29+$0x90];
	_ =	sdelay $0x4  }
0x9f: {  	v2 =	vand.u32 $0xFFFF, v1;
	v1 =	vshrl.u32 v1, $0x10  }
0xa0: {  	[tilespmem:$0x27F0] =	vst v2;
	v1 =	vand.u32 $0x3FFF, v1  }
0xa1: {  	[tilespmem:$0x2840] =	vst v1  }
0xa2: {  	[tilespmem:s21], [sflag:$0x2] =	stream.indirect.gather [hbm4b:s4+s18], $0x80, s20, s18, $0xb8;
	[tilespmem:$0x1B850] =	vst v63  }
0xa3: {  	_ =	swait.ge [sflag:s22], $0x2800  }
0xa4: {  	[sflag:s22] =	ssyncset.done $0x0  }
0xa5: {  	[sflag:s22] =	ssyncadd.s32 $0xFFFFD800  }
0xa6: {  	[spmem:s2] =	stream.indirect.scatter.add.f32 [tilespmem:s16], [sflag:$0x3], $0x80, s23, s18, $0xb8;
	[tilespmem:$0x1B850] =	vst v63  }
0xa7: {  	_ =	swait.ge [sflag:s17], $0x2800  }
0xa8: {  	[sflag:s17] =	ssyncset.done $0x0  }
0xa9: {  	[sflag:s17] =	ssyncadd.s32 $0xFFFFD800  }
0xaa: {  	v1 =	vld [tilespmem:s29+$0xA0];
	_ =	sdelay $0x4  }
0xab: {  	v2 =	vand.u32 $0xFFFF, v1;
	v1 =	vshrl.u32 v1, $0x10  }
0xac: {  	[tilespmem:$0x2710] =	vst v2;
	v1 =	vand.u32 $0x3FFF, v1  }
0xad: {  	[tilespmem:$0x2760] =	vst v1  }
0xae: {  	v1 =	vld [tilespmem:s29+$0xB0];
	_ =	sdelay $0x4  }
0xaf: {  	v2 =	vand.u32 $0xFFFF, v1;
	v1 =	vshrl.u32 v1, $0x10  }
0xb0: {  	[tilespmem:$0x2720] =	vst v2;
	v1 =	vand.u32 $0x3FFF, v1  }
0xb1: {  	[tilespmem:$0x2770] =	vst v1  }
0xb2: {  	v1 =	vld [tilespmem:s29+$0xC0];
	_ =	sdelay $0x4  }
0xb3: {  	v2 =	vand.u32 $0xFFFF, v1;
	v1 =	vshrl.u32 v1, $0x10  }
0xb4: {  	[tilespmem:$0x2730] =	vst v2;
	v1 =	vand.u32 $0x3FFF, v1  }
0xb5: {  	[tilespmem:$0x2780] =	vst v1  }
0xb6: {  	v1 =	vld [tilespmem:s29+$0xD0];
	_ =	sdelay $0x4  }
0xb7: {  	v2 =	vand.u32 $0xFFFF, v1;
	v1 =	vshrl.u32 v1, $0x10  }
0xb8: {  	[tilespmem:$0x2740] =	vst v2;
	v1 =	vand.u32 $0x3FFF, v1  }
0xb9: {  	[tilespmem:$0x2790] =	vst v1  }
0xba: {  	v1 =	vld [tilespmem:s29+$0xE0];
	_ =	sdelay $0x4  }
0xbb: {  	v2 =	vand.u32 $0xFFFF, v1;
	v1 =	vshrl.u32 v1, $0x10  }
0xbc: {  	[tilespmem:$0x2750] =	vst v2;
	v1 =	vand.u32 $0x3FFF, v1  }
0xbd: {  	[tilespmem:$0x27A0] =	vst v1  }
0xbe: {  	[tilespmem:s16], [sflag:$0x1] =	stream.indirect.gather [hbm4b:s4+s18], $0x80, s19, s18, $0xb8;
	[tilespmem:$0x1B850] =	vst v63  }
0xbf: {  	_ =	swait.ge [sflag:s24], $0x2800  }
.Ltmp1:
0xc0: {  	[sflag:s24] =	ssyncset.done $0x0;
	(pc) =	sbr.rel @p0 .LBB2_4-.Ltmp1, $4  }
0xc1: {  	[sflag:s24] =	ssyncadd.s32 $0xFFFFD800  }
0xc2: {  	[spmem:s2] =	stream.indirect.scatter.add.f32 [tilespmem:s21], [sflag:$0x3], $0x80, s25, s18, $0xb8;
	[tilespmem:$0x1B850] =	vst v63  }
0xc3: {  	_ =	swait.ge [sflag:s17], $0x2800  }
0xc4: {  	s30 =	smov.u32 s28;
	[sflag:s17] =	ssyncset.done $0x0  }
0xc5: {  	s26 =	sshra.s32 s26, $0x2;
	[sflag:s17] =	ssyncadd.s32 $0xFFFFD800  }
0xc6: {  	v1 =	vld [tilespmem:s26+$0x50];
	_ =	sdelay $0x4  }
0xc7: {  	v2 =	vand.u32 $0xFFFF, v1;
	v1 =	vshrl.u32 v1, $0x10  }
0xc8: {  	[tilespmem:$0x27B0] =	vst v2;
	v1 =	vand.u32 $0x3FFF, v1  }
0xc9: {  	[tilespmem:$0x2800] =	vst v1  }
0xca: {  	v1 =	vld [tilespmem:s26+$0x60];
	_ =	sdelay $0x4  }
0xcb: {  	v2 =	vand.u32 $0xFFFF, v1;
	v1 =	vshrl.u32 v1, $0x10  }
0xcc: {  	[tilespmem:$0x27C0] =	vst v2;
	v1 =	vand.u32 $0x3FFF, v1  }
0xcd: {  	[tilespmem:$0x2810] =	vst v1  }
0xce: {  	v1 =	vld [tilespmem:s26+$0x70];
	_ =	sdelay $0x4  }
0xcf: {  	v2 =	vand.u32 $0xFFFF, v1;
	v1 =	vshrl.u32 v1, $0x10  }
0xd0: {  	[tilespmem:$0x27D0] =	vst v2;
	v1 =	vand.u32 $0x3FFF, v1  }
0xd1: {  	[tilespmem:$0x2820] =	vst v1  }
0xd2: {  	v1 =	vld [tilespmem:s26+$0x80];
	_ =	sdelay $0x4  }
0xd3: {  	v2 =	vand.u32 $0xFFFF, v1;
	v1 =	vshrl.u32 v1, $0x10  }
0xd4: {  	[tilespmem:$0x27E0] =	vst v2;
	v1 =	vand.u32 $0x3FFF, v1  }
0xd5: {  	[tilespmem:$0x2830] =	vst v1  }
0xd6: {  	v1 =	vld [tilespmem:s26+$0x90];
	_ =	sdelay $0x4  }
0xd7: {  	v2 =	vand.u32 $0xFFFF, v1;
	v1 =	vshrl.u32 v1, $0x10  }
0xd8: {  	[tilespmem:$0x27F0] =	vst v2;
	v1 =	vand.u32 $0x3FFF, v1  }
0xd9: {  	[tilespmem:$0x2840] =	vst v1  }
0xda: {  	[tilespmem:s21], [sflag:$0x2] =	stream.indirect.gather [hbm4b:s4+s18], $0x80, s20, s18, $0xb8;
	[tilespmem:$0x1B850] =	vst v63  }
0xdb: {  	_ =	swait.ge [sflag:s22], $0x2800  }
0xdc: {  	[sflag:s22] =	ssyncset.done $0x0  }
0xdd: {  	[sflag:s22] =	ssyncadd.s32 $0xFFFFD800  }
0xde: {  	[spmem:s2] =	stream.indirect.scatter.add.f32 [tilespmem:s16], [sflag:$0x3], $0x80, s23, s18, $0xb8;
	[tilespmem:$0x1B850] =	vst v63  }
0xdf: {  	_ =	swait.ge [sflag:s17], $0x2800  }
0xe0: {  	[sflag:s17] =	ssyncset.done $0x0  }
0xe1: {  	[sflag:s17] =	ssyncadd.s32 $0xFFFFD800  }
0xe2: {  	v1 =	vld [tilespmem:s26+$0xA0];
	_ =	sdelay $0x4  }
0xe3: {  	v2 =	vand.u32 $0xFFFF, v1;
	v1 =	vshrl.u32 v1, $0x10  }
0xe4: {  	[tilespmem:$0x2710] =	vst v2;
	v1 =	vand.u32 $0x3FFF, v1  }
0xe5: {  	[tilespmem:$0x2760] =	vst v1  }
0xe6: {  	v1 =	vld [tilespmem:s26+$0xB0];
	_ =	sdelay $0x4  }
0xe7: {  	v2 =	vand.u32 $0xFFFF, v1;
	v1 =	vshrl.u32 v1, $0x10  }
0xe8: {  	[tilespmem:$0x2720] =	vst v2;
	v1 =	vand.u32 $0x3FFF, v1  }
0xe9: {  	[tilespmem:$0x2770] =	vst v1  }
0xea: {  	v1 =	vld [tilespmem:s26+$0xC0];
	_ =	sdelay $0x4  }
0xeb: {  	v2 =	vand.u32 $0xFFFF, v1;
	v1 =	vshrl.u32 v1, $0x10  }
0xec: {  	[tilespmem:$0x2730] =	vst v2;
	v1 =	vand.u32 $0x3FFF, v1  }
0xed: {  	[tilespmem:$0x2780] =	vst v1  }
0xee: {  	v1 =	vld [tilespmem:s26+$0xD0];
	_ =	sdelay $0x4  }
0xef: {  	v2 =	vand.u32 $0xFFFF, v1;
	v1 =	vshrl.u32 v1, $0x10  }
0xf0: {  	[tilespmem:$0x2740] =	vst v2;
	v1 =	vand.u32 $0x3FFF, v1  }
0xf1: {  	[tilespmem:$0x2790] =	vst v1  }
0xf2: {  	v1 =	vld [tilespmem:s26+$0xE0];
	_ =	sdelay $0x4  }
0xf3: {  	v2 =	vand.u32 $0xFFFF, v1;
	v1 =	vshrl.u32 v1, $0x10  }
0xf4: {  	[tilespmem:$0x2750] =	vst v2;
	v1 =	vand.u32 $0x3FFF, v1  }
0xf5: {  	[tilespmem:$0x27A0] =	vst v1  }
0xf6: {  	[tilespmem:s16], [sflag:$0x1] =	stream.indirect.gather [hbm4b:s4+s18], $0x80, s19, s18, $0xb8;
	[tilespmem:$0x1B850] =	vst v63  }
0xf7: {  	_ =	swait.ge [sflag:s24], $0x2800  }
0xf8: {  	[sflag:s24] =	ssyncset.done $0x0  }
0xf9: {  	[sflag:s24] =	ssyncadd.s32 $0xFFFFD800  }
0xfa: {  	[spmem:s2] =	stream.indirect.scatter.add.f32 [tilespmem:s21], [sflag:$0x3], $0x80, s25, s18, $0xb8;
	[tilespmem:$0x1B850] =	vst v63  }
0xfb: {  	_ =	swait.ge [sflag:s17], $0x2800  }
0xfc: {  	[sflag:s17] =	ssyncset.done $0x0  }
0xfd: {  	[sflag:s17] =	ssyncadd.s32 $0xFFFFD800  }
0xfe: {  	_ =	swait.ge [sflag:s22], $0x2800  }
0xff: {  	[sflag:s22] =	ssyncset.done $0x0  }
0x100: {  	[sflag:s22] =	ssyncadd.s32 $0xFFFFD800  }
0x101: {  	[spmem:s2] =	stream.indirect.scatter.add.f32 [tilespmem:s16], [sflag:$0x3], $0x80, s23, s18, $0xb8;
	[tilespmem:$0x1B850] =	vst v63  }
0x102: {  	_ =	swait.ge [sflag:s17], $0x2800  }
0x103: {  	s31 =	sshll.u32 s0, $0x6;
	s3 =	sadd.s32 $0x1, s3;
	[sflag:s17] =	ssyncset.done $0x0  }
0x104: {  	s28 =	sshrl.u32 s5, $0x3;
	p0 =	sne.s32 s3, s15;
	[sflag:s17] =	ssyncadd.s32 $0xFFFFD800  }
.Ltmp2:
0x105: {  	s26 =	sor.u32 $0x1C03, s31;
	[bflag:$0x0] =	sbarrier.arrive $0xFFFF;
	(pc) =	sbr.rel @p0 .LBB2_1-.Ltmp2, $4  }
0x106: {  	[hbm:s14], [sflag:s26] =	dma.local [spmem:s28], $0x2800  }
0x107: {  	_ =	swait.ge [sflag:s17], $0x2800  }
0x108: {  	[sflag:s17] =	ssyncset.done $0x0  }
0x109: {  	[sflag:s17] =	ssyncadd.s32 $0xFFFFD800  }
0x10a: {  	_ =	sfence.sel $0x180000  }
0x10b: {  	[bflag:$0x0] =	sbarrier.arrive $0xFFFF  }
0x10c: {  	p0 =	sne.s32 s0, $0x0;
	_ =	strace $0x9000004A  }
0x10d: {  	s0 =	sadd.s32 @!p0 $0x100000, s1;
	[bflag:$0x2] =	sbarrier.arrive $0xFFFF  }
0x10e: {  	[sflag:s0] =	ssyncadd.tile.s32 @!p0 $0x1;
	_ =	shalt  }
.Lfunc_end2:
_tile_overlayer_lowered:
.L_overlay_start_2:
0x10f: {  	(tag) =	ssettag $0x2  }
0x110: {  	s0 =	rddreg [dreg:$0x0];
	s2 =	stileid.u32  }
0x111: {  	s1 =	rddreg [dreg:$0x1];
	p0 =	sne.s32 s2, $0x0  }
0x112: {  	s3 =	rddreg [dreg:$0x2];
	[bflag:$0x3] =	sbarrier.arrive $0xFFFF;
	s2 =	simm.s32 @!p0 $0x1C03  }
0x113: {  	[timem:s3], [sflag:s2] =	dma.local @!p0 [hbm:s0], s1  }
0x114: {  	s0 =	simm.s32 @!p0 $0x3  }
0x115: {  	_ =	swait.ge @!p0 [sflag:s0], s1  }
0x116: {  	s1 =	ssub.s32 @!p0 $0x0, s1;
	[sflag:s0] =	ssyncset.done @!p0 $0x0  }
0x117: {  	[sflag:s0] =	ssyncadd.s32 @!p0 s1  }
0x118: {  	[bflag:$0x3] =	sbarrier.arrive $0xFFFF  }
0x119: {  	_ =	shalt  }

// kernel: kernel.20.cloned.1.call-start
scs
__scs_entry_jumppad:
0x0: {  	(pc) =	sbr.rel $0x88, $3  }
0x1: {  	(tag) =	ssettag $0x0;
	lr =	simm.s32 $0x1  }
0x2: {  	[smem:$0x3F7B] =	sst lr;
	_ =	strace $0xD0000000  }
0x3: {  	_ = 	snop  }
0x4: {  	_ = 	snop  }
0x5: {  	_ = 	snop  }
0x6: {  	_ = 	snop  }
0x7: {  	_ = 	snop  }
__scs_overlays_trampoline_lowered:
0x8: {  	[smem:$0x3F8A] =	sst s0  }
0x9: {  	[smem:$0x3F8B] =	sst s1  }
0xa: {  	[smem:$0x3F8C] =	sst s2  }
0xb: {  	[smem:$0x3F8D] =	sst s3  }
0xc: {  	[smem:$0x3F8E] =	sst s4  }
0xd: {  	[smem:$0x3F8F] =	sst s5  }
0xe: {  	[smem:$0x3F90] =	sst s6  }
0xf: {  	[smem:$0x3F91] =	sst s7  }
0x10: {  	[smem:$0x3F92] =	sst s8  }
0x11: {  	[smem:$0x3F93] =	sst s9;
	s0 =	simm.s32 @!p0 $0x0  }
0x12: {  	s1 =	sld [smem:$0x3F79];
	s0 =	simm.s32 @p0 $0x1  }
0x13: {  	[smem:$0x3F94] =	sst s0;
	s0 =	simm.s32 @!p1 $0x0  }
0x14: {  	s2 =	sld [smem:$0x3F78];
	s0 =	simm.s32 @p1 $0x1  }
0x15: {  	[smem:$0x3F95] =	sst s0;
	s0 =	simm.s32 @!p2 $0x0  }
0x16: {  	s3 =	sld [smem:$0x3FDB];
	s0 =	simm.s32 @p2 $0x1  }
0x17: {  	s4 =	simm.s32 $0x1BF5;
	[smem:$0x3F97] =	sst s0  }
0x18: {  	s0 =	sld [smem:$0x3F7A];
	_ =	swait.ge [sflag:s4], $0x0  }
0x19: {  	s7 =	sld [smem:$0x3F7B]  }
0x1a: {  	s8 =	sadd.s32 $0xFFFFE003, lr  }
0x1b: {  	s9 =	sadd.s32 $0xFFFFFEF7, lr;
	s5 =	simm.s32 $0xFFFFFFFF;
	p2 =	slt.u32 s8, $0xFFFFF086  }
0x1c: {  	p1 =	slt.u32 s9, $0xF7A;
	s5 =	simm.s32 @!p2 $0x0  }
0x1d: {  	s5 =	simm.s32 @p1 $0x1;
	p0 =	seq.s32 s7, s2  }
0x1e: {  	s7 =	smul.u32 @!p0 $0xF7A, s2;
	p2 =	seq.s32 @!p0 s5, $0x0  }
0x1f: {  	s9 =	smul.u32 $0xF7A, s1;
	s8 =	simm.s32 @!p0 $0x1BF5;
	p2 =	por !p2, p0  }
0x20: {  	[sflag:s8] =	ssyncset.s32 @!p0 $0xFFFFF086;
	s6 =	sadd.s32 @!p0 s3, s7;
	s7 =	simm.s32 @!p0 $0x108  }
0x21: {  	s3 =	sadd.s32 s3, s9;
	s6 =	sadd.s32 @!p0 $0x88, s6;
	s7 =	simm.s32 @p2 $0x1082  }
0x22: {  	[simem:s7], [sflag:s8] =	dma.local @!p0 [hbm:s6], $0xF7A  }
0x23: {  	s9 =	sor.u32 $0xD0000000, s2;
	s6 =	simm.s32 $0x108;
	_ =	swait.ge @!p0 [sflag:s8], $0x0  }
0x24: {  	s3 =	sadd.s32 $0x88, s3;
	s6 =	simm.s32 @!p1 $0x1082;
	[sflag:s4] =	ssyncset.s32 $0xFFFFF086  }
0x25: {  	[simem:s6], [sflag:s4] =	dma.local [hbm:s3], $0xF7A  }
0x26: {  	[smem:$0x3F7B] =	sst s1;
	(tag) =	ssettag s2;
	_ =	strace s9  }
0x27: {  	s1 =	sld [smem:$0x3F8B]  }
0x28: {  	s2 =	sld [smem:$0x3F8C]  }
0x29: {  	s4 =	sld [smem:$0x3F8E]  }
0x2a: {  	p0 =	seq.s32 s5, $0x0;
	s5 =	sld [smem:$0x3F8F]  }
0x2b: {  	s6 =	sld [smem:$0x3F90]  }
0x2c: {  	s7 =	sld [smem:$0x3F91]  }
0x2d: {  	s3 =	simm.s32 $0x108;
	s8 =	sld [smem:$0x3F92]  }
0x2e: {  	s3 =	simm.s32 @!p0 $0x1082;
	s9 =	sld [smem:$0x3F93]  }
0x2f: {  	lr =	sadd.s32 s0, s3;
	s0 =	sld [smem:$0x3F8A]  }
0x30: {  	s3 =	sld [smem:$0x3F8D]  }
0x31: {  	[smem:$0x3F96] =	sst s10  }
0x32: {  	s10 =	sld [smem:$0x3F94];
	_ =	sdelay $0x3  }
0x33: {  	p0 =	seq.s32 s10, $0x1;
	s10 =	sld [smem:$0x3F96];
	_ =	sdelay $0x3  }
0x34: {  	[smem:$0x3F96] =	sst s10  }
0x35: {  	s10 =	sld [smem:$0x3F95];
	_ =	sdelay $0x3  }
0x36: {  	p1 =	seq.s32 s10, $0x1;
	s10 =	sld [smem:$0x3F96];
	_ =	sdelay $0x3  }
0x37: {  	[smem:$0x3F96] =	sst s10  }
0x38: {  	s10 =	sld [smem:$0x3F97]  }
0x39: {  	_ = 	snop;
	(pc) =	sbr.ind lr, $3  }
0x3a: {  	_ = 	snop  }
0x3b: {  	_ = 	snop  }
0x3c: {  	p2 =	seq.s32 s10, $0x1;
	s10 =	sld [smem:$0x3F96]  }
0x3d: {  	_ =	shalt  }
0x3e: {  	_ =	shalt  }
0x3f: {  	_ =	shalt  }
0x40: {  	_ =	shalt  }
0x41: {  	_ =	shalt  }
0x42: {  	_ =	shalt  }
0x43: {  	_ =	shalt  }
0x44: {  	_ =	shalt  }
0x45: {  	_ =	shalt  }
0x46: {  	_ =	shalt  }
0x47: {  	_ =	shalt  }
0x48: {  	_ =	shalt  }
0x49: {  	_ =	shalt  }
0x4a: {  	_ =	shalt  }
0x4b: {  	_ =	shalt  }
0x4c: {  	_ =	shalt  }
0x4d: {  	_ =	shalt  }
0x4e: {  	_ =	shalt  }
0x4f: {  	_ =	shalt  }
0x50: {  	_ =	shalt  }
0x51: {  	_ =	shalt  }
0x52: {  	_ =	shalt  }
0x53: {  	_ =	shalt  }
0x54: {  	_ =	shalt  }
0x55: {  	_ =	shalt  }
0x56: {  	_ =	shalt  }
0x57: {  	_ =	shalt  }
0x58: {  	_ =	shalt  }
0x59: {  	_ =	shalt  }
0x5a: {  	_ =	shalt  }
0x5b: {  	_ =	shalt  }
0x5c: {  	_ =	shalt  }
0x5d: {  	_ =	shalt  }
0x5e: {  	_ =	shalt  }
0x5f: {  	_ =	shalt  }
0x60: {  	_ =	shalt  }
0x61: {  	_ =	shalt  }
0x62: {  	_ =	shalt  }
0x63: {  	_ =	shalt  }
0x64: {  	_ =	shalt  }
0x65: {  	_ =	shalt  }
0x66: {  	_ =	shalt  }
0x67: {  	_ =	shalt  }
0x68: {  	_ =	shalt  }
0x69: {  	_ =	shalt  }
0x6a: {  	_ =	shalt  }
0x6b: {  	_ =	shalt  }
0x6c: {  	_ =	shalt  }
0x6d: {  	_ =	shalt  }
0x6e: {  	_ =	shalt  }
0x6f: {  	_ =	shalt  }
0x70: {  	_ =	shalt  }
0x71: {  	_ =	shalt  }
0x72: {  	_ =	shalt  }
0x73: {  	_ =	shalt  }
0x74: {  	_ =	shalt  }
0x75: {  	_ =	shalt  }
0x76: {  	_ =	shalt  }
0x77: {  	_ =	shalt  }
0x78: {  	_ =	shalt  }
0x79: {  	_ =	shalt  }
0x7a: {  	_ =	shalt  }
0x7b: {  	_ =	shalt  }
0x7c: {  	_ =	shalt  }
0x7d: {  	_ =	shalt  }
0x7e: {  	_ =	shalt  }
0x7f: {  	_ =	shalt  }
0x80: {  	_ =	shalt  }
0x81: {  	_ =	shalt  }
0x82: {  	_ =	shalt  }
0x83: {  	_ =	shalt  }
0x84: {  	_ =	shalt  }
0x85: {  	_ =	shalt  }
0x86: {  	_ =	shalt  }
0x87: {  	_ =	shalt  }
.Lfunc_end0:
.L_simem_size_0:
called_computation.1_lowered:
.L_overlay_start_0:
0x88: {  	s2 =	sld [smem:$0x3FD9]  }
0x89: {  	s3 =	sld [smem:$0x3FFE];
	_ =	sdelay $0x1  }
0x8a: {  	s1 =	srdreg.scid  }
0x8b: {  	s0 =	sand.u32 $0x1, s1  }
0x8c: {  	s16 =	sshll.u32 s0, $0xA;
	s2 =	sadd.s32 s3, s2  }
0x8d: {  	s2 =	sadd.s32 s2, s16  }
0x8e: {  	[smem:$0x3FA2] =	sst s2  }
0x8f: {  	_ = 	snop  }
0x90: {  	(tm) =	ssettm $0x1  }
0x91: {  	s17 =	sld [smem:$0x3FFB];
	_ =	sdelay $0x3  }
0x92: {  	_ =	strace s17  }
0x93: {  	s2 =	sld [smem:$0x3FFC];
	_ =	sdelay $0x3  }
0x94: {  	_ =	strace s2  }
0x95: {  	s2 =	sld [smem:$0x3FFD];
	_ =	sdelay $0x3  }
0x96: {  	_ =	strace s2  }
0x97: {  	_ =	strace $0x8FFFFFFF  }
0x98: {  	s18 =	sld [smem:$0x3FDB];
	_ =	sdelay $0x1  }
0x99: {  	s19 =	simm.s32 $_scs_section_size  }
0x9a: {  	s4 =	simm.s32 $_size__tile_overlayer_lowered;
	s5 =	simm.s32 $_tile_overlayer_lowered  }
0x9b: {  	s22 =	simm.s32 $0x1BFF;
	s21 =	sshll.u32 s5, $0x1;
	s2 =	sadd.s32 s19, s18  }
0x9c: {  	s6 =	simm.s32 $0x0;
	s20 =	sshll.u32 s4, $0x1;
	s4 =	sadd.s32 s21, s2  }
0x9d: {  	[timem:s6], [sflag:s22] =	dma.local [hbm:s4], s20  }
0x9e: {  	_ =	swait.ge [sflag:s22], s20  }
0x9f: {  	s3 =	ssub.s32 $0x0, s20;
	[sflag:s22] =	ssyncset.done $0x0  }
0xa0: {  	[sflag:s22] =	ssyncadd.s32 s3;
	_ =	sdelay $0x1  }
0xa1: {  	s23 =	simm.s32 $0x1B8B  }
0xa2: {  	_ =	swait.ge [sflag:s23], $0x1  }
0xa3: {  	[sflag:s23] =	ssyncset.done $0x0  }
0xa4: {  	s25 =	simm.s32 $0x1B8E;
	s24 =	sld [smem:$0x3FFE];
	[sflag:s23] =	ssyncadd.s32 $0xFFFFFFFF  }
0xa5: {  	s26 =	simm.s32 $execute0_lowered;
	[smem:$0x3FD2] =	sst s25  }
0xa6: {  	s4 =	sshll.u32 s26, $0x1;
	_ =	strace $0x80000046;
	[dreg:$0x1] =	wrdreg $0xFFFFFFFF  }
0xa7: {  	s28 =	simm.s32 $_size_execute0_lowered;
	s2 =	sadd.s32 s2, s4;
	[dreg:$0x0] =	wrdreg $0x0  }
0xa8: {  	s4 =	sshll.u32 s28, $0x1;
	[dreg:$0x2] =	wrdreg s2  }
0xa9: {  	[dreg:$0x3] =	wrdreg s4  }
0xaa: {  	[dreg:$0x4] =	wrdreg $0xC0  }
0xab: {  	_ =	task [dreg:s6], $0x5FFFF  }
0xac: {  	[dreg:$0x1] =	wrdreg $0xFFFFFFFF  }
0xad: {  	[dreg:$0x0] =	wrdreg $0x60  }
0xae: {  	[dreg:$0x2] =	wrdreg s24  }
0xaf: {  	[dreg:$0x3] =	wrdreg $0x78500  }
0xb0: {  	[dreg:$0x4] =	wrdreg $0xA  }
0xb1: {  	_ =	task.clear_ibuf [dreg:s6], $0x5FFFF;
	_ =	strace $0x90000046  }
0xb2: {  	s29 =	simm.s32 $0xA;
	_ =	strace $0x80000048  }
0xb3: {  	_ =	swait.ge [sflag:s29], $0x1  }
0xb4: {  	[sflag:s29] =	ssyncadd.s32 $0xFFFFFFFF  }
0xb5: {  	_ =	strace $0x90000048  }
0xb6: {  	_ =	sfence  }
0xb7: {  	s30 =	sld [smem:$0x0];
	_ =	sdelay $0x2  }
0xb8: {  	s31 =	sshll.u32 s1, $0xD;
	s1 =	sshrl.u32 s1, $0x2  }
0xb9: {  	s3 =	sand.u32 $0x4000, s31;
	s1 =	sadd.s32 s1, s30  }
0xba: {  	s0 =	sor.u32 s3, s0;
	s1 =	sshll.u32 s1, $0x11  }
0xbb: {  	s0 =	sor.u32 s1, s0  }
0xbc: {  	s0 =	sadd.s32 $0x8F2B, s0  }
0xbd: {  	[sflag:s0] =	ssyncadd.remote.s32 $0x1  }
0xbe: {  	_ =	sfence.sel $0xFFFF  }
0xbf: {  	[dreg:$0x0] =	wrdreg $0xFFFFFFFF;
	(pc) =	sbr.abs _section_cstart, $3  }
0xc0: {  	[dreg:$0x1] =	wrdreg $0xFFFFFFFF  }
0xc1: {  	_ =	task.clear_ibuf [dreg:s6], $0x2FFFF;
	_ =	strace $0x9FFFFFFF  }
0xc2: {  	(tm) =	ssettm $0x7FFFFFFF  }
0xc3: {  	_ =	shalt  }
tec
execute0_lowered:
.L_overlay_start_1:
0x0: {  	(tag) =	ssettag $0x1  }
0x1: {  	s1 =	srdreg.scid;
	s6 =	rddreg [dreg:$0x0]  }
0x2: {  	s0 =	stileid.u32;
	s2 =	rddreg [dreg:$0x1];
	s3 =	simm.s32 $0x0  }
0x3: {  	s16 =	simm.s32 $0x2850;
	s17 =	simm.s32 $0x3;
	s18 =	simm.s32 $0x50  }
0x4: {  	s19 =	simm.s32 $0x2710;
	s20 =	simm.s32 $0x27B0;
	s21 =	simm.s32 $0x5050  }
0x5: {  	s22 =	simm.s32 $0x1;
	s23 =	simm.s32 $0x2760;
	s24 =	simm.s32 $0x2  }
0x6: {  	s25 =	simm.s32 $0x2800;
	s5 =	sand.u32 $0x1, s1;
	s8 =	smul.u32 $0x2800, s0  }
0x7: {  	s26 =	sshll.u32 s0, $0x1;
	[smem:$0x7FF] =	sst s3;
	s10 =	smul.u32 $0x50000, s0  }
0x8: {  	s4 =	sadd.s32 $0x7200, s6;
	s1 =	sor.u32 s5, s26;
	s9 =	smul.u32 $0x28000, s5  }
0x9: {  	s29 =	ssub.s32 $0x2, s5;
	s7 =	smul.u32 $0x4E2, s1;
	s1 =	rddreg [dreg:$0x2]  }
0xa: {  	_ =	strace $0x80000047;
	s30 =	sshrl.u32 s10, $0x2;
	s31 =	sshrl.u32 s29, $0x1  }
0xb: {  	s28 =	sadd.s32 s8, s9;
	s5 =	sadd.s32 s30, s2;
	s15 =	ssub.s32 s29, s31  }
0xc: {  	s13 =	sadd.s32 s7, s6;
	s14 =	sadd.s32 s28, s6;
	s6 =	sadd.s32 $0x2800, s5  }
0xd: {  	s7 =	sadd.s32 $0x5000, s5;
	s8 =	sadd.s32 $0x7800, s5;
	s9 =	sadd.s32 $0xA000, s5  }
0xe: {  	s10 =	sadd.s32 $0xC800, s5;
	s11 =	sadd.s32 $0xF000, s5;
	s12 =	sadd.s32 $0x11800, s5  }
0xf: {  	v0 =	vimm.f32 $0.0e+00;
	s15 =	smax.u32 s15, $0x1;
	s13 =	sadd.s32 $0xA3600, s13;
	s14 =	sadd.s32 $0xAD400, s14  }
.LBB2_1:
0x10: {  	s26 =	simm.s32 $0x0;
	s28 =	simm.s32 $0x200  }
.LBB2_2:
0x11: {  	p0 =	sne.s32 s28, $0x9E00;
	[tilespmem:s26+$0x28C0] =	vst v0  }
0x12: {  	[tilespmem:s26+$0x2850] =	vst v0  }
0x13: {  	[tilespmem:s26+$0x2860] =	vst v0  }
.Ltmp0:
0x14: {  	[tilespmem:s26+$0x2870] =	vst v0;
	(pc) =	sbr.rel @p0 .LBB2_2-.Ltmp0, $4  }
0x15: {  	[tilespmem:s26+$0x2880] =	vst v0  }
0x16: {  	[tilespmem:s26+$0x2890] =	vst v0  }
0x17: {  	[tilespmem:s26+$0x28A0] =	vst v0  }
0x18: {  	[tilespmem:s26+$0x28B0] =	vst v0;
	s26 =	sshra.s32 s28, $0x2;
	s28 =	sadd.s32 $0x200, s28  }
0x19: {  	[tilespmem:s26+$0x28C0] =	vst v0  }
0x1a: {  	[tilespmem:s26+$0x2850] =	vst v0  }
0x1b: {  	[tilespmem:s26+$0x2860] =	vst v0  }
0x1c: {  	[tilespmem:s26+$0x2870] =	vst v0  }
0x1d: {  	[tilespmem:s26+$0x2880] =	vst v0  }
0x1e: {  	[tilespmem:s26+$0x2890] =	vst v0  }
0x1f: {  	[tilespmem:s26+$0x28A0] =	vst v0  }
0x20: {  	[tilespmem:s26+$0x28B0] =	vst v0  }
0x21: {  	[spmem:s5] =	stream.linear.scatter [tilespmem:s16], [sflag:$0x3], $0x2800, $0x38;
	[tilespmem:$0x1B850] =	vst v63  }
0x22: {  	_ =	swait.ge [sflag:s17], $0x2800  }
0x23: {  	[sflag:s17] =	ssyncset.done $0x0  }
0x24: {  	[sflag:s17] =	ssyncadd.s32 $0xFFFFD800  }
0x25: {  	[spmem:s6] =	stream.linear.scatter [tilespmem:s16], [sflag:$0x3], $0x2800, $0x38;
	[tilespmem:$0x1B850] =	vst v63  }
0x26: {  	_ =	swait.ge [sflag:s17], $0x2800  }
0x27: {  	[sflag:s17] =	ssyncset.done $0x0  }
0x28: {  	[sflag:s17] =	ssyncadd.s32 $0xFFFFD800  }
0x29: {  	[spmem:s7] =	stream.linear.scatter [tilespmem:s16], [sflag:$0x3], $0x2800, $0x38;
	[tilespmem:$0x1B850] =	vst v63  }
0x2a: {  	_ =	swait.ge [sflag:s17], $0x2800  }
0x2b: {  	[sflag:s17] =	ssyncset.done $0x0  }
0x2c: {  	[sflag:s17] =	ssyncadd.s32 $0xFFFFD800  }
0x2d: {  	[spmem:s8] =	stream.linear.scatter [tilespmem:s16], [sflag:$0x3], $0x2800, $0x38;
	[tilespmem:$0x1B850] =	vst v63  }
0x2e: {  	_ =	swait.ge [sflag:s17], $0x2800  }
0x2f: {  	[sflag:s17] =	ssyncset.done $0x0  }
0x30: {  	[sflag:s17] =	ssyncadd.s32 $0xFFFFD800  }
0x31: {  	[spmem:s9] =	stream.linear.scatter [tilespmem:s16], [sflag:$0x3], $0x2800, $0x38;
	[tilespmem:$0x1B850] =	vst v63  }
0x32: {  	_ =	swait.ge [sflag:s17], $0x2800  }
0x33: {  	[sflag:s17] =	ssyncset.done $0x0  }
0x34: {  	[sflag:s17] =	ssyncadd.s32 $0xFFFFD800  }
0x35: {  	[spmem:s10] =	stream.linear.scatter [tilespmem:s16], [sflag:$0x3], $0x2800, $0x38;
	[tilespmem:$0x1B850] =	vst v63  }
0x36: {  	_ =	swait.ge [sflag:s17], $0x2800  }
0x37: {  	[sflag:s17] =	ssyncset.done $0x0  }
0x38: {  	[sflag:s17] =	ssyncadd.s32 $0xFFFFD800  }
0x39: {  	[spmem:s11] =	stream.linear.scatter [tilespmem:s16], [sflag:$0x3], $0x2800, $0x38;
	[tilespmem:$0x1B850] =	vst v63  }
0x3a: {  	_ =	swait.ge [sflag:s17], $0x2800  }
0x3b: {  	[sflag:s17] =	ssyncset.done $0x0  }
0x3c: {  	[sflag:s17] =	ssyncadd.s32 $0xFFFFD800  }
0x3d: {  	[spmem:s12] =	stream.linear.scatter [tilespmem:s16], [sflag:$0x3], $0x2800, $0x38;
	[tilespmem:$0x1B850] =	vst v63  }
0x3e: {  	_ =	swait.ge [sflag:s17], $0x2800  }
0x3f: {  	[sflag:s17] =	ssyncset.done $0x0  }
0x40: {  	[sflag:s17] =	ssyncadd.s32 $0xFFFFD800  }
0x41: {  	s29 =	simm.s32 $0x0;
	[bflag:$0x0] =	sbarrier.arrive $0xFFFF  }
0x42: {  	[tilespmem:s29], [sflag:$0x3] =	stream.linear.gather [hbm4b:s13+s29], $0x2710, $0x38;
	[tilespmem:$0x1B850] =	vst v63  }
0x43: {  	_ =	swait.ge [sflag:s17], $0x2710  }
0x44: {  	[sflag:s17] =	ssyncset.done $0x0  }
0x45: {  	[sflag:s17] =	ssyncadd.s32 $0xFFFFD8F0  }
0x46: {  	v1 =	vld [tilespmem:$0x0];
	_ =	sdelay $0x1  }
0x47: {  	v2 =	vld [tilespmem:$0x10];
	_ =	sdelay $0x1  }
0x48: {  	v3 =	vld [tilespmem:$0x20]  }
0x49: {  	v4 =	vand.u32 $0xFFFF, v1;
	v1 =	vshrl.u32 v1, $0x10  }
0x4a: {  	v63 =	vld [tilespmem:$0x30];
	[tilespmem:$0x2710] =	vst v4;
	v1 =	vand.u32 $0x3FFF, v1  }
0x4b: {  	[tilespmem:$0x2760] =	vst v1;
	v1 =	vand.u32 $0xFFFF, v2;
	v2 =	vshrl.u32 v2, $0x10  }
0x4c: {  	[tilespmem:$0x2720] =	vst v1;
	v1 =	vand.u32 $0x3FFF, v2;
	v2 =	vld [tilespmem:$0x40]  }
0x4d: {  	[tilespmem:$0x2770] =	vst v1;
	v1 =	vand.u32 $0xFFFF, v3;
	v3 =	vshrl.u32 v3, $0x10  }
0x4e: {  	[tilespmem:$0x2730] =	vst v1;
	v1 =	vand.u32 $0x3FFF, v3  }
0x4f: {  	v3 =	vshrl.u32 v63, $0x10;
	[tilespmem:$0x2780] =	vst v1;
	v1 =	vand.u32 $0xFFFF, v63  }
0x50: {  	[tilespmem:$0x2740] =	vst v1;
	v1 =	vand.u32 $0x3FFF, v3  }
0x51: {  	[tilespmem:$0x2790] =	vst v1;
	v1 =	vand.u32 $0xFFFF, v2;
	v2 =	vshrl.u32 v2, $0x10  }
0x52: {  	[tilespmem:$0x2750] =	vst v1;
	v1 =	vand.u32 $0x3FFF, v2  }
0x53: {  	s31 =	simm.s32 $0x0;
	[tilespmem:$0x27A0] =	vst v1  }
0x54: {  	[tilespmem:s16], [sflag:$0x1] =	stream.indirect.gather [hbm4b:s4+s18], $0x80, s19, s18, $0xb8;
	[tilespmem:$0x1B850] =	vst v63  }
0x55: {  	v1 =	vld [tilespmem:s31+$0x50];
	_ =	sdelay $0x4  }
0x56: {  	v2 =	vand.u32 $0xFFFF, v1;
	v1 =	vshrl.u32 v1, $0x10  }
0x57: {  	[tilespmem:$0x27B0] =	vst v2;
	v1 =	vand.u32 $0x3FFF, v1  }
0x58: {  	[tilespmem:$0x2800] =	vst v1  }
0x59: {  	v1 =	vld [tilespmem:s31+$0x60];
	_ =	sdelay $0x4  }
0x5a: {  	v2 =	vand.u32 $0xFFFF, v1;
	v1 =	vshrl.u32 v1, $0x10  }
0x5b: {  	[tilespmem:$0x27C0] =	vst v2;
	v1 =	vand.u32 $0x3FFF, v1  }
0x5c: {  	[tilespmem:$0x2810] =	vst v1  }
0x5d: {  	v1 =	vld [tilespmem:s31+$0x70];
	_ =	sdelay $0x4  }
0x5e: {  	v2 =	vand.u32 $0xFFFF, v1;
	v1 =	vshrl.u32 v1, $0x10  }
0x5f: {  	[tilespmem:$0x27D0] =	vst v2;
	v1 =	vand.u32 $0x3FFF, v1  }
0x60: {  	[tilespmem:$0x2820] =	vst v1  }
0x61: {  	v1 =	vld [tilespmem:s31+$0x80];
	_ =	sdelay $0x4  }
0x62: {  	v2 =	vand.u32 $0xFFFF, v1;
	v1 =	vshrl.u32 v1, $0x10  }
0x63: {  	[tilespmem:$0x27E0] =	vst v2;
	v1 =	vand.u32 $0x3FFF, v1  }
0x64: {  	[tilespmem:$0x2830] =	vst v1  }
0x65: {  	v1 =	vld [tilespmem:s31+$0x90];
	_ =	sdelay $0x4  }
0x66: {  	v2 =	vand.u32 $0xFFFF, v1;
	v1 =	vshrl.u32 v1, $0x10  }
0x67: {  	[tilespmem:$0x27F0] =	vst v2;
	v1 =	vand.u32 $0x3FFF, v1  }
0x68: {  	[tilespmem:$0x2840] =	vst v1  }
0x69: {  	[tilespmem:s21], [sflag:$0x2] =	stream.indirect.gather [hbm4b:s4+s18], $0x80, s20, s18, $0xb8;
	[tilespmem:$0x1B850] =	vst v63  }
0x6a: {  	_ =	swait.ge [sflag:s22], $0x2800  }
0x6b: {  	[sflag:s22] =	ssyncset.done $0x0  }
0x6c: {  	[sflag:s22] =	ssyncadd.s32 $0xFFFFD800  }
0x6d: {  	[spmem:s2] =	stream.indirect.scatter.add.f32 [tilespmem:s16], [sflag:$0x3], $0x80, s23, s18, $0xb8;
	[tilespmem:$0x1B850] =	vst v63  }
0x6e: {  	_ =	swait.ge [sflag:s17], $0x2800  }
0x6f: {  	[sflag:s17] =	ssyncset.done $0x0  }
0x70: {  	[sflag:s17] =	ssyncadd.s32 $0xFFFFD800  }
0x71: {  	v1 =	vld [tilespmem:s31+$0xA0];
	_ =	sdelay $0x4  }
0x72: {  	v2 =	vand.u32 $0xFFFF, v1;
	v1 =	vshrl.u32 v1, $0x10  }
0x73: {  	[tilespmem:$0x2710] =	vst v2;
	v1 =	vand.u32 $0x3FFF, v1  }
0x74: {  	[tilespmem:$0x2760] =	vst v1  }
0x75: {  	v1 =	vld [tilespmem:s31+$0xB0];
	_ =	sdelay $0x4  }
0x76: {  	v2 =	vand.u32 $0xFFFF, v1;
	v1 =	vshrl.u32 v1, $0x10  }
0x77: {  	[tilespmem:$0x2720] =	vst v2;
	v1 =	vand.u32 $0x3FFF, v1  }
0x78: {  	[tilespmem:$0x2770] =	vst v1  }
0x79: {  	v1 =	vld [tilespmem:s31+$0xC0];
	_ =	sdelay $0x4  }
0x7a: {  	v2 =	vand.u32 $0xFFFF, v1;
	v1 =	vshrl.u32 v1, $0x10  }
0x7b: {  	[tilespmem:$0x2730] =	vst v2;
	v1 =	vand.u32 $0x3FFF, v1  }
0x7c: {  	[tilespmem:$0x2780] =	vst v1  }
0x7d: {  	v1 =	vld [tilespmem:s31+$0xD0];
	_ =	sdelay $0x4  }
0x7e: {  	v2 =	vand.u32 $0xFFFF, v1;
	v1 =	vshrl.u32 v1, $0x10  }
0x7f: {  	[tilespmem:$0x2740] =	vst v2;
	v1 =	vand.u32 $0x3FFF, v1  }
0x80: {  	[tilespmem:$0x2790] =	vst v1  }
0x81: {  	v1 =	vld [tilespmem:s31+$0xE0];
	_ =	sdelay $0x4  }
0x82: {  	v2 =	vand.u32 $0xFFFF, v1;
	v1 =	vshrl.u32 v1, $0x10  }
0x83: {  	[tilespmem:$0x2750] =	vst v2;
	v1 =	vand.u32 $0x3FFF, v1  }
0x84: {  	[tilespmem:$0x27A0] =	vst v1  }
0x85: {  	[tilespmem:s16], [sflag:$0x1] =	stream.indirect.gather [hbm4b:s4+s18], $0x80, s19, s18, $0xb8;
	[tilespmem:$0x1B850] =	vst v63  }
0x86: {  	_ =	swait.ge [sflag:s24], $0x2800  }
0x87: {  	[sflag:s24] =	ssyncset.done $0x0  }
0x88: {  	[sflag:s24] =	ssyncadd.s32 $0xFFFFD800  }
0x89: {  	[spmem:s2] =	stream.indirect.scatter.add.f32 [tilespmem:s21], [sflag:$0x3], $0x80, s25, s18, $0xb8;
	[tilespmem:$0x1B850] =	vst v63  }
0x8a: {  	_ =	swait.ge [sflag:s17], $0x2800  }
0x8b: {  	s26 =	simm.s32 $0x280;
	s30 =	simm.s32 $0x500;
	[sflag:s17] =	ssyncset.done $0x0  }
.LBB2_4:
0x8c: {  	s29 =	sshra.s32 s26, $0x2  }
0x8d: {  	[sflag:s17] =	ssyncadd.s32 $0xFFFFD800;
	s26 =	smov.u32 s30;
	s28 =	sadd.s32 $0x280, s30  }
0x8e: {  	p0 =	sne.s32 s30, $0x9880;
	v1 =	vld [tilespmem:s29+$0x50];
	_ =	sdelay $0x4  }
0x8f: {  	v2 =	vand.u32 $0xFFFF, v1;
	v1 =	vshrl.u32 v1, $0x10  }
0x90: {  	[tilespmem:$0x27B0] =	vst v2;
	v1 =	vand.u32 $0x3FFF, v1  }
0x91: {  	[tilespmem:$0x2800] =	vst v1  }
0x92: {  	v1 =	vld [tilespmem:s29+$0x60];
	_ =	sdelay $0x4  }
0x93: {  	v2 =	vand.u32 $0xFFFF, v1;
	v1 =	vshrl.u32 v1, $0x10  }
0x94: {  	[tilespmem:$0x27C0] =	vst v2;
	v1 =	vand.u32 $0x3FFF, v1  }
0x95: {  	[tilespmem:$0x2810] =	vst v1  }
0x96: {  	v1 =	vld [tilespmem:s29+$0x70];
	_ =	sdelay $0x4  }
0x97: {  	v2 =	vand.u32 $0xFFFF, v1;
	v1 =	vshrl.u32 v1, $0x10  }
0x98: {  	[tilespmem:$0x27D0] =	vst v2;
	v1 =	vand.u32 $0x3FFF, v1  }
0x99: {  	[tilespmem:$0x2820] =	vst v1  }
0x9a: {  	v1 =	vld [tilespmem:s29+$0x80];
	_ =	sdelay $0x4  }
0x9b: {  	v2 =	vand.u32 $0xFFFF, v1;
	v1 =	vshrl.u32 v1, $0x10  }
0x9c: {  	[tilespmem:$0x27E0] =	vst v2;
	v1 =	vand.u32 $0x3FFF, v1  }
0x9d: {  	[tilespmem:$0x2830] =	vst v1  }
0x9e: {  	v1 =	vld [tilespmem:s29+$0x90];
	_ =	sdelay $0x4  }
0x9f: {  	v2 =	vand.u32 $0xFFFF, v1;
	v1 =	vshrl.u32 v1, $0x10  }
0xa0: {  	[tilespmem:$0x27F0] =	vst v2;
	v1 =	vand.u32 $0x3FFF, v1  }
0xa1: {  	[tilespmem:$0x2840] =	vst v1  }
0xa2: {  	[tilespmem:s21], [sflag:$0x2] =	stream.indirect.gather [hbm4b:s4+s18], $0x80, s20, s18, $0xb8;
	[tilespmem:$0x1B850] =	vst v63  }
0xa3: {  	_ =	swait.ge [sflag:s22], $0x2800  }
0xa4: {  	[sflag:s22] =	ssyncset.done $0x0  }
0xa5: {  	[sflag:s22] =	ssyncadd.s32 $0xFFFFD800  }
0xa6: {  	[spmem:s2] =	stream.indirect.scatter.add.f32 [tilespmem:s16], [sflag:$0x3], $0x80, s23, s18, $0xb8;
	[tilespmem:$0x1B850] =	vst v63  }
0xa7: {  	_ =	swait.ge [sflag:s17], $0x2800  }
0xa8: {  	[sflag:s17] =	ssyncset.done $0x0  }
0xa9: {  	[sflag:s17] =	ssyncadd.s32 $0xFFFFD800  }
0xaa: {  	v1 =	vld [tilespmem:s29+$0xA0];
	_ =	sdelay $0x4  }
0xab: {  	v2 =	vand.u32 $0xFFFF, v1;
	v1 =	vshrl.u32 v1, $0x10  }
0xac: {  	[tilespmem:$0x2710] =	vst v2;
	v1 =	vand.u32 $0x3FFF, v1  }
0xad: {  	[tilespmem:$0x2760] =	vst v1  }
0xae: {  	v1 =	vld [tilespmem:s29+$0xB0];
	_ =	sdelay $0x4  }
0xaf: {  	v2 =	vand.u32 $0xFFFF, v1;
	v1 =	vshrl.u32 v1, $0x10  }
0xb0: {  	[tilespmem:$0x2720] =	vst v2;
	v1 =	vand.u32 $0x3FFF, v1  }
0xb1: {  	[tilespmem:$0x2770] =	vst v1  }
0xb2: {  	v1 =	vld [tilespmem:s29+$0xC0];
	_ =	sdelay $0x4  }
0xb3: {  	v2 =	vand.u32 $0xFFFF, v1;
	v1 =	vshrl.u32 v1, $0x10  }
0xb4: {  	[tilespmem:$0x2730] =	vst v2;
	v1 =	vand.u32 $0x3FFF, v1  }
0xb5: {  	[tilespmem:$0x2780] =	vst v1  }
0xb6: {  	v1 =	vld [tilespmem:s29+$0xD0];
	_ =	sdelay $0x4  }
0xb7: {  	v2 =	vand.u32 $0xFFFF, v1;
	v1 =	vshrl.u32 v1, $0x10  }
0xb8: {  	[tilespmem:$0x2740] =	vst v2;
	v1 =	vand.u32 $0x3FFF, v1  }
0xb9: {  	[tilespmem:$0x2790] =	vst v1  }
0xba: {  	v1 =	vld [tilespmem:s29+$0xE0];
	_ =	sdelay $0x4  }
0xbb: {  	v2 =	vand.u32 $0xFFFF, v1;
	v1 =	vshrl.u32 v1, $0x10  }
0xbc: {  	[tilespmem:$0x2750] =	vst v2;
	v1 =	vand.u32 $0x3FFF, v1  }
0xbd: {  	[tilespmem:$0x27A0] =	vst v1  }
0xbe: {  	[tilespmem:s16], [sflag:$0x1] =	stream.indirect.gather [hbm4b:s4+s18], $0x80, s19, s18, $0xb8;
	[tilespmem:$0x1B850] =	vst v63  }
0xbf: {  	_ =	swait.ge [sflag:s24], $0x2800  }
.Ltmp1:
0xc0: {  	[sflag:s24] =	ssyncset.done $0x0;
	(pc) =	sbr.rel @p0 .LBB2_4-.Ltmp1, $4  }
0xc1: {  	[sflag:s24] =	ssyncadd.s32 $0xFFFFD800  }
0xc2: {  	[spmem:s2] =	stream.indirect.scatter.add.f32 [tilespmem:s21], [sflag:$0x3], $0x80, s25, s18, $0xb8;
	[tilespmem:$0x1B850] =	vst v63  }
0xc3: {  	_ =	swait.ge [sflag:s17], $0x2800  }
0xc4: {  	s30 =	smov.u32 s28;
	[sflag:s17] =	ssyncset.done $0x0  }
0xc5: {  	s26 =	sshra.s32 s26, $0x2;
	[sflag:s17] =	ssyncadd.s32 $0xFFFFD800  }
0xc6: {  	v1 =	vld [tilespmem:s26+$0x50];
	_ =	sdelay $0x4  }
0xc7: {  	v2 =	vand.u32 $0xFFFF, v1;
	v1 =	vshrl.u32 v1, $0x10  }
0xc8: {  	[tilespmem:$0x27B0] =	vst v2;
	v1 =	vand.u32 $0x3FFF, v1  }
0xc9: {  	[tilespmem:$0x2800] =	vst v1  }
0xca: {  	v1 =	vld [tilespmem:s26+$0x60];
	_ =	sdelay $0x4  }
0xcb: {  	v2 =	vand.u32 $0xFFFF, v1;
	v1 =	vshrl.u32 v1, $0x10  }
0xcc: {  	[tilespmem:$0x27C0] =	vst v2;
	v1 =	vand.u32 $0x3FFF, v1  }
0xcd: {  	[tilespmem:$0x2810] =	vst v1  }
0xce: {  	v1 =	vld [tilespmem:s26+$0x70];
	_ =	sdelay $0x4  }
0xcf: {  	v2 =	vand.u32 $0xFFFF, v1;
	v1 =	vshrl.u32 v1, $0x10  }
0xd0: {  	[tilespmem:$0x27D0] =	vst v2;
	v1 =	vand.u32 $0x3FFF, v1  }
0xd1: {  	[tilespmem:$0x2820] =	vst v1  }
0xd2: {  	v1 =	vld [tilespmem:s26+$0x80];
	_ =	sdelay $0x4  }
0xd3: {  	v2 =	vand.u32 $0xFFFF, v1;
	v1 =	vshrl.u32 v1, $0x10  }
0xd4: {  	[tilespmem:$0x27E0] =	vst v2;
	v1 =	vand.u32 $0x3FFF, v1  }
0xd5: {  	[tilespmem:$0x2830] =	vst v1  }
0xd6: {  	v1 =	vld [tilespmem:s26+$0x90];
	_ =	sdelay $0x4  }
0xd7: {  	v2 =	vand.u32 $0xFFFF, v1;
	v1 =	vshrl.u32 v1, $0x10  }
0xd8: {  	[tilespmem:$0x27F0] =	vst v2;
	v1 =	vand.u32 $0x3FFF, v1  }
0xd9: {  	[tilespmem:$0x2840] =	vst v1  }
0xda: {  	[tilespmem:s21], [sflag:$0x2] =	stream.indirect.gather [hbm4b:s4+s18], $0x80, s20, s18, $0xb8;
	[tilespmem:$0x1B850] =	vst v63  }
0xdb: {  	_ =	swait.ge [sflag:s22], $0x2800  }
0xdc: {  	[sflag:s22] =	ssyncset.done $0x0  }
0xdd: {  	[sflag:s22] =	ssyncadd.s32 $0xFFFFD800  }
0xde: {  	[spmem:s2] =	stream.indirect.scatter.add.f32 [tilespmem:s16], [sflag:$0x3], $0x80, s23, s18, $0xb8;
	[tilespmem:$0x1B850] =	vst v63  }
0xdf: {  	_ =	swait.ge [sflag:s17], $0x2800  }
0xe0: {  	[sflag:s17] =	ssyncset.done $0x0  }
0xe1: {  	[sflag:s17] =	ssyncadd.s32 $0xFFFFD800  }
0xe2: {  	v1 =	vld [tilespmem:s26+$0xA0];
	_ =	sdelay $0x4  }
0xe3: {  	v2 =	vand.u32 $0xFFFF, v1;
	v1 =	vshrl.u32 v1, $0x10  }
0xe4: {  	[tilespmem:$0x2710] =	vst v2;
	v1 =	vand.u32 $0x3FFF, v1  }
0xe5: {  	[tilespmem:$0x2760] =	vst v1  }
0xe6: {  	v1 =	vld [tilespmem:s26+$0xB0];
	_ =	sdelay $0x4  }
0xe7: {  	v2 =	vand.u32 $0xFFFF, v1;
	v1 =	vshrl.u32 v1, $0x10  }
0xe8: {  	[tilespmem:$0x2720] =	vst v2;
	v1 =	vand.u32 $0x3FFF, v1  }
0xe9: {  	[tilespmem:$0x2770] =	vst v1  }
0xea: {  	v1 =	vld [tilespmem:s26+$0xC0];
	_ =	sdelay $0x4  }
0xeb: {  	v2 =	vand.u32 $0xFFFF, v1;
	v1 =	vshrl.u32 v1, $0x10  }
0xec: {  	[tilespmem:$0x2730] =	vst v2;
	v1 =	vand.u32 $0x3FFF, v1  }
0xed: {  	[tilespmem:$0x2780] =	vst v1  }
0xee: {  	v1 =	vld [tilespmem:s26+$0xD0];
	_ =	sdelay $0x4  }
0xef: {  	v2 =	vand.u32 $0xFFFF, v1;
	v1 =	vshrl.u32 v1, $0x10  }
0xf0: {  	[tilespmem:$0x2740] =	vst v2;
	v1 =	vand.u32 $0x3FFF, v1  }
0xf1: {  	[tilespmem:$0x2790] =	vst v1  }
0xf2: {  	v1 =	vld [tilespmem:s26+$0xE0];
	_ =	sdelay $0x4  }
0xf3: {  	v2 =	vand.u32 $0xFFFF, v1;
	v1 =	vshrl.u32 v1, $0x10  }
0xf4: {  	[tilespmem:$0x2750] =	vst v2;
	v1 =	vand.u32 $0x3FFF, v1  }
0xf5: {  	[tilespmem:$0x27A0] =	vst v1  }
0xf6: {  	[tilespmem:s16], [sflag:$0x1] =	stream.indirect.gather [hbm4b:s4+s18], $0x80, s19, s18, $0xb8;
	[tilespmem:$0x1B850] =	vst v63  }
0xf7: {  	_ =	swait.ge [sflag:s24], $0x2800  }
0xf8: {  	[sflag:s24] =	ssyncset.done $0x0  }
0xf9: {  	[sflag:s24] =	ssyncadd.s32 $0xFFFFD800  }
0xfa: {  	[spmem:s2] =	stream.indirect.scatter.add.f32 [tilespmem:s21], [sflag:$0x3], $0x80, s25, s18, $0xb8;
	[tilespmem:$0x1B850] =	vst v63  }
0xfb: {  	_ =	swait.ge [sflag:s17], $0x2800  }
0xfc: {  	[sflag:s17] =	ssyncset.done $0x0  }
0xfd: {  	[sflag:s17] =	ssyncadd.s32 $0xFFFFD800  }
0xfe: {  	_ =	swait.ge [sflag:s22], $0x2800  }
0xff: {  	[sflag:s22] =	ssyncset.done $0x0  }
0x100: {  	[sflag:s22] =	ssyncadd.s32 $0xFFFFD800  }
0x101: {  	[spmem:s2] =	stream.indirect.scatter.add.f32 [tilespmem:s16], [sflag:$0x3], $0x80, s23, s18, $0xb8;
	[tilespmem:$0x1B850] =	vst v63  }
0x102: {  	_ =	swait.ge [sflag:s17], $0x2800  }
0x103: {  	s31 =	sshll.u32 s0, $0x6;
	s3 =	sadd.s32 $0x1, s3;
	[sflag:s17] =	ssyncset.done $0x0  }
0x104: {  	s28 =	sshrl.u32 s5, $0x3;
	p0 =	sne.s32 s3, s15;
	[sflag:s17] =	ssyncadd.s32 $0xFFFFD800  }
.Ltmp2:
0x105: {  	s26 =	sor.u32 $0x1C03, s31;
	[bflag:$0x0] =	sbarrier.arrive $0xFFFF;
	(pc) =	sbr.rel @p0 .LBB2_1-.Ltmp2, $4  }
0x106: {  	[hbm:s14], [sflag:s26] =	dma.local [spmem:s28], $0x2800  }
0x107: {  	_ =	swait.ge [sflag:s17], $0x2800  }
0x108: {  	[sflag:s17] =	ssyncset.done $0x0  }
0x109: {  	[sflag:s17] =	ssyncadd.s32 $0xFFFFD800  }
0x10a: {  	_ =	sfence.sel $0x180000  }
0x10b: {  	[bflag:$0x0] =	sbarrier.arrive $0xFFFF  }
0x10c: {  	p0 =	sne.s32 s0, $0x0;
	_ =	strace $0x90000047  }
0x10d: {  	s0 =	sadd.s32 @!p0 $0x100000, s1;
	[bflag:$0x2] =	sbarrier.arrive $0xFFFF  }
0x10e: {  	[sflag:s0] =	ssyncadd.tile.s32 @!p0 $0x1;
	_ =	shalt  }
.Lfunc_end2:
_tile_overlayer_lowered:
.L_overlay_start_2:
0x10f: {  	(tag) =	ssettag $0x2  }
0x110: {  	s0 =	rddreg [dreg:$0x0];
	s2 =	stileid.u32  }
0x111: {  	s1 =	rddreg [dreg:$0x1];
	p0 =	sne.s32 s2, $0x0  }
0x112: {  	s3 =	rddreg [dreg:$0x2];
	[bflag:$0x3] =	sbarrier.arrive $0xFFFF;
	s2 =	simm.s32 @!p0 $0x1C03  }
0x113: {  	[timem:s3], [sflag:s2] =	dma.local @!p0 [hbm:s0], s1  }
0x114: {  	s0 =	simm.s32 @!p0 $0x3  }
0x115: {  	_ =	swait.ge @!p0 [sflag:s0], s1  }
0x116: {  	s1 =	ssub.s32 @!p0 $0x0, s1;
	[sflag:s0] =	ssyncset.done @!p0 $0x0  }
0x117: {  	[sflag:s0] =	ssyncadd.s32 @!p0 s1  }
0x118: {  	[bflag:$0x3] =	sbarrier.arrive $0xFFFF  }
0x119: {  	_ =	shalt  }

// kernel: kernel.23.cloned.1.call-start
scs
__scs_entry_jumppad:
0x0: {  	(pc) =	sbr.rel $0x88, $3  }
0x1: {  	(tag) =	ssettag $0x0;
	lr =	simm.s32 $0x1  }
0x2: {  	[smem:$0x3F7B] =	sst lr;
	_ =	strace $0xD0000000  }
0x3: {  	_ = 	snop  }
0x4: {  	_ = 	snop  }
0x5: {  	_ = 	snop  }
0x6: {  	_ = 	snop  }
0x7: {  	_ = 	snop  }
__scs_overlays_trampoline_lowered:
0x8: {  	[smem:$0x3F8A] =	sst s0  }
0x9: {  	[smem:$0x3F8B] =	sst s1  }
0xa: {  	[smem:$0x3F8C] =	sst s2  }
0xb: {  	[smem:$0x3F8D] =	sst s3  }
0xc: {  	[smem:$0x3F8E] =	sst s4  }
0xd: {  	[smem:$0x3F8F] =	sst s5  }
0xe: {  	[smem:$0x3F90] =	sst s6  }
0xf: {  	[smem:$0x3F91] =	sst s7  }
0x10: {  	[smem:$0x3F92] =	sst s8  }
0x11: {  	[smem:$0x3F93] =	sst s9;
	s0 =	simm.s32 @!p0 $0x0  }
0x12: {  	s1 =	sld [smem:$0x3F79];
	s0 =	simm.s32 @p0 $0x1  }
0x13: {  	[smem:$0x3F94] =	sst s0;
	s0 =	simm.s32 @!p1 $0x0  }
0x14: {  	s2 =	sld [smem:$0x3F78];
	s0 =	simm.s32 @p1 $0x1  }
0x15: {  	[smem:$0x3F95] =	sst s0;
	s0 =	simm.s32 @!p2 $0x0  }
0x16: {  	s3 =	sld [smem:$0x3FDB];
	s0 =	simm.s32 @p2 $0x1  }
0x17: {  	s4 =	simm.s32 $0x1BF5;
	[smem:$0x3F97] =	sst s0  }
0x18: {  	s0 =	sld [smem:$0x3F7A];
	_ =	swait.ge [sflag:s4], $0x0  }
0x19: {  	s7 =	sld [smem:$0x3F7B]  }
0x1a: {  	s8 =	sadd.s32 $0xFFFFE003, lr  }
0x1b: {  	s9 =	sadd.s32 $0xFFFFFEF7, lr;
	s5 =	simm.s32 $0xFFFFFFFF;
	p2 =	slt.u32 s8, $0xFFFFF086  }
0x1c: {  	p1 =	slt.u32 s9, $0xF7A;
	s5 =	simm.s32 @!p2 $0x0  }
0x1d: {  	s5 =	simm.s32 @p1 $0x1;
	p0 =	seq.s32 s7, s2  }
0x1e: {  	s7 =	smul.u32 @!p0 $0xF7A, s2;
	p2 =	seq.s32 @!p0 s5, $0x0  }
0x1f: {  	s9 =	smul.u32 $0xF7A, s1;
	s8 =	simm.s32 @!p0 $0x1BF5;
	p2 =	por !p2, p0  }
0x20: {  	[sflag:s8] =	ssyncset.s32 @!p0 $0xFFFFF086;
	s6 =	sadd.s32 @!p0 s3, s7;
	s7 =	simm.s32 @!p0 $0x108  }
0x21: {  	s3 =	sadd.s32 s3, s9;
	s6 =	sadd.s32 @!p0 $0x88, s6;
	s7 =	simm.s32 @p2 $0x1082  }
0x22: {  	[simem:s7], [sflag:s8] =	dma.local @!p0 [hbm:s6], $0xF7A  }
0x23: {  	s9 =	sor.u32 $0xD0000000, s2;
	s6 =	simm.s32 $0x108;
	_ =	swait.ge @!p0 [sflag:s8], $0x0  }
0x24: {  	s3 =	sadd.s32 $0x88, s3;
	s6 =	simm.s32 @!p1 $0x1082;
	[sflag:s4] =	ssyncset.s32 $0xFFFFF086  }
0x25: {  	[simem:s6], [sflag:s4] =	dma.local [hbm:s3], $0xF7A  }
0x26: {  	[smem:$0x3F7B] =	sst s1;
	(tag) =	ssettag s2;
	_ =	strace s9  }
0x27: {  	s1 =	sld [smem:$0x3F8B]  }
0x28: {  	s2 =	sld [smem:$0x3F8C]  }
0x29: {  	s4 =	sld [smem:$0x3F8E]  }
0x2a: {  	p0 =	seq.s32 s5, $0x0;
	s5 =	sld [smem:$0x3F8F]  }
0x2b: {  	s6 =	sld [smem:$0x3F90]  }
0x2c: {  	s7 =	sld [smem:$0x3F91]  }
0x2d: {  	s3 =	simm.s32 $0x108;
	s8 =	sld [smem:$0x3F92]  }
0x2e: {  	s3 =	simm.s32 @!p0 $0x1082;
	s9 =	sld [smem:$0x3F93]  }
0x2f: {  	lr =	sadd.s32 s0, s3;
	s0 =	sld [smem:$0x3F8A]  }
0x30: {  	s3 =	sld [smem:$0x3F8D]  }
0x31: {  	[smem:$0x3F96] =	sst s10  }
0x32: {  	s10 =	sld [smem:$0x3F94];
	_ =	sdelay $0x3  }
0x33: {  	p0 =	seq.s32 s10, $0x1;
	s10 =	sld [smem:$0x3F96];
	_ =	sdelay $0x3  }
0x34: {  	[smem:$0x3F96] =	sst s10  }
0x35: {  	s10 =	sld [smem:$0x3F95];
	_ =	sdelay $0x3  }
0x36: {  	p1 =	seq.s32 s10, $0x1;
	s10 =	sld [smem:$0x3F96];
	_ =	sdelay $0x3  }
0x37: {  	[smem:$0x3F96] =	sst s10  }
0x38: {  	s10 =	sld [smem:$0x3F97]  }
0x39: {  	_ = 	snop;
	(pc) =	sbr.ind lr, $3  }
0x3a: {  	_ = 	snop  }
0x3b: {  	_ = 	snop  }
0x3c: {  	p2 =	seq.s32 s10, $0x1;
	s10 =	sld [smem:$0x3F96]  }
0x3d: {  	_ =	shalt  }
0x3e: {  	_ =	shalt  }
0x3f: {  	_ =	shalt  }
0x40: {  	_ =	shalt  }
0x41: {  	_ =	shalt  }
0x42: {  	_ =	shalt  }
0x43: {  	_ =	shalt  }
0x44: {  	_ =	shalt  }
0x45: {  	_ =	shalt  }
0x46: {  	_ =	shalt  }
0x47: {  	_ =	shalt  }
0x48: {  	_ =	shalt  }
0x49: {  	_ =	shalt  }
0x4a: {  	_ =	shalt  }
0x4b: {  	_ =	shalt  }
0x4c: {  	_ =	shalt  }
0x4d: {  	_ =	shalt  }
0x4e: {  	_ =	shalt  }
0x4f: {  	_ =	shalt  }
0x50: {  	_ =	shalt  }
0x51: {  	_ =	shalt  }
0x52: {  	_ =	shalt  }
0x53: {  	_ =	shalt  }
0x54: {  	_ =	shalt  }
0x55: {  	_ =	shalt  }
0x56: {  	_ =	shalt  }
0x57: {  	_ =	shalt  }
0x58: {  	_ =	shalt  }
0x59: {  	_ =	shalt  }
0x5a: {  	_ =	shalt  }
0x5b: {  	_ =	shalt  }
0x5c: {  	_ =	shalt  }
0x5d: {  	_ =	shalt  }
0x5e: {  	_ =	shalt  }
0x5f: {  	_ =	shalt  }
0x60: {  	_ =	shalt  }
0x61: {  	_ =	shalt  }
0x62: {  	_ =	shalt  }
0x63: {  	_ =	shalt  }
0x64: {  	_ =	shalt  }
0x65: {  	_ =	shalt  }
0x66: {  	_ =	shalt  }
0x67: {  	_ =	shalt  }
0x68: {  	_ =	shalt  }
0x69: {  	_ =	shalt  }
0x6a: {  	_ =	shalt  }
0x6b: {  	_ =	shalt  }
0x6c: {  	_ =	shalt  }
0x6d: {  	_ =	shalt  }
0x6e: {  	_ =	shalt  }
0x6f: {  	_ =	shalt  }
0x70: {  	_ =	shalt  }
0x71: {  	_ =	shalt  }
0x72: {  	_ =	shalt  }
0x73: {  	_ =	shalt  }
0x74: {  	_ =	shalt  }
0x75: {  	_ =	shalt  }
0x76: {  	_ =	shalt  }
0x77: {  	_ =	shalt  }
0x78: {  	_ =	shalt  }
0x79: {  	_ =	shalt  }
0x7a: {  	_ =	shalt  }
0x7b: {  	_ =	shalt  }
0x7c: {  	_ =	shalt  }
0x7d: {  	_ =	shalt  }
0x7e: {  	_ =	shalt  }
0x7f: {  	_ =	shalt  }
0x80: {  	_ =	shalt  }
0x81: {  	_ =	shalt  }
0x82: {  	_ =	shalt  }
0x83: {  	_ =	shalt  }
0x84: {  	_ =	shalt  }
0x85: {  	_ =	shalt  }
0x86: {  	_ =	shalt  }
0x87: {  	_ =	shalt  }
.Lfunc_end0:
.L_simem_size_0:
called_computation.2_lowered:
.L_overlay_start_0:
0x88: {  	s2 =	sld [smem:$0x3FD9]  }
0x89: {  	s3 =	sld [smem:$0x3FFE];
	_ =	sdelay $0x1  }
0x8a: {  	s1 =	srdreg.scid  }
0x8b: {  	s0 =	sand.u32 $0x1, s1  }
0x8c: {  	s17 =	sshll.u32 s0, $0xA;
	s2 =	sadd.s32 s3, s2  }
0x8d: {  	s2 =	sadd.s32 s2, s17  }
0x8e: {  	[smem:$0x3FA2] =	sst s2  }
0x8f: {  	_ = 	snop  }
0x90: {  	(tm) =	ssettm $0x1  }
0x91: {  	s18 =	sld [smem:$0x3FFB];
	_ =	sdelay $0x3  }
0x92: {  	_ =	strace s18  }
0x93: {  	s2 =	sld [smem:$0x3FFC];
	_ =	sdelay $0x3  }
0x94: {  	_ =	strace s2  }
0x95: {  	s2 =	sld [smem:$0x3FFD];
	_ =	sdelay $0x3  }
0x96: {  	_ =	strace s2  }
0x97: {  	_ =	strace $0x8FFFFFFF  }
0x98: {  	s19 =	sld [smem:$0x3FDB];
	_ =	sdelay $0x1  }
0x99: {  	s20 =	simm.s32 $_scs_section_size  }
0x9a: {  	s4 =	simm.s32 $_size__tile_overlayer_lowered;
	s5 =	simm.s32 $_tile_overlayer_lowered  }
0x9b: {  	s6 =	simm.s32 $0x1BFF;
	s21 =	sshll.u32 s5, $0x1;
	s3 =	sadd.s32 s20, s19  }
0x9c: {  	s22 =	simm.s32 $0x0;
	s4 =	sshll.u32 s4, $0x1;
	s5 =	sadd.s32 s21, s3  }
0x9d: {  	[timem:s22], [sflag:s6] =	dma.local [hbm:s5], s4  }
0x9e: {  	_ =	swait.ge [sflag:s6], s4  }
0x9f: {  	s4 =	ssub.s32 $0x0, s4;
	[sflag:s6] =	ssyncset.done $0x0  }
0xa0: {  	[sflag:s6] =	ssyncadd.s32 s4;
	_ =	sdelay $0x1  }
0xa1: {  	s23 =	simm.s32 $0x1B8B  }
0xa2: {  	_ =	swait.ge [sflag:s23], $0x1  }
0xa3: {  	[sflag:s23] =	ssyncset.done $0x0  }
0xa4: {  	[sflag:s23] =	ssyncadd.s32 $0xFFFFFFFF  }
0xa5: {  	s4 =	sld [smem:$0x0]  }
0xa6: {  	s5 =	sand.u32 $0xFFFFFFFE, s1  }
0xa7: {  	p0 =	sne.s32 s1, s5  }
0xa8: {  	s5 =	sshll.u32 @p0 s5, $0xE  }
0xa9: {  	s5 =	sadd.s32 @p0 $0x11B8D, s5;
	s6 =	sshll.u32 @p0 s4, $0x11  }
0xaa: {  	s5 =	sor.u32 @p0 s6, s5  }
0xab: {  	[sflag:s5] =	ssyncadd.remote.s32 @p0 $0x1;
	_ =	sdelay $0x1  }
0xac: {  	s5 =	simm.s32 @p0 $0x1B8D  }
0xad: {  	_ =	swait.eq @p0 [sflag:s5], $0x1  }
0xae: {  	[sflag:s5] =	ssyncadd.s32 @p0 $0xFFFFFFFF  }
0xaf: {  	s6 =	sshll.u32 @!p0 s1, $0xE  }
0xb0: {  	s6 =	sor.u32 @!p0 $0x4000, s6;
	s5 =	simm.s32 @!p0 $0x1B8D  }
0xb1: {  	s4 =	sshll.u32 @!p0 s4, $0x11;
	s6 =	sadd.s32 @!p0 $0x11B8D, s6;
	_ =	swait.eq @!p0 [sflag:s5], $0x1  }
0xb2: {  	s4 =	sor.u32 @!p0 s4, s6;
	[sflag:s5] =	ssyncadd.s32 @!p0 $0xFFFFFFFF  }
0xb3: {  	s25 =	simm.s32 $0x1B8E;
	s24 =	sld [smem:$0x3FFE];
	[sflag:s4] =	ssyncadd.remote.s32 @!p0 $0x1  }
0xb4: {  	s26 =	simm.s32 $execute0_lowered;
	[smem:$0x3FD2] =	sst s25  }
0xb5: {  	s5 =	sshll.u32 s26, $0x1;
	_ =	strace $0x8000004F;
	[dreg:$0x1] =	wrdreg $0xFFFFFFFF  }
0xb6: {  	s28 =	simm.s32 $_size_execute0_lowered;
	s3 =	sadd.s32 s3, s5;
	[dreg:$0x0] =	wrdreg $0x0  }
0xb7: {  	s5 =	sshll.u32 s28, $0x1;
	[dreg:$0x2] =	wrdreg s3  }
0xb8: {  	[dreg:$0x3] =	wrdreg s5  }
0xb9: {  	[dreg:$0x4] =	wrdreg $0xC0  }
0xba: {  	_ =	task [dreg:s22], $0x5FFFF  }
0xbb: {  	[dreg:$0x1] =	wrdreg $0xFFFFFFFF  }
0xbc: {  	[dreg:$0x0] =	wrdreg $0x60  }
0xbd: {  	[dreg:$0x2] =	wrdreg s24  }
0xbe: {  	[dreg:$0x3] =	wrdreg $0x78500  }
0xbf: {  	[dreg:$0x4] =	wrdreg $0x9  }
0xc0: {  	_ =	task.clear_ibuf [dreg:s22], $0x5FFFF;
	_ =	strace $0x9000004F  }
0xc1: {  	s29 =	simm.s32 $0x9;
	_ =	strace $0x80000051  }
0xc2: {  	_ =	swait.ge [sflag:s29], $0x1  }
0xc3: {  	[sflag:s29] =	ssyncadd.s32 $0xFFFFFFFF  }
0xc4: {  	_ =	strace $0x90000051  }
0xc5: {  	_ =	sfence  }
0xc6: {  	s30 =	sld [smem:$0x0];
	_ =	sdelay $0x2  }
0xc7: {  	s31 =	sshll.u32 s1, $0xD;
	s1 =	sshrl.u32 s1, $0x2  }
0xc8: {  	s4 =	sand.u32 $0x4000, s31;
	s1 =	sadd.s32 s1, s30  }
0xc9: {  	s0 =	sor.u32 s4, s0;
	s1 =	sshll.u32 s1, $0x11  }
0xca: {  	s0 =	sor.u32 s1, s0  }
0xcb: {  	s0 =	sadd.s32 $0x8F2B, s0  }
0xcc: {  	[sflag:s0] =	ssyncadd.remote.s32 $0x1  }
0xcd: {  	_ =	sfence.sel $0xFFFF  }
0xce: {  	[dreg:$0x0] =	wrdreg $0xFFFFFFFF;
	(pc) =	sbr.abs _section_cstart, $3  }
0xcf: {  	[dreg:$0x1] =	wrdreg $0xFFFFFFFF  }
0xd0: {  	_ =	task.clear_ibuf [dreg:s22], $0x2FFFF;
	_ =	strace $0x9FFFFFFF  }
0xd1: {  	(tm) =	ssettm $0x7FFFFFFF  }
tec
execute0_lowered:
.L_overlay_start_1:
0x0: {  	(tag) =	ssettag $0x1  }
0x1: {  	s1 =	srdreg.scid;
	s6 =	rddreg [dreg:$0x0]  }
0x2: {  	s0 =	stileid.u32;
	s2 =	rddreg [dreg:$0x1];
	s3 =	simm.s32 $0x0  }
0x3: {  	s16 =	simm.s32 $0x2850;
	s17 =	simm.s32 $0x3;
	s18 =	simm.s32 $0x50  }
0x4: {  	s19 =	simm.s32 $0x2710;
	s20 =	simm.s32 $0x27B0;
	s21 =	simm.s32 $0x5050  }
0x5: {  	s22 =	simm.s32 $0x1;
	s23 =	simm.s32 $0x2760;
	s24 =	simm.s32 $0x2  }
0x6: {  	s25 =	simm.s32 $0x2800;
	s5 =	sand.u32 $0x1, s1;
	s8 =	smul.u32 $0x2800, s0  }
0x7: {  	s26 =	sshll.u32 s0, $0x1;
	[smem:$0x7FF] =	sst s3;
	s10 =	smul.u32 $0x50000, s0  }
0x8: {  	s4 =	sadd.s32 $0xD4600, s6;
	s1 =	sor.u32 s5, s26;
	s9 =	smul.u32 $0x28000, s5  }
0x9: {  	s29 =	ssub.s32 $0x2, s5;
	s7 =	smul.u32 $0x4E2, s1;
	s1 =	rddreg [dreg:$0x2]  }
0xa: {  	_ =	strace $0x80000050;
	s30 =	sshrl.u32 s10, $0x2;
	s31 =	sshrl.u32 s29, $0x1  }
0xb: {  	s28 =	sadd.s32 s8, s9;
	s5 =	sadd.s32 s30, s2;
	s15 =	ssub.s32 s29, s31  }
0xc: {  	s13 =	sadd.s32 s7, s6;
	s14 =	sadd.s32 s28, s6;
	s6 =	sadd.s32 $0x2800, s5  }
0xd: {  	s7 =	sadd.s32 $0x5000, s5;
	s8 =	sadd.s32 $0x7800, s5;
	s9 =	sadd.s32 $0xA000, s5  }
0xe: {  	s10 =	sadd.s32 $0xC800, s5;
	s11 =	sadd.s32 $0xF000, s5;
	s12 =	sadd.s32 $0x11800, s5  }
0xf: {  	v0 =	vimm.f32 $0.0e+00;
	s15 =	smax.u32 s15, $0x1;
	s13 =	sadd.s32 $0x199800, s13;
	s14 =	sadd.s32 $0x1A3600, s14  }
.LBB2_1:
0x10: {  	s26 =	simm.s32 $0x0;
	s28 =	simm.s32 $0x200  }
.LBB2_2:
0x11: {  	p0 =	sne.s32 s28, $0x9E00;
	[tilespmem:s26+$0x28C0] =	vst v0  }
0x12: {  	[tilespmem:s26+$0x2850] =	vst v0  }
0x13: {  	[tilespmem:s26+$0x2860] =	vst v0  }
.Ltmp0:
0x14: {  	[tilespmem:s26+$0x2870] =	vst v0;
	(pc) =	sbr.rel @p0 .LBB2_2-.Ltmp0, $4  }
0x15: {  	[tilespmem:s26+$0x2880] =	vst v0  }
0x16: {  	[tilespmem:s26+$0x2890] =	vst v0  }
0x17: {  	[tilespmem:s26+$0x28A0] =	vst v0  }
0x18: {  	[tilespmem:s26+$0x28B0] =	vst v0;
	s26 =	sshra.s32 s28, $0x2;
	s28 =	sadd.s32 $0x200, s28  }
0x19: {  	[tilespmem:s26+$0x28C0] =	vst v0  }
0x1a: {  	[tilespmem:s26+$0x2850] =	vst v0  }
0x1b: {  	[tilespmem:s26+$0x2860] =	vst v0  }
0x1c: {  	[tilespmem:s26+$0x2870] =	vst v0  }
0x1d: {  	[tilespmem:s26+$0x2880] =	vst v0  }
0x1e: {  	[tilespmem:s26+$0x2890] =	vst v0  }
0x1f: {  	[tilespmem:s26+$0x28A0] =	vst v0  }
0x20: {  	[tilespmem:s26+$0x28B0] =	vst v0  }
0x21: {  	[spmem:s5] =	stream.linear.scatter [tilespmem:s16], [sflag:$0x3], $0x2800, $0x38;
	[tilespmem:$0x1B850] =	vst v63  }
0x22: {  	_ =	swait.ge [sflag:s17], $0x2800  }
0x23: {  	[sflag:s17] =	ssyncset.done $0x0  }
0x24: {  	[sflag:s17] =	ssyncadd.s32 $0xFFFFD800  }
0x25: {  	[spmem:s6] =	stream.linear.scatter [tilespmem:s16], [sflag:$0x3], $0x2800, $0x38;
	[tilespmem:$0x1B850] =	vst v63  }
0x26: {  	_ =	swait.ge [sflag:s17], $0x2800  }
0x27: {  	[sflag:s17] =	ssyncset.done $0x0  }
0x28: {  	[sflag:s17] =	ssyncadd.s32 $0xFFFFD800  }
0x29: {  	[spmem:s7] =	stream.linear.scatter [tilespmem:s16], [sflag:$0x3], $0x2800, $0x38;
	[tilespmem:$0x1B850] =	vst v63  }
0x2a: {  	_ =	swait.ge [sflag:s17], $0x2800  }
0x2b: {  	[sflag:s17] =	ssyncset.done $0x0  }
0x2c: {  	[sflag:s17] =	ssyncadd.s32 $0xFFFFD800  }
0x2d: {  	[spmem:s8] =	stream.linear.scatter [tilespmem:s16], [sflag:$0x3], $0x2800, $0x38;
	[tilespmem:$0x1B850] =	vst v63  }
0x2e: {  	_ =	swait.ge [sflag:s17], $0x2800  }
0x2f: {  	[sflag:s17] =	ssyncset.done $0x0  }
0x30: {  	[sflag:s17] =	ssyncadd.s32 $0xFFFFD800  }
0x31: {  	[spmem:s9] =	stream.linear.scatter [tilespmem:s16], [sflag:$0x3], $0x2800, $0x38;
	[tilespmem:$0x1B850] =	vst v63  }
0x32: {  	_ =	swait.ge [sflag:s17], $0x2800  }
0x33: {  	[sflag:s17] =	ssyncset.done $0x0  }
0x34: {  	[sflag:s17] =	ssyncadd.s32 $0xFFFFD800  }
0x35: {  	[spmem:s10] =	stream.linear.scatter [tilespmem:s16], [sflag:$0x3], $0x2800, $0x38;
	[tilespmem:$0x1B850] =	vst v63  }
0x36: {  	_ =	swait.ge [sflag:s17], $0x2800  }
0x37: {  	[sflag:s17] =	ssyncset.done $0x0  }
0x38: {  	[sflag:s17] =	ssyncadd.s32 $0xFFFFD800  }
0x39: {  	[spmem:s11] =	stream.linear.scatter [tilespmem:s16], [sflag:$0x3], $0x2800, $0x38;
	[tilespmem:$0x1B850] =	vst v63  }
0x3a: {  	_ =	swait.ge [sflag:s17], $0x2800  }
0x3b: {  	[sflag:s17] =	ssyncset.done $0x0  }
0x3c: {  	[sflag:s17] =	ssyncadd.s32 $0xFFFFD800  }
0x3d: {  	[spmem:s12] =	stream.linear.scatter [tilespmem:s16], [sflag:$0x3], $0x2800, $0x38;
	[tilespmem:$0x1B850] =	vst v63  }
0x3e: {  	_ =	swait.ge [sflag:s17], $0x2800  }
0x3f: {  	[sflag:s17] =	ssyncset.done $0x0  }
0x40: {  	[sflag:s17] =	ssyncadd.s32 $0xFFFFD800  }
0x41: {  	s29 =	simm.s32 $0x0;
	[bflag:$0x0] =	sbarrier.arrive $0xFFFF  }
0x42: {  	[tilespmem:s29], [sflag:$0x3] =	stream.linear.gather [hbm4b:s13+s29], $0x2710, $0x38;
	[tilespmem:$0x1B850] =	vst v63  }
0x43: {  	_ =	swait.ge [sflag:s17], $0x2710  }
0x44: {  	[sflag:s17] =	ssyncset.done $0x0  }
0x45: {  	[sflag:s17] =	ssyncadd.s32 $0xFFFFD8F0  }
0x46: {  	v1 =	vld [tilespmem:$0x0];
	_ =	sdelay $0x1  }
0x47: {  	v2 =	vld [tilespmem:$0x10];
	_ =	sdelay $0x1  }
0x48: {  	v3 =	vld [tilespmem:$0x20]  }
0x49: {  	v4 =	vand.u32 $0xFFFF, v1;
	v1 =	vshrl.u32 v1, $0x10  }
0x4a: {  	v63 =	vld [tilespmem:$0x30];
	[tilespmem:$0x2710] =	vst v4;
	v1 =	vand.u32 $0x3FFF, v1  }
0x4b: {  	[tilespmem:$0x2760] =	vst v1;
	v1 =	vand.u32 $0xFFFF, v2;
	v2 =	vshrl.u32 v2, $0x10  }
0x4c: {  	[tilespmem:$0x2720] =	vst v1;
	v1 =	vand.u32 $0x3FFF, v2;
	v2 =	vld [tilespmem:$0x40]  }
0x4d: {  	[tilespmem:$0x2770] =	vst v1;
	v1 =	vand.u32 $0xFFFF, v3;
	v3 =	vshrl.u32 v3, $0x10  }
0x4e: {  	[tilespmem:$0x2730] =	vst v1;
	v1 =	vand.u32 $0x3FFF, v3  }
0x4f: {  	v3 =	vshrl.u32 v63, $0x10;
	[tilespmem:$0x2780] =	vst v1;
	v1 =	vand.u32 $0xFFFF, v63  }
0x50: {  	[tilespmem:$0x2740] =	vst v1;
	v1 =	vand.u32 $0x3FFF, v3  }
0x51: {  	[tilespmem:$0x2790] =	vst v1;
	v1 =	vand.u32 $0xFFFF, v2;
	v2 =	vshrl.u32 v2, $0x10  }
0x52: {  	[tilespmem:$0x2750] =	vst v1;
	v1 =	vand.u32 $0x3FFF, v2  }
0x53: {  	s31 =	simm.s32 $0x0;
	[tilespmem:$0x27A0] =	vst v1  }
0x54: {  	[tilespmem:s16], [sflag:$0x1] =	stream.indirect.gather [hbm4b:s4+s18], $0x80, s19, s18, $0xb8;
	[tilespmem:$0x1B850] =	vst v63  }
0x55: {  	v1 =	vld [tilespmem:s31+$0x50];
	_ =	sdelay $0x4  }
0x56: {  	v2 =	vand.u32 $0xFFFF, v1;
	v1 =	vshrl.u32 v1, $0x10  }
0x57: {  	[tilespmem:$0x27B0] =	vst v2;
	v1 =	vand.u32 $0x3FFF, v1  }
0x58: {  	[tilespmem:$0x2800] =	vst v1  }
0x59: {  	v1 =	vld [tilespmem:s31+$0x60];
	_ =	sdelay $0x4  }
0x5a: {  	v2 =	vand.u32 $0xFFFF, v1;
	v1 =	vshrl.u32 v1, $0x10  }
0x5b: {  	[tilespmem:$0x27C0] =	vst v2;
	v1 =	vand.u32 $0x3FFF, v1  }
0x5c: {  	[tilespmem:$0x2810] =	vst v1  }
0x5d: {  	v1 =	vld [tilespmem:s31+$0x70];
	_ =	sdelay $0x4  }
0x5e: {  	v2 =	vand.u32 $0xFFFF, v1;
	v1 =	vshrl.u32 v1, $0x10  }
0x5f: {  	[tilespmem:$0x27D0] =	vst v2;
	v1 =	vand.u32 $0x3FFF, v1  }
0x60: {  	[tilespmem:$0x2820] =	vst v1  }
0x61: {  	v1 =	vld [tilespmem:s31+$0x80];
	_ =	sdelay $0x4  }
0x62: {  	v2 =	vand.u32 $0xFFFF, v1;
	v1 =	vshrl.u32 v1, $0x10  }
0x63: {  	[tilespmem:$0x27E0] =	vst v2;
	v1 =	vand.u32 $0x3FFF, v1  }
0x64: {  	[tilespmem:$0x2830] =	vst v1  }
0x65: {  	v1 =	vld [tilespmem:s31+$0x90];
	_ =	sdelay $0x4  }
0x66: {  	v2 =	vand.u32 $0xFFFF, v1;
	v1 =	vshrl.u32 v1, $0x10  }
0x67: {  	[tilespmem:$0x27F0] =	vst v2;
	v1 =	vand.u32 $0x3FFF, v1  }
0x68: {  	[tilespmem:$0x2840] =	vst v1  }
0x69: {  	[tilespmem:s21], [sflag:$0x2] =	stream.indirect.gather [hbm4b:s4+s18], $0x80, s20, s18, $0xb8;
	[tilespmem:$0x1B850] =	vst v63  }
0x6a: {  	_ =	swait.ge [sflag:s22], $0x2800  }
0x6b: {  	[sflag:s22] =	ssyncset.done $0x0  }
0x6c: {  	[sflag:s22] =	ssyncadd.s32 $0xFFFFD800  }
0x6d: {  	[spmem:s2] =	stream.indirect.scatter.add.f32 [tilespmem:s16], [sflag:$0x3], $0x80, s23, s18, $0xb8;
	[tilespmem:$0x1B850] =	vst v63  }
0x6e: {  	_ =	swait.ge [sflag:s17], $0x2800  }
0x6f: {  	[sflag:s17] =	ssyncset.done $0x0  }
0x70: {  	[sflag:s17] =	ssyncadd.s32 $0xFFFFD800  }
0x71: {  	v1 =	vld [tilespmem:s31+$0xA0];
	_ =	sdelay $0x4  }
0x72: {  	v2 =	vand.u32 $0xFFFF, v1;
	v1 =	vshrl.u32 v1, $0x10  }
0x73: {  	[tilespmem:$0x2710] =	vst v2;
	v1 =	vand.u32 $0x3FFF, v1  }
0x74: {  	[tilespmem:$0x2760] =	vst v1  }
0x75: {  	v1 =	vld [tilespmem:s31+$0xB0];
	_ =	sdelay $0x4  }
0x76: {  	v2 =	vand.u32 $0xFFFF, v1;
	v1 =	vshrl.u32 v1, $0x10  }
0x77: {  	[tilespmem:$0x2720] =	vst v2;
	v1 =	vand.u32 $0x3FFF, v1  }
0x78: {  	[tilespmem:$0x2770] =	vst v1  }
0x79: {  	v1 =	vld [tilespmem:s31+$0xC0];
	_ =	sdelay $0x4  }
0x7a: {  	v2 =	vand.u32 $0xFFFF, v1;
	v1 =	vshrl.u32 v1, $0x10  }
0x7b: {  	[tilespmem:$0x2730] =	vst v2;
	v1 =	vand.u32 $0x3FFF, v1  }
0x7c: {  	[tilespmem:$0x2780] =	vst v1  }
0x7d: {  	v1 =	vld [tilespmem:s31+$0xD0];
	_ =	sdelay $0x4  }
0x7e: {  	v2 =	vand.u32 $0xFFFF, v1;
	v1 =	vshrl.u32 v1, $0x10  }
0x7f: {  	[tilespmem:$0x2740] =	vst v2;
	v1 =	vand.u32 $0x3FFF, v1  }
0x80: {  	[tilespmem:$0x2790] =	vst v1  }
0x81: {  	v1 =	vld [tilespmem:s31+$0xE0];
	_ =	sdelay $0x4  }
0x82: {  	v2 =	vand.u32 $0xFFFF, v1;
	v1 =	vshrl.u32 v1, $0x10  }
0x83: {  	[tilespmem:$0x2750] =	vst v2;
	v1 =	vand.u32 $0x3FFF, v1  }
0x84: {  	[tilespmem:$0x27A0] =	vst v1  }
0x85: {  	[tilespmem:s16], [sflag:$0x1] =	stream.indirect.gather [hbm4b:s4+s18], $0x80, s19, s18, $0xb8;
	[tilespmem:$0x1B850] =	vst v63  }
0x86: {  	_ =	swait.ge [sflag:s24], $0x2800  }
0x87: {  	[sflag:s24] =	ssyncset.done $0x0  }
0x88: {  	[sflag:s24] =	ssyncadd.s32 $0xFFFFD800  }
0x89: {  	[spmem:s2] =	stream.indirect.scatter.add.f32 [tilespmem:s21], [sflag:$0x3], $0x80, s25, s18, $0xb8;
	[tilespmem:$0x1B850] =	vst v63  }
0x8a: {  	_ =	swait.ge [sflag:s17], $0x2800  }
0x8b: {  	s26 =	simm.s32 $0x280;
	s30 =	simm.s32 $0x500;
	[sflag:s17] =	ssyncset.done $0x0  }
.LBB2_4:
0x8c: {  	s29 =	sshra.s32 s26, $0x2  }
0x8d: {  	[sflag:s17] =	ssyncadd.s32 $0xFFFFD800;
	s26 =	smov.u32 s30;
	s28 =	sadd.s32 $0x280, s30  }
0x8e: {  	p0 =	sne.s32 s30, $0x9880;
	v1 =	vld [tilespmem:s29+$0x50];
	_ =	sdelay $0x4  }
0x8f: {  	v2 =	vand.u32 $0xFFFF, v1;
	v1 =	vshrl.u32 v1, $0x10  }
0x90: {  	[tilespmem:$0x27B0] =	vst v2;
	v1 =	vand.u32 $0x3FFF, v1  }
0x91: {  	[tilespmem:$0x2800] =	vst v1  }
0x92: {  	v1 =	vld [tilespmem:s29+$0x60];
	_ =	sdelay $0x4  }
0x93: {  	v2 =	vand.u32 $0xFFFF, v1;
	v1 =	vshrl.u32 v1, $0x10  }
0x94: {  	[tilespmem:$0x27C0] =	vst v2;
	v1 =	vand.u32 $0x3FFF, v1  }
0x95: {  	[tilespmem:$0x2810] =	vst v1  }
0x96: {  	v1 =	vld [tilespmem:s29+$0x70];
	_ =	sdelay $0x4  }
0x97: {  	v2 =	vand.u32 $0xFFFF, v1;
	v1 =	vshrl.u32 v1, $0x10  }
0x98: {  	[tilespmem:$0x27D0] =	vst v2;
	v1 =	vand.u32 $0x3FFF, v1  }
0x99: {  	[tilespmem:$0x2820] =	vst v1  }
0x9a: {  	v1 =	vld [tilespmem:s29+$0x80];
	_ =	sdelay $0x4  }
0x9b: {  	v2 =	vand.u32 $0xFFFF, v1;
	v1 =	vshrl.u32 v1, $0x10  }
0x9c: {  	[tilespmem:$0x27E0] =	vst v2;
	v1 =	vand.u32 $0x3FFF, v1  }
0x9d: {  	[tilespmem:$0x2830] =	vst v1  }
0x9e: {  	v1 =	vld [tilespmem:s29+$0x90];
	_ =	sdelay $0x4  }
0x9f: {  	v2 =	vand.u32 $0xFFFF, v1;
	v1 =	vshrl.u32 v1, $0x10  }
0xa0: {  	[tilespmem:$0x27F0] =	vst v2;
	v1 =	vand.u32 $0x3FFF, v1  }
0xa1: {  	[tilespmem:$0x2840] =	vst v1  }
0xa2: {  	[tilespmem:s21], [sflag:$0x2] =	stream.indirect.gather [hbm4b:s4+s18], $0x80, s20, s18, $0xb8;
	[tilespmem:$0x1B850] =	vst v63  }
0xa3: {  	_ =	swait.ge [sflag:s22], $0x2800  }
0xa4: {  	[sflag:s22] =	ssyncset.done $0x0  }
0xa5: {  	[sflag:s22] =	ssyncadd.s32 $0xFFFFD800  }
0xa6: {  	[spmem:s2] =	stream.indirect.scatter.add.f32 [tilespmem:s16], [sflag:$0x3], $0x80, s23, s18, $0xb8;
	[tilespmem:$0x1B850] =	vst v63  }
0xa7: {  	_ =	swait.ge [sflag:s17], $0x2800  }
0xa8: {  	[sflag:s17] =	ssyncset.done $0x0  }
0xa9: {  	[sflag:s17] =	ssyncadd.s32 $0xFFFFD800  }
0xaa: {  	v1 =	vld [tilespmem:s29+$0xA0];
	_ =	sdelay $0x4  }
0xab: {  	v2 =	vand.u32 $0xFFFF, v1;
	v1 =	vshrl.u32 v1, $0x10  }
0xac: {  	[tilespmem:$0x2710] =	vst v2;
	v1 =	vand.u32 $0x3FFF, v1  }
0xad: {  	[tilespmem:$0x2760] =	vst v1  }
0xae: {  	v1 =	vld [tilespmem:s29+$0xB0];
	_ =	sdelay $0x4  }
0xaf: {  	v2 =	vand.u32 $0xFFFF, v1;
	v1 =	vshrl.u32 v1, $0x10  }
0xb0: {  	[tilespmem:$0x2720] =	vst v2;
	v1 =	vand.u32 $0x3FFF, v1  }
0xb1: {  	[tilespmem:$0x2770] =	vst v1  }
0xb2: {  	v1 =	vld [tilespmem:s29+$0xC0];
	_ =	sdelay $0x4  }
0xb3: {  	v2 =	vand.u32 $0xFFFF, v1;
	v1 =	vshrl.u32 v1, $0x10  }
0xb4: {  	[tilespmem:$0x2730] =	vst v2;
	v1 =	vand.u32 $0x3FFF, v1  }
0xb5: {  	[tilespmem:$0x2780] =	vst v1  }
0xb6: {  	v1 =	vld [tilespmem:s29+$0xD0];
	_ =	sdelay $0x4  }
0xb7: {  	v2 =	vand.u32 $0xFFFF, v1;
	v1 =	vshrl.u32 v1, $0x10  }
0xb8: {  	[tilespmem:$0x2740] =	vst v2;
	v1 =	vand.u32 $0x3FFF, v1  }
0xb9: {  	[tilespmem:$0x2790] =	vst v1  }
0xba: {  	v1 =	vld [tilespmem:s29+$0xE0];
	_ =	sdelay $0x4  }
0xbb: {  	v2 =	vand.u32 $0xFFFF, v1;
	v1 =	vshrl.u32 v1, $0x10  }
0xbc: {  	[tilespmem:$0x2750] =	vst v2;
	v1 =	vand.u32 $0x3FFF, v1  }
0xbd: {  	[tilespmem:$0x27A0] =	vst v1  }
0xbe: {  	[tilespmem:s16], [sflag:$0x1] =	stream.indirect.gather [hbm4b:s4+s18], $0x80, s19, s18, $0xb8;
	[tilespmem:$0x1B850] =	vst v63  }
0xbf: {  	_ =	swait.ge [sflag:s24], $0x2800  }
.Ltmp1:
0xc0: {  	[sflag:s24] =	ssyncset.done $0x0;
	(pc) =	sbr.rel @p0 .LBB2_4-.Ltmp1, $4  }
0xc1: {  	[sflag:s24] =	ssyncadd.s32 $0xFFFFD800  }
0xc2: {  	[spmem:s2] =	stream.indirect.scatter.add.f32 [tilespmem:s21], [sflag:$0x3], $0x80, s25, s18, $0xb8;
	[tilespmem:$0x1B850] =	vst v63  }
0xc3: {  	_ =	swait.ge [sflag:s17], $0x2800  }
0xc4: {  	s30 =	smov.u32 s28;
	[sflag:s17] =	ssyncset.done $0x0  }
0xc5: {  	s26 =	sshra.s32 s26, $0x2;
	[sflag:s17] =	ssyncadd.s32 $0xFFFFD800  }
0xc6: {  	v1 =	vld [tilespmem:s26+$0x50];
	_ =	sdelay $0x4  }
0xc7: {  	v2 =	vand.u32 $0xFFFF, v1;
	v1 =	vshrl.u32 v1, $0x10  }
0xc8: {  	[tilespmem:$0x27B0] =	vst v2;
	v1 =	vand.u32 $0x3FFF, v1  }
0xc9: {  	[tilespmem:$0x2800] =	vst v1  }
0xca: {  	v1 =	vld [tilespmem:s26+$0x60];
	_ =	sdelay $0x4  }
0xcb: {  	v2 =	vand.u32 $0xFFFF, v1;
	v1 =	vshrl.u32 v1, $0x10  }
0xcc: {  	[tilespmem:$0x27C0] =	vst v2;
	v1 =	vand.u32 $0x3FFF, v1  }
0xcd: {  	[tilespmem:$0x2810] =	vst v1  }
0xce: {  	v1 =	vld [tilespmem:s26+$0x70];
	_ =	sdelay $0x4  }
0xcf: {  	v2 =	vand.u32 $0xFFFF, v1;
	v1 =	vshrl.u32 v1, $0x10  }
0xd0: {  	[tilespmem:$0x27D0] =	vst v2;
	v1 =	vand.u32 $0x3FFF, v1  }
0xd1: {  	[tilespmem:$0x2820] =	vst v1  }
0xd2: {  	v1 =	vld [tilespmem:s26+$0x80];
	_ =	sdelay $0x4  }
0xd3: {  	v2 =	vand.u32 $0xFFFF, v1;
	v1 =	vshrl.u32 v1, $0x10  }
0xd4: {  	[tilespmem:$0x27E0] =	vst v2;
	v1 =	vand.u32 $0x3FFF, v1  }
0xd5: {  	[tilespmem:$0x2830] =	vst v1  }
0xd6: {  	v1 =	vld [tilespmem:s26+$0x90];
	_ =	sdelay $0x4  }
0xd7: {  	v2 =	vand.u32 $0xFFFF, v1;
	v1 =	vshrl.u32 v1, $0x10  }
0xd8: {  	[tilespmem:$0x27F0] =	vst v2;
	v1 =	vand.u32 $0x3FFF, v1  }
0xd9: {  	[tilespmem:$0x2840] =	vst v1  }
0xda: {  	[tilespmem:s21], [sflag:$0x2] =	stream.indirect.gather [hbm4b:s4+s18], $0x80, s20, s18, $0xb8;
	[tilespmem:$0x1B850] =	vst v63  }
0xdb: {  	_ =	swait.ge [sflag:s22], $0x2800  }
0xdc: {  	[sflag:s22] =	ssyncset.done $0x0  }
0xdd: {  	[sflag:s22] =	ssyncadd.s32 $0xFFFFD800  }
0xde: {  	[spmem:s2] =	stream.indirect.scatter.add.f32 [tilespmem:s16], [sflag:$0x3], $0x80, s23, s18, $0xb8;
	[tilespmem:$0x1B850] =	vst v63  }
0xdf: {  	_ =	swait.ge [sflag:s17], $0x2800  }
0xe0: {  	[sflag:s17] =	ssyncset.done $0x0  }
0xe1: {  	[sflag:s17] =	ssyncadd.s32 $0xFFFFD800  }
0xe2: {  	v1 =	vld [tilespmem:s26+$0xA0];
	_ =	sdelay $0x4  }
0xe3: {  	v2 =	vand.u32 $0xFFFF, v1;
	v1 =	vshrl.u32 v1, $0x10  }
0xe4: {  	[tilespmem:$0x2710] =	vst v2;
	v1 =	vand.u32 $0x3FFF, v1  }
0xe5: {  	[tilespmem:$0x2760] =	vst v1  }
0xe6: {  	v1 =	vld [tilespmem:s26+$0xB0];
	_ =	sdelay $0x4  }
0xe7: {  	v2 =	vand.u32 $0xFFFF, v1;
	v1 =	vshrl.u32 v1, $0x10  }
0xe8: {  	[tilespmem:$0x2720] =	vst v2;
	v1 =	vand.u32 $0x3FFF, v1  }
0xe9: {  	[tilespmem:$0x2770] =	vst v1  }
0xea: {  	v1 =	vld [tilespmem:s26+$0xC0];
	_ =	sdelay $0x4  }
0xeb: {  	v2 =	vand.u32 $0xFFFF, v1;
	v1 =	vshrl.u32 v1, $0x10  }
0xec: {  	[tilespmem:$0x2730] =	vst v2;
	v1 =	vand.u32 $0x3FFF, v1  }
0xed: {  	[tilespmem:$0x2780] =	vst v1  }
0xee: {  	v1 =	vld [tilespmem:s26+$0xD0];
	_ =	sdelay $0x4  }
0xef: {  	v2 =	vand.u32 $0xFFFF, v1;
	v1 =	vshrl.u32 v1, $0x10  }
0xf0: {  	[tilespmem:$0x2740] =	vst v2;
	v1 =	vand.u32 $0x3FFF, v1  }
0xf1: {  	[tilespmem:$0x2790] =	vst v1  }
0xf2: {  	v1 =	vld [tilespmem:s26+$0xE0];
	_ =	sdelay $0x4  }
0xf3: {  	v2 =	vand.u32 $0xFFFF, v1;
	v1 =	vshrl.u32 v1, $0x10  }
0xf4: {  	[tilespmem:$0x2750] =	vst v2;
	v1 =	vand.u32 $0x3FFF, v1  }
0xf5: {  	[tilespmem:$0x27A0] =	vst v1  }
0xf6: {  	[tilespmem:s16], [sflag:$0x1] =	stream.indirect.gather [hbm4b:s4+s18], $0x80, s19, s18, $0xb8;
	[tilespmem:$0x1B850] =	vst v63  }
0xf7: {  	_ =	swait.ge [sflag:s24], $0x2800  }
0xf8: {  	[sflag:s24] =	ssyncset.done $0x0  }
0xf9: {  	[sflag:s24] =	ssyncadd.s32 $0xFFFFD800  }
0xfa: {  	[spmem:s2] =	stream.indirect.scatter.add.f32 [tilespmem:s21], [sflag:$0x3], $0x80, s25, s18, $0xb8;
	[tilespmem:$0x1B850] =	vst v63  }
0xfb: {  	_ =	swait.ge [sflag:s17], $0x2800  }
0xfc: {  	[sflag:s17] =	ssyncset.done $0x0  }
0xfd: {  	[sflag:s17] =	ssyncadd.s32 $0xFFFFD800  }
0xfe: {  	_ =	swait.ge [sflag:s22], $0x2800  }
0xff: {  	[sflag:s22] =	ssyncset.done $0x0  }
0x100: {  	[sflag:s22] =	ssyncadd.s32 $0xFFFFD800  }
0x101: {  	[spmem:s2] =	stream.indirect.scatter.add.f32 [tilespmem:s16], [sflag:$0x3], $0x80, s23, s18, $0xb8;
	[tilespmem:$0x1B850] =	vst v63  }
0x102: {  	_ =	swait.ge [sflag:s17], $0x2800  }
0x103: {  	s31 =	sshll.u32 s0, $0x6;
	s3 =	sadd.s32 $0x1, s3;
	[sflag:s17] =	ssyncset.done $0x0  }
0x104: {  	s28 =	sshrl.u32 s5, $0x3;
	p0 =	sne.s32 s3, s15;
	[sflag:s17] =	ssyncadd.s32 $0xFFFFD800  }
.Ltmp2:
0x105: {  	s26 =	sor.u32 $0x1C03, s31;
	[bflag:$0x0] =	sbarrier.arrive $0xFFFF;
	(pc) =	sbr.rel @p0 .LBB2_1-.Ltmp2, $4  }
0x106: {  	[hbm:s14], [sflag:s26] =	dma.local [spmem:s28], $0x2800  }
0x107: {  	_ =	swait.ge [sflag:s17], $0x2800  }
0x108: {  	[sflag:s17] =	ssyncset.done $0x0  }
0x109: {  	[sflag:s17] =	ssyncadd.s32 $0xFFFFD800  }
0x10a: {  	_ =	sfence.sel $0x180000  }
0x10b: {  	[bflag:$0x0] =	sbarrier.arrive $0xFFFF  }
0x10c: {  	p0 =	sne.s32 s0, $0x0;
	_ =	strace $0x90000050  }
0x10d: {  	s0 =	sadd.s32 @!p0 $0x100000, s1;
	[bflag:$0x2] =	sbarrier.arrive $0xFFFF  }
0x10e: {  	[sflag:s0] =	ssyncadd.tile.s32 @!p0 $0x1;
	_ =	shalt  }
.Lfunc_end2:
_tile_overlayer_lowered:
.L_overlay_start_2:
0x10f: {  	(tag) =	ssettag $0x2  }
0x110: {  	s0 =	rddreg [dreg:$0x0];
	s2 =	stileid.u32  }
0x111: {  	s1 =	rddreg [dreg:$0x1];
	p0 =	sne.s32 s2, $0x0  }
0x112: {  	s3 =	rddreg [dreg:$0x2];
	[bflag:$0x3] =	sbarrier.arrive $0xFFFF;
	s2 =	simm.s32 @!p0 $0x1C03  }
0x113: {  	[timem:s3], [sflag:s2] =	dma.local @!p0 [hbm:s0], s1  }
0x114: {  	s0 =	simm.s32 @!p0 $0x3  }
0x115: {  	_ =	swait.ge @!p0 [sflag:s0], s1  }
0x116: {  	s1 =	ssub.s32 @!p0 $0x0, s1;
	[sflag:s0] =	ssyncset.done @!p0 $0x0  }
0x117: {  	[sflag:s0] =	ssyncadd.s32 @!p0 s1  }
0x118: {  	[bflag:$0x3] =	sbarrier.arrive $0xFFFF  }
0x119: {  	_ =	shalt  }

// kernel: kernel.26.cloned.1.call-start
scs
__scs_entry_jumppad:
0x0: {  	(pc) =	sbr.rel $0x88, $3  }
0x1: {  	(tag) =	ssettag $0x0;
	lr =	simm.s32 $0x1  }
0x2: {  	[smem:$0x3F7B] =	sst lr;
	_ =	strace $0xD0000000  }
0x3: {  	_ = 	snop  }
0x4: {  	_ = 	snop  }
0x5: {  	_ = 	snop  }
0x6: {  	_ = 	snop  }
0x7: {  	_ = 	snop  }
__scs_overlays_trampoline_lowered:
0x8: {  	[smem:$0x3F8A] =	sst s0  }
0x9: {  	[smem:$0x3F8B] =	sst s1  }
0xa: {  	[smem:$0x3F8C] =	sst s2  }
0xb: {  	[smem:$0x3F8D] =	sst s3  }
0xc: {  	[smem:$0x3F8E] =	sst s4  }
0xd: {  	[smem:$0x3F8F] =	sst s5  }
0xe: {  	[smem:$0x3F90] =	sst s6  }
0xf: {  	[smem:$0x3F91] =	sst s7  }
0x10: {  	[smem:$0x3F92] =	sst s8  }
0x11: {  	[smem:$0x3F93] =	sst s9;
	s0 =	simm.s32 @!p0 $0x0  }
0x12: {  	s1 =	sld [smem:$0x3F79];
	s0 =	simm.s32 @p0 $0x1  }
0x13: {  	[smem:$0x3F94] =	sst s0;
	s0 =	simm.s32 @!p1 $0x0  }
0x14: {  	s2 =	sld [smem:$0x3F78];
	s0 =	simm.s32 @p1 $0x1  }
0x15: {  	[smem:$0x3F95] =	sst s0;
	s0 =	simm.s32 @!p2 $0x0  }
0x16: {  	s3 =	sld [smem:$0x3FDB];
	s0 =	simm.s32 @p2 $0x1  }
0x17: {  	s4 =	simm.s32 $0x1BF5;
	[smem:$0x3F97] =	sst s0  }
0x18: {  	s0 =	sld [smem:$0x3F7A];
	_ =	swait.ge [sflag:s4], $0x0  }
0x19: {  	s7 =	sld [smem:$0x3F7B]  }
0x1a: {  	s8 =	sadd.s32 $0xFFFFE003, lr  }
0x1b: {  	s9 =	sadd.s32 $0xFFFFFEF7, lr;
	s5 =	simm.s32 $0xFFFFFFFF;
	p2 =	slt.u32 s8, $0xFFFFF086  }
0x1c: {  	p1 =	slt.u32 s9, $0xF7A;
	s5 =	simm.s32 @!p2 $0x0  }
0x1d: {  	s5 =	simm.s32 @p1 $0x1;
	p0 =	seq.s32 s7, s2  }
0x1e: {  	s7 =	smul.u32 @!p0 $0xF7A, s2;
	p2 =	seq.s32 @!p0 s5, $0x0  }
0x1f: {  	s9 =	smul.u32 $0xF7A, s1;
	s8 =	simm.s32 @!p0 $0x1BF5;
	p2 =	por !p2, p0  }
0x20: {  	[sflag:s8] =	ssyncset.s32 @!p0 $0xFFFFF086;
	s6 =	sadd.s32 @!p0 s3, s7;
	s7 =	simm.s32 @!p0 $0x108  }
0x21: {  	s3 =	sadd.s32 s3, s9;
	s6 =	sadd.s32 @!p0 $0x88, s6;
	s7 =	simm.s32 @p2 $0x1082  }
0x22: {  	[simem:s7], [sflag:s8] =	dma.local @!p0 [hbm:s6], $0xF7A  }
0x23: {  	s9 =	sor.u32 $0xD0000000, s2;
	s6 =	simm.s32 $0x108;
	_ =	swait.ge @!p0 [sflag:s8], $0x0  }
0x24: {  	s3 =	sadd.s32 $0x88, s3;
	s6 =	simm.s32 @!p1 $0x1082;
	[sflag:s4] =	ssyncset.s32 $0xFFFFF086  }
0x25: {  	[simem:s6], [sflag:s4] =	dma.local [hbm:s3], $0xF7A  }
0x26: {  	[smem:$0x3F7B] =	sst s1;
	(tag) =	ssettag s2;
	_ =	strace s9  }
0x27: {  	s1 =	sld [smem:$0x3F8B]  }
0x28: {  	s2 =	sld [smem:$0x3F8C]  }
0x29: {  	s4 =	sld [smem:$0x3F8E]  }
0x2a: {  	p0 =	seq.s32 s5, $0x0;
	s5 =	sld [smem:$0x3F8F]  }
0x2b: {  	s6 =	sld [smem:$0x3F90]  }
0x2c: {  	s7 =	sld [smem:$0x3F91]  }
0x2d: {  	s3 =	simm.s32 $0x108;
	s8 =	sld [smem:$0x3F92]  }
0x2e: {  	s3 =	simm.s32 @!p0 $0x1082;
	s9 =	sld [smem:$0x3F93]  }
0x2f: {  	lr =	sadd.s32 s0, s3;
	s0 =	sld [smem:$0x3F8A]  }
0x30: {  	s3 =	sld [smem:$0x3F8D]  }
0x31: {  	[smem:$0x3F96] =	sst s10  }
0x32: {  	s10 =	sld [smem:$0x3F94];
	_ =	sdelay $0x3  }
0x33: {  	p0 =	seq.s32 s10, $0x1;
	s10 =	sld [smem:$0x3F96];
	_ =	sdelay $0x3  }
0x34: {  	[smem:$0x3F96] =	sst s10  }
0x35: {  	s10 =	sld [smem:$0x3F95];
	_ =	sdelay $0x3  }
0x36: {  	p1 =	seq.s32 s10, $0x1;
	s10 =	sld [smem:$0x3F96];
	_ =	sdelay $0x3  }
0x37: {  	[smem:$0x3F96] =	sst s10  }
0x38: {  	s10 =	sld [smem:$0x3F97]  }
0x39: {  	_ = 	snop;
	(pc) =	sbr.ind lr, $3  }
0x3a: {  	_ = 	snop  }
0x3b: {  	_ = 	snop  }
0x3c: {  	p2 =	seq.s32 s10, $0x1;
	s10 =	sld [smem:$0x3F96]  }
0x3d: {  	_ =	shalt  }
0x3e: {  	_ =	shalt  }
0x3f: {  	_ =	shalt  }
0x40: {  	_ =	shalt  }
0x41: {  	_ =	shalt  }
0x42: {  	_ =	shalt  }
0x43: {  	_ =	shalt  }
0x44: {  	_ =	shalt  }
0x45: {  	_ =	shalt  }
0x46: {  	_ =	shalt  }
0x47: {  	_ =	shalt  }
0x48: {  	_ =	shalt  }
0x49: {  	_ =	shalt  }
0x4a: {  	_ =	shalt  }
0x4b: {  	_ =	shalt  }
0x4c: {  	_ =	shalt  }
0x4d: {  	_ =	shalt  }
0x4e: {  	_ =	shalt  }
0x4f: {  	_ =	shalt  }
0x50: {  	_ =	shalt  }
0x51: {  	_ =	shalt  }
0x52: {  	_ =	shalt  }
0x53: {  	_ =	shalt  }
0x54: {  	_ =	shalt  }
0x55: {  	_ =	shalt  }
0x56: {  	_ =	shalt  }
0x57: {  	_ =	shalt  }
0x58: {  	_ =	shalt  }
0x59: {  	_ =	shalt  }
0x5a: {  	_ =	shalt  }
0x5b: {  	_ =	shalt  }
0x5c: {  	_ =	shalt  }
0x5d: {  	_ =	shalt  }
0x5e: {  	_ =	shalt  }
0x5f: {  	_ =	shalt  }
0x60: {  	_ =	shalt  }
0x61: {  	_ =	shalt  }
0x62: {  	_ =	shalt  }
0x63: {  	_ =	shalt  }
0x64: {  	_ =	shalt  }
0x65: {  	_ =	shalt  }
0x66: {  	_ =	shalt  }
0x67: {  	_ =	shalt  }
0x68: {  	_ =	shalt  }
0x69: {  	_ =	shalt  }
0x6a: {  	_ =	shalt  }
0x6b: {  	_ =	shalt  }
0x6c: {  	_ =	shalt  }
0x6d: {  	_ =	shalt  }
0x6e: {  	_ =	shalt  }
0x6f: {  	_ =	shalt  }
0x70: {  	_ =	shalt  }
0x71: {  	_ =	shalt  }
0x72: {  	_ =	shalt  }
0x73: {  	_ =	shalt  }
0x74: {  	_ =	shalt  }
0x75: {  	_ =	shalt  }
0x76: {  	_ =	shalt  }
0x77: {  	_ =	shalt  }
0x78: {  	_ =	shalt  }
0x79: {  	_ =	shalt  }
0x7a: {  	_ =	shalt  }
0x7b: {  	_ =	shalt  }
0x7c: {  	_ =	shalt  }
0x7d: {  	_ =	shalt  }
0x7e: {  	_ =	shalt  }
0x7f: {  	_ =	shalt  }
0x80: {  	_ =	shalt  }
0x81: {  	_ =	shalt  }
0x82: {  	_ =	shalt  }
0x83: {  	_ =	shalt  }
0x84: {  	_ =	shalt  }
0x85: {  	_ =	shalt  }
0x86: {  	_ =	shalt  }
0x87: {  	_ =	shalt  }
.Lfunc_end0:
.L_simem_size_0:
called_computation.3_lowered:
.L_overlay_start_0:
0x88: {  	s2 =	sld [smem:$0x3FD9]  }
0x89: {  	s3 =	sld [smem:$0x3FFE];
	_ =	sdelay $0x1  }
0x8a: {  	s1 =	srdreg.scid  }
0x8b: {  	s0 =	sand.u32 $0x1, s1  }
0x8c: {  	s17 =	sshll.u32 s0, $0xA;
	s2 =	sadd.s32 s3, s2  }
0x8d: {  	s2 =	sadd.s32 s2, s17  }
0x8e: {  	[smem:$0x3FA2] =	sst s2  }
0x8f: {  	_ = 	snop  }
0x90: {  	(tm) =	ssettm $0x1  }
0x91: {  	s18 =	sld [smem:$0x3FFB];
	_ =	sdelay $0x3  }
0x92: {  	_ =	strace s18  }
0x93: {  	s2 =	sld [smem:$0x3FFC];
	_ =	sdelay $0x3  }
0x94: {  	_ =	strace s2  }
0x95: {  	s2 =	sld [smem:$0x3FFD];
	_ =	sdelay $0x3  }
0x96: {  	_ =	strace s2  }
0x97: {  	_ =	strace $0x8FFFFFFF  }
0x98: {  	s19 =	sld [smem:$0x3FDB];
	_ =	sdelay $0x1  }
0x99: {  	s20 =	simm.s32 $_scs_section_size  }
0x9a: {  	s4 =	simm.s32 $_size__tile_overlayer_lowered;
	s5 =	simm.s32 $_tile_overlayer_lowered  }
0x9b: {  	s6 =	simm.s32 $0x1BFF;
	s21 =	sshll.u32 s5, $0x1;
	s3 =	sadd.s32 s20, s19  }
0x9c: {  	s22 =	simm.s32 $0x0;
	s4 =	sshll.u32 s4, $0x1;
	s5 =	sadd.s32 s21, s3  }
0x9d: {  	[timem:s22], [sflag:s6] =	dma.local [hbm:s5], s4  }
0x9e: {  	_ =	swait.ge [sflag:s6], s4  }
0x9f: {  	s4 =	ssub.s32 $0x0, s4;
	[sflag:s6] =	ssyncset.done $0x0  }
0xa0: {  	[sflag:s6] =	ssyncadd.s32 s4;
	_ =	sdelay $0x1  }
0xa1: {  	s23 =	simm.s32 $0x1B8B  }
0xa2: {  	_ =	swait.ge [sflag:s23], $0x1  }
0xa3: {  	[sflag:s23] =	ssyncset.done $0x0  }
0xa4: {  	[sflag:s23] =	ssyncadd.s32 $0xFFFFFFFF  }
0xa5: {  	s4 =	sld [smem:$0x0]  }
0xa6: {  	s5 =	sand.u32 $0xFFFFFFFE, s1  }
0xa7: {  	p0 =	sne.s32 s1, s5  }
0xa8: {  	s5 =	sshll.u32 @p0 s5, $0xE  }
0xa9: {  	s5 =	sadd.s32 @p0 $0x11B8D, s5;
	s6 =	sshll.u32 @p0 s4, $0x11  }
0xaa: {  	s5 =	sor.u32 @p0 s6, s5  }
0xab: {  	[sflag:s5] =	ssyncadd.remote.s32 @p0 $0x1;
	_ =	sdelay $0x1  }
0xac: {  	s5 =	simm.s32 @p0 $0x1B8D  }
0xad: {  	_ =	swait.eq @p0 [sflag:s5], $0x1  }
0xae: {  	[sflag:s5] =	ssyncadd.s32 @p0 $0xFFFFFFFF  }
0xaf: {  	s6 =	sshll.u32 @!p0 s1, $0xE  }
0xb0: {  	s6 =	sor.u32 @!p0 $0x4000, s6;
	s5 =	simm.s32 @!p0 $0x1B8D  }
0xb1: {  	s4 =	sshll.u32 @!p0 s4, $0x11;
	s6 =	sadd.s32 @!p0 $0x11B8D, s6;
	_ =	swait.eq @!p0 [sflag:s5], $0x1  }
0xb2: {  	s4 =	sor.u32 @!p0 s4, s6;
	[sflag:s5] =	ssyncadd.s32 @!p0 $0xFFFFFFFF  }
0xb3: {  	s25 =	simm.s32 $0x1B8E;
	s24 =	sld [smem:$0x3FFE];
	[sflag:s4] =	ssyncadd.remote.s32 @!p0 $0x1  }
0xb4: {  	s26 =	simm.s32 $execute0_lowered;
	[smem:$0x3FD2] =	sst s25  }
0xb5: {  	s5 =	sshll.u32 s26, $0x1;
	_ =	strace $0x8000004C;
	[dreg:$0x1] =	wrdreg $0xFFFFFFFF  }
0xb6: {  	s28 =	simm.s32 $_size_execute0_lowered;
	s3 =	sadd.s32 s3, s5;
	[dreg:$0x0] =	wrdreg $0x0  }
0xb7: {  	s5 =	sshll.u32 s28, $0x1;
	[dreg:$0x2] =	wrdreg s3  }
0xb8: {  	[dreg:$0x3] =	wrdreg s5  }
0xb9: {  	[dreg:$0x4] =	wrdreg $0xC0  }
0xba: {  	_ =	task [dreg:s22], $0x5FFFF  }
0xbb: {  	[dreg:$0x1] =	wrdreg $0xFFFFFFFF  }
0xbc: {  	[dreg:$0x0] =	wrdreg $0x60  }
0xbd: {  	[dreg:$0x2] =	wrdreg s24  }
0xbe: {  	[dreg:$0x3] =	wrdreg $0x78500  }
0xbf: {  	[dreg:$0x4] =	wrdreg $0xA  }
0xc0: {  	_ =	task.clear_ibuf [dreg:s22], $0x5FFFF;
	_ =	strace $0x9000004C  }
0xc1: {  	s29 =	simm.s32 $0xA;
	_ =	strace $0x8000004E  }
0xc2: {  	_ =	swait.ge [sflag:s29], $0x1  }
0xc3: {  	[sflag:s29] =	ssyncadd.s32 $0xFFFFFFFF  }
0xc4: {  	_ =	strace $0x9000004E  }
0xc5: {  	_ =	sfence  }
0xc6: {  	s30 =	sld [smem:$0x0];
	_ =	sdelay $0x2  }
0xc7: {  	s31 =	sshll.u32 s1, $0xD;
	s1 =	sshrl.u32 s1, $0x2  }
0xc8: {  	s4 =	sand.u32 $0x4000, s31;
	s1 =	sadd.s32 s1, s30  }
0xc9: {  	s0 =	sor.u32 s4, s0;
	s1 =	sshll.u32 s1, $0x11  }
0xca: {  	s0 =	sor.u32 s1, s0  }
0xcb: {  	s0 =	sadd.s32 $0x8F2B, s0  }
0xcc: {  	[sflag:s0] =	ssyncadd.remote.s32 $0x1  }
0xcd: {  	_ =	sfence.sel $0xFFFF  }
0xce: {  	[dreg:$0x0] =	wrdreg $0xFFFFFFFF;
	(pc) =	sbr.abs _section_cstart, $3  }
0xcf: {  	[dreg:$0x1] =	wrdreg $0xFFFFFFFF  }
0xd0: {  	_ =	task.clear_ibuf [dreg:s22], $0x2FFFF;
	_ =	strace $0x9FFFFFFF  }
0xd1: {  	(tm) =	ssettm $0x7FFFFFFF  }
tec
execute0_lowered:
.L_overlay_start_1:
0x0: {  	(tag) =	ssettag $0x1  }
0x1: {  	s1 =	srdreg.scid;
	s6 =	rddreg [dreg:$0x0]  }
0x2: {  	s0 =	stileid.u32;
	s2 =	rddreg [dreg:$0x1];
	s3 =	simm.s32 $0x0  }
0x3: {  	s16 =	simm.s32 $0x2850;
	s17 =	simm.s32 $0x3;
	s18 =	simm.s32 $0x50  }
0x4: {  	s19 =	simm.s32 $0x2710;
	s20 =	simm.s32 $0x27B0;
	s21 =	simm.s32 $0x5050  }
0x5: {  	s22 =	simm.s32 $0x1;
	s23 =	simm.s32 $0x2760;
	s24 =	simm.s32 $0x2  }
0x6: {  	s25 =	simm.s32 $0x2800;
	s5 =	sand.u32 $0x1, s1;
	s8 =	smul.u32 $0x2800, s0  }
0x7: {  	s26 =	sshll.u32 s0, $0x1;
	[smem:$0x7FF] =	sst s3;
	s10 =	smul.u32 $0x50000, s0  }
0x8: {  	s4 =	sadd.s32 $0x7200, s6;
	s1 =	sor.u32 s5, s26;
	s9 =	smul.u32 $0x28000, s5  }
0x9: {  	s29 =	ssub.s32 $0x2, s5;
	s7 =	smul.u32 $0x4E2, s1;
	s1 =	rddreg [dreg:$0x2]  }
0xa: {  	_ =	strace $0x8000004D;
	s30 =	sshrl.u32 s10, $0x2;
	s31 =	sshrl.u32 s29, $0x1  }
0xb: {  	s28 =	sadd.s32 s8, s9;
	s5 =	sadd.s32 s30, s2;
	s15 =	ssub.s32 s29, s31  }
0xc: {  	s13 =	sadd.s32 s7, s6;
	s14 =	sadd.s32 s28, s6;
	s6 =	sadd.s32 $0x2800, s5  }
0xd: {  	s7 =	sadd.s32 $0x5000, s5;
	s8 =	sadd.s32 $0x7800, s5;
	s9 =	sadd.s32 $0xA000, s5  }
0xe: {  	s10 =	sadd.s32 $0xC800, s5;
	s11 =	sadd.s32 $0xF000, s5;
	s12 =	sadd.s32 $0x11800, s5  }
0xf: {  	v0 =	vimm.f32 $0.0e+00;
	s15 =	smax.u32 s15, $0x1;
	s13 =	sadd.s32 $0xA3600, s13;
	s14 =	sadd.s32 $0x1F3600, s14  }
.LBB2_1:
0x10: {  	s26 =	simm.s32 $0x0;
	s28 =	simm.s32 $0x200  }
.LBB2_2:
0x11: {  	p0 =	sne.s32 s28, $0x9E00;
	[tilespmem:s26+$0x28C0] =	vst v0  }
0x12: {  	[tilespmem:s26+$0x2850] =	vst v0  }
0x13: {  	[tilespmem:s26+$0x2860] =	vst v0  }
.Ltmp0:
0x14: {  	[tilespmem:s26+$0x2870] =	vst v0;
	(pc) =	sbr.rel @p0 .LBB2_2-.Ltmp0, $4  }
0x15: {  	[tilespmem:s26+$0x2880] =	vst v0  }
0x16: {  	[tilespmem:s26+$0x2890] =	vst v0  }
0x17: {  	[tilespmem:s26+$0x28A0] =	vst v0  }
0x18: {  	[tilespmem:s26+$0x28B0] =	vst v0;
	s26 =	sshra.s32 s28, $0x2;
	s28 =	sadd.s32 $0x200, s28  }
0x19: {  	[tilespmem:s26+$0x28C0] =	vst v0  }
0x1a: {  	[tilespmem:s26+$0x2850] =	vst v0  }
0x1b: {  	[tilespmem:s26+$0x2860] =	vst v0  }
0x1c: {  	[tilespmem:s26+$0x2870] =	vst v0  }
0x1d: {  	[tilespmem:s26+$0x2880] =	vst v0  }
0x1e: {  	[tilespmem:s26+$0x2890] =	vst v0  }
0x1f: {  	[tilespmem:s26+$0x28A0] =	vst v0  }
0x20: {  	[tilespmem:s26+$0x28B0] =	vst v0  }
0x21: {  	[spmem:s5] =	stream.linear.scatter [tilespmem:s16], [sflag:$0x3], $0x2800, $0x38;
	[tilespmem:$0x1B850] =	vst v63  }
0x22: {  	_ =	swait.ge [sflag:s17], $0x2800  }
0x23: {  	[sflag:s17] =	ssyncset.done $0x0  }
0x24: {  	[sflag:s17] =	ssyncadd.s32 $0xFFFFD800  }
0x25: {  	[spmem:s6] =	stream.linear.scatter [tilespmem:s16], [sflag:$0x3], $0x2800, $0x38;
	[tilespmem:$0x1B850] =	vst v63  }
0x26: {  	_ =	swait.ge [sflag:s17], $0x2800  }
0x27: {  	[sflag:s17] =	ssyncset.done $0x0  }
0x28: {  	[sflag:s17] =	ssyncadd.s32 $0xFFFFD800  }
0x29: {  	[spmem:s7] =	stream.linear.scatter [tilespmem:s16], [sflag:$0x3], $0x2800, $0x38;
	[tilespmem:$0x1B850] =	vst v63  }
0x2a: {  	_ =	swait.ge [sflag:s17], $0x2800  }
0x2b: {  	[sflag:s17] =	ssyncset.done $0x0  }
0x2c: {  	[sflag:s17] =	ssyncadd.s32 $0xFFFFD800  }
0x2d: {  	[spmem:s8] =	stream.linear.scatter [tilespmem:s16], [sflag:$0x3], $0x2800, $0x38;
	[tilespmem:$0x1B850] =	vst v63  }
0x2e: {  	_ =	swait.ge [sflag:s17], $0x2800  }
0x2f: {  	[sflag:s17] =	ssyncset.done $0x0  }
0x30: {  	[sflag:s17] =	ssyncadd.s32 $0xFFFFD800  }
0x31: {  	[spmem:s9] =	stream.linear.scatter [tilespmem:s16], [sflag:$0x3], $0x2800, $0x38;
	[tilespmem:$0x1B850] =	vst v63  }
0x32: {  	_ =	swait.ge [sflag:s17], $0x2800  }
0x33: {  	[sflag:s17] =	ssyncset.done $0x0  }
0x34: {  	[sflag:s17] =	ssyncadd.s32 $0xFFFFD800  }
0x35: {  	[spmem:s10] =	stream.linear.scatter [tilespmem:s16], [sflag:$0x3], $0x2800, $0x38;
	[tilespmem:$0x1B850] =	vst v63  }
0x36: {  	_ =	swait.ge [sflag:s17], $0x2800  }
0x37: {  	[sflag:s17] =	ssyncset.done $0x0  }
0x38: {  	[sflag:s17] =	ssyncadd.s32 $0xFFFFD800  }
0x39: {  	[spmem:s11] =	stream.linear.scatter [tilespmem:s16], [sflag:$0x3], $0x2800, $0x38;
	[tilespmem:$0x1B850] =	vst v63  }
0x3a: {  	_ =	swait.ge [sflag:s17], $0x2800  }
0x3b: {  	[sflag:s17] =	ssyncset.done $0x0  }
0x3c: {  	[sflag:s17] =	ssyncadd.s32 $0xFFFFD800  }
0x3d: {  	[spmem:s12] =	stream.linear.scatter [tilespmem:s16], [sflag:$0x3], $0x2800, $0x38;
	[tilespmem:$0x1B850] =	vst v63  }
0x3e: {  	_ =	swait.ge [sflag:s17], $0x2800  }
0x3f: {  	[sflag:s17] =	ssyncset.done $0x0  }
0x40: {  	[sflag:s17] =	ssyncadd.s32 $0xFFFFD800  }
0x41: {  	s29 =	simm.s32 $0x0;
	[bflag:$0x0] =	sbarrier.arrive $0xFFFF  }
0x42: {  	[tilespmem:s29], [sflag:$0x3] =	stream.linear.gather [hbm4b:s13+s29], $0x2710, $0x38;
	[tilespmem:$0x1B850] =	vst v63  }
0x43: {  	_ =	swait.ge [sflag:s17], $0x2710  }
0x44: {  	[sflag:s17] =	ssyncset.done $0x0  }
0x45: {  	[sflag:s17] =	ssyncadd.s32 $0xFFFFD8F0  }
0x46: {  	v1 =	vld [tilespmem:$0x0];
	_ =	sdelay $0x1  }
0x47: {  	v2 =	vld [tilespmem:$0x10];
	_ =	sdelay $0x1  }
0x48: {  	v3 =	vld [tilespmem:$0x20]  }
0x49: {  	v4 =	vand.u32 $0xFFFF, v1;
	v1 =	vshrl.u32 v1, $0x10  }
0x4a: {  	v63 =	vld [tilespmem:$0x30];
	[tilespmem:$0x2710] =	vst v4;
	v1 =	vand.u32 $0x3FFF, v1  }
0x4b: {  	[tilespmem:$0x2760] =	vst v1;
	v1 =	vand.u32 $0xFFFF, v2;
	v2 =	vshrl.u32 v2, $0x10  }
0x4c: {  	[tilespmem:$0x2720] =	vst v1;
	v1 =	vand.u32 $0x3FFF, v2;
	v2 =	vld [tilespmem:$0x40]  }
0x4d: {  	[tilespmem:$0x2770] =	vst v1;
	v1 =	vand.u32 $0xFFFF, v3;
	v3 =	vshrl.u32 v3, $0x10  }
0x4e: {  	[tilespmem:$0x2730] =	vst v1;
	v1 =	vand.u32 $0x3FFF, v3  }
0x4f: {  	v3 =	vshrl.u32 v63, $0x10;
	[tilespmem:$0x2780] =	vst v1;
	v1 =	vand.u32 $0xFFFF, v63  }
0x50: {  	[tilespmem:$0x2740] =	vst v1;
	v1 =	vand.u32 $0x3FFF, v3  }
0x51: {  	[tilespmem:$0x2790] =	vst v1;
	v1 =	vand.u32 $0xFFFF, v2;
	v2 =	vshrl.u32 v2, $0x10  }
0x52: {  	[tilespmem:$0x2750] =	vst v1;
	v1 =	vand.u32 $0x3FFF, v2  }
0x53: {  	s31 =	simm.s32 $0x0;
	[tilespmem:$0x27A0] =	vst v1  }
0x54: {  	[tilespmem:s16], [sflag:$0x1] =	stream.indirect.gather [hbm4b:s4+s18], $0x80, s19, s18, $0xb8;
	[tilespmem:$0x1B850] =	vst v63  }
0x55: {  	v1 =	vld [tilespmem:s31+$0x50];
	_ =	sdelay $0x4  }
0x56: {  	v2 =	vand.u32 $0xFFFF, v1;
	v1 =	vshrl.u32 v1, $0x10  }
0x57: {  	[tilespmem:$0x27B0] =	vst v2;
	v1 =	vand.u32 $0x3FFF, v1  }
0x58: {  	[tilespmem:$0x2800] =	vst v1  }
0x59: {  	v1 =	vld [tilespmem:s31+$0x60];
	_ =	sdelay $0x4  }
0x5a: {  	v2 =	vand.u32 $0xFFFF, v1;
	v1 =	vshrl.u32 v1, $0x10  }
0x5b: {  	[tilespmem:$0x27C0] =	vst v2;
	v1 =	vand.u32 $0x3FFF, v1  }
0x5c: {  	[tilespmem:$0x2810] =	vst v1  }
0x5d: {  	v1 =	vld [tilespmem:s31+$0x70];
	_ =	sdelay $0x4  }
0x5e: {  	v2 =	vand.u32 $0xFFFF, v1;
	v1 =	vshrl.u32 v1, $0x10  }
0x5f: {  	[tilespmem:$0x27D0] =	vst v2;
	v1 =	vand.u32 $0x3FFF, v1  }
0x60: {  	[tilespmem:$0x2820] =	vst v1  }
0x61: {  	v1 =	vld [tilespmem:s31+$0x80];
	_ =	sdelay $0x4  }
0x62: {  	v2 =	vand.u32 $0xFFFF, v1;
	v1 =	vshrl.u32 v1, $0x10  }
0x63: {  	[tilespmem:$0x27E0] =	vst v2;
	v1 =	vand.u32 $0x3FFF, v1  }
0x64: {  	[tilespmem:$0x2830] =	vst v1  }
0x65: {  	v1 =	vld [tilespmem:s31+$0x90];
	_ =	sdelay $0x4  }
0x66: {  	v2 =	vand.u32 $0xFFFF, v1;
	v1 =	vshrl.u32 v1, $0x10  }
0x67: {  	[tilespmem:$0x27F0] =	vst v2;
	v1 =	vand.u32 $0x3FFF, v1  }
0x68: {  	[tilespmem:$0x2840] =	vst v1  }
0x69: {  	[tilespmem:s21], [sflag:$0x2] =	stream.indirect.gather [hbm4b:s4+s18], $0x80, s20, s18, $0xb8;
	[tilespmem:$0x1B850] =	vst v63  }
0x6a: {  	_ =	swait.ge [sflag:s22], $0x2800  }
0x6b: {  	[sflag:s22] =	ssyncset.done $0x0  }
0x6c: {  	[sflag:s22] =	ssyncadd.s32 $0xFFFFD800  }
0x6d: {  	[spmem:s2] =	stream.indirect.scatter.add.f32 [tilespmem:s16], [sflag:$0x3], $0x80, s23, s18, $0xb8;
	[tilespmem:$0x1B850] =	vst v63  }
0x6e: {  	_ =	swait.ge [sflag:s17], $0x2800  }
0x6f: {  	[sflag:s17] =	ssyncset.done $0x0  }
0x70: {  	[sflag:s17] =	ssyncadd.s32 $0xFFFFD800  }
0x71: {  	v1 =	vld [tilespmem:s31+$0xA0];
	_ =	sdelay $0x4  }
0x72: {  	v2 =	vand.u32 $0xFFFF, v1;
	v1 =	vshrl.u32 v1, $0x10  }
0x73: {  	[tilespmem:$0x2710] =	vst v2;
	v1 =	vand.u32 $0x3FFF, v1  }
0x74: {  	[tilespmem:$0x2760] =	vst v1  }
0x75: {  	v1 =	vld [tilespmem:s31+$0xB0];
	_ =	sdelay $0x4  }
0x76: {  	v2 =	vand.u32 $0xFFFF, v1;
	v1 =	vshrl.u32 v1, $0x10  }
0x77: {  	[tilespmem:$0x2720] =	vst v2;
	v1 =	vand.u32 $0x3FFF, v1  }
0x78: {  	[tilespmem:$0x2770] =	vst v1  }
0x79: {  	v1 =	vld [tilespmem:s31+$0xC0];
	_ =	sdelay $0x4  }
0x7a: {  	v2 =	vand.u32 $0xFFFF, v1;
	v1 =	vshrl.u32 v1, $0x10  }
0x7b: {  	[tilespmem:$0x2730] =	vst v2;
	v1 =	vand.u32 $0x3FFF, v1  }
0x7c: {  	[tilespmem:$0x2780] =	vst v1  }
0x7d: {  	v1 =	vld [tilespmem:s31+$0xD0];
	_ =	sdelay $0x4  }
0x7e: {  	v2 =	vand.u32 $0xFFFF, v1;
	v1 =	vshrl.u32 v1, $0x10  }
0x7f: {  	[tilespmem:$0x2740] =	vst v2;
	v1 =	vand.u32 $0x3FFF, v1  }
0x80: {  	[tilespmem:$0x2790] =	vst v1  }
0x81: {  	v1 =	vld [tilespmem:s31+$0xE0];
	_ =	sdelay $0x4  }
0x82: {  	v2 =	vand.u32 $0xFFFF, v1;
	v1 =	vshrl.u32 v1, $0x10  }
0x83: {  	[tilespmem:$0x2750] =	vst v2;
	v1 =	vand.u32 $0x3FFF, v1  }
0x84: {  	[tilespmem:$0x27A0] =	vst v1  }
0x85: {  	[tilespmem:s16], [sflag:$0x1] =	stream.indirect.gather [hbm4b:s4+s18], $0x80, s19, s18, $0xb8;
	[tilespmem:$0x1B850] =	vst v63  }
0x86: {  	_ =	swait.ge [sflag:s24], $0x2800  }
0x87: {  	[sflag:s24] =	ssyncset.done $0x0  }
0x88: {  	[sflag:s24] =	ssyncadd.s32 $0xFFFFD800  }
0x89: {  	[spmem:s2] =	stream.indirect.scatter.add.f32 [tilespmem:s21], [sflag:$0x3], $0x80, s25, s18, $0xb8;
	[tilespmem:$0x1B850] =	vst v63  }
0x8a: {  	_ =	swait.ge [sflag:s17], $0x2800  }
0x8b: {  	s26 =	simm.s32 $0x280;
	s30 =	simm.s32 $0x500;
	[sflag:s17] =	ssyncset.done $0x0  }
.LBB2_4:
0x8c: {  	s29 =	sshra.s32 s26, $0x2  }
0x8d: {  	[sflag:s17] =	ssyncadd.s32 $0xFFFFD800;
	s26 =	smov.u32 s30;
	s28 =	sadd.s32 $0x280, s30  }
0x8e: {  	p0 =	sne.s32 s30, $0x9880;
	v1 =	vld [tilespmem:s29+$0x50];
	_ =	sdelay $0x4  }
0x8f: {  	v2 =	vand.u32 $0xFFFF, v1;
	v1 =	vshrl.u32 v1, $0x10  }
0x90: {  	[tilespmem:$0x27B0] =	vst v2;
	v1 =	vand.u32 $0x3FFF, v1  }
0x91: {  	[tilespmem:$0x2800] =	vst v1  }
0x92: {  	v1 =	vld [tilespmem:s29+$0x60];
	_ =	sdelay $0x4  }
0x93: {  	v2 =	vand.u32 $0xFFFF, v1;
	v1 =	vshrl.u32 v1, $0x10  }
0x94: {  	[tilespmem:$0x27C0] =	vst v2;
	v1 =	vand.u32 $0x3FFF, v1  }
0x95: {  	[tilespmem:$0x2810] =	vst v1  }
0x96: {  	v1 =	vld [tilespmem:s29+$0x70];
	_ =	sdelay $0x4  }
0x97: {  	v2 =	vand.u32 $0xFFFF, v1;
	v1 =	vshrl.u32 v1, $0x10  }
0x98: {  	[tilespmem:$0x27D0] =	vst v2;
	v1 =	vand.u32 $0x3FFF, v1  }
0x99: {  	[tilespmem:$0x2820] =	vst v1  }
0x9a: {  	v1 =	vld [tilespmem:s29+$0x80];
	_ =	sdelay $0x4  }
0x9b: {  	v2 =	vand.u32 $0xFFFF, v1;
	v1 =	vshrl.u32 v1, $0x10  }
0x9c: {  	[tilespmem:$0x27E0] =	vst v2;
	v1 =	vand.u32 $0x3FFF, v1  }
0x9d: {  	[tilespmem:$0x2830] =	vst v1  }
0x9e: {  	v1 =	vld [tilespmem:s29+$0x90];
	_ =	sdelay $0x4  }
0x9f: {  	v2 =	vand.u32 $0xFFFF, v1;
	v1 =	vshrl.u32 v1, $0x10  }
0xa0: {  	[tilespmem:$0x27F0] =	vst v2;
	v1 =	vand.u32 $0x3FFF, v1  }
0xa1: {  	[tilespmem:$0x2840] =	vst v1  }
0xa2: {  	[tilespmem:s21], [sflag:$0x2] =	stream.indirect.gather [hbm4b:s4+s18], $0x80, s20, s18, $0xb8;
	[tilespmem:$0x1B850] =	vst v63  }
0xa3: {  	_ =	swait.ge [sflag:s22], $0x2800  }
0xa4: {  	[sflag:s22] =	ssyncset.done $0x0  }
0xa5: {  	[sflag:s22] =	ssyncadd.s32 $0xFFFFD800  }
0xa6: {  	[spmem:s2] =	stream.indirect.scatter.add.f32 [tilespmem:s16], [sflag:$0x3], $0x80, s23, s18, $0xb8;
	[tilespmem:$0x1B850] =	vst v63  }
0xa7: {  	_ =	swait.ge [sflag:s17], $0x2800  }
0xa8: {  	[sflag:s17] =	ssyncset.done $0x0  }
0xa9: {  	[sflag:s17] =	ssyncadd.s32 $0xFFFFD800  }
0xaa: {  	v1 =	vld [tilespmem:s29+$0xA0];
	_ =	sdelay $0x4  }
0xab: {  	v2 =	vand.u32 $0xFFFF, v1;
	v1 =	vshrl.u32 v1, $0x10  }
0xac: {  	[tilespmem:$0x2710] =	vst v2;
	v1 =	vand.u32 $0x3FFF, v1  }
0xad: {  	[tilespmem:$0x2760] =	vst v1  }
0xae: {  	v1 =	vld [tilespmem:s29+$0xB0];
	_ =	sdelay $0x4  }
0xaf: {  	v2 =	vand.u32 $0xFFFF, v1;
	v1 =	vshrl.u32 v1, $0x10  }
0xb0: {  	[tilespmem:$0x2720] =	vst v2;
	v1 =	vand.u32 $0x3FFF, v1  }
0xb1: {  	[tilespmem:$0x2770] =	vst v1  }
0xb2: {  	v1 =	vld [tilespmem:s29+$0xC0];
	_ =	sdelay $0x4  }
0xb3: {  	v2 =	vand.u32 $0xFFFF, v1;
	v1 =	vshrl.u32 v1, $0x10  }
0xb4: {  	[tilespmem:$0x2730] =	vst v2;
	v1 =	vand.u32 $0x3FFF, v1  }
0xb5: {  	[tilespmem:$0x2780] =	vst v1  }
0xb6: {  	v1 =	vld [tilespmem:s29+$0xD0];
	_ =	sdelay $0x4  }
0xb7: {  	v2 =	vand.u32 $0xFFFF, v1;
	v1 =	vshrl.u32 v1, $0x10  }
0xb8: {  	[tilespmem:$0x2740] =	vst v2;
	v1 =	vand.u32 $0x3FFF, v1  }
0xb9: {  	[tilespmem:$0x2790] =	vst v1  }
0xba: {  	v1 =	vld [tilespmem:s29+$0xE0];
	_ =	sdelay $0x4  }
0xbb: {  	v2 =	vand.u32 $0xFFFF, v1;
	v1 =	vshrl.u32 v1, $0x10  }
0xbc: {  	[tilespmem:$0x2750] =	vst v2;
	v1 =	vand.u32 $0x3FFF, v1  }
0xbd: {  	[tilespmem:$0x27A0] =	vst v1  }
0xbe: {  	[tilespmem:s16], [sflag:$0x1] =	stream.indirect.gather [hbm4b:s4+s18], $0x80, s19, s18, $0xb8;
	[tilespmem:$0x1B850] =	vst v63  }
0xbf: {  	_ =	swait.ge [sflag:s24], $0x2800  }
.Ltmp1:
0xc0: {  	[sflag:s24] =	ssyncset.done $0x0;
	(pc) =	sbr.rel @p0 .LBB2_4-.Ltmp1, $4  }
0xc1: {  	[sflag:s24] =	ssyncadd.s32 $0xFFFFD800  }
0xc2: {  	[spmem:s2] =	stream.indirect.scatter.add.f32 [tilespmem:s21], [sflag:$0x3], $0x80, s25, s18, $0xb8;
	[tilespmem:$0x1B850] =	vst v63  }
0xc3: {  	_ =	swait.ge [sflag:s17], $0x2800  }
0xc4: {  	s30 =	smov.u32 s28;
	[sflag:s17] =	ssyncset.done $0x0  }
0xc5: {  	s26 =	sshra.s32 s26, $0x2;
	[sflag:s17] =	ssyncadd.s32 $0xFFFFD800  }
0xc6: {  	v1 =	vld [tilespmem:s26+$0x50];
	_ =	sdelay $0x4  }
0xc7: {  	v2 =	vand.u32 $0xFFFF, v1;
	v1 =	vshrl.u32 v1, $0x10  }
0xc8: {  	[tilespmem:$0x27B0] =	vst v2;
	v1 =	vand.u32 $0x3FFF, v1  }
0xc9: {  	[tilespmem:$0x2800] =	vst v1  }
0xca: {  	v1 =	vld [tilespmem:s26+$0x60];
	_ =	sdelay $0x4  }
0xcb: {  	v2 =	vand.u32 $0xFFFF, v1;
	v1 =	vshrl.u32 v1, $0x10  }
0xcc: {  	[tilespmem:$0x27C0] =	vst v2;
	v1 =	vand.u32 $0x3FFF, v1  }
0xcd: {  	[tilespmem:$0x2810] =	vst v1  }
0xce: {  	v1 =	vld [tilespmem:s26+$0x70];
	_ =	sdelay $0x4  }
0xcf: {  	v2 =	vand.u32 $0xFFFF, v1;
	v1 =	vshrl.u32 v1, $0x10  }
0xd0: {  	[tilespmem:$0x27D0] =	vst v2;
	v1 =	vand.u32 $0x3FFF, v1  }
0xd1: {  	[tilespmem:$0x2820] =	vst v1  }
0xd2: {  	v1 =	vld [tilespmem:s26+$0x80];
	_ =	sdelay $0x4  }
0xd3: {  	v2 =	vand.u32 $0xFFFF, v1;
	v1 =	vshrl.u32 v1, $0x10  }
0xd4: {  	[tilespmem:$0x27E0] =	vst v2;
	v1 =	vand.u32 $0x3FFF, v1  }
0xd5: {  	[tilespmem:$0x2830] =	vst v1  }
0xd6: {  	v1 =	vld [tilespmem:s26+$0x90];
	_ =	sdelay $0x4  }
0xd7: {  	v2 =	vand.u32 $0xFFFF, v1;
	v1 =	vshrl.u32 v1, $0x10  }
0xd8: {  	[tilespmem:$0x27F0] =	vst v2;
	v1 =	vand.u32 $0x3FFF, v1  }
0xd9: {  	[tilespmem:$0x2840] =	vst v1  }
0xda: {  	[tilespmem:s21], [sflag:$0x2] =	stream.indirect.gather [hbm4b:s4+s18], $0x80, s20, s18, $0xb8;
	[tilespmem:$0x1B850] =	vst v63  }
0xdb: {  	_ =	swait.ge [sflag:s22], $0x2800  }
0xdc: {  	[sflag:s22] =	ssyncset.done $0x0  }
0xdd: {  	[sflag:s22] =	ssyncadd.s32 $0xFFFFD800  }
0xde: {  	[spmem:s2] =	stream.indirect.scatter.add.f32 [tilespmem:s16], [sflag:$0x3], $0x80, s23, s18, $0xb8;
	[tilespmem:$0x1B850] =	vst v63  }
0xdf: {  	_ =	swait.ge [sflag:s17], $0x2800  }
0xe0: {  	[sflag:s17] =	ssyncset.done $0x0  }
0xe1: {  	[sflag:s17] =	ssyncadd.s32 $0xFFFFD800  }
0xe2: {  	v1 =	vld [tilespmem:s26+$0xA0];
	_ =	sdelay $0x4  }
0xe3: {  	v2 =	vand.u32 $0xFFFF, v1;
	v1 =	vshrl.u32 v1, $0x10  }
0xe4: {  	[tilespmem:$0x2710] =	vst v2;
	v1 =	vand.u32 $0x3FFF, v1  }
0xe5: {  	[tilespmem:$0x2760] =	vst v1  }
0xe6: {  	v1 =	vld [tilespmem:s26+$0xB0];
	_ =	sdelay $0x4  }
0xe7: {  	v2 =	vand.u32 $0xFFFF, v1;
	v1 =	vshrl.u32 v1, $0x10  }
0xe8: {  	[tilespmem:$0x2720] =	vst v2;
	v1 =	vand.u32 $0x3FFF, v1  }
0xe9: {  	[tilespmem:$0x2770] =	vst v1  }
0xea: {  	v1 =	vld [tilespmem:s26+$0xC0];
	_ =	sdelay $0x4  }
0xeb: {  	v2 =	vand.u32 $0xFFFF, v1;
	v1 =	vshrl.u32 v1, $0x10  }
0xec: {  	[tilespmem:$0x2730] =	vst v2;
	v1 =	vand.u32 $0x3FFF, v1  }
0xed: {  	[tilespmem:$0x2780] =	vst v1  }
0xee: {  	v1 =	vld [tilespmem:s26+$0xD0];
	_ =	sdelay $0x4  }
0xef: {  	v2 =	vand.u32 $0xFFFF, v1;
	v1 =	vshrl.u32 v1, $0x10  }
0xf0: {  	[tilespmem:$0x2740] =	vst v2;
	v1 =	vand.u32 $0x3FFF, v1  }
0xf1: {  	[tilespmem:$0x2790] =	vst v1  }
0xf2: {  	v1 =	vld [tilespmem:s26+$0xE0];
	_ =	sdelay $0x4  }
0xf3: {  	v2 =	vand.u32 $0xFFFF, v1;
	v1 =	vshrl.u32 v1, $0x10  }
0xf4: {  	[tilespmem:$0x2750] =	vst v2;
	v1 =	vand.u32 $0x3FFF, v1  }
0xf5: {  	[tilespmem:$0x27A0] =	vst v1  }
0xf6: {  	[tilespmem:s16], [sflag:$0x1] =	stream.indirect.gather [hbm4b:s4+s18], $0x80, s19, s18, $0xb8;
	[tilespmem:$0x1B850] =	vst v63  }
0xf7: {  	_ =	swait.ge [sflag:s24], $0x2800  }
0xf8: {  	[sflag:s24] =	ssyncset.done $0x0  }
0xf9: {  	[sflag:s24] =	ssyncadd.s32 $0xFFFFD800  }
0xfa: {  	[spmem:s2] =	stream.indirect.scatter.add.f32 [tilespmem:s21], [sflag:$0x3], $0x80, s25, s18, $0xb8;
	[tilespmem:$0x1B850] =	vst v63  }
0xfb: {  	_ =	swait.ge [sflag:s17], $0x2800  }
0xfc: {  	[sflag:s17] =	ssyncset.done $0x0  }
0xfd: {  	[sflag:s17] =	ssyncadd.s32 $0xFFFFD800  }
0xfe: {  	_ =	swait.ge [sflag:s22], $0x2800  }
0xff: {  	[sflag:s22] =	ssyncset.done $0x0  }
0x100: {  	[sflag:s22] =	ssyncadd.s32 $0xFFFFD800  }
0x101: {  	[spmem:s2] =	stream.indirect.scatter.add.f32 [tilespmem:s16], [sflag:$0x3], $0x80, s23, s18, $0xb8;
	[tilespmem:$0x1B850] =	vst v63  }
0x102: {  	_ =	swait.ge [sflag:s17], $0x2800  }
0x103: {  	s31 =	sshll.u32 s0, $0x6;
	s3 =	sadd.s32 $0x1, s3;
	[sflag:s17] =	ssyncset.done $0x0  }
0x104: {  	s28 =	sshrl.u32 s5, $0x3;
	p0 =	sne.s32 s3, s15;
	[sflag:s17] =	ssyncadd.s32 $0xFFFFD800  }
.Ltmp2:
0x105: {  	s26 =	sor.u32 $0x1C03, s31;
	[bflag:$0x0] =	sbarrier.arrive $0xFFFF;
	(pc) =	sbr.rel @p0 .LBB2_1-.Ltmp2, $4  }
0x106: {  	[hbm:s14], [sflag:s26] =	dma.local [spmem:s28], $0x2800  }
0x107: {  	_ =	swait.ge [sflag:s17], $0x2800  }
0x108: {  	[sflag:s17] =	ssyncset.done $0x0  }
0x109: {  	[sflag:s17] =	ssyncadd.s32 $0xFFFFD800  }
0x10a: {  	_ =	sfence.sel $0x180000  }
0x10b: {  	[bflag:$0x0] =	sbarrier.arrive $0xFFFF  }
0x10c: {  	p0 =	sne.s32 s0, $0x0;
	_ =	strace $0x9000004D  }
0x10d: {  	s0 =	sadd.s32 @!p0 $0x100000, s1;
	[bflag:$0x2] =	sbarrier.arrive $0xFFFF  }
0x10e: {  	[sflag:s0] =	ssyncadd.tile.s32 @!p0 $0x1;
	_ =	shalt  }
.Lfunc_end2:
_tile_overlayer_lowered:
.L_overlay_start_2:
0x10f: {  	(tag) =	ssettag $0x2  }
0x110: {  	s0 =	rddreg [dreg:$0x0];
	s2 =	stileid.u32  }
0x111: {  	s1 =	rddreg [dreg:$0x1];
	p0 =	sne.s32 s2, $0x0  }
0x112: {  	s3 =	rddreg [dreg:$0x2];
	[bflag:$0x3] =	sbarrier.arrive $0xFFFF;
	s2 =	simm.s32 @!p0 $0x1C03  }
0x113: {  	[timem:s3], [sflag:s2] =	dma.local @!p0 [hbm:s0], s1  }
0x114: {  	s0 =	simm.s32 @!p0 $0x3  }
0x115: {  	_ =	swait.ge @!p0 [sflag:s0], s1  }
0x116: {  	s1 =	ssub.s32 @!p0 $0x0, s1;
	[sflag:s0] =	ssyncset.done @!p0 $0x0  }
0x117: {  	[sflag:s0] =	ssyncadd.s32 @!p0 s1  }
0x118: {  	[bflag:$0x3] =	sbarrier.arrive $0xFFFF  }
0x119: {  	_ =	shalt  }

</sc_bundles>
